<compile_context>
chip_gen: v7x
topology: tpu7x:2x2x1
jax: 0.10.2.dev20260603
libtpu: 0.0.44.dev20260713+nightly
codegen_flags: <defaults>
</compile_context>

<pallas_src>
import functools

import jax
import jax.numpy as jnp
from jax import lax
from jax.experimental import pallas as pl
from jax.experimental.pallas import tpu as pltpu
from jax.experimental.pallas import tpu_sc as plsc

_U = 1000000
_I = 1000000
_NE = 8
_D = 32
_B = 16384

_NC = 2
_NS = 16
_NW = _NC * _NS
_BW = _B // _NW
_CH = 128
_NCH = _BW // _CH
_G = _BW // 16

_LN2 = 0.6931471805599453
_SQRT2 = 1.4142135623730951


def _ln(x):
    xi = lax.bitcast_convert_type(x, jnp.int32)
    e = lax.shift_right_arithmetic(xi, 23) - 127
    m = lax.bitcast_convert_type(
        jnp.bitwise_or(jnp.bitwise_and(xi, 0x007FFFFF), 0x3F800000),
        jnp.float32)
    big = m > _SQRT2
    m = jnp.where(big, m * 0.5, m)
    e = e + jnp.where(big, 1, 0)
    t = (m - 1.0) / (m + 1.0)
    t2 = t * t
    ln_m = t * (2.0 + t2 * (2.0 / 3.0 + t2 * (2.0 / 5.0 + t2 * (2.0 / 7.0))))
    return e.astype(jnp.float32) * _LN2 + ln_m


def _body(users_hbm, items_hbm, envs_hbm,
          ue_inv_hbm, ub_inv_hbm, ie_inv_hbm, ib_inv_hbm,
          ue_env_hbm, ub_env_hbm, ie_env_hbm, ib_env_hbm,
          env_emb_hbm, env_bias_hbm, cls_w_hbm, cls_b_hbm,
          inv_out_hbm, env_out_hbm, eo_out_hbm,
          uidx_v, iidx_v, eidx_v,
          ru_inv, ri_inv, ru_env, ri_env,
          bu_inv, bi_inv, bu_env, bi_env,
          envemb_v, envbias_v, w_v, b_v,
          invs_v, envs_v, eo_v, sem):
    wid = lax.axis_index("s") * _NC + lax.axis_index("c")
    base = wid * _BW

    pltpu.sync_copy(users_hbm.at[pl.ds(base, _BW)], uidx_v)
    pltpu.sync_copy(items_hbm.at[pl.ds(base, _BW)], iidx_v)
    pltpu.sync_copy(envs_hbm.at[pl.ds(base, _BW)], eidx_v)

    copies = []
    for j in range(_NCH):
        s = pl.ds(j * _CH, _CH)
        for tab, idx, dst in (
                (ue_inv_hbm, uidx_v, ru_inv), (ie_inv_hbm, iidx_v, ri_inv),
                (ue_env_hbm, uidx_v, ru_env), (ie_env_hbm, iidx_v, ri_env)):
            copies.append(pltpu.async_copy(tab.at[idx.at[s]], dst.at[s], sem))
        for tab, idx, dst in (
                (ub_inv_hbm, uidx_v, bu_inv), (ib_inv_hbm, iidx_v, bi_inv),
                (ub_env_hbm, uidx_v, bu_env), (ib_env_hbm, iidx_v, bi_env)):
            copies.append(pltpu.async_copy(tab.at[idx.at[s]], dst.at[s], sem))

    pltpu.sync_copy(env_emb_hbm, envemb_v)
    pltpu.sync_copy(env_bias_hbm, envbias_v)
    pltpu.sync_copy(cls_w_hbm, w_v)
    pltpu.sync_copy(cls_b_hbm, b_v)

    for c in copies:
        c.wait()

    lane = lax.iota(jnp.int32, 16)
    w_rows = [[w_v[e, pl.ds(0, 16)], w_v[e, pl.ds(16, 16)]]
              for e in range(_NE)]
    b_vec = plsc.load_gather(b_v, [jnp.bitwise_and(lane, _NE - 1)])

    def group(g, carry):
        b16 = g * 16 + lane
        eids = eidx_v[pl.ds(g * 16, 16)]

        inv_acc = bu_inv[pl.ds(g * 16, 16)] + bi_inv[pl.ds(g * 16, 16)]
        env_acc = (bu_env[pl.ds(g * 16, 16)] + bi_env[pl.ds(g * 16, 16)]
                   + plsc.load_gather(envbias_v, [eids]))
        logits = [None] * _NE
        for d in range(_D):
            dd = jnp.full((16,), d, jnp.int32)
            u = plsc.load_gather(ru_inv, [b16, dd])
            i = plsc.load_gather(ri_inv, [b16, dd])
            p = u * i
            inv_acc = inv_acc + p
            ue = plsc.load_gather(ru_env, [b16, dd])
            ie = plsc.load_gather(ri_env, [b16, dd])
            ee = plsc.load_gather(envemb_v, [eids, dd])
            env_acc = env_acc + ue * ie * ee
            k, r = divmod(d, 16)
            for e in range(_NE):
                pw = p * w_rows[e][k][r]
                logits[e] = pw if logits[e] is None else logits[e] + pw

        logits = [logits[e] + b_vec[e] for e in range(_NE)]
        m = logits[0]
        for e in range(1, _NE):
            m = jnp.maximum(m, logits[e])
        exps = [jnp.exp(logits[e] - m) for e in range(_NE)]
        ssum = exps[0]
        for e in range(1, _NE):
            ssum = ssum + exps[e]
        lse = m + _ln(ssum)

        invs_v[pl.ds(g * 16, 16)] = inv_acc
        envs_v[pl.ds(g * 16, 16)] = inv_acc + env_acc
        for e in range(_NE):
            plsc.store_scatter(eo_v, [b16, jnp.full((16,), e, jnp.int32)],
                               logits[e] - lse)
        return carry

    lax.fori_loop(0, _G, group, 0)

    pltpu.sync_copy(invs_v, inv_out_hbm.at[pl.ds(base, _BW)])
    pltpu.sync_copy(envs_v, env_out_hbm.at[pl.ds(base, _BW)])
    pltpu.sync_copy(eo_v, eo_out_hbm.at[pl.ds(base, _BW)])


@jax.jit
def _run(users_id, items_id, envs_id,
         ue_inv, ub_inv, ie_inv, ib_inv,
         ue_env, ub_env, ie_env, ib_env,
         env_emb, env_bias, cls_w, cls_b):
    mesh = plsc.VectorSubcoreMesh(core_axis_name="c", subcore_axis_name="s",
                                  num_cores=_NC, num_subcores=_NS)
    f32 = jnp.float32
    kernel_fn = pl.kernel(
        _body,
        out_type=(jax.ShapeDtypeStruct((_B,), f32),
                  jax.ShapeDtypeStruct((_B,), f32),
                  jax.ShapeDtypeStruct((_B, _NE), f32)),
        mesh=mesh,
        compiler_params=pltpu.CompilerParams(needs_layout_passes=False,
                                             use_tc_tiling_on_sc=False),
        scratch_types=[
            pltpu.VMEM((_BW,), jnp.int32),
            pltpu.VMEM((_BW,), jnp.int32),
            pltpu.VMEM((_BW,), jnp.int32),
            pltpu.VMEM((_BW, _D), f32),
            pltpu.VMEM((_BW, _D), f32),
            pltpu.VMEM((_BW, _D), f32),
            pltpu.VMEM((_BW, _D), f32),
            pltpu.VMEM((_BW,), f32),
            pltpu.VMEM((_BW,), f32),
            pltpu.VMEM((_BW,), f32),
            pltpu.VMEM((_BW,), f32),
            pltpu.VMEM((_NE, _D), f32),
            pltpu.VMEM((16,), f32),
            pltpu.VMEM((_NE, _D), f32),
            pltpu.VMEM((16,), f32),
            pltpu.VMEM((_BW,), f32),
            pltpu.VMEM((_BW,), f32),
            pltpu.VMEM((_BW, _NE), f32),
            pltpu.SemaphoreType.DMA,
        ],
    )
    return kernel_fn(users_id, items_id, envs_id,
                     ue_inv, ub_inv, ie_inv, ib_inv,
                     ue_env, ub_env, ie_env, ib_env,
                     env_emb, env_bias, cls_w, cls_b)


def kernel(users_id, items_id, envs_id, alpha,
           user_emb_inv, user_bias_inv, item_emb_inv, item_bias_inv,
           user_emb_env, user_bias_env, item_emb_env, item_bias_env,
           env_emb, env_bias, cls_W, cls_b):
    del alpha
    inv_score, env_score, env_outputs = _run(
        users_id, items_id, envs_id,
        user_emb_inv, user_bias_inv.reshape(_U),
        item_emb_inv, item_bias_inv.reshape(_I),
        user_emb_env, user_bias_env.reshape(_U),
        item_emb_env, item_bias_env.reshape(_I),
        env_emb, jnp.pad(env_bias.reshape(_NE), (0, 16 - _NE)),
        cls_W, jnp.pad(cls_b, (0, 16 - _NE)))
    return inv_score, env_score, env_outputs

# --- scband reference (transcript-rebuilt; emitter-appended) ---
"""Pipeline reference for scband-inv-pref-18116172054764 (READ-ONLY COPY).

The authoritative reference and input builder live on the scoring server;
editing this copy changes nothing except your own understanding.
"""

import jax, jax.numpy as jnp
import numpy as np

U = 1000000
I = 1000000
NE = 8
D = 32
B = 16384


def setup_inputs(seed: int = 0):
    key = jax.random.key(seed)
    ks = jax.random.split(key, 16)

    def unif(k, shape):
        return jax.random.uniform(k, shape, jnp.float32, -0.01, 0.01)

    inp = {}
    inp['users_id'] = jax.random.randint(ks[0], (B,), 0, U, dtype=jnp.int32)
    inp['items_id'] = jax.random.randint(ks[1], (B,), 0, I, dtype=jnp.int32)
    inp['envs_id'] = jax.random.randint(ks[2], (B,), 0, NE, dtype=jnp.int32)
    inp['alpha'] = 1
    inp['user_emb_inv'] = unif(ks[3], (U, D))
    inp['user_bias_inv'] = unif(ks[4], (U, 1))
    inp['item_emb_inv'] = unif(ks[5], (I, D))
    inp['item_bias_inv'] = unif(ks[6], (I, 1))
    inp['user_emb_env'] = unif(ks[7], (U, D))
    inp['user_bias_env'] = unif(ks[8], (U, 1))
    inp['item_emb_env'] = unif(ks[9], (I, D))
    inp['item_bias_env'] = unif(ks[10], (I, 1))
    inp['env_emb'] = unif(ks[11], (NE, D))
    inp['env_bias'] = unif(ks[12], (NE, 1))
    # classifier: Linear(D, NE), xavier_uniform weight, default torch bias init
    xav = float(np.sqrt(6.0 / (D + NE)))
    inp['cls_W'] = jax.random.uniform(ks[13], (NE, D), jnp.float32, -xav, xav)
    bb = float(1.0 / np.sqrt(D))
    inp['cls_b'] = jax.random.uniform(ks[14], (NE,), jnp.float32, -bb, bb)
    return inp


def reference(users_id, items_id, envs_id, alpha,
              user_emb_inv, user_bias_inv, item_emb_inv, item_bias_inv,
              user_emb_env, user_bias_env, item_emb_env, item_bias_env,
              env_emb, env_bias, cls_W, cls_b):
    users_embed_invariant = user_emb_inv[users_id]
    items_embed_invariant = item_emb_inv[items_id]
    users_embed_env_aware = user_emb_env[users_id]
    items_embed_env_aware = item_emb_env[items_id]
    envs_embed = env_emb[envs_id]

    invariant_preferences = users_embed_invariant * items_embed_invariant
    env_aware_preferences = users_embed_env_aware * items_embed_env_aware * envs_embed

    invariant_score = (jnp.sum(invariant_preferences, axis=1)
                       + user_bias_inv[users_id].reshape(-1)
                       + item_bias_inv[items_id].reshape(-1))
    env_aware_mid_score = (jnp.sum(env_aware_preferences, axis=1)
                           + user_bias_env[users_id].reshape(-1)
                           + item_bias_env[items_id].reshape(-1)
                           + env_bias[envs_id].reshape(-1))
    env_aware_score = invariant_score + env_aware_mid_score

    # ReverseLayerF is identity in the forward pass
    reverse_invariant_preferences = invariant_preferences
    logits = reverse_invariant_preferences @ cls_W.T + cls_b
    env_outputs = jax.nn.log_softmax(logits, axis=1)

    return (invariant_score.reshape(-1), env_aware_score.reshape(-1),
            env_outputs.reshape(-1, NE))

if __name__ == "__main__":
    import jax
    _d = setup_inputs()
    print(jax.jit(kernel)(*tuple(_d.values())))

</pallas_src>

<mosaic_0001>
#map = affine_map<(d0, d1) -> (0)>
#map1 = affine_map<(d0, d1) -> (0, 0)>
module attributes {stable_mosaic.version = 14 : i64} {
  func.func @_body(%arg0: i32, %arg1: i32, %arg2: memref<16384xi32, #tpu.memory_space<hbm>>, %arg3: memref<16384xi32, #tpu.memory_space<hbm>>, %arg4: memref<16384xi32, #tpu.memory_space<hbm>>, %arg5: memref<1000000x32xf32, #tpu.memory_space<hbm>>, %arg6: memref<1000000xf32, #tpu.memory_space<hbm>>, %arg7: memref<1000000x32xf32, #tpu.memory_space<hbm>>, %arg8: memref<1000000xf32, #tpu.memory_space<hbm>>, %arg9: memref<1000000x32xf32, #tpu.memory_space<hbm>>, %arg10: memref<1000000xf32, #tpu.memory_space<hbm>>, %arg11: memref<1000000x32xf32, #tpu.memory_space<hbm>>, %arg12: memref<1000000xf32, #tpu.memory_space<hbm>>, %arg13: memref<8x32xf32, #tpu.memory_space<hbm>>, %arg14: memref<16xf32, #tpu.memory_space<hbm>>, %arg15: memref<8x32xf32, #tpu.memory_space<hbm>>, %arg16: memref<16xf32, #tpu.memory_space<hbm>>, %arg17: memref<16384xf32, #tpu.memory_space<hbm>>, %arg18: memref<16384xf32, #tpu.memory_space<hbm>>, %arg19: memref<16384x8xf32, #tpu.memory_space<hbm>>, %arg20: memref<512xi32, #tpu.memory_space<vmem>>, %arg21: memref<512xi32, #tpu.memory_space<vmem>>, %arg22: memref<512xi32, #tpu.memory_space<vmem>>, %arg23: memref<512x32xf32, #tpu.memory_space<vmem>>, %arg24: memref<512x32xf32, #tpu.memory_space<vmem>>, %arg25: memref<512x32xf32, #tpu.memory_space<vmem>>, %arg26: memref<512x32xf32, #tpu.memory_space<vmem>>, %arg27: memref<512xf32, #tpu.memory_space<vmem>>, %arg28: memref<512xf32, #tpu.memory_space<vmem>>, %arg29: memref<512xf32, #tpu.memory_space<vmem>>, %arg30: memref<512xf32, #tpu.memory_space<vmem>>, %arg31: memref<8x32xf32, #tpu.memory_space<vmem>>, %arg32: memref<16xf32, #tpu.memory_space<vmem>>, %arg33: memref<8x32xf32, #tpu.memory_space<vmem>>, %arg34: memref<16xf32, #tpu.memory_space<vmem>>, %arg35: memref<512xf32, #tpu.memory_space<vmem>>, %arg36: memref<512xf32, #tpu.memory_space<vmem>>, %arg37: memref<512x8xf32, #tpu.memory_space<vmem>>, %arg38: memref<!tpu.dma_semaphore, #tpu.memory_space<semaphore_mem>>) attributes {dimension_semantics = [#tpu.dimension_semantics<core_parallel>, #tpu.dimension_semantics<subcore_parallel>], iteration_bounds = array<i64: 2, 16>, scalar_prefetch = 0 : i64, scratch_operands = 19 : i64, tpu.core_type = #tpu.core_type<sc_vector_subcore>, window_params = [{transform_indices = #map}, {transform_indices = #map}, {transform_indices = #map}, {transform_indices = #map1}, {transform_indices = #map}, {transform_indices = #map1}, {transform_indices = #map}, {transform_indices = #map1}, {transform_indices = #map}, {transform_indices = #map1}, {transform_indices = #map}, {transform_indices = #map1}, {transform_indices = #map}, {transform_indices = #map1}, {transform_indices = #map}, {transform_indices = #map}, {transform_indices = #map}, {transform_indices = #map1}]} {
    %mul3A = arith.constant 2 : i32
    %mul3A_0 = arith.muli %arg1, %mul3A : i32
    %add3A = arith.addi %mul3A_0, %arg0 : i32
    %mul3A_1 = arith.constant 512 : i32
    %mul3A_2 = arith.muli %add3A, %mul3A_1 : i32
    "tpu.region"() ({
      %run_scoped3A = tpu.sem_alloc : memref<!tpu.dma_semaphore, #tpu.memory_space<semaphore_mem>>
      %dma_start3A_519 = tpu.memref_slice %arg2[%mul3A_2] : memref<16384xi32, #tpu.memory_space<hbm>> -> memref<512xi32, #tpu.memory_space<hbm>>
      %dma_start3A_520 = tpu.memref_slice %arg2[%mul3A_2] : memref<16384xi32, #tpu.memory_space<hbm>> -> memref<512xi32, #tpu.memory_space<hbm>>
      tpu.enqueue_dma source(%dma_start3A_520 : memref<512xi32, #tpu.memory_space<hbm>>) target(%arg20 : memref<512xi32, #tpu.memory_space<vmem>>) target_semaphore(%run_scoped3A : memref<!tpu.dma_semaphore, #tpu.memory_space<semaphore_mem>>)
      %dma_wait3A_521 = tpu.memref_slice %arg2[%mul3A_2] : memref<16384xi32, #tpu.memory_space<hbm>> -> memref<512xi32, #tpu.memory_space<hbm>>
      %dma_wait3A_522 = tpu.memref_slice %arg2[%mul3A_2] : memref<16384xi32, #tpu.memory_space<hbm>> -> memref<512xi32, #tpu.memory_space<hbm>>
      tpu.wait_dma2 semaphore(%run_scoped3A : memref<!tpu.dma_semaphore, #tpu.memory_space<semaphore_mem>>) src(%dma_wait3A_522 : memref<512xi32, #tpu.memory_space<hbm>>) dst(%arg20 : memref<512xi32, #tpu.memory_space<vmem>>)
      tpu.yield
    }) : () -> ()
    "tpu.region"() ({
      %run_scoped3A = tpu.sem_alloc : memref<!tpu.dma_semaphore, #tpu.memory_space<semaphore_mem>>
      %dma_start3A_519 = tpu.memref_slice %arg3[%mul3A_2] : memref<16384xi32, #tpu.memory_space<hbm>> -> memref<512xi32, #tpu.memory_space<hbm>>
      %dma_start3A_520 = tpu.memref_slice %arg3[%mul3A_2] : memref<16384xi32, #tpu.memory_space<hbm>> -> memref<512xi32, #tpu.memory_space<hbm>>
      tpu.enqueue_dma source(%dma_start3A_520 : memref<512xi32, #tpu.memory_space<hbm>>) target(%arg21 : memref<512xi32, #tpu.memory_space<vmem>>) target_semaphore(%run_scoped3A : memref<!tpu.dma_semaphore, #tpu.memory_space<semaphore_mem>>)
      %dma_wait3A_521 = tpu.memref_slice %arg3[%mul3A_2] : memref<16384xi32, #tpu.memory_space<hbm>> -> memref<512xi32, #tpu.memory_space<hbm>>
      %dma_wait3A_522 = tpu.memref_slice %arg3[%mul3A_2] : memref<16384xi32, #tpu.memory_space<hbm>> -> memref<512xi32, #tpu.memory_space<hbm>>
      tpu.wait_dma2 semaphore(%run_scoped3A : memref<!tpu.dma_semaphore, #tpu.memory_space<semaphore_mem>>) src(%dma_wait3A_522 : memref<512xi32, #tpu.memory_space<hbm>>) dst(%arg21 : memref<512xi32, #tpu.memory_space<vmem>>)
      tpu.yield
    }) : () -> ()
    "tpu.region"() ({
      %run_scoped3A = tpu.sem_alloc : memref<!tpu.dma_semaphore, #tpu.memory_space<semaphore_mem>>
      %dma_start3A_519 = tpu.memref_slice %arg4[%mul3A_2] : memref<16384xi32, #tpu.memory_space<hbm>> -> memref<512xi32, #tpu.memory_space<hbm>>
      %dma_start3A_520 = tpu.memref_slice %arg4[%mul3A_2] : memref<16384xi32, #tpu.memory_space<hbm>> -> memref<512xi32, #tpu.memory_space<hbm>>
      tpu.enqueue_dma source(%dma_start3A_520 : memref<512xi32, #tpu.memory_space<hbm>>) target(%arg22 : memref<512xi32, #tpu.memory_space<vmem>>) target_semaphore(%run_scoped3A : memref<!tpu.dma_semaphore, #tpu.memory_space<semaphore_mem>>)
      %dma_wait3A_521 = tpu.memref_slice %arg4[%mul3A_2] : memref<16384xi32, #tpu.memory_space<hbm>> -> memref<512xi32, #tpu.memory_space<hbm>>
      %dma_wait3A_522 = tpu.memref_slice %arg4[%mul3A_2] : memref<16384xi32, #tpu.memory_space<hbm>> -> memref<512xi32, #tpu.memory_space<hbm>>
      tpu.wait_dma2 semaphore(%run_scoped3A : memref<!tpu.dma_semaphore, #tpu.memory_space<semaphore_mem>>) src(%dma_wait3A_522 : memref<512xi32, #tpu.memory_space<hbm>>) dst(%arg22 : memref<512xi32, #tpu.memory_space<vmem>>)
      tpu.yield
    }) : () -> ()
    %dma_start3A = arith.constant 0 : i32
    %dma_start3A_3 = arith.constant 0 : i32
    %dma_start3A_4 = tpu.memref_slice %arg23[%dma_start3A, %dma_start3A_3] : memref<512x32xf32, #tpu.memory_space<vmem>> -> memref<128x32xf32, #tpu.memory_space<vmem>>
    %dma_start3A_5 = arith.constant 0 : i32
    %dma_start3A_6 = tpu.memref_slice %arg20[%dma_start3A_5] : memref<512xi32, #tpu.memory_space<vmem>> -> memref<128xi32, #tpu.memory_space<vmem>>
    %dma_start3A_7 = arith.constant 0 : i32
    %dma_start3A_8 = arith.constant 0 : i32
    %dma_start3A_9 = tpu.memref_slice %arg5[%dma_start3A_7, %dma_start3A_8] : memref<1000000x32xf32, #tpu.memory_space<hbm>> -> memref<1000000x32xf32, #tpu.memory_space<hbm>>
    tpu.enqueue_indirect_dma source(%dma_start3A_9 : memref<1000000x32xf32, #tpu.memory_space<hbm>>) target(%dma_start3A_4 : memref<128x32xf32, #tpu.memory_space<vmem>>) offsets(%dma_start3A_6 : memref<128xi32, #tpu.memory_space<vmem>>) semaphore(%arg38 : memref<!tpu.dma_semaphore, #tpu.memory_space<semaphore_mem>>)
    %dma_start3A_10 = arith.constant 0 : i32
    %dma_start3A_11 = arith.constant 0 : i32
    %dma_start3A_12 = tpu.memref_slice %arg24[%dma_start3A_10, %dma_start3A_11] : memref<512x32xf32, #tpu.memory_space<vmem>> -> memref<128x32xf32, #tpu.memory_space<vmem>>
    %dma_start3A_13 = arith.constant 0 : i32
    %dma_start3A_14 = tpu.memref_slice %arg21[%dma_start3A_13] : memref<512xi32, #tpu.memory_space<vmem>> -> memref<128xi32, #tpu.memory_space<vmem>>
    %dma_start3A_15 = arith.constant 0 : i32
    %dma_start3A_16 = arith.constant 0 : i32
    %dma_start3A_17 = tpu.memref_slice %arg7[%dma_start3A_15, %dma_start3A_16] : memref<1000000x32xf32, #tpu.memory_space<hbm>> -> memref<1000000x32xf32, #tpu.memory_space<hbm>>
    tpu.enqueue_indirect_dma source(%dma_start3A_17 : memref<1000000x32xf32, #tpu.memory_space<hbm>>) target(%dma_start3A_12 : memref<128x32xf32, #tpu.memory_space<vmem>>) offsets(%dma_start3A_14 : memref<128xi32, #tpu.memory_space<vmem>>) semaphore(%arg38 : memref<!tpu.dma_semaphore, #tpu.memory_space<semaphore_mem>>)
    %dma_start3A_18 = arith.constant 0 : i32
    %dma_start3A_19 = arith.constant 0 : i32
    %dma_start3A_20 = tpu.memref_slice %arg25[%dma_start3A_18, %dma_start3A_19] : memref<512x32xf32, #tpu.memory_space<vmem>> -> memref<128x32xf32, #tpu.memory_space<vmem>>
    %dma_start3A_21 = arith.constant 0 : i32
    %dma_start3A_22 = tpu.memref_slice %arg20[%dma_start3A_21] : memref<512xi32, #tpu.memory_space<vmem>> -> memref<128xi32, #tpu.memory_space<vmem>>
    %dma_start3A_23 = arith.constant 0 : i32
    %dma_start3A_24 = arith.constant 0 : i32
    %dma_start3A_25 = tpu.memref_slice %arg9[%dma_start3A_23, %dma_start3A_24] : memref<1000000x32xf32, #tpu.memory_space<hbm>> -> memref<1000000x32xf32, #tpu.memory_space<hbm>>
    tpu.enqueue_indirect_dma source(%dma_start3A_25 : memref<1000000x32xf32, #tpu.memory_space<hbm>>) target(%dma_start3A_20 : memref<128x32xf32, #tpu.memory_space<vmem>>) offsets(%dma_start3A_22 : memref<128xi32, #tpu.memory_space<vmem>>) semaphore(%arg38 : memref<!tpu.dma_semaphore, #tpu.memory_space<semaphore_mem>>)
    %dma_start3A_26 = arith.constant 0 : i32
    %dma_start3A_27 = arith.constant 0 : i32
    %dma_start3A_28 = tpu.memref_slice %arg26[%dma_start3A_26, %dma_start3A_27] : memref<512x32xf32, #tpu.memory_space<vmem>> -> memref<128x32xf32, #tpu.memory_space<vmem>>
    %dma_start3A_29 = arith.constant 0 : i32
    %dma_start3A_30 = tpu.memref_slice %arg21[%dma_start3A_29] : memref<512xi32, #tpu.memory_space<vmem>> -> memref<128xi32, #tpu.memory_space<vmem>>
    %dma_start3A_31 = arith.constant 0 : i32
    %dma_start3A_32 = arith.constant 0 : i32
    %dma_start3A_33 = tpu.memref_slice %arg11[%dma_start3A_31, %dma_start3A_32] : memref<1000000x32xf32, #tpu.memory_space<hbm>> -> memref<1000000x32xf32, #tpu.memory_space<hbm>>
    tpu.enqueue_indirect_dma source(%dma_start3A_33 : memref<1000000x32xf32, #tpu.memory_space<hbm>>) target(%dma_start3A_28 : memref<128x32xf32, #tpu.memory_space<vmem>>) offsets(%dma_start3A_30 : memref<128xi32, #tpu.memory_space<vmem>>) semaphore(%arg38 : memref<!tpu.dma_semaphore, #tpu.memory_space<semaphore_mem>>)
    %dma_start3A_34 = arith.constant 0 : i32
    %dma_start3A_35 = tpu.memref_slice %arg27[%dma_start3A_34] : memref<512xf32, #tpu.memory_space<vmem>> -> memref<128xf32, #tpu.memory_space<vmem>>
    %dma_start3A_36 = arith.constant 0 : i32
    %dma_start3A_37 = tpu.memref_slice %arg20[%dma_start3A_36] : memref<512xi32, #tpu.memory_space<vmem>> -> memref<128xi32, #tpu.memory_space<vmem>>
    %dma_start3A_38 = arith.constant 0 : i32
    %dma_start3A_39 = tpu.memref_slice %arg6[%dma_start3A_38] : memref<1000000xf32, #tpu.memory_space<hbm>> -> memref<1000000xf32, #tpu.memory_space<hbm>>
    tpu.enqueue_indirect_dma source(%dma_start3A_39 : memref<1000000xf32, #tpu.memory_space<hbm>>) target(%dma_start3A_35 : memref<128xf32, #tpu.memory_space<vmem>>) offsets(%dma_start3A_37 : memref<128xi32, #tpu.memory_space<vmem>>) semaphore(%arg38 : memref<!tpu.dma_semaphore, #tpu.memory_space<semaphore_mem>>)
    %dma_start3A_40 = arith.constant 0 : i32
    %dma_start3A_41 = tpu.memref_slice %arg28[%dma_start3A_40] : memref<512xf32, #tpu.memory_space<vmem>> -> memref<128xf32, #tpu.memory_space<vmem>>
    %dma_start3A_42 = arith.constant 0 : i32
    %dma_start3A_43 = tpu.memref_slice %arg21[%dma_start3A_42] : memref<512xi32, #tpu.memory_space<vmem>> -> memref<128xi32, #tpu.memory_space<vmem>>
    %dma_start3A_44 = arith.constant 0 : i32
    %dma_start3A_45 = tpu.memref_slice %arg8[%dma_start3A_44] : memref<1000000xf32, #tpu.memory_space<hbm>> -> memref<1000000xf32, #tpu.memory_space<hbm>>
    tpu.enqueue_indirect_dma source(%dma_start3A_45 : memref<1000000xf32, #tpu.memory_space<hbm>>) target(%dma_start3A_41 : memref<128xf32, #tpu.memory_space<vmem>>) offsets(%dma_start3A_43 : memref<128xi32, #tpu.memory_space<vmem>>) semaphore(%arg38 : memref<!tpu.dma_semaphore, #tpu.memory_space<semaphore_mem>>)
    %dma_start3A_46 = arith.constant 0 : i32
    %dma_start3A_47 = tpu.memref_slice %arg29[%dma_start3A_46] : memref<512xf32, #tpu.memory_space<vmem>> -> memref<128xf32, #tpu.memory_space<vmem>>
    %dma_start3A_48 = arith.constant 0 : i32
    %dma_start3A_49 = tpu.memref_slice %arg20[%dma_start3A_48] : memref<512xi32, #tpu.memory_space<vmem>> -> memref<128xi32, #tpu.memory_space<vmem>>
    %dma_start3A_50 = arith.constant 0 : i32
    %dma_start3A_51 = tpu.memref_slice %arg10[%dma_start3A_50] : memref<1000000xf32, #tpu.memory_space<hbm>> -> memref<1000000xf32, #tpu.memory_space<hbm>>
    tpu.enqueue_indirect_dma source(%dma_start3A_51 : memref<1000000xf32, #tpu.memory_space<hbm>>) target(%dma_start3A_47 : memref<128xf32, #tpu.memory_space<vmem>>) offsets(%dma_start3A_49 : memref<128xi32, #tpu.memory_space<vmem>>) semaphore(%arg38 : memref<!tpu.dma_semaphore, #tpu.memory_space<semaphore_mem>>)
    %dma_start3A_52 = arith.constant 0 : i32
    %dma_start3A_53 = tpu.memref_slice %arg30[%dma_start3A_52] : memref<512xf32, #tpu.memory_space<vmem>> -> memref<128xf32, #tpu.memory_space<vmem>>
    %dma_start3A_54 = arith.constant 0 : i32
    %dma_start3A_55 = tpu.memref_slice %arg21[%dma_start3A_54] : memref<512xi32, #tpu.memory_space<vmem>> -> memref<128xi32, #tpu.memory_space<vmem>>
    %dma_start3A_56 = arith.constant 0 : i32
    %dma_start3A_57 = tpu.memref_slice %arg12[%dma_start3A_56] : memref<1000000xf32, #tpu.memory_space<hbm>> -> memref<1000000xf32, #tpu.memory_space<hbm>>
    tpu.enqueue_indirect_dma source(%dma_start3A_57 : memref<1000000xf32, #tpu.memory_space<hbm>>) target(%dma_start3A_53 : memref<128xf32, #tpu.memory_space<vmem>>) offsets(%dma_start3A_55 : memref<128xi32, #tpu.memory_space<vmem>>) semaphore(%arg38 : memref<!tpu.dma_semaphore, #tpu.memory_space<semaphore_mem>>)
    %dma_start3A_58 = arith.constant 128 : i32
    %dma_start3A_59 = arith.constant 0 : i32
    %dma_start3A_60 = tpu.memref_slice %arg23[%dma_start3A_58, %dma_start3A_59] : memref<512x32xf32, #tpu.memory_space<vmem>> -> memref<128x32xf32, #tpu.memory_space<vmem>>
    %dma_start3A_61 = arith.constant 128 : i32
    %dma_start3A_62 = tpu.memref_slice %arg20[%dma_start3A_61] : memref<512xi32, #tpu.memory_space<vmem>> -> memref<128xi32, #tpu.memory_space<vmem>>
    %dma_start3A_63 = arith.constant 0 : i32
    %dma_start3A_64 = arith.constant 0 : i32
    %dma_start3A_65 = tpu.memref_slice %arg5[%dma_start3A_63, %dma_start3A_64] : memref<1000000x32xf32, #tpu.memory_space<hbm>> -> memref<1000000x32xf32, #tpu.memory_space<hbm>>
    tpu.enqueue_indirect_dma source(%dma_start3A_65 : memref<1000000x32xf32, #tpu.memory_space<hbm>>) target(%dma_start3A_60 : memref<128x32xf32, #tpu.memory_space<vmem>>) offsets(%dma_start3A_62 : memref<128xi32, #tpu.memory_space<vmem>>) semaphore(%arg38 : memref<!tpu.dma_semaphore, #tpu.memory_space<semaphore_mem>>)
    %dma_start3A_66 = arith.constant 128 : i32
    %dma_start3A_67 = arith.constant 0 : i32
    %dma_start3A_68 = tpu.memref_slice %arg24[%dma_start3A_66, %dma_start3A_67] : memref<512x32xf32, #tpu.memory_space<vmem>> -> memref<128x32xf32, #tpu.memory_space<vmem>>
    %dma_start3A_69 = arith.constant 128 : i32
    %dma_start3A_70 = tpu.memref_slice %arg21[%dma_start3A_69] : memref<512xi32, #tpu.memory_space<vmem>> -> memref<128xi32, #tpu.memory_space<vmem>>
    %dma_start3A_71 = arith.constant 0 : i32
    %dma_start3A_72 = arith.constant 0 : i32
    %dma_start3A_73 = tpu.memref_slice %arg7[%dma_start3A_71, %dma_start3A_72] : memref<1000000x32xf32, #tpu.memory_space<hbm>> -> memref<1000000x32xf32, #tpu.memory_space<hbm>>
    tpu.enqueue_indirect_dma source(%dma_start3A_73 : memref<1000000x32xf32, #tpu.memory_space<hbm>>) target(%dma_start3A_68 : memref<128x32xf32, #tpu.memory_space<vmem>>) offsets(%dma_start3A_70 : memref<128xi32, #tpu.memory_space<vmem>>) semaphore(%arg38 : memref<!tpu.dma_semaphore, #tpu.memory_space<semaphore_mem>>)
    %dma_start3A_74 = arith.constant 128 : i32
    %dma_start3A_75 = arith.constant 0 : i32
    %dma_start3A_76 = tpu.memref_slice %arg25[%dma_start3A_74, %dma_start3A_75] : memref<512x32xf32, #tpu.memory_space<vmem>> -> memref<128x32xf32, #tpu.memory_space<vmem>>
    %dma_start3A_77 = arith.constant 128 : i32
    %dma_start3A_78 = tpu.memref_slice %arg20[%dma_start3A_77] : memref<512xi32, #tpu.memory_space<vmem>> -> memref<128xi32, #tpu.memory_space<vmem>>
    %dma_start3A_79 = arith.constant 0 : i32
    %dma_start3A_80 = arith.constant 0 : i32
    %dma_start3A_81 = tpu.memref_slice %arg9[%dma_start3A_79, %dma_start3A_80] : memref<1000000x32xf32, #tpu.memory_space<hbm>> -> memref<1000000x32xf32, #tpu.memory_space<hbm>>
    tpu.enqueue_indirect_dma source(%dma_start3A_81 : memref<1000000x32xf32, #tpu.memory_space<hbm>>) target(%dma_start3A_76 : memref<128x32xf32, #tpu.memory_space<vmem>>) offsets(%dma_start3A_78 : memref<128xi32, #tpu.memory_space<vmem>>) semaphore(%arg38 : memref<!tpu.dma_semaphore, #tpu.memory_space<semaphore_mem>>)
    %dma_start3A_82 = arith.constant 128 : i32
    %dma_start3A_83 = arith.constant 0 : i32
    %dma_start3A_84 = tpu.memref_slice %arg26[%dma_start3A_82, %dma_start3A_83] : memref<512x32xf32, #tpu.memory_space<vmem>> -> memref<128x32xf32, #tpu.memory_space<vmem>>
    %dma_start3A_85 = arith.constant 128 : i32
    %dma_start3A_86 = tpu.memref_slice %arg21[%dma_start3A_85] : memref<512xi32, #tpu.memory_space<vmem>> -> memref<128xi32, #tpu.memory_space<vmem>>
    %dma_start3A_87 = arith.constant 0 : i32
    %dma_start3A_88 = arith.constant 0 : i32
    %dma_start3A_89 = tpu.memref_slice %arg11[%dma_start3A_87, %dma_start3A_88] : memref<1000000x32xf32, #tpu.memory_space<hbm>> -> memref<1000000x32xf32, #tpu.memory_space<hbm>>
    tpu.enqueue_indirect_dma source(%dma_start3A_89 : memref<1000000x32xf32, #tpu.memory_space<hbm>>) target(%dma_start3A_84 : memref<128x32xf32, #tpu.memory_space<vmem>>) offsets(%dma_start3A_86 : memref<128xi32, #tpu.memory_space<vmem>>) semaphore(%arg38 : memref<!tpu.dma_semaphore, #tpu.memory_space<semaphore_mem>>)
    %dma_start3A_90 = arith.constant 128 : i32
    %dma_start3A_91 = tpu.memref_slice %arg27[%dma_start3A_90] : memref<512xf32, #tpu.memory_space<vmem>> -> memref<128xf32, #tpu.memory_space<vmem>>
    %dma_start3A_92 = arith.constant 128 : i32
    %dma_start3A_93 = tpu.memref_slice %arg20[%dma_start3A_92] : memref<512xi32, #tpu.memory_space<vmem>> -> memref<128xi32, #tpu.memory_space<vmem>>
    %dma_start3A_94 = arith.constant 0 : i32
    %dma_start3A_95 = tpu.memref_slice %arg6[%dma_start3A_94] : memref<1000000xf32, #tpu.memory_space<hbm>> -> memref<1000000xf32, #tpu.memory_space<hbm>>
    tpu.enqueue_indirect_dma source(%dma_start3A_95 : memref<1000000xf32, #tpu.memory_space<hbm>>) target(%dma_start3A_91 : memref<128xf32, #tpu.memory_space<vmem>>) offsets(%dma_start3A_93 : memref<128xi32, #tpu.memory_space<vmem>>) semaphore(%arg38 : memref<!tpu.dma_semaphore, #tpu.memory_space<semaphore_mem>>)
    %dma_start3A_96 = arith.constant 128 : i32
    %dma_start3A_97 = tpu.memref_slice %arg28[%dma_start3A_96] : memref<512xf32, #tpu.memory_space<vmem>> -> memref<128xf32, #tpu.memory_space<vmem>>
    %dma_start3A_98 = arith.constant 128 : i32
    %dma_start3A_99 = tpu.memref_slice %arg21[%dma_start3A_98] : memref<512xi32, #tpu.memory_space<vmem>> -> memref<128xi32, #tpu.memory_space<vmem>>
    %dma_start3A_100 = arith.constant 0 : i32
    %dma_start3A_101 = tpu.memref_slice %arg8[%dma_start3A_100] : memref<1000000xf32, #tpu.memory_space<hbm>> -> memref<1000000xf32, #tpu.memory_space<hbm>>
    tpu.enqueue_indirect_dma source(%dma_start3A_101 : memref<1000000xf32, #tpu.memory_space<hbm>>) target(%dma_start3A_97 : memref<128xf32, #tpu.memory_space<vmem>>) offsets(%dma_start3A_99 : memref<128xi32, #tpu.memory_space<vmem>>) semaphore(%arg38 : memref<!tpu.dma_semaphore, #tpu.memory_space<semaphore_mem>>)
    %dma_start3A_102 = arith.constant 128 : i32
    %dma_start3A_103 = tpu.memref_slice %arg29[%dma_start3A_102] : memref<512xf32, #tpu.memory_space<vmem>> -> memref<128xf32, #tpu.memory_space<vmem>>
    %dma_start3A_104 = arith.constant 128 : i32
    %dma_start3A_105 = tpu.memref_slice %arg20[%dma_start3A_104] : memref<512xi32, #tpu.memory_space<vmem>> -> memref<128xi32, #tpu.memory_space<vmem>>
    %dma_start3A_106 = arith.constant 0 : i32
    %dma_start3A_107 = tpu.memref_slice %arg10[%dma_start3A_106] : memref<1000000xf32, #tpu.memory_space<hbm>> -> memref<1000000xf32, #tpu.memory_space<hbm>>
    tpu.enqueue_indirect_dma source(%dma_start3A_107 : memref<1000000xf32, #tpu.memory_space<hbm>>) target(%dma_start3A_103 : memref<128xf32, #tpu.memory_space<vmem>>) offsets(%dma_start3A_105 : memref<128xi32, #tpu.memory_space<vmem>>) semaphore(%arg38 : memref<!tpu.dma_semaphore, #tpu.memory_space<semaphore_mem>>)
    %dma_start3A_108 = arith.constant 128 : i32
    %dma_start3A_109 = tpu.memref_slice %arg30[%dma_start3A_108] : memref<512xf32, #tpu.memory_space<vmem>> -> memref<128xf32, #tpu.memory_space<vmem>>
    %dma_start3A_110 = arith.constant 128 : i32
    %dma_start3A_111 = tpu.memref_slice %arg21[%dma_start3A_110] : memref<512xi32, #tpu.memory_space<vmem>> -> memref<128xi32, #tpu.memory_space<vmem>>
    %dma_start3A_112 = arith.constant 0 : i32
    %dma_start3A_113 = tpu.memref_slice %arg12[%dma_start3A_112] : memref<1000000xf32, #tpu.memory_space<hbm>> -> memref<1000000xf32, #tpu.memory_space<hbm>>
    tpu.enqueue_indirect_dma source(%dma_start3A_113 : memref<1000000xf32, #tpu.memory_space<hbm>>) target(%dma_start3A_109 : memref<128xf32, #tpu.memory_space<vmem>>) offsets(%dma_start3A_111 : memref<128xi32, #tpu.memory_space<vmem>>) semaphore(%arg38 : memref<!tpu.dma_semaphore, #tpu.memory_space<semaphore_mem>>)
    %dma_start3A_114 = arith.constant 256 : i32
    %dma_start3A_115 = arith.constant 0 : i32
    %dma_start3A_116 = tpu.memref_slice %arg23[%dma_start3A_114, %dma_start3A_115] : memref<512x32xf32, #tpu.memory_space<vmem>> -> memref<128x32xf32, #tpu.memory_space<vmem>>
    %dma_start3A_117 = arith.constant 256 : i32
    %dma_start3A_118 = tpu.memref_slice %arg20[%dma_start3A_117] : memref<512xi32, #tpu.memory_space<vmem>> -> memref<128xi32, #tpu.memory_space<vmem>>
    %dma_start3A_119 = arith.constant 0 : i32
    %dma_start3A_120 = arith.constant 0 : i32
    %dma_start3A_121 = tpu.memref_slice %arg5[%dma_start3A_119, %dma_start3A_120] : memref<1000000x32xf32, #tpu.memory_space<hbm>> -> memref<1000000x32xf32, #tpu.memory_space<hbm>>
    tpu.enqueue_indirect_dma source(%dma_start3A_121 : memref<1000000x32xf32, #tpu.memory_space<hbm>>) target(%dma_start3A_116 : memref<128x32xf32, #tpu.memory_space<vmem>>) offsets(%dma_start3A_118 : memref<128xi32, #tpu.memory_space<vmem>>) semaphore(%arg38 : memref<!tpu.dma_semaphore, #tpu.memory_space<semaphore_mem>>)
    %dma_start3A_122 = arith.constant 256 : i32
    %dma_start3A_123 = arith.constant 0 : i32
    %dma_start3A_124 = tpu.memref_slice %arg24[%dma_start3A_122, %dma_start3A_123] : memref<512x32xf32, #tpu.memory_space<vmem>> -> memref<128x32xf32, #tpu.memory_space<vmem>>
    %dma_start3A_125 = arith.constant 256 : i32
    %dma_start3A_126 = tpu.memref_slice %arg21[%dma_start3A_125] : memref<512xi32, #tpu.memory_space<vmem>> -> memref<128xi32, #tpu.memory_space<vmem>>
    %dma_start3A_127 = arith.constant 0 : i32
    %dma_start3A_128 = arith.constant 0 : i32
    %dma_start3A_129 = tpu.memref_slice %arg7[%dma_start3A_127, %dma_start3A_128] : memref<1000000x32xf32, #tpu.memory_space<hbm>> -> memref<1000000x32xf32, #tpu.memory_space<hbm>>
    tpu.enqueue_indirect_dma source(%dma_start3A_129 : memref<1000000x32xf32, #tpu.memory_space<hbm>>) target(%dma_start3A_124 : memref<128x32xf32, #tpu.memory_space<vmem>>) offsets(%dma_start3A_126 : memref<128xi32, #tpu.memory_space<vmem>>) semaphore(%arg38 : memref<!tpu.dma_semaphore, #tpu.memory_space<semaphore_mem>>)
    %dma_start3A_130 = arith.constant 256 : i32
    %dma_start3A_131 = arith.constant 0 : i32
    %dma_start3A_132 = tpu.memref_slice %arg25[%dma_start3A_130, %dma_start3A_131] : memref<512x32xf32, #tpu.memory_space<vmem>> -> memref<128x32xf32, #tpu.memory_space<vmem>>
    %dma_start3A_133 = arith.constant 256 : i32
    %dma_start3A_134 = tpu.memref_slice %arg20[%dma_start3A_133] : memref<512xi32, #tpu.memory_space<vmem>> -> memref<128xi32, #tpu.memory_space<vmem>>
    %dma_start3A_135 = arith.constant 0 : i32
    %dma_start3A_136 = arith.constant 0 : i32
    %dma_start3A_137 = tpu.memref_slice %arg9[%dma_start3A_135, %dma_start3A_136] : memref<1000000x32xf32, #tpu.memory_space<hbm>> -> memref<1000000x32xf32, #tpu.memory_space<hbm>>
    tpu.enqueue_indirect_dma source(%dma_start3A_137 : memref<1000000x32xf32, #tpu.memory_space<hbm>>) target(%dma_start3A_132 : memref<128x32xf32, #tpu.memory_space<vmem>>) offsets(%dma_start3A_134 : memref<128xi32, #tpu.memory_space<vmem>>) semaphore(%arg38 : memref<!tpu.dma_semaphore, #tpu.memory_space<semaphore_mem>>)
    %dma_start3A_138 = arith.constant 256 : i32
    %dma_start3A_139 = arith.constant 0 : i32
    %dma_start3A_140 = tpu.memref_slice %arg26[%dma_start3A_138, %dma_start3A_139] : memref<512x32xf32, #tpu.memory_space<vmem>> -> memref<128x32xf32, #tpu.memory_space<vmem>>
    %dma_start3A_141 = arith.constant 256 : i32
    %dma_start3A_142 = tpu.memref_slice %arg21[%dma_start3A_141] : memref<512xi32, #tpu.memory_space<vmem>> -> memref<128xi32, #tpu.memory_space<vmem>>
    %dma_start3A_143 = arith.constant 0 : i32
    %dma_start3A_144 = arith.constant 0 : i32
    %dma_start3A_145 = tpu.memref_slice %arg11[%dma_start3A_143, %dma_start3A_144] : memref<1000000x32xf32, #tpu.memory_space<hbm>> -> memref<1000000x32xf32, #tpu.memory_space<hbm>>
    tpu.enqueue_indirect_dma source(%dma_start3A_145 : memref<1000000x32xf32, #tpu.memory_space<hbm>>) target(%dma_start3A_140 : memref<128x32xf32, #tpu.memory_space<vmem>>) offsets(%dma_start3A_142 : memref<128xi32, #tpu.memory_space<vmem>>) semaphore(%arg38 : memref<!tpu.dma_semaphore, #tpu.memory_space<semaphore_mem>>)
    %dma_start3A_146 = arith.constant 256 : i32
    %dma_start3A_147 = tpu.memref_slice %arg27[%dma_start3A_146] : memref<512xf32, #tpu.memory_space<vmem>> -> memref<128xf32, #tpu.memory_space<vmem>>
    %dma_start3A_148 = arith.constant 256 : i32
    %dma_start3A_149 = tpu.memref_slice %arg20[%dma_start3A_148] : memref<512xi32, #tpu.memory_space<vmem>> -> memref<128xi32, #tpu.memory_space<vmem>>
    %dma_start3A_150 = arith.constant 0 : i32
    %dma_start3A_151 = tpu.memref_slice %arg6[%dma_start3A_150] : memref<1000000xf32, #tpu.memory_space<hbm>> -> memref<1000000xf32, #tpu.memory_space<hbm>>
    tpu.enqueue_indirect_dma source(%dma_start3A_151 : memref<1000000xf32, #tpu.memory_space<hbm>>) target(%dma_start3A_147 : memref<128xf32, #tpu.memory_space<vmem>>) offsets(%dma_start3A_149 : memref<128xi32, #tpu.memory_space<vmem>>) semaphore(%arg38 : memref<!tpu.dma_semaphore, #tpu.memory_space<semaphore_mem>>)
    %dma_start3A_152 = arith.constant 256 : i32
    %dma_start3A_153 = tpu.memref_slice %arg28[%dma_start3A_152] : memref<512xf32, #tpu.memory_space<vmem>> -> memref<128xf32, #tpu.memory_space<vmem>>
    %dma_start3A_154 = arith.constant 256 : i32
    %dma_start3A_155 = tpu.memref_slice %arg21[%dma_start3A_154] : memref<512xi32, #tpu.memory_space<vmem>> -> memref<128xi32, #tpu.memory_space<vmem>>
    %dma_start3A_156 = arith.constant 0 : i32
    %dma_start3A_157 = tpu.memref_slice %arg8[%dma_start3A_156] : memref<1000000xf32, #tpu.memory_space<hbm>> -> memref<1000000xf32, #tpu.memory_space<hbm>>
    tpu.enqueue_indirect_dma source(%dma_start3A_157 : memref<1000000xf32, #tpu.memory_space<hbm>>) target(%dma_start3A_153 : memref<128xf32, #tpu.memory_space<vmem>>) offsets(%dma_start3A_155 : memref<128xi32, #tpu.memory_space<vmem>>) semaphore(%arg38 : memref<!tpu.dma_semaphore, #tpu.memory_space<semaphore_mem>>)
    %dma_start3A_158 = arith.constant 256 : i32
    %dma_start3A_159 = tpu.memref_slice %arg29[%dma_start3A_158] : memref<512xf32, #tpu.memory_space<vmem>> -> memref<128xf32, #tpu.memory_space<vmem>>
    %dma_start3A_160 = arith.constant 256 : i32
    %dma_start3A_161 = tpu.memref_slice %arg20[%dma_start3A_160] : memref<512xi32, #tpu.memory_space<vmem>> -> memref<128xi32, #tpu.memory_space<vmem>>
    %dma_start3A_162 = arith.constant 0 : i32
    %dma_start3A_163 = tpu.memref_slice %arg10[%dma_start3A_162] : memref<1000000xf32, #tpu.memory_space<hbm>> -> memref<1000000xf32, #tpu.memory_space<hbm>>
    tpu.enqueue_indirect_dma source(%dma_start3A_163 : memref<1000000xf32, #tpu.memory_space<hbm>>) target(%dma_start3A_159 : memref<128xf32, #tpu.memory_space<vmem>>) offsets(%dma_start3A_161 : memref<128xi32, #tpu.memory_space<vmem>>) semaphore(%arg38 : memref<!tpu.dma_semaphore, #tpu.memory_space<semaphore_mem>>)
    %dma_start3A_164 = arith.constant 256 : i32
    %dma_start3A_165 = tpu.memref_slice %arg30[%dma_start3A_164] : memref<512xf32, #tpu.memory_space<vmem>> -> memref<128xf32, #tpu.memory_space<vmem>>
    %dma_start3A_166 = arith.constant 256 : i32
    %dma_start3A_167 = tpu.memref_slice %arg21[%dma_start3A_166] : memref<512xi32, #tpu.memory_space<vmem>> -> memref<128xi32, #tpu.memory_space<vmem>>
    %dma_start3A_168 = arith.constant 0 : i32
    %dma_start3A_169 = tpu.memref_slice %arg12[%dma_start3A_168] : memref<1000000xf32, #tpu.memory_space<hbm>> -> memref<1000000xf32, #tpu.memory_space<hbm>>
    tpu.enqueue_indirect_dma source(%dma_start3A_169 : memref<1000000xf32, #tpu.memory_space<hbm>>) target(%dma_start3A_165 : memref<128xf32, #tpu.memory_space<vmem>>) offsets(%dma_start3A_167 : memref<128xi32, #tpu.memory_space<vmem>>) semaphore(%arg38 : memref<!tpu.dma_semaphore, #tpu.memory_space<semaphore_mem>>)
    %dma_start3A_170 = arith.constant 384 : i32
    %dma_start3A_171 = arith.constant 0 : i32
    %dma_start3A_172 = tpu.memref_slice %arg23[%dma_start3A_170, %dma_start3A_171] : memref<512x32xf32, #tpu.memory_space<vmem>> -> memref<128x32xf32, #tpu.memory_space<vmem>>
    %dma_start3A_173 = arith.constant 384 : i32
    %dma_start3A_174 = tpu.memref_slice %arg20[%dma_start3A_173] : memref<512xi32, #tpu.memory_space<vmem>> -> memref<128xi32, #tpu.memory_space<vmem>>
    %dma_start3A_175 = arith.constant 0 : i32
    %dma_start3A_176 = arith.constant 0 : i32
    %dma_start3A_177 = tpu.memref_slice %arg5[%dma_start3A_175, %dma_start3A_176] : memref<1000000x32xf32, #tpu.memory_space<hbm>> -> memref<1000000x32xf32, #tpu.memory_space<hbm>>
    tpu.enqueue_indirect_dma source(%dma_start3A_177 : memref<1000000x32xf32, #tpu.memory_space<hbm>>) target(%dma_start3A_172 : memref<128x32xf32, #tpu.memory_space<vmem>>) offsets(%dma_start3A_174 : memref<128xi32, #tpu.memory_space<vmem>>) semaphore(%arg38 : memref<!tpu.dma_semaphore, #tpu.memory_space<semaphore_mem>>)
    %dma_start3A_178 = arith.constant 384 : i32
    %dma_start3A_179 = arith.constant 0 : i32
    %dma_start3A_180 = tpu.memref_slice %arg24[%dma_start3A_178, %dma_start3A_179] : memref<512x32xf32, #tpu.memory_space<vmem>> -> memref<128x32xf32, #tpu.memory_space<vmem>>
    %dma_start3A_181 = arith.constant 384 : i32
    %dma_start3A_182 = tpu.memref_slice %arg21[%dma_start3A_181] : memref<512xi32, #tpu.memory_space<vmem>> -> memref<128xi32, #tpu.memory_space<vmem>>
    %dma_start3A_183 = arith.constant 0 : i32
    %dma_start3A_184 = arith.constant 0 : i32
    %dma_start3A_185 = tpu.memref_slice %arg7[%dma_start3A_183, %dma_start3A_184] : memref<1000000x32xf32, #tpu.memory_space<hbm>> -> memref<1000000x32xf32, #tpu.memory_space<hbm>>
    tpu.enqueue_indirect_dma source(%dma_start3A_185 : memref<1000000x32xf32, #tpu.memory_space<hbm>>) target(%dma_start3A_180 : memref<128x32xf32, #tpu.memory_space<vmem>>) offsets(%dma_start3A_182 : memref<128xi32, #tpu.memory_space<vmem>>) semaphore(%arg38 : memref<!tpu.dma_semaphore, #tpu.memory_space<semaphore_mem>>)
    %dma_start3A_186 = arith.constant 384 : i32
    %dma_start3A_187 = arith.constant 0 : i32
    %dma_start3A_188 = tpu.memref_slice %arg25[%dma_start3A_186, %dma_start3A_187] : memref<512x32xf32, #tpu.memory_space<vmem>> -> memref<128x32xf32, #tpu.memory_space<vmem>>
    %dma_start3A_189 = arith.constant 384 : i32
    %dma_start3A_190 = tpu.memref_slice %arg20[%dma_start3A_189] : memref<512xi32, #tpu.memory_space<vmem>> -> memref<128xi32, #tpu.memory_space<vmem>>
    %dma_start3A_191 = arith.constant 0 : i32
    %dma_start3A_192 = arith.constant 0 : i32
    %dma_start3A_193 = tpu.memref_slice %arg9[%dma_start3A_191, %dma_start3A_192] : memref<1000000x32xf32, #tpu.memory_space<hbm>> -> memref<1000000x32xf32, #tpu.memory_space<hbm>>
    tpu.enqueue_indirect_dma source(%dma_start3A_193 : memref<1000000x32xf32, #tpu.memory_space<hbm>>) target(%dma_start3A_188 : memref<128x32xf32, #tpu.memory_space<vmem>>) offsets(%dma_start3A_190 : memref<128xi32, #tpu.memory_space<vmem>>) semaphore(%arg38 : memref<!tpu.dma_semaphore, #tpu.memory_space<semaphore_mem>>)
    %dma_start3A_194 = arith.constant 384 : i32
    %dma_start3A_195 = arith.constant 0 : i32
    %dma_start3A_196 = tpu.memref_slice %arg26[%dma_start3A_194, %dma_start3A_195] : memref<512x32xf32, #tpu.memory_space<vmem>> -> memref<128x32xf32, #tpu.memory_space<vmem>>
    %dma_start3A_197 = arith.constant 384 : i32
    %dma_start3A_198 = tpu.memref_slice %arg21[%dma_start3A_197] : memref<512xi32, #tpu.memory_space<vmem>> -> memref<128xi32, #tpu.memory_space<vmem>>
    %dma_start3A_199 = arith.constant 0 : i32
    %dma_start3A_200 = arith.constant 0 : i32
    %dma_start3A_201 = tpu.memref_slice %arg11[%dma_start3A_199, %dma_start3A_200] : memref<1000000x32xf32, #tpu.memory_space<hbm>> -> memref<1000000x32xf32, #tpu.memory_space<hbm>>
    tpu.enqueue_indirect_dma source(%dma_start3A_201 : memref<1000000x32xf32, #tpu.memory_space<hbm>>) target(%dma_start3A_196 : memref<128x32xf32, #tpu.memory_space<vmem>>) offsets(%dma_start3A_198 : memref<128xi32, #tpu.memory_space<vmem>>) semaphore(%arg38 : memref<!tpu.dma_semaphore, #tpu.memory_space<semaphore_mem>>)
    %dma_start3A_202 = arith.constant 384 : i32
    %dma_start3A_203 = tpu.memref_slice %arg27[%dma_start3A_202] : memref<512xf32, #tpu.memory_space<vmem>> -> memref<128xf32, #tpu.memory_space<vmem>>
    %dma_start3A_204 = arith.constant 384 : i32
    %dma_start3A_205 = tpu.memref_slice %arg20[%dma_start3A_204] : memref<512xi32, #tpu.memory_space<vmem>> -> memref<128xi32, #tpu.memory_space<vmem>>
    %dma_start3A_206 = arith.constant 0 : i32
    %dma_start3A_207 = tpu.memref_slice %arg6[%dma_start3A_206] : memref<1000000xf32, #tpu.memory_space<hbm>> -> memref<1000000xf32, #tpu.memory_space<hbm>>
    tpu.enqueue_indirect_dma source(%dma_start3A_207 : memref<1000000xf32, #tpu.memory_space<hbm>>) target(%dma_start3A_203 : memref<128xf32, #tpu.memory_space<vmem>>) offsets(%dma_start3A_205 : memref<128xi32, #tpu.memory_space<vmem>>) semaphore(%arg38 : memref<!tpu.dma_semaphore, #tpu.memory_space<semaphore_mem>>)
    %dma_start3A_208 = arith.constant 384 : i32
    %dma_start3A_209 = tpu.memref_slice %arg28[%dma_start3A_208] : memref<512xf32, #tpu.memory_space<vmem>> -> memref<128xf32, #tpu.memory_space<vmem>>
    %dma_start3A_210 = arith.constant 384 : i32
    %dma_start3A_211 = tpu.memref_slice %arg21[%dma_start3A_210] : memref<512xi32, #tpu.memory_space<vmem>> -> memref<128xi32, #tpu.memory_space<vmem>>
    %dma_start3A_212 = arith.constant 0 : i32
    %dma_start3A_213 = tpu.memref_slice %arg8[%dma_start3A_212] : memref<1000000xf32, #tpu.memory_space<hbm>> -> memref<1000000xf32, #tpu.memory_space<hbm>>
    tpu.enqueue_indirect_dma source(%dma_start3A_213 : memref<1000000xf32, #tpu.memory_space<hbm>>) target(%dma_start3A_209 : memref<128xf32, #tpu.memory_space<vmem>>) offsets(%dma_start3A_211 : memref<128xi32, #tpu.memory_space<vmem>>) semaphore(%arg38 : memref<!tpu.dma_semaphore, #tpu.memory_space<semaphore_mem>>)
    %dma_start3A_214 = arith.constant 384 : i32
    %dma_start3A_215 = tpu.memref_slice %arg29[%dma_start3A_214] : memref<512xf32, #tpu.memory_space<vmem>> -> memref<128xf32, #tpu.memory_space<vmem>>
    %dma_start3A_216 = arith.constant 384 : i32
    %dma_start3A_217 = tpu.memref_slice %arg20[%dma_start3A_216] : memref<512xi32, #tpu.memory_space<vmem>> -> memref<128xi32, #tpu.memory_space<vmem>>
    %dma_start3A_218 = arith.constant 0 : i32
    %dma_start3A_219 = tpu.memref_slice %arg10[%dma_start3A_218] : memref<1000000xf32, #tpu.memory_space<hbm>> -> memref<1000000xf32, #tpu.memory_space<hbm>>
    tpu.enqueue_indirect_dma source(%dma_start3A_219 : memref<1000000xf32, #tpu.memory_space<hbm>>) target(%dma_start3A_215 : memref<128xf32, #tpu.memory_space<vmem>>) offsets(%dma_start3A_217 : memref<128xi32, #tpu.memory_space<vmem>>) semaphore(%arg38 : memref<!tpu.dma_semaphore, #tpu.memory_space<semaphore_mem>>)
    %dma_start3A_220 = arith.constant 384 : i32
    %dma_start3A_221 = tpu.memref_slice %arg30[%dma_start3A_220] : memref<512xf32, #tpu.memory_space<vmem>> -> memref<128xf32, #tpu.memory_space<vmem>>
    %dma_start3A_222 = arith.constant 384 : i32
    %dma_start3A_223 = tpu.memref_slice %arg21[%dma_start3A_222] : memref<512xi32, #tpu.memory_space<vmem>> -> memref<128xi32, #tpu.memory_space<vmem>>
    %dma_start3A_224 = arith.constant 0 : i32
    %dma_start3A_225 = tpu.memref_slice %arg12[%dma_start3A_224] : memref<1000000xf32, #tpu.memory_space<hbm>> -> memref<1000000xf32, #tpu.memory_space<hbm>>
    tpu.enqueue_indirect_dma source(%dma_start3A_225 : memref<1000000xf32, #tpu.memory_space<hbm>>) target(%dma_start3A_221 : memref<128xf32, #tpu.memory_space<vmem>>) offsets(%dma_start3A_223 : memref<128xi32, #tpu.memory_space<vmem>>) semaphore(%arg38 : memref<!tpu.dma_semaphore, #tpu.memory_space<semaphore_mem>>)
    "tpu.region"() ({
      %run_scoped3A = tpu.sem_alloc : memref<!tpu.dma_semaphore, #tpu.memory_space<semaphore_mem>>
      tpu.enqueue_dma source(%arg13 : memref<8x32xf32, #tpu.memory_space<hbm>>) target(%arg31 : memref<8x32xf32, #tpu.memory_space<vmem>>) target_semaphore(%run_scoped3A : memref<!tpu.dma_semaphore, #tpu.memory_space<semaphore_mem>>)
      tpu.wait_dma2 semaphore(%run_scoped3A : memref<!tpu.dma_semaphore, #tpu.memory_space<semaphore_mem>>) src(%arg13 : memref<8x32xf32, #tpu.memory_space<hbm>>) dst(%arg31 : memref<8x32xf32, #tpu.memory_space<vmem>>)
      tpu.yield
    }) : () -> ()
    "tpu.region"() ({
      %run_scoped3A = tpu.sem_alloc : memref<!tpu.dma_semaphore, #tpu.memory_space<semaphore_mem>>
      tpu.enqueue_dma source(%arg14 : memref<16xf32, #tpu.memory_space<hbm>>) target(%arg32 : memref<16xf32, #tpu.memory_space<vmem>>) target_semaphore(%run_scoped3A : memref<!tpu.dma_semaphore, #tpu.memory_space<semaphore_mem>>)
      tpu.wait_dma2 semaphore(%run_scoped3A : memref<!tpu.dma_semaphore, #tpu.memory_space<semaphore_mem>>) src(%arg14 : memref<16xf32, #tpu.memory_space<hbm>>) dst(%arg32 : memref<16xf32, #tpu.memory_space<vmem>>)
      tpu.yield
    }) : () -> ()
    "tpu.region"() ({
      %run_scoped3A = tpu.sem_alloc : memref<!tpu.dma_semaphore, #tpu.memory_space<semaphore_mem>>
      tpu.enqueue_dma source(%arg15 : memref<8x32xf32, #tpu.memory_space<hbm>>) target(%arg33 : memref<8x32xf32, #tpu.memory_space<vmem>>) target_semaphore(%run_scoped3A : memref<!tpu.dma_semaphore, #tpu.memory_space<semaphore_mem>>)
      tpu.wait_dma2 semaphore(%run_scoped3A : memref<!tpu.dma_semaphore, #tpu.memory_space<semaphore_mem>>) src(%arg15 : memref<8x32xf32, #tpu.memory_space<hbm>>) dst(%arg33 : memref<8x32xf32, #tpu.memory_space<vmem>>)
      tpu.yield
    }) : () -> ()
    "tpu.region"() ({
      %run_scoped3A = tpu.sem_alloc : memref<!tpu.dma_semaphore, #tpu.memory_space<semaphore_mem>>
      tpu.enqueue_dma source(%arg16 : memref<16xf32, #tpu.memory_space<hbm>>) target(%arg34 : memref<16xf32, #tpu.memory_space<vmem>>) target_semaphore(%run_scoped3A : memref<!tpu.dma_semaphore, #tpu.memory_space<semaphore_mem>>)
      tpu.wait_dma2 semaphore(%run_scoped3A : memref<!tpu.dma_semaphore, #tpu.memory_space<semaphore_mem>>) src(%arg16 : memref<16xf32, #tpu.memory_space<hbm>>) dst(%arg34 : memref<16xf32, #tpu.memory_space<vmem>>)
      tpu.yield
    }) : () -> ()
    %dma_wait3A = arith.constant 0 : i32
    %dma_wait3A_226 = arith.constant 0 : i32
    %dma_wait3A_227 = tpu.memref_slice %arg23[%dma_wait3A, %dma_wait3A_226] : memref<512x32xf32, #tpu.memory_space<vmem>> -> memref<128x32xf32, #tpu.memory_space<vmem>>
    %dma_wait3A_228 = arith.constant 0 : i32
    %dma_wait3A_229 = tpu.memref_slice %arg20[%dma_wait3A_228] : memref<512xi32, #tpu.memory_space<vmem>> -> memref<128xi32, #tpu.memory_space<vmem>>
    %dma_wait3A_230 = arith.constant 0 : i32
    %dma_wait3A_231 = arith.constant 0 : i32
    %dma_wait3A_232 = tpu.memref_slice %arg5[%dma_wait3A_230, %dma_wait3A_231] : memref<1000000x32xf32, #tpu.memory_space<hbm>> -> memref<1000000x32xf32, #tpu.memory_space<hbm>>
    tpu.wait_indirect_dma semaphore(%arg38 : memref<!tpu.dma_semaphore, #tpu.memory_space<semaphore_mem>>) src(%dma_wait3A_232 : memref<1000000x32xf32, #tpu.memory_space<hbm>>) dst(%dma_wait3A_227 : memref<128x32xf32, #tpu.memory_space<vmem>>)
    %dma_wait3A_233 = arith.constant 0 : i32
    %dma_wait3A_234 = arith.constant 0 : i32
    %dma_wait3A_235 = tpu.memref_slice %arg24[%dma_wait3A_233, %dma_wait3A_234] : memref<512x32xf32, #tpu.memory_space<vmem>> -> memref<128x32xf32, #tpu.memory_space<vmem>>
    %dma_wait3A_236 = arith.constant 0 : i32
    %dma_wait3A_237 = tpu.memref_slice %arg21[%dma_wait3A_236] : memref<512xi32, #tpu.memory_space<vmem>> -> memref<128xi32, #tpu.memory_space<vmem>>
    %dma_wait3A_238 = arith.constant 0 : i32
    %dma_wait3A_239 = arith.constant 0 : i32
    %dma_wait3A_240 = tpu.memref_slice %arg7[%dma_wait3A_238, %dma_wait3A_239] : memref<1000000x32xf32, #tpu.memory_space<hbm>> -> memref<1000000x32xf32, #tpu.memory_space<hbm>>
    tpu.wait_indirect_dma semaphore(%arg38 : memref<!tpu.dma_semaphore, #tpu.memory_space<semaphore_mem>>) src(%dma_wait3A_240 : memref<1000000x32xf32, #tpu.memory_space<hbm>>) dst(%dma_wait3A_235 : memref<128x32xf32, #tpu.memory_space<vmem>>)
    %dma_wait3A_241 = arith.constant 0 : i32
    %dma_wait3A_242 = arith.constant 0 : i32
    %dma_wait3A_243 = tpu.memref_slice %arg25[%dma_wait3A_241, %dma_wait3A_242] : memref<512x32xf32, #tpu.memory_space<vmem>> -> memref<128x32xf32, #tpu.memory_space<vmem>>
    %dma_wait3A_244 = arith.constant 0 : i32
    %dma_wait3A_245 = tpu.memref_slice %arg20[%dma_wait3A_244] : memref<512xi32, #tpu.memory_space<vmem>> -> memref<128xi32, #tpu.memory_space<vmem>>
    %dma_wait3A_246 = arith.constant 0 : i32
    %dma_wait3A_247 = arith.constant 0 : i32
    %dma_wait3A_248 = tpu.memref_slice %arg9[%dma_wait3A_246, %dma_wait3A_247] : memref<1000000x32xf32, #tpu.memory_space<hbm>> -> memref<1000000x32xf32, #tpu.memory_space<hbm>>
    tpu.wait_indirect_dma semaphore(%arg38 : memref<!tpu.dma_semaphore, #tpu.memory_space<semaphore_mem>>) src(%dma_wait3A_248 : memref<1000000x32xf32, #tpu.memory_space<hbm>>) dst(%dma_wait3A_243 : memref<128x32xf32, #tpu.memory_space<vmem>>)
    %dma_wait3A_249 = arith.constant 0 : i32
    %dma_wait3A_250 = arith.constant 0 : i32
    %dma_wait3A_251 = tpu.memref_slice %arg26[%dma_wait3A_249, %dma_wait3A_250] : memref<512x32xf32, #tpu.memory_space<vmem>> -> memref<128x32xf32, #tpu.memory_space<vmem>>
    %dma_wait3A_252 = arith.constant 0 : i32
    %dma_wait3A_253 = tpu.memref_slice %arg21[%dma_wait3A_252] : memref<512xi32, #tpu.memory_space<vmem>> -> memref<128xi32, #tpu.memory_space<vmem>>
    %dma_wait3A_254 = arith.constant 0 : i32
    %dma_wait3A_255 = arith.constant 0 : i32
    %dma_wait3A_256 = tpu.memref_slice %arg11[%dma_wait3A_254, %dma_wait3A_255] : memref<1000000x32xf32, #tpu.memory_space<hbm>> -> memref<1000000x32xf32, #tpu.memory_space<hbm>>
    tpu.wait_indirect_dma semaphore(%arg38 : memref<!tpu.dma_semaphore, #tpu.memory_space<semaphore_mem>>) src(%dma_wait3A_256 : memref<1000000x32xf32, #tpu.memory_space<hbm>>) dst(%dma_wait3A_251 : memref<128x32xf32, #tpu.memory_space<vmem>>)
    %dma_wait3A_257 = arith.constant 0 : i32
    %dma_wait3A_258 = tpu.memref_slice %arg27[%dma_wait3A_257] : memref<512xf32, #tpu.memory_space<vmem>> -> memref<128xf32, #tpu.memory_space<vmem>>
    %dma_wait3A_259 = arith.constant 0 : i32
    %dma_wait3A_260 = tpu.memref_slice %arg20[%dma_wait3A_259] : memref<512xi32, #tpu.memory_space<vmem>> -> memref<128xi32, #tpu.memory_space<vmem>>
    %dma_wait3A_261 = arith.constant 0 : i32
    %dma_wait3A_262 = tpu.memref_slice %arg6[%dma_wait3A_261] : memref<1000000xf32, #tpu.memory_space<hbm>> -> memref<1000000xf32, #tpu.memory_space<hbm>>
    tpu.wait_indirect_dma semaphore(%arg38 : memref<!tpu.dma_semaphore, #tpu.memory_space<semaphore_mem>>) src(%dma_wait3A_262 : memref<1000000xf32, #tpu.memory_space<hbm>>) dst(%dma_wait3A_258 : memref<128xf32, #tpu.memory_space<vmem>>)
    %dma_wait3A_263 = arith.constant 0 : i32
    %dma_wait3A_264 = tpu.memref_slice %arg28[%dma_wait3A_263] : memref<512xf32, #tpu.memory_space<vmem>> -> memref<128xf32, #tpu.memory_space<vmem>>
    %dma_wait3A_265 = arith.constant 0 : i32
    %dma_wait3A_266 = tpu.memref_slice %arg21[%dma_wait3A_265] : memref<512xi32, #tpu.memory_space<vmem>> -> memref<128xi32, #tpu.memory_space<vmem>>
    %dma_wait3A_267 = arith.constant 0 : i32
    %dma_wait3A_268 = tpu.memref_slice %arg8[%dma_wait3A_267] : memref<1000000xf32, #tpu.memory_space<hbm>> -> memref<1000000xf32, #tpu.memory_space<hbm>>
    tpu.wait_indirect_dma semaphore(%arg38 : memref<!tpu.dma_semaphore, #tpu.memory_space<semaphore_mem>>) src(%dma_wait3A_268 : memref<1000000xf32, #tpu.memory_space<hbm>>) dst(%dma_wait3A_264 : memref<128xf32, #tpu.memory_space<vmem>>)
    %dma_wait3A_269 = arith.constant 0 : i32
    %dma_wait3A_270 = tpu.memref_slice %arg29[%dma_wait3A_269] : memref<512xf32, #tpu.memory_space<vmem>> -> memref<128xf32, #tpu.memory_space<vmem>>
    %dma_wait3A_271 = arith.constant 0 : i32
    %dma_wait3A_272 = tpu.memref_slice %arg20[%dma_wait3A_271] : memref<512xi32, #tpu.memory_space<vmem>> -> memref<128xi32, #tpu.memory_space<vmem>>
    %dma_wait3A_273 = arith.constant 0 : i32
    %dma_wait3A_274 = tpu.memref_slice %arg10[%dma_wait3A_273] : memref<1000000xf32, #tpu.memory_space<hbm>> -> memref<1000000xf32, #tpu.memory_space<hbm>>
    tpu.wait_indirect_dma semaphore(%arg38 : memref<!tpu.dma_semaphore, #tpu.memory_space<semaphore_mem>>) src(%dma_wait3A_274 : memref<1000000xf32, #tpu.memory_space<hbm>>) dst(%dma_wait3A_270 : memref<128xf32, #tpu.memory_space<vmem>>)
    %dma_wait3A_275 = arith.constant 0 : i32
    %dma_wait3A_276 = tpu.memref_slice %arg30[%dma_wait3A_275] : memref<512xf32, #tpu.memory_space<vmem>> -> memref<128xf32, #tpu.memory_space<vmem>>
    %dma_wait3A_277 = arith.constant 0 : i32
    %dma_wait3A_278 = tpu.memref_slice %arg21[%dma_wait3A_277] : memref<512xi32, #tpu.memory_space<vmem>> -> memref<128xi32, #tpu.memory_space<vmem>>
    %dma_wait3A_279 = arith.constant 0 : i32
    %dma_wait3A_280 = tpu.memref_slice %arg12[%dma_wait3A_279] : memref<1000000xf32, #tpu.memory_space<hbm>> -> memref<1000000xf32, #tpu.memory_space<hbm>>
    tpu.wait_indirect_dma semaphore(%arg38 : memref<!tpu.dma_semaphore, #tpu.memory_space<semaphore_mem>>) src(%dma_wait3A_280 : memref<1000000xf32, #tpu.memory_space<hbm>>) dst(%dma_wait3A_276 : memref<128xf32, #tpu.memory_space<vmem>>)
    %dma_wait3A_281 = arith.constant 128 : i32
    %dma_wait3A_282 = arith.constant 0 : i32
    %dma_wait3A_283 = tpu.memref_slice %arg23[%dma_wait3A_281, %dma_wait3A_282] : memref<512x32xf32, #tpu.memory_space<vmem>> -> memref<128x32xf32, #tpu.memory_space<vmem>>
    %dma_wait3A_284 = arith.constant 128 : i32
    %dma_wait3A_285 = tpu.memref_slice %arg20[%dma_wait3A_284] : memref<512xi32, #tpu.memory_space<vmem>> -> memref<128xi32, #tpu.memory_space<vmem>>
    %dma_wait3A_286 = arith.constant 0 : i32
    %dma_wait3A_287 = arith.constant 0 : i32
    %dma_wait3A_288 = tpu.memref_slice %arg5[%dma_wait3A_286, %dma_wait3A_287] : memref<1000000x32xf32, #tpu.memory_space<hbm>> -> memref<1000000x32xf32, #tpu.memory_space<hbm>>
    tpu.wait_indirect_dma semaphore(%arg38 : memref<!tpu.dma_semaphore, #tpu.memory_space<semaphore_mem>>) src(%dma_wait3A_288 : memref<1000000x32xf32, #tpu.memory_space<hbm>>) dst(%dma_wait3A_283 : memref<128x32xf32, #tpu.memory_space<vmem>>)
    %dma_wait3A_289 = arith.constant 128 : i32
    %dma_wait3A_290 = arith.constant 0 : i32
    %dma_wait3A_291 = tpu.memref_slice %arg24[%dma_wait3A_289, %dma_wait3A_290] : memref<512x32xf32, #tpu.memory_space<vmem>> -> memref<128x32xf32, #tpu.memory_space<vmem>>
    %dma_wait3A_292 = arith.constant 128 : i32
    %dma_wait3A_293 = tpu.memref_slice %arg21[%dma_wait3A_292] : memref<512xi32, #tpu.memory_space<vmem>> -> memref<128xi32, #tpu.memory_space<vmem>>
    %dma_wait3A_294 = arith.constant 0 : i32
    %dma_wait3A_295 = arith.constant 0 : i32
    %dma_wait3A_296 = tpu.memref_slice %arg7[%dma_wait3A_294, %dma_wait3A_295] : memref<1000000x32xf32, #tpu.memory_space<hbm>> -> memref<1000000x32xf32, #tpu.memory_space<hbm>>
    tpu.wait_indirect_dma semaphore(%arg38 : memref<!tpu.dma_semaphore, #tpu.memory_space<semaphore_mem>>) src(%dma_wait3A_296 : memref<1000000x32xf32, #tpu.memory_space<hbm>>) dst(%dma_wait3A_291 : memref<128x32xf32, #tpu.memory_space<vmem>>)
    %dma_wait3A_297 = arith.constant 128 : i32
    %dma_wait3A_298 = arith.constant 0 : i32
    %dma_wait3A_299 = tpu.memref_slice %arg25[%dma_wait3A_297, %dma_wait3A_298] : memref<512x32xf32, #tpu.memory_space<vmem>> -> memref<128x32xf32, #tpu.memory_space<vmem>>
    %dma_wait3A_300 = arith.constant 128 : i32
    %dma_wait3A_301 = tpu.memref_slice %arg20[%dma_wait3A_300] : memref<512xi32, #tpu.memory_space<vmem>> -> memref<128xi32, #tpu.memory_space<vmem>>
    %dma_wait3A_302 = arith.constant 0 : i32
    %dma_wait3A_303 = arith.constant 0 : i32
    %dma_wait3A_304 = tpu.memref_slice %arg9[%dma_wait3A_302, %dma_wait3A_303] : memref<1000000x32xf32, #tpu.memory_space<hbm>> -> memref<1000000x32xf32, #tpu.memory_space<hbm>>
    tpu.wait_indirect_dma semaphore(%arg38 : memref<!tpu.dma_semaphore, #tpu.memory_space<semaphore_mem>>) src(%dma_wait3A_304 : memref<1000000x32xf32, #tpu.memory_space<hbm>>) dst(%dma_wait3A_299 : memref<128x32xf32, #tpu.memory_space<vmem>>)
    %dma_wait3A_305 = arith.constant 128 : i32
    %dma_wait3A_306 = arith.constant 0 : i32
    %dma_wait3A_307 = tpu.memref_slice %arg26[%dma_wait3A_305, %dma_wait3A_306] : memref<512x32xf32, #tpu.memory_space<vmem>> -> memref<128x32xf32, #tpu.memory_space<vmem>>
    %dma_wait3A_308 = arith.constant 128 : i32
    %dma_wait3A_309 = tpu.memref_slice %arg21[%dma_wait3A_308] : memref<512xi32, #tpu.memory_space<vmem>> -> memref<128xi32, #tpu.memory_space<vmem>>
    %dma_wait3A_310 = arith.constant 0 : i32
    %dma_wait3A_311 = arith.constant 0 : i32
    %dma_wait3A_312 = tpu.memref_slice %arg11[%dma_wait3A_310, %dma_wait3A_311] : memref<1000000x32xf32, #tpu.memory_space<hbm>> -> memref<1000000x32xf32, #tpu.memory_space<hbm>>
    tpu.wait_indirect_dma semaphore(%arg38 : memref<!tpu.dma_semaphore, #tpu.memory_space<semaphore_mem>>) src(%dma_wait3A_312 : memref<1000000x32xf32, #tpu.memory_space<hbm>>) dst(%dma_wait3A_307 : memref<128x32xf32, #tpu.memory_space<vmem>>)
    %dma_wait3A_313 = arith.constant 128 : i32
    %dma_wait3A_314 = tpu.memref_slice %arg27[%dma_wait3A_313] : memref<512xf32, #tpu.memory_space<vmem>> -> memref<128xf32, #tpu.memory_space<vmem>>
    %dma_wait3A_315 = arith.constant 128 : i32
    %dma_wait3A_316 = tpu.memref_slice %arg20[%dma_wait3A_315] : memref<512xi32, #tpu.memory_space<vmem>> -> memref<128xi32, #tpu.memory_space<vmem>>
    %dma_wait3A_317 = arith.constant 0 : i32
    %dma_wait3A_318 = tpu.memref_slice %arg6[%dma_wait3A_317] : memref<1000000xf32, #tpu.memory_space<hbm>> -> memref<1000000xf32, #tpu.memory_space<hbm>>
    tpu.wait_indirect_dma semaphore(%arg38 : memref<!tpu.dma_semaphore, #tpu.memory_space<semaphore_mem>>) src(%dma_wait3A_318 : memref<1000000xf32, #tpu.memory_space<hbm>>) dst(%dma_wait3A_314 : memref<128xf32, #tpu.memory_space<vmem>>)
    %dma_wait3A_319 = arith.constant 128 : i32
    %dma_wait3A_320 = tpu.memref_slice %arg28[%dma_wait3A_319] : memref<512xf32, #tpu.memory_space<vmem>> -> memref<128xf32, #tpu.memory_space<vmem>>
    %dma_wait3A_321 = arith.constant 128 : i32
    %dma_wait3A_322 = tpu.memref_slice %arg21[%dma_wait3A_321] : memref<512xi32, #tpu.memory_space<vmem>> -> memref<128xi32, #tpu.memory_space<vmem>>
    %dma_wait3A_323 = arith.constant 0 : i32
    %dma_wait3A_324 = tpu.memref_slice %arg8[%dma_wait3A_323] : memref<1000000xf32, #tpu.memory_space<hbm>> -> memref<1000000xf32, #tpu.memory_space<hbm>>
    tpu.wait_indirect_dma semaphore(%arg38 : memref<!tpu.dma_semaphore, #tpu.memory_space<semaphore_mem>>) src(%dma_wait3A_324 : memref<1000000xf32, #tpu.memory_space<hbm>>) dst(%dma_wait3A_320 : memref<128xf32, #tpu.memory_space<vmem>>)
    %dma_wait3A_325 = arith.constant 128 : i32
    %dma_wait3A_326 = tpu.memref_slice %arg29[%dma_wait3A_325] : memref<512xf32, #tpu.memory_space<vmem>> -> memref<128xf32, #tpu.memory_space<vmem>>
    %dma_wait3A_327 = arith.constant 128 : i32
    %dma_wait3A_328 = tpu.memref_slice %arg20[%dma_wait3A_327] : memref<512xi32, #tpu.memory_space<vmem>> -> memref<128xi32, #tpu.memory_space<vmem>>
    %dma_wait3A_329 = arith.constant 0 : i32
    %dma_wait3A_330 = tpu.memref_slice %arg10[%dma_wait3A_329] : memref<1000000xf32, #tpu.memory_space<hbm>> -> memref<1000000xf32, #tpu.memory_space<hbm>>
    tpu.wait_indirect_dma semaphore(%arg38 : memref<!tpu.dma_semaphore, #tpu.memory_space<semaphore_mem>>) src(%dma_wait3A_330 : memref<1000000xf32, #tpu.memory_space<hbm>>) dst(%dma_wait3A_326 : memref<128xf32, #tpu.memory_space<vmem>>)
    %dma_wait3A_331 = arith.constant 128 : i32
    %dma_wait3A_332 = tpu.memref_slice %arg30[%dma_wait3A_331] : memref<512xf32, #tpu.memory_space<vmem>> -> memref<128xf32, #tpu.memory_space<vmem>>
    %dma_wait3A_333 = arith.constant 128 : i32
    %dma_wait3A_334 = tpu.memref_slice %arg21[%dma_wait3A_333] : memref<512xi32, #tpu.memory_space<vmem>> -> memref<128xi32, #tpu.memory_space<vmem>>
    %dma_wait3A_335 = arith.constant 0 : i32
    %dma_wait3A_336 = tpu.memref_slice %arg12[%dma_wait3A_335] : memref<1000000xf32, #tpu.memory_space<hbm>> -> memref<1000000xf32, #tpu.memory_space<hbm>>
    tpu.wait_indirect_dma semaphore(%arg38 : memref<!tpu.dma_semaphore, #tpu.memory_space<semaphore_mem>>) src(%dma_wait3A_336 : memref<1000000xf32, #tpu.memory_space<hbm>>) dst(%dma_wait3A_332 : memref<128xf32, #tpu.memory_space<vmem>>)
    %dma_wait3A_337 = arith.constant 256 : i32
    %dma_wait3A_338 = arith.constant 0 : i32
    %dma_wait3A_339 = tpu.memref_slice %arg23[%dma_wait3A_337, %dma_wait3A_338] : memref<512x32xf32, #tpu.memory_space<vmem>> -> memref<128x32xf32, #tpu.memory_space<vmem>>
    %dma_wait3A_340 = arith.constant 256 : i32
    %dma_wait3A_341 = tpu.memref_slice %arg20[%dma_wait3A_340] : memref<512xi32, #tpu.memory_space<vmem>> -> memref<128xi32, #tpu.memory_space<vmem>>
    %dma_wait3A_342 = arith.constant 0 : i32
    %dma_wait3A_343 = arith.constant 0 : i32
    %dma_wait3A_344 = tpu.memref_slice %arg5[%dma_wait3A_342, %dma_wait3A_343] : memref<1000000x32xf32, #tpu.memory_space<hbm>> -> memref<1000000x32xf32, #tpu.memory_space<hbm>>
    tpu.wait_indirect_dma semaphore(%arg38 : memref<!tpu.dma_semaphore, #tpu.memory_space<semaphore_mem>>) src(%dma_wait3A_344 : memref<1000000x32xf32, #tpu.memory_space<hbm>>) dst(%dma_wait3A_339 : memref<128x32xf32, #tpu.memory_space<vmem>>)
    %dma_wait3A_345 = arith.constant 256 : i32
    %dma_wait3A_346 = arith.constant 0 : i32
    %dma_wait3A_347 = tpu.memref_slice %arg24[%dma_wait3A_345, %dma_wait3A_346] : memref<512x32xf32, #tpu.memory_space<vmem>> -> memref<128x32xf32, #tpu.memory_space<vmem>>
    %dma_wait3A_348 = arith.constant 256 : i32
    %dma_wait3A_349 = tpu.memref_slice %arg21[%dma_wait3A_348] : memref<512xi32, #tpu.memory_space<vmem>> -> memref<128xi32, #tpu.memory_space<vmem>>
    %dma_wait3A_350 = arith.constant 0 : i32
    %dma_wait3A_351 = arith.constant 0 : i32
    %dma_wait3A_352 = tpu.memref_slice %arg7[%dma_wait3A_350, %dma_wait3A_351] : memref<1000000x32xf32, #tpu.memory_space<hbm>> -> memref<1000000x32xf32, #tpu.memory_space<hbm>>
    tpu.wait_indirect_dma semaphore(%arg38 : memref<!tpu.dma_semaphore, #tpu.memory_space<semaphore_mem>>) src(%dma_wait3A_352 : memref<1000000x32xf32, #tpu.memory_space<hbm>>) dst(%dma_wait3A_347 : memref<128x32xf32, #tpu.memory_space<vmem>>)
    %dma_wait3A_353 = arith.constant 256 : i32
    %dma_wait3A_354 = arith.constant 0 : i32
    %dma_wait3A_355 = tpu.memref_slice %arg25[%dma_wait3A_353, %dma_wait3A_354] : memref<512x32xf32, #tpu.memory_space<vmem>> -> memref<128x32xf32, #tpu.memory_space<vmem>>
    %dma_wait3A_356 = arith.constant 256 : i32
    %dma_wait3A_357 = tpu.memref_slice %arg20[%dma_wait3A_356] : memref<512xi32, #tpu.memory_space<vmem>> -> memref<128xi32, #tpu.memory_space<vmem>>
    %dma_wait3A_358 = arith.constant 0 : i32
    %dma_wait3A_359 = arith.constant 0 : i32
    %dma_wait3A_360 = tpu.memref_slice %arg9[%dma_wait3A_358, %dma_wait3A_359] : memref<1000000x32xf32, #tpu.memory_space<hbm>> -> memref<1000000x32xf32, #tpu.memory_space<hbm>>
    tpu.wait_indirect_dma semaphore(%arg38 : memref<!tpu.dma_semaphore, #tpu.memory_space<semaphore_mem>>) src(%dma_wait3A_360 : memref<1000000x32xf32, #tpu.memory_space<hbm>>) dst(%dma_wait3A_355 : memref<128x32xf32, #tpu.memory_space<vmem>>)
    %dma_wait3A_361 = arith.constant 256 : i32
    %dma_wait3A_362 = arith.constant 0 : i32
    %dma_wait3A_363 = tpu.memref_slice %arg26[%dma_wait3A_361, %dma_wait3A_362] : memref<512x32xf32, #tpu.memory_space<vmem>> -> memref<128x32xf32, #tpu.memory_space<vmem>>
    %dma_wait3A_364 = arith.constant 256 : i32
    %dma_wait3A_365 = tpu.memref_slice %arg21[%dma_wait3A_364] : memref<512xi32, #tpu.memory_space<vmem>> -> memref<128xi32, #tpu.memory_space<vmem>>
    %dma_wait3A_366 = arith.constant 0 : i32
    %dma_wait3A_367 = arith.constant 0 : i32
    %dma_wait3A_368 = tpu.memref_slice %arg11[%dma_wait3A_366, %dma_wait3A_367] : memref<1000000x32xf32, #tpu.memory_space<hbm>> -> memref<1000000x32xf32, #tpu.memory_space<hbm>>
    tpu.wait_indirect_dma semaphore(%arg38 : memref<!tpu.dma_semaphore, #tpu.memory_space<semaphore_mem>>) src(%dma_wait3A_368 : memref<1000000x32xf32, #tpu.memory_space<hbm>>) dst(%dma_wait3A_363 : memref<128x32xf32, #tpu.memory_space<vmem>>)
    %dma_wait3A_369 = arith.constant 256 : i32
    %dma_wait3A_370 = tpu.memref_slice %arg27[%dma_wait3A_369] : memref<512xf32, #tpu.memory_space<vmem>> -> memref<128xf32, #tpu.memory_space<vmem>>
    %dma_wait3A_371 = arith.constant 256 : i32
    %dma_wait3A_372 = tpu.memref_slice %arg20[%dma_wait3A_371] : memref<512xi32, #tpu.memory_space<vmem>> -> memref<128xi32, #tpu.memory_space<vmem>>
    %dma_wait3A_373 = arith.constant 0 : i32
    %dma_wait3A_374 = tpu.memref_slice %arg6[%dma_wait3A_373] : memref<1000000xf32, #tpu.memory_space<hbm>> -> memref<1000000xf32, #tpu.memory_space<hbm>>
    tpu.wait_indirect_dma semaphore(%arg38 : memref<!tpu.dma_semaphore, #tpu.memory_space<semaphore_mem>>) src(%dma_wait3A_374 : memref<1000000xf32, #tpu.memory_space<hbm>>) dst(%dma_wait3A_370 : memref<128xf32, #tpu.memory_space<vmem>>)
    %dma_wait3A_375 = arith.constant 256 : i32
    %dma_wait3A_376 = tpu.memref_slice %arg28[%dma_wait3A_375] : memref<512xf32, #tpu.memory_space<vmem>> -> memref<128xf32, #tpu.memory_space<vmem>>
    %dma_wait3A_377 = arith.constant 256 : i32
    %dma_wait3A_378 = tpu.memref_slice %arg21[%dma_wait3A_377] : memref<512xi32, #tpu.memory_space<vmem>> -> memref<128xi32, #tpu.memory_space<vmem>>
    %dma_wait3A_379 = arith.constant 0 : i32
    %dma_wait3A_380 = tpu.memref_slice %arg8[%dma_wait3A_379] : memref<1000000xf32, #tpu.memory_space<hbm>> -> memref<1000000xf32, #tpu.memory_space<hbm>>
    tpu.wait_indirect_dma semaphore(%arg38 : memref<!tpu.dma_semaphore, #tpu.memory_space<semaphore_mem>>) src(%dma_wait3A_380 : memref<1000000xf32, #tpu.memory_space<hbm>>) dst(%dma_wait3A_376 : memref<128xf32, #tpu.memory_space<vmem>>)
    %dma_wait3A_381 = arith.constant 256 : i32
    %dma_wait3A_382 = tpu.memref_slice %arg29[%dma_wait3A_381] : memref<512xf32, #tpu.memory_space<vmem>> -> memref<128xf32, #tpu.memory_space<vmem>>
    %dma_wait3A_383 = arith.constant 256 : i32
    %dma_wait3A_384 = tpu.memref_slice %arg20[%dma_wait3A_383] : memref<512xi32, #tpu.memory_space<vmem>> -> memref<128xi32, #tpu.memory_space<vmem>>
    %dma_wait3A_385 = arith.constant 0 : i32
    %dma_wait3A_386 = tpu.memref_slice %arg10[%dma_wait3A_385] : memref<1000000xf32, #tpu.memory_space<hbm>> -> memref<1000000xf32, #tpu.memory_space<hbm>>
    tpu.wait_indirect_dma semaphore(%arg38 : memref<!tpu.dma_semaphore, #tpu.memory_space<semaphore_mem>>) src(%dma_wait3A_386 : memref<1000000xf32, #tpu.memory_space<hbm>>) dst(%dma_wait3A_382 : memref<128xf32, #tpu.memory_space<vmem>>)
    %dma_wait3A_387 = arith.constant 256 : i32
    %dma_wait3A_388 = tpu.memref_slice %arg30[%dma_wait3A_387] : memref<512xf32, #tpu.memory_space<vmem>> -> memref<128xf32, #tpu.memory_space<vmem>>
    %dma_wait3A_389 = arith.constant 256 : i32
    %dma_wait3A_390 = tpu.memref_slice %arg21[%dma_wait3A_389] : memref<512xi32, #tpu.memory_space<vmem>> -> memref<128xi32, #tpu.memory_space<vmem>>
    %dma_wait3A_391 = arith.constant 0 : i32
    %dma_wait3A_392 = tpu.memref_slice %arg12[%dma_wait3A_391] : memref<1000000xf32, #tpu.memory_space<hbm>> -> memref<1000000xf32, #tpu.memory_space<hbm>>
    tpu.wait_indirect_dma semaphore(%arg38 : memref<!tpu.dma_semaphore, #tpu.memory_space<semaphore_mem>>) src(%dma_wait3A_392 : memref<1000000xf32, #tpu.memory_space<hbm>>) dst(%dma_wait3A_388 : memref<128xf32, #tpu.memory_space<vmem>>)
    %dma_wait3A_393 = arith.constant 384 : i32
    %dma_wait3A_394 = arith.constant 0 : i32
    %dma_wait3A_395 = tpu.memref_slice %arg23[%dma_wait3A_393, %dma_wait3A_394] : memref<512x32xf32, #tpu.memory_space<vmem>> -> memref<128x32xf32, #tpu.memory_space<vmem>>
    %dma_wait3A_396 = arith.constant 384 : i32
    %dma_wait3A_397 = tpu.memref_slice %arg20[%dma_wait3A_396] : memref<512xi32, #tpu.memory_space<vmem>> -> memref<128xi32, #tpu.memory_space<vmem>>
    %dma_wait3A_398 = arith.constant 0 : i32
    %dma_wait3A_399 = arith.constant 0 : i32
    %dma_wait3A_400 = tpu.memref_slice %arg5[%dma_wait3A_398, %dma_wait3A_399] : memref<1000000x32xf32, #tpu.memory_space<hbm>> -> memref<1000000x32xf32, #tpu.memory_space<hbm>>
    tpu.wait_indirect_dma semaphore(%arg38 : memref<!tpu.dma_semaphore, #tpu.memory_space<semaphore_mem>>) src(%dma_wait3A_400 : memref<1000000x32xf32, #tpu.memory_space<hbm>>) dst(%dma_wait3A_395 : memref<128x32xf32, #tpu.memory_space<vmem>>)
    %dma_wait3A_401 = arith.constant 384 : i32
    %dma_wait3A_402 = arith.constant 0 : i32
    %dma_wait3A_403 = tpu.memref_slice %arg24[%dma_wait3A_401, %dma_wait3A_402] : memref<512x32xf32, #tpu.memory_space<vmem>> -> memref<128x32xf32, #tpu.memory_space<vmem>>
    %dma_wait3A_404 = arith.constant 384 : i32
    %dma_wait3A_405 = tpu.memref_slice %arg21[%dma_wait3A_404] : memref<512xi32, #tpu.memory_space<vmem>> -> memref<128xi32, #tpu.memory_space<vmem>>
    %dma_wait3A_406 = arith.constant 0 : i32
    %dma_wait3A_407 = arith.constant 0 : i32
    %dma_wait3A_408 = tpu.memref_slice %arg7[%dma_wait3A_406, %dma_wait3A_407] : memref<1000000x32xf32, #tpu.memory_space<hbm>> -> memref<1000000x32xf32, #tpu.memory_space<hbm>>
    tpu.wait_indirect_dma semaphore(%arg38 : memref<!tpu.dma_semaphore, #tpu.memory_space<semaphore_mem>>) src(%dma_wait3A_408 : memref<1000000x32xf32, #tpu.memory_space<hbm>>) dst(%dma_wait3A_403 : memref<128x32xf32, #tpu.memory_space<vmem>>)
    %dma_wait3A_409 = arith.constant 384 : i32
    %dma_wait3A_410 = arith.constant 0 : i32
    %dma_wait3A_411 = tpu.memref_slice %arg25[%dma_wait3A_409, %dma_wait3A_410] : memref<512x32xf32, #tpu.memory_space<vmem>> -> memref<128x32xf32, #tpu.memory_space<vmem>>
    %dma_wait3A_412 = arith.constant 384 : i32
    %dma_wait3A_413 = tpu.memref_slice %arg20[%dma_wait3A_412] : memref<512xi32, #tpu.memory_space<vmem>> -> memref<128xi32, #tpu.memory_space<vmem>>
    %dma_wait3A_414 = arith.constant 0 : i32
    %dma_wait3A_415 = arith.constant 0 : i32
    %dma_wait3A_416 = tpu.memref_slice %arg9[%dma_wait3A_414, %dma_wait3A_415] : memref<1000000x32xf32, #tpu.memory_space<hbm>> -> memref<1000000x32xf32, #tpu.memory_space<hbm>>
    tpu.wait_indirect_dma semaphore(%arg38 : memref<!tpu.dma_semaphore, #tpu.memory_space<semaphore_mem>>) src(%dma_wait3A_416 : memref<1000000x32xf32, #tpu.memory_space<hbm>>) dst(%dma_wait3A_411 : memref<128x32xf32, #tpu.memory_space<vmem>>)
    %dma_wait3A_417 = arith.constant 384 : i32
    %dma_wait3A_418 = arith.constant 0 : i32
    %dma_wait3A_419 = tpu.memref_slice %arg26[%dma_wait3A_417, %dma_wait3A_418] : memref<512x32xf32, #tpu.memory_space<vmem>> -> memref<128x32xf32, #tpu.memory_space<vmem>>
    %dma_wait3A_420 = arith.constant 384 : i32
    %dma_wait3A_421 = tpu.memref_slice %arg21[%dma_wait3A_420] : memref<512xi32, #tpu.memory_space<vmem>> -> memref<128xi32, #tpu.memory_space<vmem>>
    %dma_wait3A_422 = arith.constant 0 : i32
    %dma_wait3A_423 = arith.constant 0 : i32
    %dma_wait3A_424 = tpu.memref_slice %arg11[%dma_wait3A_422, %dma_wait3A_423] : memref<1000000x32xf32, #tpu.memory_space<hbm>> -> memref<1000000x32xf32, #tpu.memory_space<hbm>>
    tpu.wait_indirect_dma semaphore(%arg38 : memref<!tpu.dma_semaphore, #tpu.memory_space<semaphore_mem>>) src(%dma_wait3A_424 : memref<1000000x32xf32, #tpu.memory_space<hbm>>) dst(%dma_wait3A_419 : memref<128x32xf32, #tpu.memory_space<vmem>>)
    %dma_wait3A_425 = arith.constant 384 : i32
    %dma_wait3A_426 = tpu.memref_slice %arg27[%dma_wait3A_425] : memref<512xf32, #tpu.memory_space<vmem>> -> memref<128xf32, #tpu.memory_space<vmem>>
    %dma_wait3A_427 = arith.constant 384 : i32
    %dma_wait3A_428 = tpu.memref_slice %arg20[%dma_wait3A_427] : memref<512xi32, #tpu.memory_space<vmem>> -> memref<128xi32, #tpu.memory_space<vmem>>
    %dma_wait3A_429 = arith.constant 0 : i32
    %dma_wait3A_430 = tpu.memref_slice %arg6[%dma_wait3A_429] : memref<1000000xf32, #tpu.memory_space<hbm>> -> memref<1000000xf32, #tpu.memory_space<hbm>>
    tpu.wait_indirect_dma semaphore(%arg38 : memref<!tpu.dma_semaphore, #tpu.memory_space<semaphore_mem>>) src(%dma_wait3A_430 : memref<1000000xf32, #tpu.memory_space<hbm>>) dst(%dma_wait3A_426 : memref<128xf32, #tpu.memory_space<vmem>>)
    %dma_wait3A_431 = arith.constant 384 : i32
    %dma_wait3A_432 = tpu.memref_slice %arg28[%dma_wait3A_431] : memref<512xf32, #tpu.memory_space<vmem>> -> memref<128xf32, #tpu.memory_space<vmem>>
    %dma_wait3A_433 = arith.constant 384 : i32
    %dma_wait3A_434 = tpu.memref_slice %arg21[%dma_wait3A_433] : memref<512xi32, #tpu.memory_space<vmem>> -> memref<128xi32, #tpu.memory_space<vmem>>
    %dma_wait3A_435 = arith.constant 0 : i32
    %dma_wait3A_436 = tpu.memref_slice %arg8[%dma_wait3A_435] : memref<1000000xf32, #tpu.memory_space<hbm>> -> memref<1000000xf32, #tpu.memory_space<hbm>>
    tpu.wait_indirect_dma semaphore(%arg38 : memref<!tpu.dma_semaphore, #tpu.memory_space<semaphore_mem>>) src(%dma_wait3A_436 : memref<1000000xf32, #tpu.memory_space<hbm>>) dst(%dma_wait3A_432 : memref<128xf32, #tpu.memory_space<vmem>>)
    %dma_wait3A_437 = arith.constant 384 : i32
    %dma_wait3A_438 = tpu.memref_slice %arg29[%dma_wait3A_437] : memref<512xf32, #tpu.memory_space<vmem>> -> memref<128xf32, #tpu.memory_space<vmem>>
    %dma_wait3A_439 = arith.constant 384 : i32
    %dma_wait3A_440 = tpu.memref_slice %arg20[%dma_wait3A_439] : memref<512xi32, #tpu.memory_space<vmem>> -> memref<128xi32, #tpu.memory_space<vmem>>
    %dma_wait3A_441 = arith.constant 0 : i32
    %dma_wait3A_442 = tpu.memref_slice %arg10[%dma_wait3A_441] : memref<1000000xf32, #tpu.memory_space<hbm>> -> memref<1000000xf32, #tpu.memory_space<hbm>>
    tpu.wait_indirect_dma semaphore(%arg38 : memref<!tpu.dma_semaphore, #tpu.memory_space<semaphore_mem>>) src(%dma_wait3A_442 : memref<1000000xf32, #tpu.memory_space<hbm>>) dst(%dma_wait3A_438 : memref<128xf32, #tpu.memory_space<vmem>>)
    %dma_wait3A_443 = arith.constant 384 : i32
    %dma_wait3A_444 = tpu.memref_slice %arg30[%dma_wait3A_443] : memref<512xf32, #tpu.memory_space<vmem>> -> memref<128xf32, #tpu.memory_space<vmem>>
    %dma_wait3A_445 = arith.constant 384 : i32
    %dma_wait3A_446 = tpu.memref_slice %arg21[%dma_wait3A_445] : memref<512xi32, #tpu.memory_space<vmem>> -> memref<128xi32, #tpu.memory_space<vmem>>
    %dma_wait3A_447 = arith.constant 0 : i32
    %dma_wait3A_448 = tpu.memref_slice %arg12[%dma_wait3A_447] : memref<1000000xf32, #tpu.memory_space<hbm>> -> memref<1000000xf32, #tpu.memory_space<hbm>>
    tpu.wait_indirect_dma semaphore(%arg38 : memref<!tpu.dma_semaphore, #tpu.memory_space<semaphore_mem>>) src(%dma_wait3A_448 : memref<1000000xf32, #tpu.memory_space<hbm>>) dst(%dma_wait3A_444 : memref<128xf32, #tpu.memory_space<vmem>>)
    %iota3A = tpu.iota {dimensions = array<i32: 0>} : vector<16xi32>
    %get3A = arith.constant 0 : i32
    %get3A_449 = arith.index_cast %get3A : i32 to index
    %get3A_450 = arith.constant 0 : index
    %get3A_451 = tpu.vector_load %arg33[%get3A_449, %get3A_450] {strides = array<i32>} : memref<8x32xf32, #tpu.memory_space<vmem>>, vector<16xf32>,
    %get3A_452 = arith.constant 0 : i32
    %get3A_453 = arith.index_cast %get3A_452 : i32 to index
    %get3A_454 = arith.constant 16 : index
    %get3A_455 = tpu.vector_load %arg33[%get3A_453, %get3A_454] {strides = array<i32>} : memref<8x32xf32, #tpu.memory_space<vmem>>, vector<16xf32>,
    %get3A_456 = arith.constant 1 : i32
    %get3A_457 = arith.index_cast %get3A_456 : i32 to index
    %get3A_458 = arith.constant 0 : index
    %get3A_459 = tpu.vector_load %arg33[%get3A_457, %get3A_458] {strides = array<i32>} : memref<8x32xf32, #tpu.memory_space<vmem>>, vector<16xf32>,
    %get3A_460 = arith.constant 1 : i32
    %get3A_461 = arith.index_cast %get3A_460 : i32 to index
    %get3A_462 = arith.constant 16 : index
    %get3A_463 = tpu.vector_load %arg33[%get3A_461, %get3A_462] {strides = array<i32>} : memref<8x32xf32, #tpu.memory_space<vmem>>, vector<16xf32>,
    %get3A_464 = arith.constant 2 : i32
    %get3A_465 = arith.index_cast %get3A_464 : i32 to index
    %get3A_466 = arith.constant 0 : index
    %get3A_467 = tpu.vector_load %arg33[%get3A_465, %get3A_466] {strides = array<i32>} : memref<8x32xf32, #tpu.memory_space<vmem>>, vector<16xf32>,
    %get3A_468 = arith.constant 2 : i32
    %get3A_469 = arith.index_cast %get3A_468 : i32 to index
    %get3A_470 = arith.constant 16 : index
    %get3A_471 = tpu.vector_load %arg33[%get3A_469, %get3A_470] {strides = array<i32>} : memref<8x32xf32, #tpu.memory_space<vmem>>, vector<16xf32>,
    %get3A_472 = arith.constant 3 : i32
    %get3A_473 = arith.index_cast %get3A_472 : i32 to index
    %get3A_474 = arith.constant 0 : index
    %get3A_475 = tpu.vector_load %arg33[%get3A_473, %get3A_474] {strides = array<i32>} : memref<8x32xf32, #tpu.memory_space<vmem>>, vector<16xf32>,
    %get3A_476 = arith.constant 3 : i32
    %get3A_477 = arith.index_cast %get3A_476 : i32 to index
    %get3A_478 = arith.constant 16 : index
    %get3A_479 = tpu.vector_load %arg33[%get3A_477, %get3A_478] {strides = array<i32>} : memref<8x32xf32, #tpu.memory_space<vmem>>, vector<16xf32>,
    %get3A_480 = arith.constant 4 : i32
    %get3A_481 = arith.index_cast %get3A_480 : i32 to index
    %get3A_482 = arith.constant 0 : index
    %get3A_483 = tpu.vector_load %arg33[%get3A_481, %get3A_482] {strides = array<i32>} : memref<8x32xf32, #tpu.memory_space<vmem>>, vector<16xf32>,
    %get3A_484 = arith.constant 4 : i32
    %get3A_485 = arith.index_cast %get3A_484 : i32 to index
    %get3A_486 = arith.constant 16 : index
    %get3A_487 = tpu.vector_load %arg33[%get3A_485, %get3A_486] {strides = array<i32>} : memref<8x32xf32, #tpu.memory_space<vmem>>, vector<16xf32>,
    %get3A_488 = arith.constant 5 : i32
    %get3A_489 = arith.index_cast %get3A_488 : i32 to index
    %get3A_490 = arith.constant 0 : index
    %get3A_491 = tpu.vector_load %arg33[%get3A_489, %get3A_490] {strides = array<i32>} : memref<8x32xf32, #tpu.memory_space<vmem>>, vector<16xf32>,
    %get3A_492 = arith.constant 5 : i32
    %get3A_493 = arith.index_cast %get3A_492 : i32 to index
    %get3A_494 = arith.constant 16 : index
    %get3A_495 = tpu.vector_load %arg33[%get3A_493, %get3A_494] {strides = array<i32>} : memref<8x32xf32, #tpu.memory_space<vmem>>, vector<16xf32>,
    %get3A_496 = arith.constant 6 : i32
    %get3A_497 = arith.index_cast %get3A_496 : i32 to index
    %get3A_498 = arith.constant 0 : index
    %get3A_499 = tpu.vector_load %arg33[%get3A_497, %get3A_498] {strides = array<i32>} : memref<8x32xf32, #tpu.memory_space<vmem>>, vector<16xf32>,
    %get3A_500 = arith.constant 6 : i32
    %get3A_501 = arith.index_cast %get3A_500 : i32 to index
    %get3A_502 = arith.constant 16 : index
    %get3A_503 = tpu.vector_load %arg33[%get3A_501, %get3A_502] {strides = array<i32>} : memref<8x32xf32, #tpu.memory_space<vmem>>, vector<16xf32>,
    %get3A_504 = arith.constant 7 : i32
    %get3A_505 = arith.index_cast %get3A_504 : i32 to index
    %get3A_506 = arith.constant 0 : index
    %get3A_507 = tpu.vector_load %arg33[%get3A_505, %get3A_506] {strides = array<i32>} : memref<8x32xf32, #tpu.memory_space<vmem>>, vector<16xf32>,
    %get3A_508 = arith.constant 7 : i32
    %get3A_509 = arith.index_cast %get3A_508 : i32 to index
    %get3A_510 = arith.constant 16 : index
    %get3A_511 = tpu.vector_load %arg33[%get3A_509, %get3A_510] {strides = array<i32>} : memref<8x32xf32, #tpu.memory_space<vmem>>, vector<16xf32>,
    %and3A = arith.constant 7 : i32
    %and3A_512 = vector.broadcast %and3A : i32 to vector<16xi32>
    %and3A_513 = arith.andi %iota3A, %and3A_512 : vector<16xi32>
    %gather3A = tpu.vector_load_idx %arg34[%and3A_513] : memref<16xf32, #tpu.memory_space<vmem>>[vector<16xi32>], vector<16xf32>,
    %scan3A = arith.constant 0 : i32
    %scan3A_514 = arith.constant 0 : i32
    %scan3A_515 = arith.constant 32 : i32
    %scan3A_516 = arith.addi %scan3A_514, %scan3A_515 : i32
    %scan3A_517 = arith.constant 1 : i32
    scf.for %scan3A_519 = %scan3A_514 to %scan3A_516 step %scan3A_517  : i32 {
      %mul3A_520 = arith.constant 16 : i32
      %mul3A_521 = arith.muli %scan3A_519, %mul3A_520 : i32
      %add3A_522 = vector.broadcast %mul3A_521 : i32 to vector<16xi32>
      %add3A_523 = arith.addi %add3A_522, %iota3A : vector<16xi32>
      %mul3A_524 = arith.constant 16 : i32
      %mul3A_525 = arith.muli %scan3A_519, %mul3A_524 : i32
      %get3A_526 = arith.index_cast %mul3A_525 : i32 to index
      %get3A_527 = tpu.vector_load %arg22[%get3A_526] {strides = array<i32>} : memref<512xi32, #tpu.memory_space<vmem>>, vector<16xi32>,
      %mul3A_528 = arith.constant 16 : i32
      %mul3A_529 = arith.muli %scan3A_519, %mul3A_528 : i32
      %get3A_530 = arith.index_cast %mul3A_529 : i32 to index
      %get3A_531 = tpu.vector_load %arg27[%get3A_530] {strides = array<i32>} : memref<512xf32, #tpu.memory_space<vmem>>, vector<16xf32>,
      %mul3A_532 = arith.constant 16 : i32
      %mul3A_533 = arith.muli %scan3A_519, %mul3A_532 : i32
      %get3A_534 = arith.index_cast %mul3A_533 : i32 to index
      %get3A_535 = tpu.vector_load %arg28[%get3A_534] {strides = array<i32>} : memref<512xf32, #tpu.memory_space<vmem>>, vector<16xf32>,
      %add3A_536 = arith.addf %get3A_531, %get3A_535 : vector<16xf32>
      %mul3A_537 = arith.constant 16 : i32
      %mul3A_538 = arith.muli %scan3A_519, %mul3A_537 : i32
      %get3A_539 = arith.index_cast %mul3A_538 : i32 to index
      %get3A_540 = tpu.vector_load %arg29[%get3A_539] {strides = array<i32>} : memref<512xf32, #tpu.memory_space<vmem>>, vector<16xf32>,
      %mul3A_541 = arith.constant 16 : i32
      %mul3A_542 = arith.muli %scan3A_519, %mul3A_541 : i32
      %get3A_543 = arith.index_cast %mul3A_542 : i32 to index
      %get3A_544 = tpu.vector_load %arg30[%get3A_543] {strides = array<i32>} : memref<512xf32, #tpu.memory_space<vmem>>, vector<16xf32>,
      %add3A_545 = arith.addf %get3A_540, %get3A_544 : vector<16xf32>
      %gather3A_546 = tpu.vector_load_idx %arg32[%get3A_527] : memref<16xf32, #tpu.memory_space<vmem>>[vector<16xi32>], vector<16xf32>,
      %add3A_547 = arith.addf %add3A_545, %gather3A_546 : vector<16xf32>
      %broadcast_in_dim3A = arith.constant 0 : i32
      %broadcast_in_dim3A_548 = vector.broadcast %broadcast_in_dim3A : i32 to vector<16xi32>
      %gather3A_549 = tpu.vector_load_idx %arg23[%add3A_523, %broadcast_in_dim3A_548] : memref<512x32xf32, #tpu.memory_space<vmem>>[vector<16xi32>, vector<16xi32>], vector<16xf32>,
      %gather3A_550 = tpu.vector_load_idx %arg24[%add3A_523, %broadcast_in_dim3A_548] : memref<512x32xf32, #tpu.memory_space<vmem>>[vector<16xi32>, vector<16xi32>], vector<16xf32>,
      %mul3A_551 = arith.mulf %gather3A_549, %gather3A_550 : vector<16xf32>
      %add3A_552 = arith.addf %add3A_536, %mul3A_551 : vector<16xf32>
      %gather3A_553 = tpu.vector_load_idx %arg25[%add3A_523, %broadcast_in_dim3A_548] : memref<512x32xf32, #tpu.memory_space<vmem>>[vector<16xi32>, vector<16xi32>], vector<16xf32>,
      %gather3A_554 = tpu.vector_load_idx %arg26[%add3A_523, %broadcast_in_dim3A_548] : memref<512x32xf32, #tpu.memory_space<vmem>>[vector<16xi32>, vector<16xi32>], vector<16xf32>,
      %gather3A_555 = tpu.vector_load_idx %arg31[%get3A_527, %broadcast_in_dim3A_548] : memref<8x32xf32, #tpu.memory_space<vmem>>[vector<16xi32>, vector<16xi32>], vector<16xf32>,
      %mul3A_556 = arith.mulf %gather3A_553, %gather3A_554 : vector<16xf32>
      %mul3A_557 = arith.mulf %mul3A_556, %gather3A_555 : vector<16xf32>
      %add3A_558 = arith.addf %add3A_547, %mul3A_557 : vector<16xf32>
      %slice3A = vector.extract_strided_slice %get3A_451 {offsets = [0], sizes = [1], strides = [1]} : vector<16xf32> to vector<1xf32>
      %squeeze3A = vector.extract %slice3A[0] : f32 from vector<1xf32>
      %mul3A_559 = vector.broadcast %squeeze3A : f32 to vector<16xf32>
      %mul3A_560 = arith.mulf %mul3A_551, %mul3A_559 : vector<16xf32>
      %slice3A_561 = vector.extract_strided_slice %get3A_459 {offsets = [0], sizes = [1], strides = [1]} : vector<16xf32> to vector<1xf32>
      %squeeze3A_562 = vector.extract %slice3A_561[0] : f32 from vector<1xf32>
      %mul3A_563 = vector.broadcast %squeeze3A_562 : f32 to vector<16xf32>
      %mul3A_564 = arith.mulf %mul3A_551, %mul3A_563 : vector<16xf32>
      %slice3A_565 = vector.extract_strided_slice %get3A_467 {offsets = [0], sizes = [1], strides = [1]} : vector<16xf32> to vector<1xf32>
      %squeeze3A_566 = vector.extract %slice3A_565[0] : f32 from vector<1xf32>
      %mul3A_567 = vector.broadcast %squeeze3A_566 : f32 to vector<16xf32>
      %mul3A_568 = arith.mulf %mul3A_551, %mul3A_567 : vector<16xf32>
      %slice3A_569 = vector.extract_strided_slice %get3A_475 {offsets = [0], sizes = [1], strides = [1]} : vector<16xf32> to vector<1xf32>
      %squeeze3A_570 = vector.extract %slice3A_569[0] : f32 from vector<1xf32>
      %mul3A_571 = vector.broadcast %squeeze3A_570 : f32 to vector<16xf32>
      %mul3A_572 = arith.mulf %mul3A_551, %mul3A_571 : vector<16xf32>
      %slice3A_573 = vector.extract_strided_slice %get3A_483 {offsets = [0], sizes = [1], strides = [1]} : vector<16xf32> to vector<1xf32>
      %squeeze3A_574 = vector.extract %slice3A_573[0] : f32 from vector<1xf32>
      %mul3A_575 = vector.broadcast %squeeze3A_574 : f32 to vector<16xf32>
      %mul3A_576 = arith.mulf %mul3A_551, %mul3A_575 : vector<16xf32>
      %slice3A_577 = vector.extract_strided_slice %get3A_491 {offsets = [0], sizes = [1], strides = [1]} : vector<16xf32> to vector<1xf32>
      %squeeze3A_578 = vector.extract %slice3A_577[0] : f32 from vector<1xf32>
      %mul3A_579 = vector.broadcast %squeeze3A_578 : f32 to vector<16xf32>
      %mul3A_580 = arith.mulf %mul3A_551, %mul3A_579 : vector<16xf32>
      %slice3A_581 = vector.extract_strided_slice %get3A_499 {offsets = [0], sizes = [1], strides = [1]} : vector<16xf32> to vector<1xf32>
      %squeeze3A_582 = vector.extract %slice3A_581[0] : f32 from vector<1xf32>
      %mul3A_583 = vector.broadcast %squeeze3A_582 : f32 to vector<16xf32>
      %mul3A_584 = arith.mulf %mul3A_551, %mul3A_583 : vector<16xf32>
      %slice3A_585 = vector.extract_strided_slice %get3A_507 {offsets = [0], sizes = [1], strides = [1]} : vector<16xf32> to vector<1xf32>
      %squeeze3A_586 = vector.extract %slice3A_585[0] : f32 from vector<1xf32>
      %mul3A_587 = vector.broadcast %squeeze3A_586 : f32 to vector<16xf32>
      %mul3A_588 = arith.mulf %mul3A_551, %mul3A_587 : vector<16xf32>
      %broadcast_in_dim3A_589 = arith.constant 1 : i32
      %broadcast_in_dim3A_590 = vector.broadcast %broadcast_in_dim3A_589 : i32 to vector<16xi32>
      %gather3A_591 = tpu.vector_load_idx %arg23[%add3A_523, %broadcast_in_dim3A_590] : memref<512x32xf32, #tpu.memory_space<vmem>>[vector<16xi32>, vector<16xi32>], vector<16xf32>,
      %gather3A_592 = tpu.vector_load_idx %arg24[%add3A_523, %broadcast_in_dim3A_590] : memref<512x32xf32, #tpu.memory_space<vmem>>[vector<16xi32>, vector<16xi32>], vector<16xf32>,
      %mul3A_593 = arith.mulf %gather3A_591, %gather3A_592 : vector<16xf32>
      %add3A_594 = arith.addf %add3A_552, %mul3A_593 : vector<16xf32>
      %gather3A_595 = tpu.vector_load_idx %arg25[%add3A_523, %broadcast_in_dim3A_590] : memref<512x32xf32, #tpu.memory_space<vmem>>[vector<16xi32>, vector<16xi32>], vector<16xf32>,
      %gather3A_596 = tpu.vector_load_idx %arg26[%add3A_523, %broadcast_in_dim3A_590] : memref<512x32xf32, #tpu.memory_space<vmem>>[vector<16xi32>, vector<16xi32>], vector<16xf32>,
      %gather3A_597 = tpu.vector_load_idx %arg31[%get3A_527, %broadcast_in_dim3A_590] : memref<8x32xf32, #tpu.memory_space<vmem>>[vector<16xi32>, vector<16xi32>], vector<16xf32>,
      %mul3A_598 = arith.mulf %gather3A_595, %gather3A_596 : vector<16xf32>
      %mul3A_599 = arith.mulf %mul3A_598, %gather3A_597 : vector<16xf32>
      %add3A_600 = arith.addf %add3A_558, %mul3A_599 : vector<16xf32>
      %slice3A_601 = vector.extract_strided_slice %get3A_451 {offsets = [1], sizes = [1], strides = [1]} : vector<16xf32> to vector<1xf32>
      %squeeze3A_602 = vector.extract %slice3A_601[0] : f32 from vector<1xf32>
      %mul3A_603 = vector.broadcast %squeeze3A_602 : f32 to vector<16xf32>
      %mul3A_604 = arith.mulf %mul3A_593, %mul3A_603 : vector<16xf32>
      %add3A_605 = arith.addf %mul3A_560, %mul3A_604 : vector<16xf32>
      %slice3A_606 = vector.extract_strided_slice %get3A_459 {offsets = [1], sizes = [1], strides = [1]} : vector<16xf32> to vector<1xf32>
      %squeeze3A_607 = vector.extract %slice3A_606[0] : f32 from vector<1xf32>
      %mul3A_608 = vector.broadcast %squeeze3A_607 : f32 to vector<16xf32>
      %mul3A_609 = arith.mulf %mul3A_593, %mul3A_608 : vector<16xf32>
      %add3A_610 = arith.addf %mul3A_564, %mul3A_609 : vector<16xf32>
      %slice3A_611 = vector.extract_strided_slice %get3A_467 {offsets = [1], sizes = [1], strides = [1]} : vector<16xf32> to vector<1xf32>
      %squeeze3A_612 = vector.extract %slice3A_611[0] : f32 from vector<1xf32>
      %mul3A_613 = vector.broadcast %squeeze3A_612 : f32 to vector<16xf32>
      %mul3A_614 = arith.mulf %mul3A_593, %mul3A_613 : vector<16xf32>
      %add3A_615 = arith.addf %mul3A_568, %mul3A_614 : vector<16xf32>
      %slice3A_616 = vector.extract_strided_slice %get3A_475 {offsets = [1], sizes = [1], strides = [1]} : vector<16xf32> to vector<1xf32>
      %squeeze3A_617 = vector.extract %slice3A_616[0] : f32 from vector<1xf32>
      %mul3A_618 = vector.broadcast %squeeze3A_617 : f32 to vector<16xf32>
      %mul3A_619 = arith.mulf %mul3A_593, %mul3A_618 : vector<16xf32>
      %add3A_620 = arith.addf %mul3A_572, %mul3A_619 : vector<16xf32>
      %slice3A_621 = vector.extract_strided_slice %get3A_483 {offsets = [1], sizes = [1], strides = [1]} : vector<16xf32> to vector<1xf32>
      %squeeze3A_622 = vector.extract %slice3A_621[0] : f32 from vector<1xf32>
      %mul3A_623 = vector.broadcast %squeeze3A_622 : f32 to vector<16xf32>
      %mul3A_624 = arith.mulf %mul3A_593, %mul3A_623 : vector<16xf32>
      %add3A_625 = arith.addf %mul3A_576, %mul3A_624 : vector<16xf32>
      %slice3A_626 = vector.extract_strided_slice %get3A_491 {offsets = [1], sizes = [1], strides = [1]} : vector<16xf32> to vector<1xf32>
      %squeeze3A_627 = vector.extract %slice3A_626[0] : f32 from vector<1xf32>
      %mul3A_628 = vector.broadcast %squeeze3A_627 : f32 to vector<16xf32>
      %mul3A_629 = arith.mulf %mul3A_593, %mul3A_628 : vector<16xf32>
      %add3A_630 = arith.addf %mul3A_580, %mul3A_629 : vector<16xf32>
      %slice3A_631 = vector.extract_strided_slice %get3A_499 {offsets = [1], sizes = [1], strides = [1]} : vector<16xf32> to vector<1xf32>
      %squeeze3A_632 = vector.extract %slice3A_631[0] : f32 from vector<1xf32>
      %mul3A_633 = vector.broadcast %squeeze3A_632 : f32 to vector<16xf32>
      %mul3A_634 = arith.mulf %mul3A_593, %mul3A_633 : vector<16xf32>
      %add3A_635 = arith.addf %mul3A_584, %mul3A_634 : vector<16xf32>
      %slice3A_636 = vector.extract_strided_slice %get3A_507 {offsets = [1], sizes = [1], strides = [1]} : vector<16xf32> to vector<1xf32>
      %squeeze3A_637 = vector.extract %slice3A_636[0] : f32 from vector<1xf32>
      %mul3A_638 = vector.broadcast %squeeze3A_637 : f32 to vector<16xf32>
      %mul3A_639 = arith.mulf %mul3A_593, %mul3A_638 : vector<16xf32>
      %add3A_640 = arith.addf %mul3A_588, %mul3A_639 : vector<16xf32>
      %broadcast_in_dim3A_641 = arith.constant 2 : i32
      %broadcast_in_dim3A_642 = vector.broadcast %broadcast_in_dim3A_641 : i32 to vector<16xi32>
      %gather3A_643 = tpu.vector_load_idx %arg23[%add3A_523, %broadcast_in_dim3A_642] : memref<512x32xf32, #tpu.memory_space<vmem>>[vector<16xi32>, vector<16xi32>], vector<16xf32>,
      %gather3A_644 = tpu.vector_load_idx %arg24[%add3A_523, %broadcast_in_dim3A_642] : memref<512x32xf32, #tpu.memory_space<vmem>>[vector<16xi32>, vector<16xi32>], vector<16xf32>,
      %mul3A_645 = arith.mulf %gather3A_643, %gather3A_644 : vector<16xf32>
      %add3A_646 = arith.addf %add3A_594, %mul3A_645 : vector<16xf32>
      %gather3A_647 = tpu.vector_load_idx %arg25[%add3A_523, %broadcast_in_dim3A_642] : memref<512x32xf32, #tpu.memory_space<vmem>>[vector<16xi32>, vector<16xi32>], vector<16xf32>,
      %gather3A_648 = tpu.vector_load_idx %arg26[%add3A_523, %broadcast_in_dim3A_642] : memref<512x32xf32, #tpu.memory_space<vmem>>[vector<16xi32>, vector<16xi32>], vector<16xf32>,
      %gather3A_649 = tpu.vector_load_idx %arg31[%get3A_527, %broadcast_in_dim3A_642] : memref<8x32xf32, #tpu.memory_space<vmem>>[vector<16xi32>, vector<16xi32>], vector<16xf32>,
      %mul3A_650 = arith.mulf %gather3A_647, %gather3A_648 : vector<16xf32>
      %mul3A_651 = arith.mulf %mul3A_650, %gather3A_649 : vector<16xf32>
      %add3A_652 = arith.addf %add3A_600, %mul3A_651 : vector<16xf32>
      %slice3A_653 = vector.extract_strided_slice %get3A_451 {offsets = [2], sizes = [1], strides = [1]} : vector<16xf32> to vector<1xf32>
      %squeeze3A_654 = vector.extract %slice3A_653[0] : f32 from vector<1xf32>
      %mul3A_655 = vector.broadcast %squeeze3A_654 : f32 to vector<16xf32>
      %mul3A_656 = arith.mulf %mul3A_645, %mul3A_655 : vector<16xf32>
      %add3A_657 = arith.addf %add3A_605, %mul3A_656 : vector<16xf32>
      %slice3A_658 = vector.extract_strided_slice %get3A_459 {offsets = [2], sizes = [1], strides = [1]} : vector<16xf32> to vector<1xf32>
      %squeeze3A_659 = vector.extract %slice3A_658[0] : f32 from vector<1xf32>
      %mul3A_660 = vector.broadcast %squeeze3A_659 : f32 to vector<16xf32>
      %mul3A_661 = arith.mulf %mul3A_645, %mul3A_660 : vector<16xf32>
      %add3A_662 = arith.addf %add3A_610, %mul3A_661 : vector<16xf32>
      %slice3A_663 = vector.extract_strided_slice %get3A_467 {offsets = [2], sizes = [1], strides = [1]} : vector<16xf32> to vector<1xf32>
      %squeeze3A_664 = vector.extract %slice3A_663[0] : f32 from vector<1xf32>
      %mul3A_665 = vector.broadcast %squeeze3A_664 : f32 to vector<16xf32>
      %mul3A_666 = arith.mulf %mul3A_645, %mul3A_665 : vector<16xf32>
      %add3A_667 = arith.addf %add3A_615, %mul3A_666 : vector<16xf32>
      %slice3A_668 = vector.extract_strided_slice %get3A_475 {offsets = [2], sizes = [1], strides = [1]} : vector<16xf32> to vector<1xf32>
      %squeeze3A_669 = vector.extract %slice3A_668[0] : f32 from vector<1xf32>
      %mul3A_670 = vector.broadcast %squeeze3A_669 : f32 to vector<16xf32>
      %mul3A_671 = arith.mulf %mul3A_645, %mul3A_670 : vector<16xf32>
      %add3A_672 = arith.addf %add3A_620, %mul3A_671 : vector<16xf32>
      %slice3A_673 = vector.extract_strided_slice %get3A_483 {offsets = [2], sizes = [1], strides = [1]} : vector<16xf32> to vector<1xf32>
      %squeeze3A_674 = vector.extract %slice3A_673[0] : f32 from vector<1xf32>
      %mul3A_675 = vector.broadcast %squeeze3A_674 : f32 to vector<16xf32>
      %mul3A_676 = arith.mulf %mul3A_645, %mul3A_675 : vector<16xf32>
      %add3A_677 = arith.addf %add3A_625, %mul3A_676 : vector<16xf32>
      %slice3A_678 = vector.extract_strided_slice %get3A_491 {offsets = [2], sizes = [1], strides = [1]} : vector<16xf32> to vector<1xf32>
      %squeeze3A_679 = vector.extract %slice3A_678[0] : f32 from vector<1xf32>
      %mul3A_680 = vector.broadcast %squeeze3A_679 : f32 to vector<16xf32>
      %mul3A_681 = arith.mulf %mul3A_645, %mul3A_680 : vector<16xf32>
      %add3A_682 = arith.addf %add3A_630, %mul3A_681 : vector<16xf32>
      %slice3A_683 = vector.extract_strided_slice %get3A_499 {offsets = [2], sizes = [1], strides = [1]} : vector<16xf32> to vector<1xf32>
      %squeeze3A_684 = vector.extract %slice3A_683[0] : f32 from vector<1xf32>
      %mul3A_685 = vector.broadcast %squeeze3A_684 : f32 to vector<16xf32>
      %mul3A_686 = arith.mulf %mul3A_645, %mul3A_685 : vector<16xf32>
      %add3A_687 = arith.addf %add3A_635, %mul3A_686 : vector<16xf32>
      %slice3A_688 = vector.extract_strided_slice %get3A_507 {offsets = [2], sizes = [1], strides = [1]} : vector<16xf32> to vector<1xf32>
      %squeeze3A_689 = vector.extract %slice3A_688[0] : f32 from vector<1xf32>
      %mul3A_690 = vector.broadcast %squeeze3A_689 : f32 to vector<16xf32>
      %mul3A_691 = arith.mulf %mul3A_645, %mul3A_690 : vector<16xf32>
      %add3A_692 = arith.addf %add3A_640, %mul3A_691 : vector<16xf32>
      %broadcast_in_dim3A_693 = arith.constant 3 : i32
      %broadcast_in_dim3A_694 = vector.broadcast %broadcast_in_dim3A_693 : i32 to vector<16xi32>
      %gather3A_695 = tpu.vector_load_idx %arg23[%add3A_523, %broadcast_in_dim3A_694] : memref<512x32xf32, #tpu.memory_space<vmem>>[vector<16xi32>, vector<16xi32>], vector<16xf32>,
      %gather3A_696 = tpu.vector_load_idx %arg24[%add3A_523, %broadcast_in_dim3A_694] : memref<512x32xf32, #tpu.memory_space<vmem>>[vector<16xi32>, vector<16xi32>], vector<16xf32>,
      %mul3A_697 = arith.mulf %gather3A_695, %gather3A_696 : vector<16xf32>
      %add3A_698 = arith.addf %add3A_646, %mul3A_697 : vector<16xf32>
      %gather3A_699 = tpu.vector_load_idx %arg25[%add3A_523, %broadcast_in_dim3A_694] : memref<512x32xf32, #tpu.memory_space<vmem>>[vector<16xi32>, vector<16xi32>], vector<16xf32>,
      %gather3A_700 = tpu.vector_load_idx %arg26[%add3A_523, %broadcast_in_dim3A_694] : memref<512x32xf32, #tpu.memory_space<vmem>>[vector<16xi32>, vector<16xi32>], vector<16xf32>,
      %gather3A_701 = tpu.vector_load_idx %arg31[%get3A_527, %broadcast_in_dim3A_694] : memref<8x32xf32, #tpu.memory_space<vmem>>[vector<16xi32>, vector<16xi32>], vector<16xf32>,
      %mul3A_702 = arith.mulf %gather3A_699, %gather3A_700 : vector<16xf32>
      %mul3A_703 = arith.mulf %mul3A_702, %gather3A_701 : vector<16xf32>
      %add3A_704 = arith.addf %add3A_652, %mul3A_703 : vector<16xf32>
      %slice3A_705 = vector.extract_strided_slice %get3A_451 {offsets = [3], sizes = [1], strides = [1]} : vector<16xf32> to vector<1xf32>
      %squeeze3A_706 = vector.extract %slice3A_705[0] : f32 from vector<1xf32>
      %mul3A_707 = vector.broadcast %squeeze3A_706 : f32 to vector<16xf32>
      %mul3A_708 = arith.mulf %mul3A_697, %mul3A_707 : vector<16xf32>
      %add3A_709 = arith.addf %add3A_657, %mul3A_708 : vector<16xf32>
      %slice3A_710 = vector.extract_strided_slice %get3A_459 {offsets = [3], sizes = [1], strides = [1]} : vector<16xf32> to vector<1xf32>
      %squeeze3A_711 = vector.extract %slice3A_710[0] : f32 from vector<1xf32>
      %mul3A_712 = vector.broadcast %squeeze3A_711 : f32 to vector<16xf32>
      %mul3A_713 = arith.mulf %mul3A_697, %mul3A_712 : vector<16xf32>
      %add3A_714 = arith.addf %add3A_662, %mul3A_713 : vector<16xf32>
      %slice3A_715 = vector.extract_strided_slice %get3A_467 {offsets = [3], sizes = [1], strides = [1]} : vector<16xf32> to vector<1xf32>
      %squeeze3A_716 = vector.extract %slice3A_715[0] : f32 from vector<1xf32>
      %mul3A_717 = vector.broadcast %squeeze3A_716 : f32 to vector<16xf32>
      %mul3A_718 = arith.mulf %mul3A_697, %mul3A_717 : vector<16xf32>
      %add3A_719 = arith.addf %add3A_667, %mul3A_718 : vector<16xf32>
      %slice3A_720 = vector.extract_strided_slice %get3A_475 {offsets = [3], sizes = [1], strides = [1]} : vector<16xf32> to vector<1xf32>
      %squeeze3A_721 = vector.extract %slice3A_720[0] : f32 from vector<1xf32>
      %mul3A_722 = vector.broadcast %squeeze3A_721 : f32 to vector<16xf32>
      %mul3A_723 = arith.mulf %mul3A_697, %mul3A_722 : vector<16xf32>
      %add3A_724 = arith.addf %add3A_672, %mul3A_723 : vector<16xf32>
      %slice3A_725 = vector.extract_strided_slice %get3A_483 {offsets = [3], sizes = [1], strides = [1]} : vector<16xf32> to vector<1xf32>
      %squeeze3A_726 = vector.extract %slice3A_725[0] : f32 from vector<1xf32>
      %mul3A_727 = vector.broadcast %squeeze3A_726 : f32 to vector<16xf32>
      %mul3A_728 = arith.mulf %mul3A_697, %mul3A_727 : vector<16xf32>
      %add3A_729 = arith.addf %add3A_677, %mul3A_728 : vector<16xf32>
      %slice3A_730 = vector.extract_strided_slice %get3A_491 {offsets = [3], sizes = [1], strides = [1]} : vector<16xf32> to vector<1xf32>
      %squeeze3A_731 = vector.extract %slice3A_730[0] : f32 from vector<1xf32>
      %mul3A_732 = vector.broadcast %squeeze3A_731 : f32 to vector<16xf32>
      %mul3A_733 = arith.mulf %mul3A_697, %mul3A_732 : vector<16xf32>
      %add3A_734 = arith.addf %add3A_682, %mul3A_733 : vector<16xf32>
      %slice3A_735 = vector.extract_strided_slice %get3A_499 {offsets = [3], sizes = [1], strides = [1]} : vector<16xf32> to vector<1xf32>
      %squeeze3A_736 = vector.extract %slice3A_735[0] : f32 from vector<1xf32>
      %mul3A_737 = vector.broadcast %squeeze3A_736 : f32 to vector<16xf32>
      %mul3A_738 = arith.mulf %mul3A_697, %mul3A_737 : vector<16xf32>
      %add3A_739 = arith.addf %add3A_687, %mul3A_738 : vector<16xf32>
      %slice3A_740 = vector.extract_strided_slice %get3A_507 {offsets = [3], sizes = [1], strides = [1]} : vector<16xf32> to vector<1xf32>
      %squeeze3A_741 = vector.extract %slice3A_740[0] : f32 from vector<1xf32>
      %mul3A_742 = vector.broadcast %squeeze3A_741 : f32 to vector<16xf32>
      %mul3A_743 = arith.mulf %mul3A_697, %mul3A_742 : vector<16xf32>
      %add3A_744 = arith.addf %add3A_692, %mul3A_743 : vector<16xf32>
      %broadcast_in_dim3A_745 = arith.constant 4 : i32
      %broadcast_in_dim3A_746 = vector.broadcast %broadcast_in_dim3A_745 : i32 to vector<16xi32>
      %gather3A_747 = tpu.vector_load_idx %arg23[%add3A_523, %broadcast_in_dim3A_746] : memref<512x32xf32, #tpu.memory_space<vmem>>[vector<16xi32>, vector<16xi32>], vector<16xf32>,
      %gather3A_748 = tpu.vector_load_idx %arg24[%add3A_523, %broadcast_in_dim3A_746] : memref<512x32xf32, #tpu.memory_space<vmem>>[vector<16xi32>, vector<16xi32>], vector<16xf32>,
      %mul3A_749 = arith.mulf %gather3A_747, %gather3A_748 : vector<16xf32>
      %add3A_750 = arith.addf %add3A_698, %mul3A_749 : vector<16xf32>
      %gather3A_751 = tpu.vector_load_idx %arg25[%add3A_523, %broadcast_in_dim3A_746] : memref<512x32xf32, #tpu.memory_space<vmem>>[vector<16xi32>, vector<16xi32>], vector<16xf32>,
      %gather3A_752 = tpu.vector_load_idx %arg26[%add3A_523, %broadcast_in_dim3A_746] : memref<512x32xf32, #tpu.memory_space<vmem>>[vector<16xi32>, vector<16xi32>], vector<16xf32>,
      %gather3A_753 = tpu.vector_load_idx %arg31[%get3A_527, %broadcast_in_dim3A_746] : memref<8x32xf32, #tpu.memory_space<vmem>>[vector<16xi32>, vector<16xi32>], vector<16xf32>,
      %mul3A_754 = arith.mulf %gather3A_751, %gather3A_752 : vector<16xf32>
      %mul3A_755 = arith.mulf %mul3A_754, %gather3A_753 : vector<16xf32>
      %add3A_756 = arith.addf %add3A_704, %mul3A_755 : vector<16xf32>
      %slice3A_757 = vector.extract_strided_slice %get3A_451 {offsets = [4], sizes = [1], strides = [1]} : vector<16xf32> to vector<1xf32>
      %squeeze3A_758 = vector.extract %slice3A_757[0] : f32 from vector<1xf32>
      %mul3A_759 = vector.broadcast %squeeze3A_758 : f32 to vector<16xf32>
      %mul3A_760 = arith.mulf %mul3A_749, %mul3A_759 : vector<16xf32>
      %add3A_761 = arith.addf %add3A_709, %mul3A_760 : vector<16xf32>
      %slice3A_762 = vector.extract_strided_slice %get3A_459 {offsets = [4], sizes = [1], strides = [1]} : vector<16xf32> to vector<1xf32>
      %squeeze3A_763 = vector.extract %slice3A_762[0] : f32 from vector<1xf32>
      %mul3A_764 = vector.broadcast %squeeze3A_763 : f32 to vector<16xf32>
      %mul3A_765 = arith.mulf %mul3A_749, %mul3A_764 : vector<16xf32>
      %add3A_766 = arith.addf %add3A_714, %mul3A_765 : vector<16xf32>
      %slice3A_767 = vector.extract_strided_slice %get3A_467 {offsets = [4], sizes = [1], strides = [1]} : vector<16xf32> to vector<1xf32>
      %squeeze3A_768 = vector.extract %slice3A_767[0] : f32 from vector<1xf32>
      %mul3A_769 = vector.broadcast %squeeze3A_768 : f32 to vector<16xf32>
      %mul3A_770 = arith.mulf %mul3A_749, %mul3A_769 : vector<16xf32>
      %add3A_771 = arith.addf %add3A_719, %mul3A_770 : vector<16xf32>
      %slice3A_772 = vector.extract_strided_slice %get3A_475 {offsets = [4], sizes = [1], strides = [1]} : vector<16xf32> to vector<1xf32>
      %squeeze3A_773 = vector.extract %slice3A_772[0] : f32 from vector<1xf32>
      %mul3A_774 = vector.broadcast %squeeze3A_773 : f32 to vector<16xf32>
      %mul3A_775 = arith.mulf %mul3A_749, %mul3A_774 : vector<16xf32>
      %add3A_776 = arith.addf %add3A_724, %mul3A_775 : vector<16xf32>
      %slice3A_777 = vector.extract_strided_slice %get3A_483 {offsets = [4], sizes = [1], strides = [1]} : vector<16xf32> to vector<1xf32>
      %squeeze3A_778 = vector.extract %slice3A_777[0] : f32 from vector<1xf32>
      %mul3A_779 = vector.broadcast %squeeze3A_778 : f32 to vector<16xf32>
      %mul3A_780 = arith.mulf %mul3A_749, %mul3A_779 : vector<16xf32>
      %add3A_781 = arith.addf %add3A_729, %mul3A_780 : vector<16xf32>
      %slice3A_782 = vector.extract_strided_slice %get3A_491 {offsets = [4], sizes = [1], strides = [1]} : vector<16xf32> to vector<1xf32>
      %squeeze3A_783 = vector.extract %slice3A_782[0] : f32 from vector<1xf32>
      %mul3A_784 = vector.broadcast %squeeze3A_783 : f32 to vector<16xf32>
      %mul3A_785 = arith.mulf %mul3A_749, %mul3A_784 : vector<16xf32>
      %add3A_786 = arith.addf %add3A_734, %mul3A_785 : vector<16xf32>
      %slice3A_787 = vector.extract_strided_slice %get3A_499 {offsets = [4], sizes = [1], strides = [1]} : vector<16xf32> to vector<1xf32>
      %squeeze3A_788 = vector.extract %slice3A_787[0] : f32 from vector<1xf32>
      %mul3A_789 = vector.broadcast %squeeze3A_788 : f32 to vector<16xf32>
      %mul3A_790 = arith.mulf %mul3A_749, %mul3A_789 : vector<16xf32>
      %add3A_791 = arith.addf %add3A_739, %mul3A_790 : vector<16xf32>
      %slice3A_792 = vector.extract_strided_slice %get3A_507 {offsets = [4], sizes = [1], strides = [1]} : vector<16xf32> to vector<1xf32>
      %squeeze3A_793 = vector.extract %slice3A_792[0] : f32 from vector<1xf32>
      %mul3A_794 = vector.broadcast %squeeze3A_793 : f32 to vector<16xf32>
      %mul3A_795 = arith.mulf %mul3A_749, %mul3A_794 : vector<16xf32>
      %add3A_796 = arith.addf %add3A_744, %mul3A_795 : vector<16xf32>
      %broadcast_in_dim3A_797 = arith.constant 5 : i32
      %broadcast_in_dim3A_798 = vector.broadcast %broadcast_in_dim3A_797 : i32 to vector<16xi32>
      %gather3A_799 = tpu.vector_load_idx %arg23[%add3A_523, %broadcast_in_dim3A_798] : memref<512x32xf32, #tpu.memory_space<vmem>>[vector<16xi32>, vector<16xi32>], vector<16xf32>,
      %gather3A_800 = tpu.vector_load_idx %arg24[%add3A_523, %broadcast_in_dim3A_798] : memref<512x32xf32, #tpu.memory_space<vmem>>[vector<16xi32>, vector<16xi32>], vector<16xf32>,
      %mul3A_801 = arith.mulf %gather3A_799, %gather3A_800 : vector<16xf32>
      %add3A_802 = arith.addf %add3A_750, %mul3A_801 : vector<16xf32>
      %gather3A_803 = tpu.vector_load_idx %arg25[%add3A_523, %broadcast_in_dim3A_798] : memref<512x32xf32, #tpu.memory_space<vmem>>[vector<16xi32>, vector<16xi32>], vector<16xf32>,
      %gather3A_804 = tpu.vector_load_idx %arg26[%add3A_523, %broadcast_in_dim3A_798] : memref<512x32xf32, #tpu.memory_space<vmem>>[vector<16xi32>, vector<16xi32>], vector<16xf32>,
      %gather3A_805 = tpu.vector_load_idx %arg31[%get3A_527, %broadcast_in_dim3A_798] : memref<8x32xf32, #tpu.memory_space<vmem>>[vector<16xi32>, vector<16xi32>], vector<16xf32>,
      %mul3A_806 = arith.mulf %gather3A_803, %gather3A_804 : vector<16xf32>
      %mul3A_807 = arith.mulf %mul3A_806, %gather3A_805 : vector<16xf32>
      %add3A_808 = arith.addf %add3A_756, %mul3A_807 : vector<16xf32>
      %slice3A_809 = vector.extract_strided_slice %get3A_451 {offsets = [5], sizes = [1], strides = [1]} : vector<16xf32> to vector<1xf32>
      %squeeze3A_810 = vector.extract %slice3A_809[0] : f32 from vector<1xf32>
      %mul3A_811 = vector.broadcast %squeeze3A_810 : f32 to vector<16xf32>
      %mul3A_812 = arith.mulf %mul3A_801, %mul3A_811 : vector<16xf32>
      %add3A_813 = arith.addf %add3A_761, %mul3A_812 : vector<16xf32>
      %slice3A_814 = vector.extract_strided_slice %get3A_459 {offsets = [5], sizes = [1], strides = [1]} : vector<16xf32> to vector<1xf32>
      %squeeze3A_815 = vector.extract %slice3A_814[0] : f32 from vector<1xf32>
      %mul3A_816 = vector.broadcast %squeeze3A_815 : f32 to vector<16xf32>
      %mul3A_817 = arith.mulf %mul3A_801, %mul3A_816 : vector<16xf32>
      %add3A_818 = arith.addf %add3A_766, %mul3A_817 : vector<16xf32>
      %slice3A_819 = vector.extract_strided_slice %get3A_467 {offsets = [5], sizes = [1], strides = [1]} : vector<16xf32> to vector<1xf32>
      %squeeze3A_820 = vector.extract %slice3A_819[0] : f32 from vector<1xf32>
      %mul3A_821 = vector.broadcast %squeeze3A_820 : f32 to vector<16xf32>
      %mul3A_822 = arith.mulf %mul3A_801, %mul3A_821 : vector<16xf32>
      %add3A_823 = arith.addf %add3A_771, %mul3A_822 : vector<16xf32>
      %slice3A_824 = vector.extract_strided_slice %get3A_475 {offsets = [5], sizes = [1], strides = [1]} : vector<16xf32> to vector<1xf32>
      %squeeze3A_825 = vector.extract %slice3A_824[0] : f32 from vector<1xf32>
      %mul3A_826 = vector.broadcast %squeeze3A_825 : f32 to vector<16xf32>
      %mul3A_827 = arith.mulf %mul3A_801, %mul3A_826 : vector<16xf32>
      %add3A_828 = arith.addf %add3A_776, %mul3A_827 : vector<16xf32>
      %slice3A_829 = vector.extract_strided_slice %get3A_483 {offsets = [5], sizes = [1], strides = [1]} : vector<16xf32> to vector<1xf32>
      %squeeze3A_830 = vector.extract %slice3A_829[0] : f32 from vector<1xf32>
      %mul3A_831 = vector.broadcast %squeeze3A_830 : f32 to vector<16xf32>
      %mul3A_832 = arith.mulf %mul3A_801, %mul3A_831 : vector<16xf32>
      %add3A_833 = arith.addf %add3A_781, %mul3A_832 : vector<16xf32>
      %slice3A_834 = vector.extract_strided_slice %get3A_491 {offsets = [5], sizes = [1], strides = [1]} : vector<16xf32> to vector<1xf32>
      %squeeze3A_835 = vector.extract %slice3A_834[0] : f32 from vector<1xf32>
      %mul3A_836 = vector.broadcast %squeeze3A_835 : f32 to vector<16xf32>
      %mul3A_837 = arith.mulf %mul3A_801, %mul3A_836 : vector<16xf32>
      %add3A_838 = arith.addf %add3A_786, %mul3A_837 : vector<16xf32>
      %slice3A_839 = vector.extract_strided_slice %get3A_499 {offsets = [5], sizes = [1], strides = [1]} : vector<16xf32> to vector<1xf32>
      %squeeze3A_840 = vector.extract %slice3A_839[0] : f32 from vector<1xf32>
      %mul3A_841 = vector.broadcast %squeeze3A_840 : f32 to vector<16xf32>
      %mul3A_842 = arith.mulf %mul3A_801, %mul3A_841 : vector<16xf32>
      %add3A_843 = arith.addf %add3A_791, %mul3A_842 : vector<16xf32>
      %slice3A_844 = vector.extract_strided_slice %get3A_507 {offsets = [5], sizes = [1], strides = [1]} : vector<16xf32> to vector<1xf32>
      %squeeze3A_845 = vector.extract %slice3A_844[0] : f32 from vector<1xf32>
      %mul3A_846 = vector.broadcast %squeeze3A_845 : f32 to vector<16xf32>
      %mul3A_847 = arith.mulf %mul3A_801, %mul3A_846 : vector<16xf32>
      %add3A_848 = arith.addf %add3A_796, %mul3A_847 : vector<16xf32>
      %broadcast_in_dim3A_849 = arith.constant 6 : i32
      %broadcast_in_dim3A_850 = vector.broadcast %broadcast_in_dim3A_849 : i32 to vector<16xi32>
      %gather3A_851 = tpu.vector_load_idx %arg23[%add3A_523, %broadcast_in_dim3A_850] : memref<512x32xf32, #tpu.memory_space<vmem>>[vector<16xi32>, vector<16xi32>], vector<16xf32>,
      %gather3A_852 = tpu.vector_load_idx %arg24[%add3A_523, %broadcast_in_dim3A_850] : memref<512x32xf32, #tpu.memory_space<vmem>>[vector<16xi32>, vector<16xi32>], vector<16xf32>,
      %mul3A_853 = arith.mulf %gather3A_851, %gather3A_852 : vector<16xf32>
      %add3A_854 = arith.addf %add3A_802, %mul3A_853 : vector<16xf32>
      %gather3A_855 = tpu.vector_load_idx %arg25[%add3A_523, %broadcast_in_dim3A_850] : memref<512x32xf32, #tpu.memory_space<vmem>>[vector<16xi32>, vector<16xi32>], vector<16xf32>,
      %gather3A_856 = tpu.vector_load_idx %arg26[%add3A_523, %broadcast_in_dim3A_850] : memref<512x32xf32, #tpu.memory_space<vmem>>[vector<16xi32>, vector<16xi32>], vector<16xf32>,
      %gather3A_857 = tpu.vector_load_idx %arg31[%get3A_527, %broadcast_in_dim3A_850] : memref<8x32xf32, #tpu.memory_space<vmem>>[vector<16xi32>, vector<16xi32>], vector<16xf32>,
      %mul3A_858 = arith.mulf %gather3A_855, %gather3A_856 : vector<16xf32>
      %mul3A_859 = arith.mulf %mul3A_858, %gather3A_857 : vector<16xf32>
      %add3A_860 = arith.addf %add3A_808, %mul3A_859 : vector<16xf32>
      %slice3A_861 = vector.extract_strided_slice %get3A_451 {offsets = [6], sizes = [1], strides = [1]} : vector<16xf32> to vector<1xf32>
      %squeeze3A_862 = vector.extract %slice3A_861[0] : f32 from vector<1xf32>
      %mul3A_863 = vector.broadcast %squeeze3A_862 : f32 to vector<16xf32>
      %mul3A_864 = arith.mulf %mul3A_853, %mul3A_863 : vector<16xf32>
      %add3A_865 = arith.addf %add3A_813, %mul3A_864 : vector<16xf32>
      %slice3A_866 = vector.extract_strided_slice %get3A_459 {offsets = [6], sizes = [1], strides = [1]} : vector<16xf32> to vector<1xf32>
      %squeeze3A_867 = vector.extract %slice3A_866[0] : f32 from vector<1xf32>
      %mul3A_868 = vector.broadcast %squeeze3A_867 : f32 to vector<16xf32>
      %mul3A_869 = arith.mulf %mul3A_853, %mul3A_868 : vector<16xf32>
      %add3A_870 = arith.addf %add3A_818, %mul3A_869 : vector<16xf32>
      %slice3A_871 = vector.extract_strided_slice %get3A_467 {offsets = [6], sizes = [1], strides = [1]} : vector<16xf32> to vector<1xf32>
      %squeeze3A_872 = vector.extract %slice3A_871[0] : f32 from vector<1xf32>
      %mul3A_873 = vector.broadcast %squeeze3A_872 : f32 to vector<16xf32>
      %mul3A_874 = arith.mulf %mul3A_853, %mul3A_873 : vector<16xf32>
      %add3A_875 = arith.addf %add3A_823, %mul3A_874 : vector<16xf32>
      %slice3A_876 = vector.extract_strided_slice %get3A_475 {offsets = [6], sizes = [1], strides = [1]} : vector<16xf32> to vector<1xf32>
      %squeeze3A_877 = vector.extract %slice3A_876[0] : f32 from vector<1xf32>
      %mul3A_878 = vector.broadcast %squeeze3A_877 : f32 to vector<16xf32>
      %mul3A_879 = arith.mulf %mul3A_853, %mul3A_878 : vector<16xf32>
      %add3A_880 = arith.addf %add3A_828, %mul3A_879 : vector<16xf32>
      %slice3A_881 = vector.extract_strided_slice %get3A_483 {offsets = [6], sizes = [1], strides = [1]} : vector<16xf32> to vector<1xf32>
      %squeeze3A_882 = vector.extract %slice3A_881[0] : f32 from vector<1xf32>
      %mul3A_883 = vector.broadcast %squeeze3A_882 : f32 to vector<16xf32>
      %mul3A_884 = arith.mulf %mul3A_853, %mul3A_883 : vector<16xf32>
      %add3A_885 = arith.addf %add3A_833, %mul3A_884 : vector<16xf32>
      %slice3A_886 = vector.extract_strided_slice %get3A_491 {offsets = [6], sizes = [1], strides = [1]} : vector<16xf32> to vector<1xf32>
      %squeeze3A_887 = vector.extract %slice3A_886[0] : f32 from vector<1xf32>
      %mul3A_888 = vector.broadcast %squeeze3A_887 : f32 to vector<16xf32>
      %mul3A_889 = arith.mulf %mul3A_853, %mul3A_888 : vector<16xf32>
      %add3A_890 = arith.addf %add3A_838, %mul3A_889 : vector<16xf32>
      %slice3A_891 = vector.extract_strided_slice %get3A_499 {offsets = [6], sizes = [1], strides = [1]} : vector<16xf32> to vector<1xf32>
      %squeeze3A_892 = vector.extract %slice3A_891[0] : f32 from vector<1xf32>
      %mul3A_893 = vector.broadcast %squeeze3A_892 : f32 to vector<16xf32>
      %mul3A_894 = arith.mulf %mul3A_853, %mul3A_893 : vector<16xf32>
      %add3A_895 = arith.addf %add3A_843, %mul3A_894 : vector<16xf32>
      %slice3A_896 = vector.extract_strided_slice %get3A_507 {offsets = [6], sizes = [1], strides = [1]} : vector<16xf32> to vector<1xf32>
      %squeeze3A_897 = vector.extract %slice3A_896[0] : f32 from vector<1xf32>
      %mul3A_898 = vector.broadcast %squeeze3A_897 : f32 to vector<16xf32>
      %mul3A_899 = arith.mulf %mul3A_853, %mul3A_898 : vector<16xf32>
      %add3A_900 = arith.addf %add3A_848, %mul3A_899 : vector<16xf32>
      %broadcast_in_dim3A_901 = arith.constant 7 : i32
      %broadcast_in_dim3A_902 = vector.broadcast %broadcast_in_dim3A_901 : i32 to vector<16xi32>
      %gather3A_903 = tpu.vector_load_idx %arg23[%add3A_523, %broadcast_in_dim3A_902] : memref<512x32xf32, #tpu.memory_space<vmem>>[vector<16xi32>, vector<16xi32>], vector<16xf32>,
      %gather3A_904 = tpu.vector_load_idx %arg24[%add3A_523, %broadcast_in_dim3A_902] : memref<512x32xf32, #tpu.memory_space<vmem>>[vector<16xi32>, vector<16xi32>], vector<16xf32>,
      %mul3A_905 = arith.mulf %gather3A_903, %gather3A_904 : vector<16xf32>
      %add3A_906 = arith.addf %add3A_854, %mul3A_905 : vector<16xf32>
      %gather3A_907 = tpu.vector_load_idx %arg25[%add3A_523, %broadcast_in_dim3A_902] : memref<512x32xf32, #tpu.memory_space<vmem>>[vector<16xi32>, vector<16xi32>], vector<16xf32>,
      %gather3A_908 = tpu.vector_load_idx %arg26[%add3A_523, %broadcast_in_dim3A_902] : memref<512x32xf32, #tpu.memory_space<vmem>>[vector<16xi32>, vector<16xi32>], vector<16xf32>,
      %gather3A_909 = tpu.vector_load_idx %arg31[%get3A_527, %broadcast_in_dim3A_902] : memref<8x32xf32, #tpu.memory_space<vmem>>[vector<16xi32>, vector<16xi32>], vector<16xf32>,
      %mul3A_910 = arith.mulf %gather3A_907, %gather3A_908 : vector<16xf32>
      %mul3A_911 = arith.mulf %mul3A_910, %gather3A_909 : vector<16xf32>
      %add3A_912 = arith.addf %add3A_860, %mul3A_911 : vector<16xf32>
      %slice3A_913 = vector.extract_strided_slice %get3A_451 {offsets = [7], sizes = [1], strides = [1]} : vector<16xf32> to vector<1xf32>
      %squeeze3A_914 = vector.extract %slice3A_913[0] : f32 from vector<1xf32>
      %mul3A_915 = vector.broadcast %squeeze3A_914 : f32 to vector<16xf32>
      %mul3A_916 = arith.mulf %mul3A_905, %mul3A_915 : vector<16xf32>
      %add3A_917 = arith.addf %add3A_865, %mul3A_916 : vector<16xf32>
      %slice3A_918 = vector.extract_strided_slice %get3A_459 {offsets = [7], sizes = [1], strides = [1]} : vector<16xf32> to vector<1xf32>
      %squeeze3A_919 = vector.extract %slice3A_918[0] : f32 from vector<1xf32>
      %mul3A_920 = vector.broadcast %squeeze3A_919 : f32 to vector<16xf32>
      %mul3A_921 = arith.mulf %mul3A_905, %mul3A_920 : vector<16xf32>
      %add3A_922 = arith.addf %add3A_870, %mul3A_921 : vector<16xf32>
      %slice3A_923 = vector.extract_strided_slice %get3A_467 {offsets = [7], sizes = [1], strides = [1]} : vector<16xf32> to vector<1xf32>
      %squeeze3A_924 = vector.extract %slice3A_923[0] : f32 from vector<1xf32>
      %mul3A_925 = vector.broadcast %squeeze3A_924 : f32 to vector<16xf32>
      %mul3A_926 = arith.mulf %mul3A_905, %mul3A_925 : vector<16xf32>
      %add3A_927 = arith.addf %add3A_875, %mul3A_926 : vector<16xf32>
      %slice3A_928 = vector.extract_strided_slice %get3A_475 {offsets = [7], sizes = [1], strides = [1]} : vector<16xf32> to vector<1xf32>
      %squeeze3A_929 = vector.extract %slice3A_928[0] : f32 from vector<1xf32>
      %mul3A_930 = vector.broadcast %squeeze3A_929 : f32 to vector<16xf32>
      %mul3A_931 = arith.mulf %mul3A_905, %mul3A_930 : vector<16xf32>
      %add3A_932 = arith.addf %add3A_880, %mul3A_931 : vector<16xf32>
      %slice3A_933 = vector.extract_strided_slice %get3A_483 {offsets = [7], sizes = [1], strides = [1]} : vector<16xf32> to vector<1xf32>
      %squeeze3A_934 = vector.extract %slice3A_933[0] : f32 from vector<1xf32>
      %mul3A_935 = vector.broadcast %squeeze3A_934 : f32 to vector<16xf32>
      %mul3A_936 = arith.mulf %mul3A_905, %mul3A_935 : vector<16xf32>
      %add3A_937 = arith.addf %add3A_885, %mul3A_936 : vector<16xf32>
      %slice3A_938 = vector.extract_strided_slice %get3A_491 {offsets = [7], sizes = [1], strides = [1]} : vector<16xf32> to vector<1xf32>
      %squeeze3A_939 = vector.extract %slice3A_938[0] : f32 from vector<1xf32>
      %mul3A_940 = vector.broadcast %squeeze3A_939 : f32 to vector<16xf32>
      %mul3A_941 = arith.mulf %mul3A_905, %mul3A_940 : vector<16xf32>
      %add3A_942 = arith.addf %add3A_890, %mul3A_941 : vector<16xf32>
      %slice3A_943 = vector.extract_strided_slice %get3A_499 {offsets = [7], sizes = [1], strides = [1]} : vector<16xf32> to vector<1xf32>
      %squeeze3A_944 = vector.extract %slice3A_943[0] : f32 from vector<1xf32>
      %mul3A_945 = vector.broadcast %squeeze3A_944 : f32 to vector<16xf32>
      %mul3A_946 = arith.mulf %mul3A_905, %mul3A_945 : vector<16xf32>
      %add3A_947 = arith.addf %add3A_895, %mul3A_946 : vector<16xf32>
      %slice3A_948 = vector.extract_strided_slice %get3A_507 {offsets = [7], sizes = [1], strides = [1]} : vector<16xf32> to vector<1xf32>
      %squeeze3A_949 = vector.extract %slice3A_948[0] : f32 from vector<1xf32>
      %mul3A_950 = vector.broadcast %squeeze3A_949 : f32 to vector<16xf32>
      %mul3A_951 = arith.mulf %mul3A_905, %mul3A_950 : vector<16xf32>
      %add3A_952 = arith.addf %add3A_900, %mul3A_951 : vector<16xf32>
      %broadcast_in_dim3A_953 = arith.constant 8 : i32
      %broadcast_in_dim3A_954 = vector.broadcast %broadcast_in_dim3A_953 : i32 to vector<16xi32>
      %gather3A_955 = tpu.vector_load_idx %arg23[%add3A_523, %broadcast_in_dim3A_954] : memref<512x32xf32, #tpu.memory_space<vmem>>[vector<16xi32>, vector<16xi32>], vector<16xf32>,
      %gather3A_956 = tpu.vector_load_idx %arg24[%add3A_523, %broadcast_in_dim3A_954] : memref<512x32xf32, #tpu.memory_space<vmem>>[vector<16xi32>, vector<16xi32>], vector<16xf32>,
      %mul3A_957 = arith.mulf %gather3A_955, %gather3A_956 : vector<16xf32>
      %add3A_958 = arith.addf %add3A_906, %mul3A_957 : vector<16xf32>
      %gather3A_959 = tpu.vector_load_idx %arg25[%add3A_523, %broadcast_in_dim3A_954] : memref<512x32xf32, #tpu.memory_space<vmem>>[vector<16xi32>, vector<16xi32>], vector<16xf32>,
      %gather3A_960 = tpu.vector_load_idx %arg26[%add3A_523, %broadcast_in_dim3A_954] : memref<512x32xf32, #tpu.memory_space<vmem>>[vector<16xi32>, vector<16xi32>], vector<16xf32>,
      %gather3A_961 = tpu.vector_load_idx %arg31[%get3A_527, %broadcast_in_dim3A_954] : memref<8x32xf32, #tpu.memory_space<vmem>>[vector<16xi32>, vector<16xi32>], vector<16xf32>,
      %mul3A_962 = arith.mulf %gather3A_959, %gather3A_960 : vector<16xf32>
      %mul3A_963 = arith.mulf %mul3A_962, %gather3A_961 : vector<16xf32>
      %add3A_964 = arith.addf %add3A_912, %mul3A_963 : vector<16xf32>
      %slice3A_965 = vector.extract_strided_slice %get3A_451 {offsets = [8], sizes = [1], strides = [1]} : vector<16xf32> to vector<1xf32>
      %squeeze3A_966 = vector.extract %slice3A_965[0] : f32 from vector<1xf32>
      %mul3A_967 = vector.broadcast %squeeze3A_966 : f32 to vector<16xf32>
      %mul3A_968 = arith.mulf %mul3A_957, %mul3A_967 : vector<16xf32>
      %add3A_969 = arith.addf %add3A_917, %mul3A_968 : vector<16xf32>
      %slice3A_970 = vector.extract_strided_slice %get3A_459 {offsets = [8], sizes = [1], strides = [1]} : vector<16xf32> to vector<1xf32>
      %squeeze3A_971 = vector.extract %slice3A_970[0] : f32 from vector<1xf32>
      %mul3A_972 = vector.broadcast %squeeze3A_971 : f32 to vector<16xf32>
      %mul3A_973 = arith.mulf %mul3A_957, %mul3A_972 : vector<16xf32>
      %add3A_974 = arith.addf %add3A_922, %mul3A_973 : vector<16xf32>
      %slice3A_975 = vector.extract_strided_slice %get3A_467 {offsets = [8], sizes = [1], strides = [1]} : vector<16xf32> to vector<1xf32>
      %squeeze3A_976 = vector.extract %slice3A_975[0] : f32 from vector<1xf32>
      %mul3A_977 = vector.broadcast %squeeze3A_976 : f32 to vector<16xf32>
      %mul3A_978 = arith.mulf %mul3A_957, %mul3A_977 : vector<16xf32>
      %add3A_979 = arith.addf %add3A_927, %mul3A_978 : vector<16xf32>
      %slice3A_980 = vector.extract_strided_slice %get3A_475 {offsets = [8], sizes = [1], strides = [1]} : vector<16xf32> to vector<1xf32>
      %squeeze3A_981 = vector.extract %slice3A_980[0] : f32 from vector<1xf32>
      %mul3A_982 = vector.broadcast %squeeze3A_981 : f32 to vector<16xf32>
      %mul3A_983 = arith.mulf %mul3A_957, %mul3A_982 : vector<16xf32>
      %add3A_984 = arith.addf %add3A_932, %mul3A_983 : vector<16xf32>
      %slice3A_985 = vector.extract_strided_slice %get3A_483 {offsets = [8], sizes = [1], strides = [1]} : vector<16xf32> to vector<1xf32>
      %squeeze3A_986 = vector.extract %slice3A_985[0] : f32 from vector<1xf32>
      %mul3A_987 = vector.broadcast %squeeze3A_986 : f32 to vector<16xf32>
      %mul3A_988 = arith.mulf %mul3A_957, %mul3A_987 : vector<16xf32>
      %add3A_989 = arith.addf %add3A_937, %mul3A_988 : vector<16xf32>
      %slice3A_990 = vector.extract_strided_slice %get3A_491 {offsets = [8], sizes = [1], strides = [1]} : vector<16xf32> to vector<1xf32>
      %squeeze3A_991 = vector.extract %slice3A_990[0] : f32 from vector<1xf32>
      %mul3A_992 = vector.broadcast %squeeze3A_991 : f32 to vector<16xf32>
      %mul3A_993 = arith.mulf %mul3A_957, %mul3A_992 : vector<16xf32>
      %add3A_994 = arith.addf %add3A_942, %mul3A_993 : vector<16xf32>
      %slice3A_995 = vector.extract_strided_slice %get3A_499 {offsets = [8], sizes = [1], strides = [1]} : vector<16xf32> to vector<1xf32>
      %squeeze3A_996 = vector.extract %slice3A_995[0] : f32 from vector<1xf32>
      %mul3A_997 = vector.broadcast %squeeze3A_996 : f32 to vector<16xf32>
      %mul3A_998 = arith.mulf %mul3A_957, %mul3A_997 : vector<16xf32>
      %add3A_999 = arith.addf %add3A_947, %mul3A_998 : vector<16xf32>
      %slice3A_1000 = vector.extract_strided_slice %get3A_507 {offsets = [8], sizes = [1], strides = [1]} : vector<16xf32> to vector<1xf32>
      %squeeze3A_1001 = vector.extract %slice3A_1000[0] : f32 from vector<1xf32>
      %mul3A_1002 = vector.broadcast %squeeze3A_1001 : f32 to vector<16xf32>
      %mul3A_1003 = arith.mulf %mul3A_957, %mul3A_1002 : vector<16xf32>
      %add3A_1004 = arith.addf %add3A_952, %mul3A_1003 : vector<16xf32>
      %broadcast_in_dim3A_1005 = arith.constant 9 : i32
      %broadcast_in_dim3A_1006 = vector.broadcast %broadcast_in_dim3A_1005 : i32 to vector<16xi32>
      %gather3A_1007 = tpu.vector_load_idx %arg23[%add3A_523, %broadcast_in_dim3A_1006] : memref<512x32xf32, #tpu.memory_space<vmem>>[vector<16xi32>, vector<16xi32>], vector<16xf32>,
      %gather3A_1008 = tpu.vector_load_idx %arg24[%add3A_523, %broadcast_in_dim3A_1006] : memref<512x32xf32, #tpu.memory_space<vmem>>[vector<16xi32>, vector<16xi32>], vector<16xf32>,
      %mul3A_1009 = arith.mulf %gather3A_1007, %gather3A_1008 : vector<16xf32>
      %add3A_1010 = arith.addf %add3A_958, %mul3A_1009 : vector<16xf32>
      %gather3A_1011 = tpu.vector_load_idx %arg25[%add3A_523, %broadcast_in_dim3A_1006] : memref<512x32xf32, #tpu.memory_space<vmem>>[vector<16xi32>, vector<16xi32>], vector<16xf32>,
      %gather3A_1012 = tpu.vector_load_idx %arg26[%add3A_523, %broadcast_in_dim3A_1006] : memref<512x32xf32, #tpu.memory_space<vmem>>[vector<16xi32>, vector<16xi32>], vector<16xf32>,
      %gather3A_1013 = tpu.vector_load_idx %arg31[%get3A_527, %broadcast_in_dim3A_1006] : memref<8x32xf32, #tpu.memory_space<vmem>>[vector<16xi32>, vector<16xi32>], vector<16xf32>,
      %mul3A_1014 = arith.mulf %gather3A_1011, %gather3A_1012 : vector<16xf32>
      %mul3A_1015 = arith.mulf %mul3A_1014, %gather3A_1013 : vector<16xf32>
      %add3A_1016 = arith.addf %add3A_964, %mul3A_1015 : vector<16xf32>
      %slice3A_1017 = vector.extract_strided_slice %get3A_451 {offsets = [9], sizes = [1], strides = [1]} : vector<16xf32> to vector<1xf32>
      %squeeze3A_1018 = vector.extract %slice3A_1017[0] : f32 from vector<1xf32>
      %mul3A_1019 = vector.broadcast %squeeze3A_1018 : f32 to vector<16xf32>
      %mul3A_1020 = arith.mulf %mul3A_1009, %mul3A_1019 : vector<16xf32>
      %add3A_1021 = arith.addf %add3A_969, %mul3A_1020 : vector<16xf32>
      %slice3A_1022 = vector.extract_strided_slice %get3A_459 {offsets = [9], sizes = [1], strides = [1]} : vector<16xf32> to vector<1xf32>
      %squeeze3A_1023 = vector.extract %slice3A_1022[0] : f32 from vector<1xf32>
      %mul3A_1024 = vector.broadcast %squeeze3A_1023 : f32 to vector<16xf32>
      %mul3A_1025 = arith.mulf %mul3A_1009, %mul3A_1024 : vector<16xf32>
      %add3A_1026 = arith.addf %add3A_974, %mul3A_1025 : vector<16xf32>
      %slice3A_1027 = vector.extract_strided_slice %get3A_467 {offsets = [9], sizes = [1], strides = [1]} : vector<16xf32> to vector<1xf32>
      %squeeze3A_1028 = vector.extract %slice3A_1027[0] : f32 from vector<1xf32>
      %mul3A_1029 = vector.broadcast %squeeze3A_1028 : f32 to vector<16xf32>
      %mul3A_1030 = arith.mulf %mul3A_1009, %mul3A_1029 : vector<16xf32>
      %add3A_1031 = arith.addf %add3A_979, %mul3A_1030 : vector<16xf32>
      %slice3A_1032 = vector.extract_strided_slice %get3A_475 {offsets = [9], sizes = [1], strides = [1]} : vector<16xf32> to vector<1xf32>
      %squeeze3A_1033 = vector.extract %slice3A_1032[0] : f32 from vector<1xf32>
      %mul3A_1034 = vector.broadcast %squeeze3A_1033 : f32 to vector<16xf32>
      %mul3A_1035 = arith.mulf %mul3A_1009, %mul3A_1034 : vector<16xf32>
      %add3A_1036 = arith.addf %add3A_984, %mul3A_1035 : vector<16xf32>
      %slice3A_1037 = vector.extract_strided_slice %get3A_483 {offsets = [9], sizes = [1], strides = [1]} : vector<16xf32> to vector<1xf32>
      %squeeze3A_1038 = vector.extract %slice3A_1037[0] : f32 from vector<1xf32>
      %mul3A_1039 = vector.broadcast %squeeze3A_1038 : f32 to vector<16xf32>
      %mul3A_1040 = arith.mulf %mul3A_1009, %mul3A_1039 : vector<16xf32>
      %add3A_1041 = arith.addf %add3A_989, %mul3A_1040 : vector<16xf32>
      %slice3A_1042 = vector.extract_strided_slice %get3A_491 {offsets = [9], sizes = [1], strides = [1]} : vector<16xf32> to vector<1xf32>
      %squeeze3A_1043 = vector.extract %slice3A_1042[0] : f32 from vector<1xf32>
      %mul3A_1044 = vector.broadcast %squeeze3A_1043 : f32 to vector<16xf32>
      %mul3A_1045 = arith.mulf %mul3A_1009, %mul3A_1044 : vector<16xf32>
      %add3A_1046 = arith.addf %add3A_994, %mul3A_1045 : vector<16xf32>
      %slice3A_1047 = vector.extract_strided_slice %get3A_499 {offsets = [9], sizes = [1], strides = [1]} : vector<16xf32> to vector<1xf32>
      %squeeze3A_1048 = vector.extract %slice3A_1047[0] : f32 from vector<1xf32>
      %mul3A_1049 = vector.broadcast %squeeze3A_1048 : f32 to vector<16xf32>
      %mul3A_1050 = arith.mulf %mul3A_1009, %mul3A_1049 : vector<16xf32>
      %add3A_1051 = arith.addf %add3A_999, %mul3A_1050 : vector<16xf32>
      %slice3A_1052 = vector.extract_strided_slice %get3A_507 {offsets = [9], sizes = [1], strides = [1]} : vector<16xf32> to vector<1xf32>
      %squeeze3A_1053 = vector.extract %slice3A_1052[0] : f32 from vector<1xf32>
      %mul3A_1054 = vector.broadcast %squeeze3A_1053 : f32 to vector<16xf32>
      %mul3A_1055 = arith.mulf %mul3A_1009, %mul3A_1054 : vector<16xf32>
      %add3A_1056 = arith.addf %add3A_1004, %mul3A_1055 : vector<16xf32>
      %broadcast_in_dim3A_1057 = arith.constant 10 : i32
      %broadcast_in_dim3A_1058 = vector.broadcast %broadcast_in_dim3A_1057 : i32 to vector<16xi32>
      %gather3A_1059 = tpu.vector_load_idx %arg23[%add3A_523, %broadcast_in_dim3A_1058] : memref<512x32xf32, #tpu.memory_space<vmem>>[vector<16xi32>, vector<16xi32>], vector<16xf32>,
      %gather3A_1060 = tpu.vector_load_idx %arg24[%add3A_523, %broadcast_in_dim3A_1058] : memref<512x32xf32, #tpu.memory_space<vmem>>[vector<16xi32>, vector<16xi32>], vector<16xf32>,
      %mul3A_1061 = arith.mulf %gather3A_1059, %gather3A_1060 : vector<16xf32>
      %add3A_1062 = arith.addf %add3A_1010, %mul3A_1061 : vector<16xf32>
      %gather3A_1063 = tpu.vector_load_idx %arg25[%add3A_523, %broadcast_in_dim3A_1058] : memref<512x32xf32, #tpu.memory_space<vmem>>[vector<16xi32>, vector<16xi32>], vector<16xf32>,
      %gather3A_1064 = tpu.vector_load_idx %arg26[%add3A_523, %broadcast_in_dim3A_1058] : memref<512x32xf32, #tpu.memory_space<vmem>>[vector<16xi32>, vector<16xi32>], vector<16xf32>,
      %gather3A_1065 = tpu.vector_load_idx %arg31[%get3A_527, %broadcast_in_dim3A_1058] : memref<8x32xf32, #tpu.memory_space<vmem>>[vector<16xi32>, vector<16xi32>], vector<16xf32>,
      %mul3A_1066 = arith.mulf %gather3A_1063, %gather3A_1064 : vector<16xf32>
      %mul3A_1067 = arith.mulf %mul3A_1066, %gather3A_1065 : vector<16xf32>
      %add3A_1068 = arith.addf %add3A_1016, %mul3A_1067 : vector<16xf32>
      %slice3A_1069 = vector.extract_strided_slice %get3A_451 {offsets = [10], sizes = [1], strides = [1]} : vector<16xf32> to vector<1xf32>
      %squeeze3A_1070 = vector.extract %slice3A_1069[0] : f32 from vector<1xf32>
      %mul3A_1071 = vector.broadcast %squeeze3A_1070 : f32 to vector<16xf32>
      %mul3A_1072 = arith.mulf %mul3A_1061, %mul3A_1071 : vector<16xf32>
      %add3A_1073 = arith.addf %add3A_1021, %mul3A_1072 : vector<16xf32>
      %slice3A_1074 = vector.extract_strided_slice %get3A_459 {offsets = [10], sizes = [1], strides = [1]} : vector<16xf32> to vector<1xf32>
      %squeeze3A_1075 = vector.extract %slice3A_1074[0] : f32 from vector<1xf32>
      %mul3A_1076 = vector.broadcast %squeeze3A_1075 : f32 to vector<16xf32>
      %mul3A_1077 = arith.mulf %mul3A_1061, %mul3A_1076 : vector<16xf32>
      %add3A_1078 = arith.addf %add3A_1026, %mul3A_1077 : vector<16xf32>
      %slice3A_1079 = vector.extract_strided_slice %get3A_467 {offsets = [10], sizes = [1], strides = [1]} : vector<16xf32> to vector<1xf32>
      %squeeze3A_1080 = vector.extract %slice3A_1079[0] : f32 from vector<1xf32>
      %mul3A_1081 = vector.broadcast %squeeze3A_1080 : f32 to vector<16xf32>
      %mul3A_1082 = arith.mulf %mul3A_1061, %mul3A_1081 : vector<16xf32>
      %add3A_1083 = arith.addf %add3A_1031, %mul3A_1082 : vector<16xf32>
      %slice3A_1084 = vector.extract_strided_slice %get3A_475 {offsets = [10], sizes = [1], strides = [1]} : vector<16xf32> to vector<1xf32>
      %squeeze3A_1085 = vector.extract %slice3A_1084[0] : f32 from vector<1xf32>
      %mul3A_1086 = vector.broadcast %squeeze3A_1085 : f32 to vector<16xf32>
      %mul3A_1087 = arith.mulf %mul3A_1061, %mul3A_1086 : vector<16xf32>
      %add3A_1088 = arith.addf %add3A_1036, %mul3A_1087 : vector<16xf32>
      %slice3A_1089 = vector.extract_strided_slice %get3A_483 {offsets = [10], sizes = [1], strides = [1]} : vector<16xf32> to vector<1xf32>
      %squeeze3A_1090 = vector.extract %slice3A_1089[0] : f32 from vector<1xf32>
      %mul3A_1091 = vector.broadcast %squeeze3A_1090 : f32 to vector<16xf32>
      %mul3A_1092 = arith.mulf %mul3A_1061, %mul3A_1091 : vector<16xf32>
      %add3A_1093 = arith.addf %add3A_1041, %mul3A_1092 : vector<16xf32>
      %slice3A_1094 = vector.extract_strided_slice %get3A_491 {offsets = [10], sizes = [1], strides = [1]} : vector<16xf32> to vector<1xf32>
      %squeeze3A_1095 = vector.extract %slice3A_1094[0] : f32 from vector<1xf32>
      %mul3A_1096 = vector.broadcast %squeeze3A_1095 : f32 to vector<16xf32>
      %mul3A_1097 = arith.mulf %mul3A_1061, %mul3A_1096 : vector<16xf32>
      %add3A_1098 = arith.addf %add3A_1046, %mul3A_1097 : vector<16xf32>
      %slice3A_1099 = vector.extract_strided_slice %get3A_499 {offsets = [10], sizes = [1], strides = [1]} : vector<16xf32> to vector<1xf32>
      %squeeze3A_1100 = vector.extract %slice3A_1099[0] : f32 from vector<1xf32>
      %mul3A_1101 = vector.broadcast %squeeze3A_1100 : f32 to vector<16xf32>
      %mul3A_1102 = arith.mulf %mul3A_1061, %mul3A_1101 : vector<16xf32>
      %add3A_1103 = arith.addf %add3A_1051, %mul3A_1102 : vector<16xf32>
      %slice3A_1104 = vector.extract_strided_slice %get3A_507 {offsets = [10], sizes = [1], strides = [1]} : vector<16xf32> to vector<1xf32>
      %squeeze3A_1105 = vector.extract %slice3A_1104[0] : f32 from vector<1xf32>
      %mul3A_1106 = vector.broadcast %squeeze3A_1105 : f32 to vector<16xf32>
      %mul3A_1107 = arith.mulf %mul3A_1061, %mul3A_1106 : vector<16xf32>
      %add3A_1108 = arith.addf %add3A_1056, %mul3A_1107 : vector<16xf32>
      %broadcast_in_dim3A_1109 = arith.constant 11 : i32
      %broadcast_in_dim3A_1110 = vector.broadcast %broadcast_in_dim3A_1109 : i32 to vector<16xi32>
      %gather3A_1111 = tpu.vector_load_idx %arg23[%add3A_523, %broadcast_in_dim3A_1110] : memref<512x32xf32, #tpu.memory_space<vmem>>[vector<16xi32>, vector<16xi32>], vector<16xf32>,
      %gather3A_1112 = tpu.vector_load_idx %arg24[%add3A_523, %broadcast_in_dim3A_1110] : memref<512x32xf32, #tpu.memory_space<vmem>>[vector<16xi32>, vector<16xi32>], vector<16xf32>,
      %mul3A_1113 = arith.mulf %gather3A_1111, %gather3A_1112 : vector<16xf32>
      %add3A_1114 = arith.addf %add3A_1062, %mul3A_1113 : vector<16xf32>
      %gather3A_1115 = tpu.vector_load_idx %arg25[%add3A_523, %broadcast_in_dim3A_1110] : memref<512x32xf32, #tpu.memory_space<vmem>>[vector<16xi32>, vector<16xi32>], vector<16xf32>,
      %gather3A_1116 = tpu.vector_load_idx %arg26[%add3A_523, %broadcast_in_dim3A_1110] : memref<512x32xf32, #tpu.memory_space<vmem>>[vector<16xi32>, vector<16xi32>], vector<16xf32>,
      %gather3A_1117 = tpu.vector_load_idx %arg31[%get3A_527, %broadcast_in_dim3A_1110] : memref<8x32xf32, #tpu.memory_space<vmem>>[vector<16xi32>, vector<16xi32>], vector<16xf32>,
      %mul3A_1118 = arith.mulf %gather3A_1115, %gather3A_1116 : vector<16xf32>
      %mul3A_1119 = arith.mulf %mul3A_1118, %gather3A_1117 : vector<16xf32>
      %add3A_1120 = arith.addf %add3A_1068, %mul3A_1119 : vector<16xf32>
      %slice3A_1121 = vector.extract_strided_slice %get3A_451 {offsets = [11], sizes = [1], strides = [1]} : vector<16xf32> to vector<1xf32>
      %squeeze3A_1122 = vector.extract %slice3A_1121[0] : f32 from vector<1xf32>
      %mul3A_1123 = vector.broadcast %squeeze3A_1122 : f32 to vector<16xf32>
      %mul3A_1124 = arith.mulf %mul3A_1113, %mul3A_1123 : vector<16xf32>
      %add3A_1125 = arith.addf %add3A_1073, %mul3A_1124 : vector<16xf32>
      %slice3A_1126 = vector.extract_strided_slice %get3A_459 {offsets = [11], sizes = [1], strides = [1]} : vector<16xf32> to vector<1xf32>
      %squeeze3A_1127 = vector.extract %slice3A_1126[0] : f32 from vector<1xf32>
      %mul3A_1128 = vector.broadcast %squeeze3A_1127 : f32 to vector<16xf32>
      %mul3A_1129 = arith.mulf %mul3A_1113, %mul3A_1128 : vector<16xf32>
      %add3A_1130 = arith.addf %add3A_1078, %mul3A_1129 : vector<16xf32>
      %slice3A_1131 = vector.extract_strided_slice %get3A_467 {offsets = [11], sizes = [1], strides = [1]} : vector<16xf32> to vector<1xf32>
      %squeeze3A_1132 = vector.extract %slice3A_1131[0] : f32 from vector<1xf32>
      %mul3A_1133 = vector.broadcast %squeeze3A_1132 : f32 to vector<16xf32>
      %mul3A_1134 = arith.mulf %mul3A_1113, %mul3A_1133 : vector<16xf32>
      %add3A_1135 = arith.addf %add3A_1083, %mul3A_1134 : vector<16xf32>
      %slice3A_1136 = vector.extract_strided_slice %get3A_475 {offsets = [11], sizes = [1], strides = [1]} : vector<16xf32> to vector<1xf32>
      %squeeze3A_1137 = vector.extract %slice3A_1136[0] : f32 from vector<1xf32>
      %mul3A_1138 = vector.broadcast %squeeze3A_1137 : f32 to vector<16xf32>
      %mul3A_1139 = arith.mulf %mul3A_1113, %mul3A_1138 : vector<16xf32>
      %add3A_1140 = arith.addf %add3A_1088, %mul3A_1139 : vector<16xf32>
      %slice3A_1141 = vector.extract_strided_slice %get3A_483 {offsets = [11], sizes = [1], strides = [1]} : vector<16xf32> to vector<1xf32>
      %squeeze3A_1142 = vector.extract %slice3A_1141[0] : f32 from vector<1xf32>
      %mul3A_1143 = vector.broadcast %squeeze3A_1142 : f32 to vector<16xf32>
      %mul3A_1144 = arith.mulf %mul3A_1113, %mul3A_1143 : vector<16xf32>
      %add3A_1145 = arith.addf %add3A_1093, %mul3A_1144 : vector<16xf32>
      %slice3A_1146 = vector.extract_strided_slice %get3A_491 {offsets = [11], sizes = [1], strides = [1]} : vector<16xf32> to vector<1xf32>
      %squeeze3A_1147 = vector.extract %slice3A_1146[0] : f32 from vector<1xf32>
      %mul3A_1148 = vector.broadcast %squeeze3A_1147 : f32 to vector<16xf32>
      %mul3A_1149 = arith.mulf %mul3A_1113, %mul3A_1148 : vector<16xf32>
      %add3A_1150 = arith.addf %add3A_1098, %mul3A_1149 : vector<16xf32>
      %slice3A_1151 = vector.extract_strided_slice %get3A_499 {offsets = [11], sizes = [1], strides = [1]} : vector<16xf32> to vector<1xf32>
      %squeeze3A_1152 = vector.extract %slice3A_1151[0] : f32 from vector<1xf32>
      %mul3A_1153 = vector.broadcast %squeeze3A_1152 : f32 to vector<16xf32>
      %mul3A_1154 = arith.mulf %mul3A_1113, %mul3A_1153 : vector<16xf32>
      %add3A_1155 = arith.addf %add3A_1103, %mul3A_1154 : vector<16xf32>
      %slice3A_1156 = vector.extract_strided_slice %get3A_507 {offsets = [11], sizes = [1], strides = [1]} : vector<16xf32> to vector<1xf32>
      %squeeze3A_1157 = vector.extract %slice3A_1156[0] : f32 from vector<1xf32>
      %mul3A_1158 = vector.broadcast %squeeze3A_1157 : f32 to vector<16xf32>
      %mul3A_1159 = arith.mulf %mul3A_1113, %mul3A_1158 : vector<16xf32>
      %add3A_1160 = arith.addf %add3A_1108, %mul3A_1159 : vector<16xf32>
      %broadcast_in_dim3A_1161 = arith.constant 12 : i32
      %broadcast_in_dim3A_1162 = vector.broadcast %broadcast_in_dim3A_1161 : i32 to vector<16xi32>
      %gather3A_1163 = tpu.vector_load_idx %arg23[%add3A_523, %broadcast_in_dim3A_1162] : memref<512x32xf32, #tpu.memory_space<vmem>>[vector<16xi32>, vector<16xi32>], vector<16xf32>,
      %gather3A_1164 = tpu.vector_load_idx %arg24[%add3A_523, %broadcast_in_dim3A_1162] : memref<512x32xf32, #tpu.memory_space<vmem>>[vector<16xi32>, vector<16xi32>], vector<16xf32>,
      %mul3A_1165 = arith.mulf %gather3A_1163, %gather3A_1164 : vector<16xf32>
      %add3A_1166 = arith.addf %add3A_1114, %mul3A_1165 : vector<16xf32>
      %gather3A_1167 = tpu.vector_load_idx %arg25[%add3A_523, %broadcast_in_dim3A_1162] : memref<512x32xf32, #tpu.memory_space<vmem>>[vector<16xi32>, vector<16xi32>], vector<16xf32>,
      %gather3A_1168 = tpu.vector_load_idx %arg26[%add3A_523, %broadcast_in_dim3A_1162] : memref<512x32xf32, #tpu.memory_space<vmem>>[vector<16xi32>, vector<16xi32>], vector<16xf32>,
      %gather3A_1169 = tpu.vector_load_idx %arg31[%get3A_527, %broadcast_in_dim3A_1162] : memref<8x32xf32, #tpu.memory_space<vmem>>[vector<16xi32>, vector<16xi32>], vector<16xf32>,
      %mul3A_1170 = arith.mulf %gather3A_1167, %gather3A_1168 : vector<16xf32>
      %mul3A_1171 = arith.mulf %mul3A_1170, %gather3A_1169 : vector<16xf32>
      %add3A_1172 = arith.addf %add3A_1120, %mul3A_1171 : vector<16xf32>
      %slice3A_1173 = vector.extract_strided_slice %get3A_451 {offsets = [12], sizes = [1], strides = [1]} : vector<16xf32> to vector<1xf32>
      %squeeze3A_1174 = vector.extract %slice3A_1173[0] : f32 from vector<1xf32>
      %mul3A_1175 = vector.broadcast %squeeze3A_1174 : f32 to vector<16xf32>
      %mul3A_1176 = arith.mulf %mul3A_1165, %mul3A_1175 : vector<16xf32>
      %add3A_1177 = arith.addf %add3A_1125, %mul3A_1176 : vector<16xf32>
      %slice3A_1178 = vector.extract_strided_slice %get3A_459 {offsets = [12], sizes = [1], strides = [1]} : vector<16xf32> to vector<1xf32>
      %squeeze3A_1179 = vector.extract %slice3A_1178[0] : f32 from vector<1xf32>
      %mul3A_1180 = vector.broadcast %squeeze3A_1179 : f32 to vector<16xf32>
      %mul3A_1181 = arith.mulf %mul3A_1165, %mul3A_1180 : vector<16xf32>
      %add3A_1182 = arith.addf %add3A_1130, %mul3A_1181 : vector<16xf32>
      %slice3A_1183 = vector.extract_strided_slice %get3A_467 {offsets = [12], sizes = [1], strides = [1]} : vector<16xf32> to vector<1xf32>
      %squeeze3A_1184 = vector.extract %slice3A_1183[0] : f32 from vector<1xf32>
      %mul3A_1185 = vector.broadcast %squeeze3A_1184 : f32 to vector<16xf32>
      %mul3A_1186 = arith.mulf %mul3A_1165, %mul3A_1185 : vector<16xf32>
      %add3A_1187 = arith.addf %add3A_1135, %mul3A_1186 : vector<16xf32>
      %slice3A_1188 = vector.extract_strided_slice %get3A_475 {offsets = [12], sizes = [1], strides = [1]} : vector<16xf32> to vector<1xf32>
      %squeeze3A_1189 = vector.extract %slice3A_1188[0] : f32 from vector<1xf32>
      %mul3A_1190 = vector.broadcast %squeeze3A_1189 : f32 to vector<16xf32>
      %mul3A_1191 = arith.mulf %mul3A_1165, %mul3A_1190 : vector<16xf32>
      %add3A_1192 = arith.addf %add3A_1140, %mul3A_1191 : vector<16xf32>
      %slice3A_1193 = vector.extract_strided_slice %get3A_483 {offsets = [12], sizes = [1], strides = [1]} : vector<16xf32> to vector<1xf32>
      %squeeze3A_1194 = vector.extract %slice3A_1193[0] : f32 from vector<1xf32>
      %mul3A_1195 = vector.broadcast %squeeze3A_1194 : f32 to vector<16xf32>
      %mul3A_1196 = arith.mulf %mul3A_1165, %mul3A_1195 : vector<16xf32>
      %add3A_1197 = arith.addf %add3A_1145, %mul3A_1196 : vector<16xf32>
      %slice3A_1198 = vector.extract_strided_slice %get3A_491 {offsets = [12], sizes = [1], strides = [1]} : vector<16xf32> to vector<1xf32>
      %squeeze3A_1199 = vector.extract %slice3A_1198[0] : f32 from vector<1xf32>
      %mul3A_1200 = vector.broadcast %squeeze3A_1199 : f32 to vector<16xf32>
      %mul3A_1201 = arith.mulf %mul3A_1165, %mul3A_1200 : vector<16xf32>
      %add3A_1202 = arith.addf %add3A_1150, %mul3A_1201 : vector<16xf32>
      %slice3A_1203 = vector.extract_strided_slice %get3A_499 {offsets = [12], sizes = [1], strides = [1]} : vector<16xf32> to vector<1xf32>
      %squeeze3A_1204 = vector.extract %slice3A_1203[0] : f32 from vector<1xf32>
      %mul3A_1205 = vector.broadcast %squeeze3A_1204 : f32 to vector<16xf32>
      %mul3A_1206 = arith.mulf %mul3A_1165, %mul3A_1205 : vector<16xf32>
      %add3A_1207 = arith.addf %add3A_1155, %mul3A_1206 : vector<16xf32>
      %slice3A_1208 = vector.extract_strided_slice %get3A_507 {offsets = [12], sizes = [1], strides = [1]} : vector<16xf32> to vector<1xf32>
      %squeeze3A_1209 = vector.extract %slice3A_1208[0] : f32 from vector<1xf32>
      %mul3A_1210 = vector.broadcast %squeeze3A_1209 : f32 to vector<16xf32>
      %mul3A_1211 = arith.mulf %mul3A_1165, %mul3A_1210 : vector<16xf32>
      %add3A_1212 = arith.addf %add3A_1160, %mul3A_1211 : vector<16xf32>
      %broadcast_in_dim3A_1213 = arith.constant 13 : i32
      %broadcast_in_dim3A_1214 = vector.broadcast %broadcast_in_dim3A_1213 : i32 to vector<16xi32>
      %gather3A_1215 = tpu.vector_load_idx %arg23[%add3A_523, %broadcast_in_dim3A_1214] : memref<512x32xf32, #tpu.memory_space<vmem>>[vector<16xi32>, vector<16xi32>], vector<16xf32>,
      %gather3A_1216 = tpu.vector_load_idx %arg24[%add3A_523, %broadcast_in_dim3A_1214] : memref<512x32xf32, #tpu.memory_space<vmem>>[vector<16xi32>, vector<16xi32>], vector<16xf32>,
      %mul3A_1217 = arith.mulf %gather3A_1215, %gather3A_1216 : vector<16xf32>
      %add3A_1218 = arith.addf %add3A_1166, %mul3A_1217 : vector<16xf32>
      %gather3A_1219 = tpu.vector_load_idx %arg25[%add3A_523, %broadcast_in_dim3A_1214] : memref<512x32xf32, #tpu.memory_space<vmem>>[vector<16xi32>, vector<16xi32>], vector<16xf32>,
      %gather3A_1220 = tpu.vector_load_idx %arg26[%add3A_523, %broadcast_in_dim3A_1214] : memref<512x32xf32, #tpu.memory_space<vmem>>[vector<16xi32>, vector<16xi32>], vector<16xf32>,
      %gather3A_1221 = tpu.vector_load_idx %arg31[%get3A_527, %broadcast_in_dim3A_1214] : memref<8x32xf32, #tpu.memory_space<vmem>>[vector<16xi32>, vector<16xi32>], vector<16xf32>,
      %mul3A_1222 = arith.mulf %gather3A_1219, %gather3A_1220 : vector<16xf32>
      %mul3A_1223 = arith.mulf %mul3A_1222, %gather3A_1221 : vector<16xf32>
      %add3A_1224 = arith.addf %add3A_1172, %mul3A_1223 : vector<16xf32>
      %slice3A_1225 = vector.extract_strided_slice %get3A_451 {offsets = [13], sizes = [1], strides = [1]} : vector<16xf32> to vector<1xf32>
      %squeeze3A_1226 = vector.extract %slice3A_1225[0] : f32 from vector<1xf32>
      %mul3A_1227 = vector.broadcast %squeeze3A_1226 : f32 to vector<16xf32>
      %mul3A_1228 = arith.mulf %mul3A_1217, %mul3A_1227 : vector<16xf32>
      %add3A_1229 = arith.addf %add3A_1177, %mul3A_1228 : vector<16xf32>
      %slice3A_1230 = vector.extract_strided_slice %get3A_459 {offsets = [13], sizes = [1], strides = [1]} : vector<16xf32> to vector<1xf32>
      %squeeze3A_1231 = vector.extract %slice3A_1230[0] : f32 from vector<1xf32>
      %mul3A_1232 = vector.broadcast %squeeze3A_1231 : f32 to vector<16xf32>
      %mul3A_1233 = arith.mulf %mul3A_1217, %mul3A_1232 : vector<16xf32>
      %add3A_1234 = arith.addf %add3A_1182, %mul3A_1233 : vector<16xf32>
      %slice3A_1235 = vector.extract_strided_slice %get3A_467 {offsets = [13], sizes = [1], strides = [1]} : vector<16xf32> to vector<1xf32>
      %squeeze3A_1236 = vector.extract %slice3A_1235[0] : f32 from vector<1xf32>
      %mul3A_1237 = vector.broadcast %squeeze3A_1236 : f32 to vector<16xf32>
      %mul3A_1238 = arith.mulf %mul3A_1217, %mul3A_1237 : vector<16xf32>
      %add3A_1239 = arith.addf %add3A_1187, %mul3A_1238 : vector<16xf32>
      %slice3A_1240 = vector.extract_strided_slice %get3A_475 {offsets = [13], sizes = [1], strides = [1]} : vector<16xf32> to vector<1xf32>
      %squeeze3A_1241 = vector.extract %slice3A_1240[0] : f32 from vector<1xf32>
      %mul3A_1242 = vector.broadcast %squeeze3A_1241 : f32 to vector<16xf32>
      %mul3A_1243 = arith.mulf %mul3A_1217, %mul3A_1242 : vector<16xf32>
      %add3A_1244 = arith.addf %add3A_1192, %mul3A_1243 : vector<16xf32>
      %slice3A_1245 = vector.extract_strided_slice %get3A_483 {offsets = [13], sizes = [1], strides = [1]} : vector<16xf32> to vector<1xf32>
      %squeeze3A_1246 = vector.extract %slice3A_1245[0] : f32 from vector<1xf32>
      %mul3A_1247 = vector.broadcast %squeeze3A_1246 : f32 to vector<16xf32>
      %mul3A_1248 = arith.mulf %mul3A_1217, %mul3A_1247 : vector<16xf32>
      %add3A_1249 = arith.addf %add3A_1197, %mul3A_1248 : vector<16xf32>
      %slice3A_1250 = vector.extract_strided_slice %get3A_491 {offsets = [13], sizes = [1], strides = [1]} : vector<16xf32> to vector<1xf32>
      %squeeze3A_1251 = vector.extract %slice3A_1250[0] : f32 from vector<1xf32>
      %mul3A_1252 = vector.broadcast %squeeze3A_1251 : f32 to vector<16xf32>
      %mul3A_1253 = arith.mulf %mul3A_1217, %mul3A_1252 : vector<16xf32>
      %add3A_1254 = arith.addf %add3A_1202, %mul3A_1253 : vector<16xf32>
      %slice3A_1255 = vector.extract_strided_slice %get3A_499 {offsets = [13], sizes = [1], strides = [1]} : vector<16xf32> to vector<1xf32>
      %squeeze3A_1256 = vector.extract %slice3A_1255[0] : f32 from vector<1xf32>
      %mul3A_1257 = vector.broadcast %squeeze3A_1256 : f32 to vector<16xf32>
      %mul3A_1258 = arith.mulf %mul3A_1217, %mul3A_1257 : vector<16xf32>
      %add3A_1259 = arith.addf %add3A_1207, %mul3A_1258 : vector<16xf32>
      %slice3A_1260 = vector.extract_strided_slice %get3A_507 {offsets = [13], sizes = [1], strides = [1]} : vector<16xf32> to vector<1xf32>
      %squeeze3A_1261 = vector.extract %slice3A_1260[0] : f32 from vector<1xf32>
      %mul3A_1262 = vector.broadcast %squeeze3A_1261 : f32 to vector<16xf32>
      %mul3A_1263 = arith.mulf %mul3A_1217, %mul3A_1262 : vector<16xf32>
      %add3A_1264 = arith.addf %add3A_1212, %mul3A_1263 : vector<16xf32>
      %broadcast_in_dim3A_1265 = arith.constant 14 : i32
      %broadcast_in_dim3A_1266 = vector.broadcast %broadcast_in_dim3A_1265 : i32 to vector<16xi32>
      %gather3A_1267 = tpu.vector_load_idx %arg23[%add3A_523, %broadcast_in_dim3A_1266] : memref<512x32xf32, #tpu.memory_space<vmem>>[vector<16xi32>, vector<16xi32>], vector<16xf32>,
      %gather3A_1268 = tpu.vector_load_idx %arg24[%add3A_523, %broadcast_in_dim3A_1266] : memref<512x32xf32, #tpu.memory_space<vmem>>[vector<16xi32>, vector<16xi32>], vector<16xf32>,
      %mul3A_1269 = arith.mulf %gather3A_1267, %gather3A_1268 : vector<16xf32>
      %add3A_1270 = arith.addf %add3A_1218, %mul3A_1269 : vector<16xf32>
      %gather3A_1271 = tpu.vector_load_idx %arg25[%add3A_523, %broadcast_in_dim3A_1266] : memref<512x32xf32, #tpu.memory_space<vmem>>[vector<16xi32>, vector<16xi32>], vector<16xf32>,
      %gather3A_1272 = tpu.vector_load_idx %arg26[%add3A_523, %broadcast_in_dim3A_1266] : memref<512x32xf32, #tpu.memory_space<vmem>>[vector<16xi32>, vector<16xi32>], vector<16xf32>,
      %gather3A_1273 = tpu.vector_load_idx %arg31[%get3A_527, %broadcast_in_dim3A_1266] : memref<8x32xf32, #tpu.memory_space<vmem>>[vector<16xi32>, vector<16xi32>], vector<16xf32>,
      %mul3A_1274 = arith.mulf %gather3A_1271, %gather3A_1272 : vector<16xf32>
      %mul3A_1275 = arith.mulf %mul3A_1274, %gather3A_1273 : vector<16xf32>
      %add3A_1276 = arith.addf %add3A_1224, %mul3A_1275 : vector<16xf32>
      %slice3A_1277 = vector.extract_strided_slice %get3A_451 {offsets = [14], sizes = [1], strides = [1]} : vector<16xf32> to vector<1xf32>
      %squeeze3A_1278 = vector.extract %slice3A_1277[0] : f32 from vector<1xf32>
      %mul3A_1279 = vector.broadcast %squeeze3A_1278 : f32 to vector<16xf32>
      %mul3A_1280 = arith.mulf %mul3A_1269, %mul3A_1279 : vector<16xf32>
      %add3A_1281 = arith.addf %add3A_1229, %mul3A_1280 : vector<16xf32>
      %slice3A_1282 = vector.extract_strided_slice %get3A_459 {offsets = [14], sizes = [1], strides = [1]} : vector<16xf32> to vector<1xf32>
      %squeeze3A_1283 = vector.extract %slice3A_1282[0] : f32 from vector<1xf32>
      %mul3A_1284 = vector.broadcast %squeeze3A_1283 : f32 to vector<16xf32>
      %mul3A_1285 = arith.mulf %mul3A_1269, %mul3A_1284 : vector<16xf32>
      %add3A_1286 = arith.addf %add3A_1234, %mul3A_1285 : vector<16xf32>
      %slice3A_1287 = vector.extract_strided_slice %get3A_467 {offsets = [14], sizes = [1], strides = [1]} : vector<16xf32> to vector<1xf32>
      %squeeze3A_1288 = vector.extract %slice3A_1287[0] : f32 from vector<1xf32>
      %mul3A_1289 = vector.broadcast %squeeze3A_1288 : f32 to vector<16xf32>
      %mul3A_1290 = arith.mulf %mul3A_1269, %mul3A_1289 : vector<16xf32>
      %add3A_1291 = arith.addf %add3A_1239, %mul3A_1290 : vector<16xf32>
      %slice3A_1292 = vector.extract_strided_slice %get3A_475 {offsets = [14], sizes = [1], strides = [1]} : vector<16xf32> to vector<1xf32>
      %squeeze3A_1293 = vector.extract %slice3A_1292[0] : f32 from vector<1xf32>
      %mul3A_1294 = vector.broadcast %squeeze3A_1293 : f32 to vector<16xf32>
      %mul3A_1295 = arith.mulf %mul3A_1269, %mul3A_1294 : vector<16xf32>
      %add3A_1296 = arith.addf %add3A_1244, %mul3A_1295 : vector<16xf32>
      %slice3A_1297 = vector.extract_strided_slice %get3A_483 {offsets = [14], sizes = [1], strides = [1]} : vector<16xf32> to vector<1xf32>
      %squeeze3A_1298 = vector.extract %slice3A_1297[0] : f32 from vector<1xf32>
      %mul3A_1299 = vector.broadcast %squeeze3A_1298 : f32 to vector<16xf32>
      %mul3A_1300 = arith.mulf %mul3A_1269, %mul3A_1299 : vector<16xf32>
      %add3A_1301 = arith.addf %add3A_1249, %mul3A_1300 : vector<16xf32>
      %slice3A_1302 = vector.extract_strided_slice %get3A_491 {offsets = [14], sizes = [1], strides = [1]} : vector<16xf32> to vector<1xf32>
      %squeeze3A_1303 = vector.extract %slice3A_1302[0] : f32 from vector<1xf32>
      %mul3A_1304 = vector.broadcast %squeeze3A_1303 : f32 to vector<16xf32>
      %mul3A_1305 = arith.mulf %mul3A_1269, %mul3A_1304 : vector<16xf32>
      %add3A_1306 = arith.addf %add3A_1254, %mul3A_1305 : vector<16xf32>
      %slice3A_1307 = vector.extract_strided_slice %get3A_499 {offsets = [14], sizes = [1], strides = [1]} : vector<16xf32> to vector<1xf32>
      %squeeze3A_1308 = vector.extract %slice3A_1307[0] : f32 from vector<1xf32>
      %mul3A_1309 = vector.broadcast %squeeze3A_1308 : f32 to vector<16xf32>
      %mul3A_1310 = arith.mulf %mul3A_1269, %mul3A_1309 : vector<16xf32>
      %add3A_1311 = arith.addf %add3A_1259, %mul3A_1310 : vector<16xf32>
      %slice3A_1312 = vector.extract_strided_slice %get3A_507 {offsets = [14], sizes = [1], strides = [1]} : vector<16xf32> to vector<1xf32>
      %squeeze3A_1313 = vector.extract %slice3A_1312[0] : f32 from vector<1xf32>
      %mul3A_1314 = vector.broadcast %squeeze3A_1313 : f32 to vector<16xf32>
      %mul3A_1315 = arith.mulf %mul3A_1269, %mul3A_1314 : vector<16xf32>
      %add3A_1316 = arith.addf %add3A_1264, %mul3A_1315 : vector<16xf32>
      %broadcast_in_dim3A_1317 = arith.constant 15 : i32
      %broadcast_in_dim3A_1318 = vector.broadcast %broadcast_in_dim3A_1317 : i32 to vector<16xi32>
      %gather3A_1319 = tpu.vector_load_idx %arg23[%add3A_523, %broadcast_in_dim3A_1318] : memref<512x32xf32, #tpu.memory_space<vmem>>[vector<16xi32>, vector<16xi32>], vector<16xf32>,
      %gather3A_1320 = tpu.vector_load_idx %arg24[%add3A_523, %broadcast_in_dim3A_1318] : memref<512x32xf32, #tpu.memory_space<vmem>>[vector<16xi32>, vector<16xi32>], vector<16xf32>,
      %mul3A_1321 = arith.mulf %gather3A_1319, %gather3A_1320 : vector<16xf32>
      %add3A_1322 = arith.addf %add3A_1270, %mul3A_1321 : vector<16xf32>
      %gather3A_1323 = tpu.vector_load_idx %arg25[%add3A_523, %broadcast_in_dim3A_1318] : memref<512x32xf32, #tpu.memory_space<vmem>>[vector<16xi32>, vector<16xi32>], vector<16xf32>,
      %gather3A_1324 = tpu.vector_load_idx %arg26[%add3A_523, %broadcast_in_dim3A_1318] : memref<512x32xf32, #tpu.memory_space<vmem>>[vector<16xi32>, vector<16xi32>], vector<16xf32>,
      %gather3A_1325 = tpu.vector_load_idx %arg31[%get3A_527, %broadcast_in_dim3A_1318] : memref<8x32xf32, #tpu.memory_space<vmem>>[vector<16xi32>, vector<16xi32>], vector<16xf32>,
      %mul3A_1326 = arith.mulf %gather3A_1323, %gather3A_1324 : vector<16xf32>
      %mul3A_1327 = arith.mulf %mul3A_1326, %gather3A_1325 : vector<16xf32>
      %add3A_1328 = arith.addf %add3A_1276, %mul3A_1327 : vector<16xf32>
      %slice3A_1329 = vector.extract_strided_slice %get3A_451 {offsets = [15], sizes = [1], strides = [1]} : vector<16xf32> to vector<1xf32>
      %squeeze3A_1330 = vector.extract %slice3A_1329[0] : f32 from vector<1xf32>
      %mul3A_1331 = vector.broadcast %squeeze3A_1330 : f32 to vector<16xf32>
      %mul3A_1332 = arith.mulf %mul3A_1321, %mul3A_1331 : vector<16xf32>
      %add3A_1333 = arith.addf %add3A_1281, %mul3A_1332 : vector<16xf32>
      %slice3A_1334 = vector.extract_strided_slice %get3A_459 {offsets = [15], sizes = [1], strides = [1]} : vector<16xf32> to vector<1xf32>
      %squeeze3A_1335 = vector.extract %slice3A_1334[0] : f32 from vector<1xf32>
      %mul3A_1336 = vector.broadcast %squeeze3A_1335 : f32 to vector<16xf32>
      %mul3A_1337 = arith.mulf %mul3A_1321, %mul3A_1336 : vector<16xf32>
      %add3A_1338 = arith.addf %add3A_1286, %mul3A_1337 : vector<16xf32>
      %slice3A_1339 = vector.extract_strided_slice %get3A_467 {offsets = [15], sizes = [1], strides = [1]} : vector<16xf32> to vector<1xf32>
      %squeeze3A_1340 = vector.extract %slice3A_1339[0] : f32 from vector<1xf32>
      %mul3A_1341 = vector.broadcast %squeeze3A_1340 : f32 to vector<16xf32>
      %mul3A_1342 = arith.mulf %mul3A_1321, %mul3A_1341 : vector<16xf32>
      %add3A_1343 = arith.addf %add3A_1291, %mul3A_1342 : vector<16xf32>
      %slice3A_1344 = vector.extract_strided_slice %get3A_475 {offsets = [15], sizes = [1], strides = [1]} : vector<16xf32> to vector<1xf32>
      %squeeze3A_1345 = vector.extract %slice3A_1344[0] : f32 from vector<1xf32>
      %mul3A_1346 = vector.broadcast %squeeze3A_1345 : f32 to vector<16xf32>
      %mul3A_1347 = arith.mulf %mul3A_1321, %mul3A_1346 : vector<16xf32>
      %add3A_1348 = arith.addf %add3A_1296, %mul3A_1347 : vector<16xf32>
      %slice3A_1349 = vector.extract_strided_slice %get3A_483 {offsets = [15], sizes = [1], strides = [1]} : vector<16xf32> to vector<1xf32>
      %squeeze3A_1350 = vector.extract %slice3A_1349[0] : f32 from vector<1xf32>
      %mul3A_1351 = vector.broadcast %squeeze3A_1350 : f32 to vector<16xf32>
      %mul3A_1352 = arith.mulf %mul3A_1321, %mul3A_1351 : vector<16xf32>
      %add3A_1353 = arith.addf %add3A_1301, %mul3A_1352 : vector<16xf32>
      %slice3A_1354 = vector.extract_strided_slice %get3A_491 {offsets = [15], sizes = [1], strides = [1]} : vector<16xf32> to vector<1xf32>
      %squeeze3A_1355 = vector.extract %slice3A_1354[0] : f32 from vector<1xf32>
      %mul3A_1356 = vector.broadcast %squeeze3A_1355 : f32 to vector<16xf32>
      %mul3A_1357 = arith.mulf %mul3A_1321, %mul3A_1356 : vector<16xf32>
      %add3A_1358 = arith.addf %add3A_1306, %mul3A_1357 : vector<16xf32>
      %slice3A_1359 = vector.extract_strided_slice %get3A_499 {offsets = [15], sizes = [1], strides = [1]} : vector<16xf32> to vector<1xf32>
      %squeeze3A_1360 = vector.extract %slice3A_1359[0] : f32 from vector<1xf32>
      %mul3A_1361 = vector.broadcast %squeeze3A_1360 : f32 to vector<16xf32>
      %mul3A_1362 = arith.mulf %mul3A_1321, %mul3A_1361 : vector<16xf32>
      %add3A_1363 = arith.addf %add3A_1311, %mul3A_1362 : vector<16xf32>
      %slice3A_1364 = vector.extract_strided_slice %get3A_507 {offsets = [15], sizes = [1], strides = [1]} : vector<16xf32> to vector<1xf32>
      %squeeze3A_1365 = vector.extract %slice3A_1364[0] : f32 from vector<1xf32>
      %mul3A_1366 = vector.broadcast %squeeze3A_1365 : f32 to vector<16xf32>
      %mul3A_1367 = arith.mulf %mul3A_1321, %mul3A_1366 : vector<16xf32>
      %add3A_1368 = arith.addf %add3A_1316, %mul3A_1367 : vector<16xf32>
      %broadcast_in_dim3A_1369 = arith.constant 16 : i32
      %broadcast_in_dim3A_1370 = vector.broadcast %broadcast_in_dim3A_1369 : i32 to vector<16xi32>
      %gather3A_1371 = tpu.vector_load_idx %arg23[%add3A_523, %broadcast_in_dim3A_1370] : memref<512x32xf32, #tpu.memory_space<vmem>>[vector<16xi32>, vector<16xi32>], vector<16xf32>,
      %gather3A_1372 = tpu.vector_load_idx %arg24[%add3A_523, %broadcast_in_dim3A_1370] : memref<512x32xf32, #tpu.memory_space<vmem>>[vector<16xi32>, vector<16xi32>], vector<16xf32>,
      %mul3A_1373 = arith.mulf %gather3A_1371, %gather3A_1372 : vector<16xf32>
      %add3A_1374 = arith.addf %add3A_1322, %mul3A_1373 : vector<16xf32>
      %gather3A_1375 = tpu.vector_load_idx %arg25[%add3A_523, %broadcast_in_dim3A_1370] : memref<512x32xf32, #tpu.memory_space<vmem>>[vector<16xi32>, vector<16xi32>], vector<16xf32>,
      %gather3A_1376 = tpu.vector_load_idx %arg26[%add3A_523, %broadcast_in_dim3A_1370] : memref<512x32xf32, #tpu.memory_space<vmem>>[vector<16xi32>, vector<16xi32>], vector<16xf32>,
      %gather3A_1377 = tpu.vector_load_idx %arg31[%get3A_527, %broadcast_in_dim3A_1370] : memref<8x32xf32, #tpu.memory_space<vmem>>[vector<16xi32>, vector<16xi32>], vector<16xf32>,
      %mul3A_1378 = arith.mulf %gather3A_1375, %gather3A_1376 : vector<16xf32>
      %mul3A_1379 = arith.mulf %mul3A_1378, %gather3A_1377 : vector<16xf32>
      %add3A_1380 = arith.addf %add3A_1328, %mul3A_1379 : vector<16xf32>
      %slice3A_1381 = vector.extract_strided_slice %get3A_455 {offsets = [0], sizes = [1], strides = [1]} : vector<16xf32> to vector<1xf32>
      %squeeze3A_1382 = vector.extract %slice3A_1381[0] : f32 from vector<1xf32>
      %mul3A_1383 = vector.broadcast %squeeze3A_1382 : f32 to vector<16xf32>
      %mul3A_1384 = arith.mulf %mul3A_1373, %mul3A_1383 : vector<16xf32>
      %add3A_1385 = arith.addf %add3A_1333, %mul3A_1384 : vector<16xf32>
      %slice3A_1386 = vector.extract_strided_slice %get3A_463 {offsets = [0], sizes = [1], strides = [1]} : vector<16xf32> to vector<1xf32>
      %squeeze3A_1387 = vector.extract %slice3A_1386[0] : f32 from vector<1xf32>
      %mul3A_1388 = vector.broadcast %squeeze3A_1387 : f32 to vector<16xf32>
      %mul3A_1389 = arith.mulf %mul3A_1373, %mul3A_1388 : vector<16xf32>
      %add3A_1390 = arith.addf %add3A_1338, %mul3A_1389 : vector<16xf32>
      %slice3A_1391 = vector.extract_strided_slice %get3A_471 {offsets = [0], sizes = [1], strides = [1]} : vector<16xf32> to vector<1xf32>
      %squeeze3A_1392 = vector.extract %slice3A_1391[0] : f32 from vector<1xf32>
      %mul3A_1393 = vector.broadcast %squeeze3A_1392 : f32 to vector<16xf32>
      %mul3A_1394 = arith.mulf %mul3A_1373, %mul3A_1393 : vector<16xf32>
      %add3A_1395 = arith.addf %add3A_1343, %mul3A_1394 : vector<16xf32>
      %slice3A_1396 = vector.extract_strided_slice %get3A_479 {offsets = [0], sizes = [1], strides = [1]} : vector<16xf32> to vector<1xf32>
      %squeeze3A_1397 = vector.extract %slice3A_1396[0] : f32 from vector<1xf32>
      %mul3A_1398 = vector.broadcast %squeeze3A_1397 : f32 to vector<16xf32>
      %mul3A_1399 = arith.mulf %mul3A_1373, %mul3A_1398 : vector<16xf32>
      %add3A_1400 = arith.addf %add3A_1348, %mul3A_1399 : vector<16xf32>
      %slice3A_1401 = vector.extract_strided_slice %get3A_487 {offsets = [0], sizes = [1], strides = [1]} : vector<16xf32> to vector<1xf32>
      %squeeze3A_1402 = vector.extract %slice3A_1401[0] : f32 from vector<1xf32>
      %mul3A_1403 = vector.broadcast %squeeze3A_1402 : f32 to vector<16xf32>
      %mul3A_1404 = arith.mulf %mul3A_1373, %mul3A_1403 : vector<16xf32>
      %add3A_1405 = arith.addf %add3A_1353, %mul3A_1404 : vector<16xf32>
      %slice3A_1406 = vector.extract_strided_slice %get3A_495 {offsets = [0], sizes = [1], strides = [1]} : vector<16xf32> to vector<1xf32>
      %squeeze3A_1407 = vector.extract %slice3A_1406[0] : f32 from vector<1xf32>
      %mul3A_1408 = vector.broadcast %squeeze3A_1407 : f32 to vector<16xf32>
      %mul3A_1409 = arith.mulf %mul3A_1373, %mul3A_1408 : vector<16xf32>
      %add3A_1410 = arith.addf %add3A_1358, %mul3A_1409 : vector<16xf32>
      %slice3A_1411 = vector.extract_strided_slice %get3A_503 {offsets = [0], sizes = [1], strides = [1]} : vector<16xf32> to vector<1xf32>
      %squeeze3A_1412 = vector.extract %slice3A_1411[0] : f32 from vector<1xf32>
      %mul3A_1413 = vector.broadcast %squeeze3A_1412 : f32 to vector<16xf32>
      %mul3A_1414 = arith.mulf %mul3A_1373, %mul3A_1413 : vector<16xf32>
      %add3A_1415 = arith.addf %add3A_1363, %mul3A_1414 : vector<16xf32>
      %slice3A_1416 = vector.extract_strided_slice %get3A_511 {offsets = [0], sizes = [1], strides = [1]} : vector<16xf32> to vector<1xf32>
      %squeeze3A_1417 = vector.extract %slice3A_1416[0] : f32 from vector<1xf32>
      %mul3A_1418 = vector.broadcast %squeeze3A_1417 : f32 to vector<16xf32>
      %mul3A_1419 = arith.mulf %mul3A_1373, %mul3A_1418 : vector<16xf32>
      %add3A_1420 = arith.addf %add3A_1368, %mul3A_1419 : vector<16xf32>
      %broadcast_in_dim3A_1421 = arith.constant 17 : i32
      %broadcast_in_dim3A_1422 = vector.broadcast %broadcast_in_dim3A_1421 : i32 to vector<16xi32>
      %gather3A_1423 = tpu.vector_load_idx %arg23[%add3A_523, %broadcast_in_dim3A_1422] : memref<512x32xf32, #tpu.memory_space<vmem>>[vector<16xi32>, vector<16xi32>], vector<16xf32>,
      %gather3A_1424 = tpu.vector_load_idx %arg24[%add3A_523, %broadcast_in_dim3A_1422] : memref<512x32xf32, #tpu.memory_space<vmem>>[vector<16xi32>, vector<16xi32>], vector<16xf32>,
      %mul3A_1425 = arith.mulf %gather3A_1423, %gather3A_1424 : vector<16xf32>
      %add3A_1426 = arith.addf %add3A_1374, %mul3A_1425 : vector<16xf32>
      %gather3A_1427 = tpu.vector_load_idx %arg25[%add3A_523, %broadcast_in_dim3A_1422] : memref<512x32xf32, #tpu.memory_space<vmem>>[vector<16xi32>, vector<16xi32>], vector<16xf32>,
      %gather3A_1428 = tpu.vector_load_idx %arg26[%add3A_523, %broadcast_in_dim3A_1422] : memref<512x32xf32, #tpu.memory_space<vmem>>[vector<16xi32>, vector<16xi32>], vector<16xf32>,
      %gather3A_1429 = tpu.vector_load_idx %arg31[%get3A_527, %broadcast_in_dim3A_1422] : memref<8x32xf32, #tpu.memory_space<vmem>>[vector<16xi32>, vector<16xi32>], vector<16xf32>,
      %mul3A_1430 = arith.mulf %gather3A_1427, %gather3A_1428 : vector<16xf32>
      %mul3A_1431 = arith.mulf %mul3A_1430, %gather3A_1429 : vector<16xf32>
      %add3A_1432 = arith.addf %add3A_1380, %mul3A_1431 : vector<16xf32>
      %slice3A_1433 = vector.extract_strided_slice %get3A_455 {offsets = [1], sizes = [1], strides = [1]} : vector<16xf32> to vector<1xf32>
      %squeeze3A_1434 = vector.extract %slice3A_1433[0] : f32 from vector<1xf32>
      %mul3A_1435 = vector.broadcast %squeeze3A_1434 : f32 to vector<16xf32>
      %mul3A_1436 = arith.mulf %mul3A_1425, %mul3A_1435 : vector<16xf32>
      %add3A_1437 = arith.addf %add3A_1385, %mul3A_1436 : vector<16xf32>
      %slice3A_1438 = vector.extract_strided_slice %get3A_463 {offsets = [1], sizes = [1], strides = [1]} : vector<16xf32> to vector<1xf32>
      %squeeze3A_1439 = vector.extract %slice3A_1438[0] : f32 from vector<1xf32>
      %mul3A_1440 = vector.broadcast %squeeze3A_1439 : f32 to vector<16xf32>
      %mul3A_1441 = arith.mulf %mul3A_1425, %mul3A_1440 : vector<16xf32>
      %add3A_1442 = arith.addf %add3A_1390, %mul3A_1441 : vector<16xf32>
      %slice3A_1443 = vector.extract_strided_slice %get3A_471 {offsets = [1], sizes = [1], strides = [1]} : vector<16xf32> to vector<1xf32>
      %squeeze3A_1444 = vector.extract %slice3A_1443[0] : f32 from vector<1xf32>
      %mul3A_1445 = vector.broadcast %squeeze3A_1444 : f32 to vector<16xf32>
      %mul3A_1446 = arith.mulf %mul3A_1425, %mul3A_1445 : vector<16xf32>
      %add3A_1447 = arith.addf %add3A_1395, %mul3A_1446 : vector<16xf32>
      %slice3A_1448 = vector.extract_strided_slice %get3A_479 {offsets = [1], sizes = [1], strides = [1]} : vector<16xf32> to vector<1xf32>
      %squeeze3A_1449 = vector.extract %slice3A_1448[0] : f32 from vector<1xf32>
      %mul3A_1450 = vector.broadcast %squeeze3A_1449 : f32 to vector<16xf32>
      %mul3A_1451 = arith.mulf %mul3A_1425, %mul3A_1450 : vector<16xf32>
      %add3A_1452 = arith.addf %add3A_1400, %mul3A_1451 : vector<16xf32>
      %slice3A_1453 = vector.extract_strided_slice %get3A_487 {offsets = [1], sizes = [1], strides = [1]} : vector<16xf32> to vector<1xf32>
      %squeeze3A_1454 = vector.extract %slice3A_1453[0] : f32 from vector<1xf32>
      %mul3A_1455 = vector.broadcast %squeeze3A_1454 : f32 to vector<16xf32>
      %mul3A_1456 = arith.mulf %mul3A_1425, %mul3A_1455 : vector<16xf32>
      %add3A_1457 = arith.addf %add3A_1405, %mul3A_1456 : vector<16xf32>
      %slice3A_1458 = vector.extract_strided_slice %get3A_495 {offsets = [1], sizes = [1], strides = [1]} : vector<16xf32> to vector<1xf32>
      %squeeze3A_1459 = vector.extract %slice3A_1458[0] : f32 from vector<1xf32>
      %mul3A_1460 = vector.broadcast %squeeze3A_1459 : f32 to vector<16xf32>
      %mul3A_1461 = arith.mulf %mul3A_1425, %mul3A_1460 : vector<16xf32>
      %add3A_1462 = arith.addf %add3A_1410, %mul3A_1461 : vector<16xf32>
      %slice3A_1463 = vector.extract_strided_slice %get3A_503 {offsets = [1], sizes = [1], strides = [1]} : vector<16xf32> to vector<1xf32>
      %squeeze3A_1464 = vector.extract %slice3A_1463[0] : f32 from vector<1xf32>
      %mul3A_1465 = vector.broadcast %squeeze3A_1464 : f32 to vector<16xf32>
      %mul3A_1466 = arith.mulf %mul3A_1425, %mul3A_1465 : vector<16xf32>
      %add3A_1467 = arith.addf %add3A_1415, %mul3A_1466 : vector<16xf32>
      %slice3A_1468 = vector.extract_strided_slice %get3A_511 {offsets = [1], sizes = [1], strides = [1]} : vector<16xf32> to vector<1xf32>
      %squeeze3A_1469 = vector.extract %slice3A_1468[0] : f32 from vector<1xf32>
      %mul3A_1470 = vector.broadcast %squeeze3A_1469 : f32 to vector<16xf32>
      %mul3A_1471 = arith.mulf %mul3A_1425, %mul3A_1470 : vector<16xf32>
      %add3A_1472 = arith.addf %add3A_1420, %mul3A_1471 : vector<16xf32>
      %broadcast_in_dim3A_1473 = arith.constant 18 : i32
      %broadcast_in_dim3A_1474 = vector.broadcast %broadcast_in_dim3A_1473 : i32 to vector<16xi32>
      %gather3A_1475 = tpu.vector_load_idx %arg23[%add3A_523, %broadcast_in_dim3A_1474] : memref<512x32xf32, #tpu.memory_space<vmem>>[vector<16xi32>, vector<16xi32>], vector<16xf32>,
      %gather3A_1476 = tpu.vector_load_idx %arg24[%add3A_523, %broadcast_in_dim3A_1474] : memref<512x32xf32, #tpu.memory_space<vmem>>[vector<16xi32>, vector<16xi32>], vector<16xf32>,
      %mul3A_1477 = arith.mulf %gather3A_1475, %gather3A_1476 : vector<16xf32>
      %add3A_1478 = arith.addf %add3A_1426, %mul3A_1477 : vector<16xf32>
      %gather3A_1479 = tpu.vector_load_idx %arg25[%add3A_523, %broadcast_in_dim3A_1474] : memref<512x32xf32, #tpu.memory_space<vmem>>[vector<16xi32>, vector<16xi32>], vector<16xf32>,
      %gather3A_1480 = tpu.vector_load_idx %arg26[%add3A_523, %broadcast_in_dim3A_1474] : memref<512x32xf32, #tpu.memory_space<vmem>>[vector<16xi32>, vector<16xi32>], vector<16xf32>,
      %gather3A_1481 = tpu.vector_load_idx %arg31[%get3A_527, %broadcast_in_dim3A_1474] : memref<8x32xf32, #tpu.memory_space<vmem>>[vector<16xi32>, vector<16xi32>], vector<16xf32>,
      %mul3A_1482 = arith.mulf %gather3A_1479, %gather3A_1480 : vector<16xf32>
      %mul3A_1483 = arith.mulf %mul3A_1482, %gather3A_1481 : vector<16xf32>
      %add3A_1484 = arith.addf %add3A_1432, %mul3A_1483 : vector<16xf32>
      %slice3A_1485 = vector.extract_strided_slice %get3A_455 {offsets = [2], sizes = [1], strides = [1]} : vector<16xf32> to vector<1xf32>
      %squeeze3A_1486 = vector.extract %slice3A_1485[0] : f32 from vector<1xf32>
      %mul3A_1487 = vector.broadcast %squeeze3A_1486 : f32 to vector<16xf32>
      %mul3A_1488 = arith.mulf %mul3A_1477, %mul3A_1487 : vector<16xf32>
      %add3A_1489 = arith.addf %add3A_1437, %mul3A_1488 : vector<16xf32>
      %slice3A_1490 = vector.extract_strided_slice %get3A_463 {offsets = [2], sizes = [1], strides = [1]} : vector<16xf32> to vector<1xf32>
      %squeeze3A_1491 = vector.extract %slice3A_1490[0] : f32 from vector<1xf32>
      %mul3A_1492 = vector.broadcast %squeeze3A_1491 : f32 to vector<16xf32>
      %mul3A_1493 = arith.mulf %mul3A_1477, %mul3A_1492 : vector<16xf32>
      %add3A_1494 = arith.addf %add3A_1442, %mul3A_1493 : vector<16xf32>
      %slice3A_1495 = vector.extract_strided_slice %get3A_471 {offsets = [2], sizes = [1], strides = [1]} : vector<16xf32> to vector<1xf32>
      %squeeze3A_1496 = vector.extract %slice3A_1495[0] : f32 from vector<1xf32>
      %mul3A_1497 = vector.broadcast %squeeze3A_1496 : f32 to vector<16xf32>
      %mul3A_1498 = arith.mulf %mul3A_1477, %mul3A_1497 : vector<16xf32>
      %add3A_1499 = arith.addf %add3A_1447, %mul3A_1498 : vector<16xf32>
      %slice3A_1500 = vector.extract_strided_slice %get3A_479 {offsets = [2], sizes = [1], strides = [1]} : vector<16xf32> to vector<1xf32>
      %squeeze3A_1501 = vector.extract %slice3A_1500[0] : f32 from vector<1xf32>
      %mul3A_1502 = vector.broadcast %squeeze3A_1501 : f32 to vector<16xf32>
      %mul3A_1503 = arith.mulf %mul3A_1477, %mul3A_1502 : vector<16xf32>
      %add3A_1504 = arith.addf %add3A_1452, %mul3A_1503 : vector<16xf32>
      %slice3A_1505 = vector.extract_strided_slice %get3A_487 {offsets = [2], sizes = [1], strides = [1]} : vector<16xf32> to vector<1xf32>
      %squeeze3A_1506 = vector.extract %slice3A_1505[0] : f32 from vector<1xf32>
      %mul3A_1507 = vector.broadcast %squeeze3A_1506 : f32 to vector<16xf32>
      %mul3A_1508 = arith.mulf %mul3A_1477, %mul3A_1507 : vector<16xf32>
      %add3A_1509 = arith.addf %add3A_1457, %mul3A_1508 : vector<16xf32>
      %slice3A_1510 = vector.extract_strided_slice %get3A_495 {offsets = [2], sizes = [1], strides = [1]} : vector<16xf32> to vector<1xf32>
      %squeeze3A_1511 = vector.extract %slice3A_1510[0] : f32 from vector<1xf32>
      %mul3A_1512 = vector.broadcast %squeeze3A_1511 : f32 to vector<16xf32>
      %mul3A_1513 = arith.mulf %mul3A_1477, %mul3A_1512 : vector<16xf32>
      %add3A_1514 = arith.addf %add3A_1462, %mul3A_1513 : vector<16xf32>
      %slice3A_1515 = vector.extract_strided_slice %get3A_503 {offsets = [2], sizes = [1], strides = [1]} : vector<16xf32> to vector<1xf32>
      %squeeze3A_1516 = vector.extract %slice3A_1515[0] : f32 from vector<1xf32>
      %mul3A_1517 = vector.broadcast %squeeze3A_1516 : f32 to vector<16xf32>
      %mul3A_1518 = arith.mulf %mul3A_1477, %mul3A_1517 : vector<16xf32>
      %add3A_1519 = arith.addf %add3A_1467, %mul3A_1518 : vector<16xf32>
      %slice3A_1520 = vector.extract_strided_slice %get3A_511 {offsets = [2], sizes = [1], strides = [1]} : vector<16xf32> to vector<1xf32>
      %squeeze3A_1521 = vector.extract %slice3A_1520[0] : f32 from vector<1xf32>
      %mul3A_1522 = vector.broadcast %squeeze3A_1521 : f32 to vector<16xf32>
      %mul3A_1523 = arith.mulf %mul3A_1477, %mul3A_1522 : vector<16xf32>
      %add3A_1524 = arith.addf %add3A_1472, %mul3A_1523 : vector<16xf32>
      %broadcast_in_dim3A_1525 = arith.constant 19 : i32
      %broadcast_in_dim3A_1526 = vector.broadcast %broadcast_in_dim3A_1525 : i32 to vector<16xi32>
      %gather3A_1527 = tpu.vector_load_idx %arg23[%add3A_523, %broadcast_in_dim3A_1526] : memref<512x32xf32, #tpu.memory_space<vmem>>[vector<16xi32>, vector<16xi32>], vector<16xf32>,
      %gather3A_1528 = tpu.vector_load_idx %arg24[%add3A_523, %broadcast_in_dim3A_1526] : memref<512x32xf32, #tpu.memory_space<vmem>>[vector<16xi32>, vector<16xi32>], vector<16xf32>,
      %mul3A_1529 = arith.mulf %gather3A_1527, %gather3A_1528 : vector<16xf32>
      %add3A_1530 = arith.addf %add3A_1478, %mul3A_1529 : vector<16xf32>
      %gather3A_1531 = tpu.vector_load_idx %arg25[%add3A_523, %broadcast_in_dim3A_1526] : memref<512x32xf32, #tpu.memory_space<vmem>>[vector<16xi32>, vector<16xi32>], vector<16xf32>,
      %gather3A_1532 = tpu.vector_load_idx %arg26[%add3A_523, %broadcast_in_dim3A_1526] : memref<512x32xf32, #tpu.memory_space<vmem>>[vector<16xi32>, vector<16xi32>], vector<16xf32>,
      %gather3A_1533 = tpu.vector_load_idx %arg31[%get3A_527, %broadcast_in_dim3A_1526] : memref<8x32xf32, #tpu.memory_space<vmem>>[vector<16xi32>, vector<16xi32>], vector<16xf32>,
      %mul3A_1534 = arith.mulf %gather3A_1531, %gather3A_1532 : vector<16xf32>
      %mul3A_1535 = arith.mulf %mul3A_1534, %gather3A_1533 : vector<16xf32>
      %add3A_1536 = arith.addf %add3A_1484, %mul3A_1535 : vector<16xf32>
      %slice3A_1537 = vector.extract_strided_slice %get3A_455 {offsets = [3], sizes = [1], strides = [1]} : vector<16xf32> to vector<1xf32>
      %squeeze3A_1538 = vector.extract %slice3A_1537[0] : f32 from vector<1xf32>
      %mul3A_1539 = vector.broadcast %squeeze3A_1538 : f32 to vector<16xf32>
      %mul3A_1540 = arith.mulf %mul3A_1529, %mul3A_1539 : vector<16xf32>
      %add3A_1541 = arith.addf %add3A_1489, %mul3A_1540 : vector<16xf32>
      %slice3A_1542 = vector.extract_strided_slice %get3A_463 {offsets = [3], sizes = [1], strides = [1]} : vector<16xf32> to vector<1xf32>
      %squeeze3A_1543 = vector.extract %slice3A_1542[0] : f32 from vector<1xf32>
      %mul3A_1544 = vector.broadcast %squeeze3A_1543 : f32 to vector<16xf32>
      %mul3A_1545 = arith.mulf %mul3A_1529, %mul3A_1544 : vector<16xf32>
      %add3A_1546 = arith.addf %add3A_1494, %mul3A_1545 : vector<16xf32>
      %slice3A_1547 = vector.extract_strided_slice %get3A_471 {offsets = [3], sizes = [1], strides = [1]} : vector<16xf32> to vector<1xf32>
      %squeeze3A_1548 = vector.extract %slice3A_1547[0] : f32 from vector<1xf32>
      %mul3A_1549 = vector.broadcast %squeeze3A_1548 : f32 to vector<16xf32>
      %mul3A_1550 = arith.mulf %mul3A_1529, %mul3A_1549 : vector<16xf32>
      %add3A_1551 = arith.addf %add3A_1499, %mul3A_1550 : vector<16xf32>
      %slice3A_1552 = vector.extract_strided_slice %get3A_479 {offsets = [3], sizes = [1], strides = [1]} : vector<16xf32> to vector<1xf32>
      %squeeze3A_1553 = vector.extract %slice3A_1552[0] : f32 from vector<1xf32>
      %mul3A_1554 = vector.broadcast %squeeze3A_1553 : f32 to vector<16xf32>
      %mul3A_1555 = arith.mulf %mul3A_1529, %mul3A_1554 : vector<16xf32>
      %add3A_1556 = arith.addf %add3A_1504, %mul3A_1555 : vector<16xf32>
      %slice3A_1557 = vector.extract_strided_slice %get3A_487 {offsets = [3], sizes = [1], strides = [1]} : vector<16xf32> to vector<1xf32>
      %squeeze3A_1558 = vector.extract %slice3A_1557[0] : f32 from vector<1xf32>
      %mul3A_1559 = vector.broadcast %squeeze3A_1558 : f32 to vector<16xf32>
      %mul3A_1560 = arith.mulf %mul3A_1529, %mul3A_1559 : vector<16xf32>
      %add3A_1561 = arith.addf %add3A_1509, %mul3A_1560 : vector<16xf32>
      %slice3A_1562 = vector.extract_strided_slice %get3A_495 {offsets = [3], sizes = [1], strides = [1]} : vector<16xf32> to vector<1xf32>
      %squeeze3A_1563 = vector.extract %slice3A_1562[0] : f32 from vector<1xf32>
      %mul3A_1564 = vector.broadcast %squeeze3A_1563 : f32 to vector<16xf32>
      %mul3A_1565 = arith.mulf %mul3A_1529, %mul3A_1564 : vector<16xf32>
      %add3A_1566 = arith.addf %add3A_1514, %mul3A_1565 : vector<16xf32>
      %slice3A_1567 = vector.extract_strided_slice %get3A_503 {offsets = [3], sizes = [1], strides = [1]} : vector<16xf32> to vector<1xf32>
      %squeeze3A_1568 = vector.extract %slice3A_1567[0] : f32 from vector<1xf32>
      %mul3A_1569 = vector.broadcast %squeeze3A_1568 : f32 to vector<16xf32>
      %mul3A_1570 = arith.mulf %mul3A_1529, %mul3A_1569 : vector<16xf32>
      %add3A_1571 = arith.addf %add3A_1519, %mul3A_1570 : vector<16xf32>
      %slice3A_1572 = vector.extract_strided_slice %get3A_511 {offsets = [3], sizes = [1], strides = [1]} : vector<16xf32> to vector<1xf32>
      %squeeze3A_1573 = vector.extract %slice3A_1572[0] : f32 from vector<1xf32>
      %mul3A_1574 = vector.broadcast %squeeze3A_1573 : f32 to vector<16xf32>
      %mul3A_1575 = arith.mulf %mul3A_1529, %mul3A_1574 : vector<16xf32>
      %add3A_1576 = arith.addf %add3A_1524, %mul3A_1575 : vector<16xf32>
      %broadcast_in_dim3A_1577 = arith.constant 20 : i32
      %broadcast_in_dim3A_1578 = vector.broadcast %broadcast_in_dim3A_1577 : i32 to vector<16xi32>
      %gather3A_1579 = tpu.vector_load_idx %arg23[%add3A_523, %broadcast_in_dim3A_1578] : memref<512x32xf32, #tpu.memory_space<vmem>>[vector<16xi32>, vector<16xi32>], vector<16xf32>,
      %gather3A_1580 = tpu.vector_load_idx %arg24[%add3A_523, %broadcast_in_dim3A_1578] : memref<512x32xf32, #tpu.memory_space<vmem>>[vector<16xi32>, vector<16xi32>], vector<16xf32>,
      %mul3A_1581 = arith.mulf %gather3A_1579, %gather3A_1580 : vector<16xf32>
      %add3A_1582 = arith.addf %add3A_1530, %mul3A_1581 : vector<16xf32>
      %gather3A_1583 = tpu.vector_load_idx %arg25[%add3A_523, %broadcast_in_dim3A_1578] : memref<512x32xf32, #tpu.memory_space<vmem>>[vector<16xi32>, vector<16xi32>], vector<16xf32>,
      %gather3A_1584 = tpu.vector_load_idx %arg26[%add3A_523, %broadcast_in_dim3A_1578] : memref<512x32xf32, #tpu.memory_space<vmem>>[vector<16xi32>, vector<16xi32>], vector<16xf32>,
      %gather3A_1585 = tpu.vector_load_idx %arg31[%get3A_527, %broadcast_in_dim3A_1578] : memref<8x32xf32, #tpu.memory_space<vmem>>[vector<16xi32>, vector<16xi32>], vector<16xf32>,
      %mul3A_1586 = arith.mulf %gather3A_1583, %gather3A_1584 : vector<16xf32>
      %mul3A_1587 = arith.mulf %mul3A_1586, %gather3A_1585 : vector<16xf32>
      %add3A_1588 = arith.addf %add3A_1536, %mul3A_1587 : vector<16xf32>
      %slice3A_1589 = vector.extract_strided_slice %get3A_455 {offsets = [4], sizes = [1], strides = [1]} : vector<16xf32> to vector<1xf32>
      %squeeze3A_1590 = vector.extract %slice3A_1589[0] : f32 from vector<1xf32>
      %mul3A_1591 = vector.broadcast %squeeze3A_1590 : f32 to vector<16xf32>
      %mul3A_1592 = arith.mulf %mul3A_1581, %mul3A_1591 : vector<16xf32>
      %add3A_1593 = arith.addf %add3A_1541, %mul3A_1592 : vector<16xf32>
      %slice3A_1594 = vector.extract_strided_slice %get3A_463 {offsets = [4], sizes = [1], strides = [1]} : vector<16xf32> to vector<1xf32>
      %squeeze3A_1595 = vector.extract %slice3A_1594[0] : f32 from vector<1xf32>
      %mul3A_1596 = vector.broadcast %squeeze3A_1595 : f32 to vector<16xf32>
      %mul3A_1597 = arith.mulf %mul3A_1581, %mul3A_1596 : vector<16xf32>
      %add3A_1598 = arith.addf %add3A_1546, %mul3A_1597 : vector<16xf32>
      %slice3A_1599 = vector.extract_strided_slice %get3A_471 {offsets = [4], sizes = [1], strides = [1]} : vector<16xf32> to vector<1xf32>
      %squeeze3A_1600 = vector.extract %slice3A_1599[0] : f32 from vector<1xf32>
      %mul3A_1601 = vector.broadcast %squeeze3A_1600 : f32 to vector<16xf32>
      %mul3A_1602 = arith.mulf %mul3A_1581, %mul3A_1601 : vector<16xf32>
      %add3A_1603 = arith.addf %add3A_1551, %mul3A_1602 : vector<16xf32>
      %slice3A_1604 = vector.extract_strided_slice %get3A_479 {offsets = [4], sizes = [1], strides = [1]} : vector<16xf32> to vector<1xf32>
      %squeeze3A_1605 = vector.extract %slice3A_1604[0] : f32 from vector<1xf32>
      %mul3A_1606 = vector.broadcast %squeeze3A_1605 : f32 to vector<16xf32>
      %mul3A_1607 = arith.mulf %mul3A_1581, %mul3A_1606 : vector<16xf32>
      %add3A_1608 = arith.addf %add3A_1556, %mul3A_1607 : vector<16xf32>
      %slice3A_1609 = vector.extract_strided_slice %get3A_487 {offsets = [4], sizes = [1], strides = [1]} : vector<16xf32> to vector<1xf32>
      %squeeze3A_1610 = vector.extract %slice3A_1609[0] : f32 from vector<1xf32>
      %mul3A_1611 = vector.broadcast %squeeze3A_1610 : f32 to vector<16xf32>
      %mul3A_1612 = arith.mulf %mul3A_1581, %mul3A_1611 : vector<16xf32>
      %add3A_1613 = arith.addf %add3A_1561, %mul3A_1612 : vector<16xf32>
      %slice3A_1614 = vector.extract_strided_slice %get3A_495 {offsets = [4], sizes = [1], strides = [1]} : vector<16xf32> to vector<1xf32>
      %squeeze3A_1615 = vector.extract %slice3A_1614[0] : f32 from vector<1xf32>
      %mul3A_1616 = vector.broadcast %squeeze3A_1615 : f32 to vector<16xf32>
      %mul3A_1617 = arith.mulf %mul3A_1581, %mul3A_1616 : vector<16xf32>
      %add3A_1618 = arith.addf %add3A_1566, %mul3A_1617 : vector<16xf32>
      %slice3A_1619 = vector.extract_strided_slice %get3A_503 {offsets = [4], sizes = [1], strides = [1]} : vector<16xf32> to vector<1xf32>
      %squeeze3A_1620 = vector.extract %slice3A_1619[0] : f32 from vector<1xf32>
      %mul3A_1621 = vector.broadcast %squeeze3A_1620 : f32 to vector<16xf32>
      %mul3A_1622 = arith.mulf %mul3A_1581, %mul3A_1621 : vector<16xf32>
      %add3A_1623 = arith.addf %add3A_1571, %mul3A_1622 : vector<16xf32>
      %slice3A_1624 = vector.extract_strided_slice %get3A_511 {offsets = [4], sizes = [1], strides = [1]} : vector<16xf32> to vector<1xf32>
      %squeeze3A_1625 = vector.extract %slice3A_1624[0] : f32 from vector<1xf32>
      %mul3A_1626 = vector.broadcast %squeeze3A_1625 : f32 to vector<16xf32>
      %mul3A_1627 = arith.mulf %mul3A_1581, %mul3A_1626 : vector<16xf32>
      %add3A_1628 = arith.addf %add3A_1576, %mul3A_1627 : vector<16xf32>
      %broadcast_in_dim3A_1629 = arith.constant 21 : i32
      %broadcast_in_dim3A_1630 = vector.broadcast %broadcast_in_dim3A_1629 : i32 to vector<16xi32>
      %gather3A_1631 = tpu.vector_load_idx %arg23[%add3A_523, %broadcast_in_dim3A_1630] : memref<512x32xf32, #tpu.memory_space<vmem>>[vector<16xi32>, vector<16xi32>], vector<16xf32>,
      %gather3A_1632 = tpu.vector_load_idx %arg24[%add3A_523, %broadcast_in_dim3A_1630] : memref<512x32xf32, #tpu.memory_space<vmem>>[vector<16xi32>, vector<16xi32>], vector<16xf32>,
      %mul3A_1633 = arith.mulf %gather3A_1631, %gather3A_1632 : vector<16xf32>
      %add3A_1634 = arith.addf %add3A_1582, %mul3A_1633 : vector<16xf32>
      %gather3A_1635 = tpu.vector_load_idx %arg25[%add3A_523, %broadcast_in_dim3A_1630] : memref<512x32xf32, #tpu.memory_space<vmem>>[vector<16xi32>, vector<16xi32>], vector<16xf32>,
      %gather3A_1636 = tpu.vector_load_idx %arg26[%add3A_523, %broadcast_in_dim3A_1630] : memref<512x32xf32, #tpu.memory_space<vmem>>[vector<16xi32>, vector<16xi32>], vector<16xf32>,
      %gather3A_1637 = tpu.vector_load_idx %arg31[%get3A_527, %broadcast_in_dim3A_1630] : memref<8x32xf32, #tpu.memory_space<vmem>>[vector<16xi32>, vector<16xi32>], vector<16xf32>,
      %mul3A_1638 = arith.mulf %gather3A_1635, %gather3A_1636 : vector<16xf32>
      %mul3A_1639 = arith.mulf %mul3A_1638, %gather3A_1637 : vector<16xf32>
      %add3A_1640 = arith.addf %add3A_1588, %mul3A_1639 : vector<16xf32>
      %slice3A_1641 = vector.extract_strided_slice %get3A_455 {offsets = [5], sizes = [1], strides = [1]} : vector<16xf32> to vector<1xf32>
      %squeeze3A_1642 = vector.extract %slice3A_1641[0] : f32 from vector<1xf32>
      %mul3A_1643 = vector.broadcast %squeeze3A_1642 : f32 to vector<16xf32>
      %mul3A_1644 = arith.mulf %mul3A_1633, %mul3A_1643 : vector<16xf32>
      %add3A_1645 = arith.addf %add3A_1593, %mul3A_1644 : vector<16xf32>
      %slice3A_1646 = vector.extract_strided_slice %get3A_463 {offsets = [5], sizes = [1], strides = [1]} : vector<16xf32> to vector<1xf32>
      %squeeze3A_1647 = vector.extract %slice3A_1646[0] : f32 from vector<1xf32>
      %mul3A_1648 = vector.broadcast %squeeze3A_1647 : f32 to vector<16xf32>
      %mul3A_1649 = arith.mulf %mul3A_1633, %mul3A_1648 : vector<16xf32>
      %add3A_1650 = arith.addf %add3A_1598, %mul3A_1649 : vector<16xf32>
      %slice3A_1651 = vector.extract_strided_slice %get3A_471 {offsets = [5], sizes = [1], strides = [1]} : vector<16xf32> to vector<1xf32>
      %squeeze3A_1652 = vector.extract %slice3A_1651[0] : f32 from vector<1xf32>
      %mul3A_1653 = vector.broadcast %squeeze3A_1652 : f32 to vector<16xf32>
      %mul3A_1654 = arith.mulf %mul3A_1633, %mul3A_1653 : vector<16xf32>
      %add3A_1655 = arith.addf %add3A_1603, %mul3A_1654 : vector<16xf32>
      %slice3A_1656 = vector.extract_strided_slice %get3A_479 {offsets = [5], sizes = [1], strides = [1]} : vector<16xf32> to vector<1xf32>
      %squeeze3A_1657 = vector.extract %slice3A_1656[0] : f32 from vector<1xf32>
      %mul3A_1658 = vector.broadcast %squeeze3A_1657 : f32 to vector<16xf32>
      %mul3A_1659 = arith.mulf %mul3A_1633, %mul3A_1658 : vector<16xf32>
      %add3A_1660 = arith.addf %add3A_1608, %mul3A_1659 : vector<16xf32>
      %slice3A_1661 = vector.extract_strided_slice %get3A_487 {offsets = [5], sizes = [1], strides = [1]} : vector<16xf32> to vector<1xf32>
      %squeeze3A_1662 = vector.extract %slice3A_1661[0] : f32 from vector<1xf32>
      %mul3A_1663 = vector.broadcast %squeeze3A_1662 : f32 to vector<16xf32>
      %mul3A_1664 = arith.mulf %mul3A_1633, %mul3A_1663 : vector<16xf32>
      %add3A_1665 = arith.addf %add3A_1613, %mul3A_1664 : vector<16xf32>
      %slice3A_1666 = vector.extract_strided_slice %get3A_495 {offsets = [5], sizes = [1], strides = [1]} : vector<16xf32> to vector<1xf32>
      %squeeze3A_1667 = vector.extract %slice3A_1666[0] : f32 from vector<1xf32>
      %mul3A_1668 = vector.broadcast %squeeze3A_1667 : f32 to vector<16xf32>
      %mul3A_1669 = arith.mulf %mul3A_1633, %mul3A_1668 : vector<16xf32>
      %add3A_1670 = arith.addf %add3A_1618, %mul3A_1669 : vector<16xf32>
      %slice3A_1671 = vector.extract_strided_slice %get3A_503 {offsets = [5], sizes = [1], strides = [1]} : vector<16xf32> to vector<1xf32>
      %squeeze3A_1672 = vector.extract %slice3A_1671[0] : f32 from vector<1xf32>
      %mul3A_1673 = vector.broadcast %squeeze3A_1672 : f32 to vector<16xf32>
      %mul3A_1674 = arith.mulf %mul3A_1633, %mul3A_1673 : vector<16xf32>
      %add3A_1675 = arith.addf %add3A_1623, %mul3A_1674 : vector<16xf32>
      %slice3A_1676 = vector.extract_strided_slice %get3A_511 {offsets = [5], sizes = [1], strides = [1]} : vector<16xf32> to vector<1xf32>
      %squeeze3A_1677 = vector.extract %slice3A_1676[0] : f32 from vector<1xf32>
      %mul3A_1678 = vector.broadcast %squeeze3A_1677 : f32 to vector<16xf32>
      %mul3A_1679 = arith.mulf %mul3A_1633, %mul3A_1678 : vector<16xf32>
      %add3A_1680 = arith.addf %add3A_1628, %mul3A_1679 : vector<16xf32>
      %broadcast_in_dim3A_1681 = arith.constant 22 : i32
      %broadcast_in_dim3A_1682 = vector.broadcast %broadcast_in_dim3A_1681 : i32 to vector<16xi32>
      %gather3A_1683 = tpu.vector_load_idx %arg23[%add3A_523, %broadcast_in_dim3A_1682] : memref<512x32xf32, #tpu.memory_space<vmem>>[vector<16xi32>, vector<16xi32>], vector<16xf32>,
      %gather3A_1684 = tpu.vector_load_idx %arg24[%add3A_523, %broadcast_in_dim3A_1682] : memref<512x32xf32, #tpu.memory_space<vmem>>[vector<16xi32>, vector<16xi32>], vector<16xf32>,
      %mul3A_1685 = arith.mulf %gather3A_1683, %gather3A_1684 : vector<16xf32>
      %add3A_1686 = arith.addf %add3A_1634, %mul3A_1685 : vector<16xf32>
      %gather3A_1687 = tpu.vector_load_idx %arg25[%add3A_523, %broadcast_in_dim3A_1682] : memref<512x32xf32, #tpu.memory_space<vmem>>[vector<16xi32>, vector<16xi32>], vector<16xf32>,
      %gather3A_1688 = tpu.vector_load_idx %arg26[%add3A_523, %broadcast_in_dim3A_1682] : memref<512x32xf32, #tpu.memory_space<vmem>>[vector<16xi32>, vector<16xi32>], vector<16xf32>,
      %gather3A_1689 = tpu.vector_load_idx %arg31[%get3A_527, %broadcast_in_dim3A_1682] : memref<8x32xf32, #tpu.memory_space<vmem>>[vector<16xi32>, vector<16xi32>], vector<16xf32>,
      %mul3A_1690 = arith.mulf %gather3A_1687, %gather3A_1688 : vector<16xf32>
      %mul3A_1691 = arith.mulf %mul3A_1690, %gather3A_1689 : vector<16xf32>
      %add3A_1692 = arith.addf %add3A_1640, %mul3A_1691 : vector<16xf32>
      %slice3A_1693 = vector.extract_strided_slice %get3A_455 {offsets = [6], sizes = [1], strides = [1]} : vector<16xf32> to vector<1xf32>
      %squeeze3A_1694 = vector.extract %slice3A_1693[0] : f32 from vector<1xf32>
      %mul3A_1695 = vector.broadcast %squeeze3A_1694 : f32 to vector<16xf32>
      %mul3A_1696 = arith.mulf %mul3A_1685, %mul3A_1695 : vector<16xf32>
      %add3A_1697 = arith.addf %add3A_1645, %mul3A_1696 : vector<16xf32>
      %slice3A_1698 = vector.extract_strided_slice %get3A_463 {offsets = [6], sizes = [1], strides = [1]} : vector<16xf32> to vector<1xf32>
      %squeeze3A_1699 = vector.extract %slice3A_1698[0] : f32 from vector<1xf32>
      %mul3A_1700 = vector.broadcast %squeeze3A_1699 : f32 to vector<16xf32>
      %mul3A_1701 = arith.mulf %mul3A_1685, %mul3A_1700 : vector<16xf32>
      %add3A_1702 = arith.addf %add3A_1650, %mul3A_1701 : vector<16xf32>
      %slice3A_1703 = vector.extract_strided_slice %get3A_471 {offsets = [6], sizes = [1], strides = [1]} : vector<16xf32> to vector<1xf32>
      %squeeze3A_1704 = vector.extract %slice3A_1703[0] : f32 from vector<1xf32>
      %mul3A_1705 = vector.broadcast %squeeze3A_1704 : f32 to vector<16xf32>
      %mul3A_1706 = arith.mulf %mul3A_1685, %mul3A_1705 : vector<16xf32>
      %add3A_1707 = arith.addf %add3A_1655, %mul3A_1706 : vector<16xf32>
      %slice3A_1708 = vector.extract_strided_slice %get3A_479 {offsets = [6], sizes = [1], strides = [1]} : vector<16xf32> to vector<1xf32>
      %squeeze3A_1709 = vector.extract %slice3A_1708[0] : f32 from vector<1xf32>
      %mul3A_1710 = vector.broadcast %squeeze3A_1709 : f32 to vector<16xf32>
      %mul3A_1711 = arith.mulf %mul3A_1685, %mul3A_1710 : vector<16xf32>
      %add3A_1712 = arith.addf %add3A_1660, %mul3A_1711 : vector<16xf32>
      %slice3A_1713 = vector.extract_strided_slice %get3A_487 {offsets = [6], sizes = [1], strides = [1]} : vector<16xf32> to vector<1xf32>
      %squeeze3A_1714 = vector.extract %slice3A_1713[0] : f32 from vector<1xf32>
      %mul3A_1715 = vector.broadcast %squeeze3A_1714 : f32 to vector<16xf32>
      %mul3A_1716 = arith.mulf %mul3A_1685, %mul3A_1715 : vector<16xf32>
      %add3A_1717 = arith.addf %add3A_1665, %mul3A_1716 : vector<16xf32>
      %slice3A_1718 = vector.extract_strided_slice %get3A_495 {offsets = [6], sizes = [1], strides = [1]} : vector<16xf32> to vector<1xf32>
      %squeeze3A_1719 = vector.extract %slice3A_1718[0] : f32 from vector<1xf32>
      %mul3A_1720 = vector.broadcast %squeeze3A_1719 : f32 to vector<16xf32>
      %mul3A_1721 = arith.mulf %mul3A_1685, %mul3A_1720 : vector<16xf32>
      %add3A_1722 = arith.addf %add3A_1670, %mul3A_1721 : vector<16xf32>
      %slice3A_1723 = vector.extract_strided_slice %get3A_503 {offsets = [6], sizes = [1], strides = [1]} : vector<16xf32> to vector<1xf32>
      %squeeze3A_1724 = vector.extract %slice3A_1723[0] : f32 from vector<1xf32>
      %mul3A_1725 = vector.broadcast %squeeze3A_1724 : f32 to vector<16xf32>
      %mul3A_1726 = arith.mulf %mul3A_1685, %mul3A_1725 : vector<16xf32>
      %add3A_1727 = arith.addf %add3A_1675, %mul3A_1726 : vector<16xf32>
      %slice3A_1728 = vector.extract_strided_slice %get3A_511 {offsets = [6], sizes = [1], strides = [1]} : vector<16xf32> to vector<1xf32>
      %squeeze3A_1729 = vector.extract %slice3A_1728[0] : f32 from vector<1xf32>
      %mul3A_1730 = vector.broadcast %squeeze3A_1729 : f32 to vector<16xf32>
      %mul3A_1731 = arith.mulf %mul3A_1685, %mul3A_1730 : vector<16xf32>
      %add3A_1732 = arith.addf %add3A_1680, %mul3A_1731 : vector<16xf32>
      %broadcast_in_dim3A_1733 = arith.constant 23 : i32
      %broadcast_in_dim3A_1734 = vector.broadcast %broadcast_in_dim3A_1733 : i32 to vector<16xi32>
      %gather3A_1735 = tpu.vector_load_idx %arg23[%add3A_523, %broadcast_in_dim3A_1734] : memref<512x32xf32, #tpu.memory_space<vmem>>[vector<16xi32>, vector<16xi32>], vector<16xf32>,
      %gather3A_1736 = tpu.vector_load_idx %arg24[%add3A_523, %broadcast_in_dim3A_1734] : memref<512x32xf32, #tpu.memory_space<vmem>>[vector<16xi32>, vector<16xi32>], vector<16xf32>,
      %mul3A_1737 = arith.mulf %gather3A_1735, %gather3A_1736 : vector<16xf32>
      %add3A_1738 = arith.addf %add3A_1686, %mul3A_1737 : vector<16xf32>
      %gather3A_1739 = tpu.vector_load_idx %arg25[%add3A_523, %broadcast_in_dim3A_1734] : memref<512x32xf32, #tpu.memory_space<vmem>>[vector<16xi32>, vector<16xi32>], vector<16xf32>,
      %gather3A_1740 = tpu.vector_load_idx %arg26[%add3A_523, %broadcast_in_dim3A_1734] : memref<512x32xf32, #tpu.memory_space<vmem>>[vector<16xi32>, vector<16xi32>], vector<16xf32>,
      %gather3A_1741 = tpu.vector_load_idx %arg31[%get3A_527, %broadcast_in_dim3A_1734] : memref<8x32xf32, #tpu.memory_space<vmem>>[vector<16xi32>, vector<16xi32>], vector<16xf32>,
      %mul3A_1742 = arith.mulf %gather3A_1739, %gather3A_1740 : vector<16xf32>
      %mul3A_1743 = arith.mulf %mul3A_1742, %gather3A_1741 : vector<16xf32>
      %add3A_1744 = arith.addf %add3A_1692, %mul3A_1743 : vector<16xf32>
      %slice3A_1745 = vector.extract_strided_slice %get3A_455 {offsets = [7], sizes = [1], strides = [1]} : vector<16xf32> to vector<1xf32>
      %squeeze3A_1746 = vector.extract %slice3A_1745[0] : f32 from vector<1xf32>
      %mul3A_1747 = vector.broadcast %squeeze3A_1746 : f32 to vector<16xf32>
      %mul3A_1748 = arith.mulf %mul3A_1737, %mul3A_1747 : vector<16xf32>
      %add3A_1749 = arith.addf %add3A_1697, %mul3A_1748 : vector<16xf32>
      %slice3A_1750 = vector.extract_strided_slice %get3A_463 {offsets = [7], sizes = [1], strides = [1]} : vector<16xf32> to vector<1xf32>
      %squeeze3A_1751 = vector.extract %slice3A_1750[0] : f32 from vector<1xf32>
      %mul3A_1752 = vector.broadcast %squeeze3A_1751 : f32 to vector<16xf32>
      %mul3A_1753 = arith.mulf %mul3A_1737, %mul3A_1752 : vector<16xf32>
      %add3A_1754 = arith.addf %add3A_1702, %mul3A_1753 : vector<16xf32>
      %slice3A_1755 = vector.extract_strided_slice %get3A_471 {offsets = [7], sizes = [1], strides = [1]} : vector<16xf32> to vector<1xf32>
      %squeeze3A_1756 = vector.extract %slice3A_1755[0] : f32 from vector<1xf32>
      %mul3A_1757 = vector.broadcast %squeeze3A_1756 : f32 to vector<16xf32>
      %mul3A_1758 = arith.mulf %mul3A_1737, %mul3A_1757 : vector<16xf32>
      %add3A_1759 = arith.addf %add3A_1707, %mul3A_1758 : vector<16xf32>
      %slice3A_1760 = vector.extract_strided_slice %get3A_479 {offsets = [7], sizes = [1], strides = [1]} : vector<16xf32> to vector<1xf32>
      %squeeze3A_1761 = vector.extract %slice3A_1760[0] : f32 from vector<1xf32>
      %mul3A_1762 = vector.broadcast %squeeze3A_1761 : f32 to vector<16xf32>
      %mul3A_1763 = arith.mulf %mul3A_1737, %mul3A_1762 : vector<16xf32>
      %add3A_1764 = arith.addf %add3A_1712, %mul3A_1763 : vector<16xf32>
      %slice3A_1765 = vector.extract_strided_slice %get3A_487 {offsets = [7], sizes = [1], strides = [1]} : vector<16xf32> to vector<1xf32>
      %squeeze3A_1766 = vector.extract %slice3A_1765[0] : f32 from vector<1xf32>
      %mul3A_1767 = vector.broadcast %squeeze3A_1766 : f32 to vector<16xf32>
      %mul3A_1768 = arith.mulf %mul3A_1737, %mul3A_1767 : vector<16xf32>
      %add3A_1769 = arith.addf %add3A_1717, %mul3A_1768 : vector<16xf32>
      %slice3A_1770 = vector.extract_strided_slice %get3A_495 {offsets = [7], sizes = [1], strides = [1]} : vector<16xf32> to vector<1xf32>
      %squeeze3A_1771 = vector.extract %slice3A_1770[0] : f32 from vector<1xf32>
      %mul3A_1772 = vector.broadcast %squeeze3A_1771 : f32 to vector<16xf32>
      %mul3A_1773 = arith.mulf %mul3A_1737, %mul3A_1772 : vector<16xf32>
      %add3A_1774 = arith.addf %add3A_1722, %mul3A_1773 : vector<16xf32>
      %slice3A_1775 = vector.extract_strided_slice %get3A_503 {offsets = [7], sizes = [1], strides = [1]} : vector<16xf32> to vector<1xf32>
      %squeeze3A_1776 = vector.extract %slice3A_1775[0] : f32 from vector<1xf32>
      %mul3A_1777 = vector.broadcast %squeeze3A_1776 : f32 to vector<16xf32>
      %mul3A_1778 = arith.mulf %mul3A_1737, %mul3A_1777 : vector<16xf32>
      %add3A_1779 = arith.addf %add3A_1727, %mul3A_1778 : vector<16xf32>
      %slice3A_1780 = vector.extract_strided_slice %get3A_511 {offsets = [7], sizes = [1], strides = [1]} : vector<16xf32> to vector<1xf32>
      %squeeze3A_1781 = vector.extract %slice3A_1780[0] : f32 from vector<1xf32>
      %mul3A_1782 = vector.broadcast %squeeze3A_1781 : f32 to vector<16xf32>
      %mul3A_1783 = arith.mulf %mul3A_1737, %mul3A_1782 : vector<16xf32>
      %add3A_1784 = arith.addf %add3A_1732, %mul3A_1783 : vector<16xf32>
      %broadcast_in_dim3A_1785 = arith.constant 24 : i32
      %broadcast_in_dim3A_1786 = vector.broadcast %broadcast_in_dim3A_1785 : i32 to vector<16xi32>
      %gather3A_1787 = tpu.vector_load_idx %arg23[%add3A_523, %broadcast_in_dim3A_1786] : memref<512x32xf32, #tpu.memory_space<vmem>>[vector<16xi32>, vector<16xi32>], vector<16xf32>,
      %gather3A_1788 = tpu.vector_load_idx %arg24[%add3A_523, %broadcast_in_dim3A_1786] : memref<512x32xf32, #tpu.memory_space<vmem>>[vector<16xi32>, vector<16xi32>], vector<16xf32>,
      %mul3A_1789 = arith.mulf %gather3A_1787, %gather3A_1788 : vector<16xf32>
      %add3A_1790 = arith.addf %add3A_1738, %mul3A_1789 : vector<16xf32>
      %gather3A_1791 = tpu.vector_load_idx %arg25[%add3A_523, %broadcast_in_dim3A_1786] : memref<512x32xf32, #tpu.memory_space<vmem>>[vector<16xi32>, vector<16xi32>], vector<16xf32>,
      %gather3A_1792 = tpu.vector_load_idx %arg26[%add3A_523, %broadcast_in_dim3A_1786] : memref<512x32xf32, #tpu.memory_space<vmem>>[vector<16xi32>, vector<16xi32>], vector<16xf32>,
      %gather3A_1793 = tpu.vector_load_idx %arg31[%get3A_527, %broadcast_in_dim3A_1786] : memref<8x32xf32, #tpu.memory_space<vmem>>[vector<16xi32>, vector<16xi32>], vector<16xf32>,
      %mul3A_1794 = arith.mulf %gather3A_1791, %gather3A_1792 : vector<16xf32>
      %mul3A_1795 = arith.mulf %mul3A_1794, %gather3A_1793 : vector<16xf32>
      %add3A_1796 = arith.addf %add3A_1744, %mul3A_1795 : vector<16xf32>
      %slice3A_1797 = vector.extract_strided_slice %get3A_455 {offsets = [8], sizes = [1], strides = [1]} : vector<16xf32> to vector<1xf32>
      %squeeze3A_1798 = vector.extract %slice3A_1797[0] : f32 from vector<1xf32>
      %mul3A_1799 = vector.broadcast %squeeze3A_1798 : f32 to vector<16xf32>
      %mul3A_1800 = arith.mulf %mul3A_1789, %mul3A_1799 : vector<16xf32>
      %add3A_1801 = arith.addf %add3A_1749, %mul3A_1800 : vector<16xf32>
      %slice3A_1802 = vector.extract_strided_slice %get3A_463 {offsets = [8], sizes = [1], strides = [1]} : vector<16xf32> to vector<1xf32>
      %squeeze3A_1803 = vector.extract %slice3A_1802[0] : f32 from vector<1xf32>
      %mul3A_1804 = vector.broadcast %squeeze3A_1803 : f32 to vector<16xf32>
      %mul3A_1805 = arith.mulf %mul3A_1789, %mul3A_1804 : vector<16xf32>
      %add3A_1806 = arith.addf %add3A_1754, %mul3A_1805 : vector<16xf32>
      %slice3A_1807 = vector.extract_strided_slice %get3A_471 {offsets = [8], sizes = [1], strides = [1]} : vector<16xf32> to vector<1xf32>
      %squeeze3A_1808 = vector.extract %slice3A_1807[0] : f32 from vector<1xf32>
      %mul3A_1809 = vector.broadcast %squeeze3A_1808 : f32 to vector<16xf32>
      %mul3A_1810 = arith.mulf %mul3A_1789, %mul3A_1809 : vector<16xf32>
      %add3A_1811 = arith.addf %add3A_1759, %mul3A_1810 : vector<16xf32>
      %slice3A_1812 = vector.extract_strided_slice %get3A_479 {offsets = [8], sizes = [1], strides = [1]} : vector<16xf32> to vector<1xf32>
      %squeeze3A_1813 = vector.extract %slice3A_1812[0] : f32 from vector<1xf32>
      %mul3A_1814 = vector.broadcast %squeeze3A_1813 : f32 to vector<16xf32>
      %mul3A_1815 = arith.mulf %mul3A_1789, %mul3A_1814 : vector<16xf32>
      %add3A_1816 = arith.addf %add3A_1764, %mul3A_1815 : vector<16xf32>
      %slice3A_1817 = vector.extract_strided_slice %get3A_487 {offsets = [8], sizes = [1], strides = [1]} : vector<16xf32> to vector<1xf32>
      %squeeze3A_1818 = vector.extract %slice3A_1817[0] : f32 from vector<1xf32>
      %mul3A_1819 = vector.broadcast %squeeze3A_1818 : f32 to vector<16xf32>
      %mul3A_1820 = arith.mulf %mul3A_1789, %mul3A_1819 : vector<16xf32>
      %add3A_1821 = arith.addf %add3A_1769, %mul3A_1820 : vector<16xf32>
      %slice3A_1822 = vector.extract_strided_slice %get3A_495 {offsets = [8], sizes = [1], strides = [1]} : vector<16xf32> to vector<1xf32>
      %squeeze3A_1823 = vector.extract %slice3A_1822[0] : f32 from vector<1xf32>
      %mul3A_1824 = vector.broadcast %squeeze3A_1823 : f32 to vector<16xf32>
      %mul3A_1825 = arith.mulf %mul3A_1789, %mul3A_1824 : vector<16xf32>
      %add3A_1826 = arith.addf %add3A_1774, %mul3A_1825 : vector<16xf32>
      %slice3A_1827 = vector.extract_strided_slice %get3A_503 {offsets = [8], sizes = [1], strides = [1]} : vector<16xf32> to vector<1xf32>
      %squeeze3A_1828 = vector.extract %slice3A_1827[0] : f32 from vector<1xf32>
      %mul3A_1829 = vector.broadcast %squeeze3A_1828 : f32 to vector<16xf32>
      %mul3A_1830 = arith.mulf %mul3A_1789, %mul3A_1829 : vector<16xf32>
      %add3A_1831 = arith.addf %add3A_1779, %mul3A_1830 : vector<16xf32>
      %slice3A_1832 = vector.extract_strided_slice %get3A_511 {offsets = [8], sizes = [1], strides = [1]} : vector<16xf32> to vector<1xf32>
      %squeeze3A_1833 = vector.extract %slice3A_1832[0] : f32 from vector<1xf32>
      %mul3A_1834 = vector.broadcast %squeeze3A_1833 : f32 to vector<16xf32>
      %mul3A_1835 = arith.mulf %mul3A_1789, %mul3A_1834 : vector<16xf32>
      %add3A_1836 = arith.addf %add3A_1784, %mul3A_1835 : vector<16xf32>
      %broadcast_in_dim3A_1837 = arith.constant 25 : i32
      %broadcast_in_dim3A_1838 = vector.broadcast %broadcast_in_dim3A_1837 : i32 to vector<16xi32>
      %gather3A_1839 = tpu.vector_load_idx %arg23[%add3A_523, %broadcast_in_dim3A_1838] : memref<512x32xf32, #tpu.memory_space<vmem>>[vector<16xi32>, vector<16xi32>], vector<16xf32>,
      %gather3A_1840 = tpu.vector_load_idx %arg24[%add3A_523, %broadcast_in_dim3A_1838] : memref<512x32xf32, #tpu.memory_space<vmem>>[vector<16xi32>, vector<16xi32>], vector<16xf32>,
      %mul3A_1841 = arith.mulf %gather3A_1839, %gather3A_1840 : vector<16xf32>
      %add3A_1842 = arith.addf %add3A_1790, %mul3A_1841 : vector<16xf32>
      %gather3A_1843 = tpu.vector_load_idx %arg25[%add3A_523, %broadcast_in_dim3A_1838] : memref<512x32xf32, #tpu.memory_space<vmem>>[vector<16xi32>, vector<16xi32>], vector<16xf32>,
      %gather3A_1844 = tpu.vector_load_idx %arg26[%add3A_523, %broadcast_in_dim3A_1838] : memref<512x32xf32, #tpu.memory_space<vmem>>[vector<16xi32>, vector<16xi32>], vector<16xf32>,
      %gather3A_1845 = tpu.vector_load_idx %arg31[%get3A_527, %broadcast_in_dim3A_1838] : memref<8x32xf32, #tpu.memory_space<vmem>>[vector<16xi32>, vector<16xi32>], vector<16xf32>,
      %mul3A_1846 = arith.mulf %gather3A_1843, %gather3A_1844 : vector<16xf32>
      %mul3A_1847 = arith.mulf %mul3A_1846, %gather3A_1845 : vector<16xf32>
      %add3A_1848 = arith.addf %add3A_1796, %mul3A_1847 : vector<16xf32>
      %slice3A_1849 = vector.extract_strided_slice %get3A_455 {offsets = [9], sizes = [1], strides = [1]} : vector<16xf32> to vector<1xf32>
      %squeeze3A_1850 = vector.extract %slice3A_1849[0] : f32 from vector<1xf32>
      %mul3A_1851 = vector.broadcast %squeeze3A_1850 : f32 to vector<16xf32>
      %mul3A_1852 = arith.mulf %mul3A_1841, %mul3A_1851 : vector<16xf32>
      %add3A_1853 = arith.addf %add3A_1801, %mul3A_1852 : vector<16xf32>
      %slice3A_1854 = vector.extract_strided_slice %get3A_463 {offsets = [9], sizes = [1], strides = [1]} : vector<16xf32> to vector<1xf32>
      %squeeze3A_1855 = vector.extract %slice3A_1854[0] : f32 from vector<1xf32>
      %mul3A_1856 = vector.broadcast %squeeze3A_1855 : f32 to vector<16xf32>
      %mul3A_1857 = arith.mulf %mul3A_1841, %mul3A_1856 : vector<16xf32>
      %add3A_1858 = arith.addf %add3A_1806, %mul3A_1857 : vector<16xf32>
      %slice3A_1859 = vector.extract_strided_slice %get3A_471 {offsets = [9], sizes = [1], strides = [1]} : vector<16xf32> to vector<1xf32>
      %squeeze3A_1860 = vector.extract %slice3A_1859[0] : f32 from vector<1xf32>
      %mul3A_1861 = vector.broadcast %squeeze3A_1860 : f32 to vector<16xf32>
      %mul3A_1862 = arith.mulf %mul3A_1841, %mul3A_1861 : vector<16xf32>
      %add3A_1863 = arith.addf %add3A_1811, %mul3A_1862 : vector<16xf32>
      %slice3A_1864 = vector.extract_strided_slice %get3A_479 {offsets = [9], sizes = [1], strides = [1]} : vector<16xf32> to vector<1xf32>
      %squeeze3A_1865 = vector.extract %slice3A_1864[0] : f32 from vector<1xf32>
      %mul3A_1866 = vector.broadcast %squeeze3A_1865 : f32 to vector<16xf32>
      %mul3A_1867 = arith.mulf %mul3A_1841, %mul3A_1866 : vector<16xf32>
      %add3A_1868 = arith.addf %add3A_1816, %mul3A_1867 : vector<16xf32>
      %slice3A_1869 = vector.extract_strided_slice %get3A_487 {offsets = [9], sizes = [1], strides = [1]} : vector<16xf32> to vector<1xf32>
      %squeeze3A_1870 = vector.extract %slice3A_1869[0] : f32 from vector<1xf32>
      %mul3A_1871 = vector.broadcast %squeeze3A_1870 : f32 to vector<16xf32>
      %mul3A_1872 = arith.mulf %mul3A_1841, %mul3A_1871 : vector<16xf32>
      %add3A_1873 = arith.addf %add3A_1821, %mul3A_1872 : vector<16xf32>
      %slice3A_1874 = vector.extract_strided_slice %get3A_495 {offsets = [9], sizes = [1], strides = [1]} : vector<16xf32> to vector<1xf32>
      %squeeze3A_1875 = vector.extract %slice3A_1874[0] : f32 from vector<1xf32>
      %mul3A_1876 = vector.broadcast %squeeze3A_1875 : f32 to vector<16xf32>
      %mul3A_1877 = arith.mulf %mul3A_1841, %mul3A_1876 : vector<16xf32>
      %add3A_1878 = arith.addf %add3A_1826, %mul3A_1877 : vector<16xf32>
      %slice3A_1879 = vector.extract_strided_slice %get3A_503 {offsets = [9], sizes = [1], strides = [1]} : vector<16xf32> to vector<1xf32>
      %squeeze3A_1880 = vector.extract %slice3A_1879[0] : f32 from vector<1xf32>
      %mul3A_1881 = vector.broadcast %squeeze3A_1880 : f32 to vector<16xf32>
      %mul3A_1882 = arith.mulf %mul3A_1841, %mul3A_1881 : vector<16xf32>
      %add3A_1883 = arith.addf %add3A_1831, %mul3A_1882 : vector<16xf32>
      %slice3A_1884 = vector.extract_strided_slice %get3A_511 {offsets = [9], sizes = [1], strides = [1]} : vector<16xf32> to vector<1xf32>
      %squeeze3A_1885 = vector.extract %slice3A_1884[0] : f32 from vector<1xf32>
      %mul3A_1886 = vector.broadcast %squeeze3A_1885 : f32 to vector<16xf32>
      %mul3A_1887 = arith.mulf %mul3A_1841, %mul3A_1886 : vector<16xf32>
      %add3A_1888 = arith.addf %add3A_1836, %mul3A_1887 : vector<16xf32>
      %broadcast_in_dim3A_1889 = arith.constant 26 : i32
      %broadcast_in_dim3A_1890 = vector.broadcast %broadcast_in_dim3A_1889 : i32 to vector<16xi32>
      %gather3A_1891 = tpu.vector_load_idx %arg23[%add3A_523, %broadcast_in_dim3A_1890] : memref<512x32xf32, #tpu.memory_space<vmem>>[vector<16xi32>, vector<16xi32>], vector<16xf32>,
      %gather3A_1892 = tpu.vector_load_idx %arg24[%add3A_523, %broadcast_in_dim3A_1890] : memref<512x32xf32, #tpu.memory_space<vmem>>[vector<16xi32>, vector<16xi32>], vector<16xf32>,
      %mul3A_1893 = arith.mulf %gather3A_1891, %gather3A_1892 : vector<16xf32>
      %add3A_1894 = arith.addf %add3A_1842, %mul3A_1893 : vector<16xf32>
      %gather3A_1895 = tpu.vector_load_idx %arg25[%add3A_523, %broadcast_in_dim3A_1890] : memref<512x32xf32, #tpu.memory_space<vmem>>[vector<16xi32>, vector<16xi32>], vector<16xf32>,
      %gather3A_1896 = tpu.vector_load_idx %arg26[%add3A_523, %broadcast_in_dim3A_1890] : memref<512x32xf32, #tpu.memory_space<vmem>>[vector<16xi32>, vector<16xi32>], vector<16xf32>,
      %gather3A_1897 = tpu.vector_load_idx %arg31[%get3A_527, %broadcast_in_dim3A_1890] : memref<8x32xf32, #tpu.memory_space<vmem>>[vector<16xi32>, vector<16xi32>], vector<16xf32>,
      %mul3A_1898 = arith.mulf %gather3A_1895, %gather3A_1896 : vector<16xf32>
      %mul3A_1899 = arith.mulf %mul3A_1898, %gather3A_1897 : vector<16xf32>
      %add3A_1900 = arith.addf %add3A_1848, %mul3A_1899 : vector<16xf32>
      %slice3A_1901 = vector.extract_strided_slice %get3A_455 {offsets = [10], sizes = [1], strides = [1]} : vector<16xf32> to vector<1xf32>
      %squeeze3A_1902 = vector.extract %slice3A_1901[0] : f32 from vector<1xf32>
      %mul3A_1903 = vector.broadcast %squeeze3A_1902 : f32 to vector<16xf32>
      %mul3A_1904 = arith.mulf %mul3A_1893, %mul3A_1903 : vector<16xf32>
      %add3A_1905 = arith.addf %add3A_1853, %mul3A_1904 : vector<16xf32>
      %slice3A_1906 = vector.extract_strided_slice %get3A_463 {offsets = [10], sizes = [1], strides = [1]} : vector<16xf32> to vector<1xf32>
      %squeeze3A_1907 = vector.extract %slice3A_1906[0] : f32 from vector<1xf32>
      %mul3A_1908 = vector.broadcast %squeeze3A_1907 : f32 to vector<16xf32>
      %mul3A_1909 = arith.mulf %mul3A_1893, %mul3A_1908 : vector<16xf32>
      %add3A_1910 = arith.addf %add3A_1858, %mul3A_1909 : vector<16xf32>
      %slice3A_1911 = vector.extract_strided_slice %get3A_471 {offsets = [10], sizes = [1], strides = [1]} : vector<16xf32> to vector<1xf32>
      %squeeze3A_1912 = vector.extract %slice3A_1911[0] : f32 from vector<1xf32>
      %mul3A_1913 = vector.broadcast %squeeze3A_1912 : f32 to vector<16xf32>
      %mul3A_1914 = arith.mulf %mul3A_1893, %mul3A_1913 : vector<16xf32>
      %add3A_1915 = arith.addf %add3A_1863, %mul3A_1914 : vector<16xf32>
      %slice3A_1916 = vector.extract_strided_slice %get3A_479 {offsets = [10], sizes = [1], strides = [1]} : vector<16xf32> to vector<1xf32>
      %squeeze3A_1917 = vector.extract %slice3A_1916[0] : f32 from vector<1xf32>
      %mul3A_1918 = vector.broadcast %squeeze3A_1917 : f32 to vector<16xf32>
      %mul3A_1919 = arith.mulf %mul3A_1893, %mul3A_1918 : vector<16xf32>
      %add3A_1920 = arith.addf %add3A_1868, %mul3A_1919 : vector<16xf32>
      %slice3A_1921 = vector.extract_strided_slice %get3A_487 {offsets = [10], sizes = [1], strides = [1]} : vector<16xf32> to vector<1xf32>
      %squeeze3A_1922 = vector.extract %slice3A_1921[0] : f32 from vector<1xf32>
      %mul3A_1923 = vector.broadcast %squeeze3A_1922 : f32 to vector<16xf32>
      %mul3A_1924 = arith.mulf %mul3A_1893, %mul3A_1923 : vector<16xf32>
      %add3A_1925 = arith.addf %add3A_1873, %mul3A_1924 : vector<16xf32>
      %slice3A_1926 = vector.extract_strided_slice %get3A_495 {offsets = [10], sizes = [1], strides = [1]} : vector<16xf32> to vector<1xf32>
      %squeeze3A_1927 = vector.extract %slice3A_1926[0] : f32 from vector<1xf32>
      %mul3A_1928 = vector.broadcast %squeeze3A_1927 : f32 to vector<16xf32>
      %mul3A_1929 = arith.mulf %mul3A_1893, %mul3A_1928 : vector<16xf32>
      %add3A_1930 = arith.addf %add3A_1878, %mul3A_1929 : vector<16xf32>
      %slice3A_1931 = vector.extract_strided_slice %get3A_503 {offsets = [10], sizes = [1], strides = [1]} : vector<16xf32> to vector<1xf32>
      %squeeze3A_1932 = vector.extract %slice3A_1931[0] : f32 from vector<1xf32>
      %mul3A_1933 = vector.broadcast %squeeze3A_1932 : f32 to vector<16xf32>
      %mul3A_1934 = arith.mulf %mul3A_1893, %mul3A_1933 : vector<16xf32>
      %add3A_1935 = arith.addf %add3A_1883, %mul3A_1934 : vector<16xf32>
      %slice3A_1936 = vector.extract_strided_slice %get3A_511 {offsets = [10], sizes = [1], strides = [1]} : vector<16xf32> to vector<1xf32>
      %squeeze3A_1937 = vector.extract %slice3A_1936[0] : f32 from vector<1xf32>
      %mul3A_1938 = vector.broadcast %squeeze3A_1937 : f32 to vector<16xf32>
      %mul3A_1939 = arith.mulf %mul3A_1893, %mul3A_1938 : vector<16xf32>
      %add3A_1940 = arith.addf %add3A_1888, %mul3A_1939 : vector<16xf32>
      %broadcast_in_dim3A_1941 = arith.constant 27 : i32
      %broadcast_in_dim3A_1942 = vector.broadcast %broadcast_in_dim3A_1941 : i32 to vector<16xi32>
      %gather3A_1943 = tpu.vector_load_idx %arg23[%add3A_523, %broadcast_in_dim3A_1942] : memref<512x32xf32, #tpu.memory_space<vmem>>[vector<16xi32>, vector<16xi32>], vector<16xf32>,
      %gather3A_1944 = tpu.vector_load_idx %arg24[%add3A_523, %broadcast_in_dim3A_1942] : memref<512x32xf32, #tpu.memory_space<vmem>>[vector<16xi32>, vector<16xi32>], vector<16xf32>,
      %mul3A_1945 = arith.mulf %gather3A_1943, %gather3A_1944 : vector<16xf32>
      %add3A_1946 = arith.addf %add3A_1894, %mul3A_1945 : vector<16xf32>
      %gather3A_1947 = tpu.vector_load_idx %arg25[%add3A_523, %broadcast_in_dim3A_1942] : memref<512x32xf32, #tpu.memory_space<vmem>>[vector<16xi32>, vector<16xi32>], vector<16xf32>,
      %gather3A_1948 = tpu.vector_load_idx %arg26[%add3A_523, %broadcast_in_dim3A_1942] : memref<512x32xf32, #tpu.memory_space<vmem>>[vector<16xi32>, vector<16xi32>], vector<16xf32>,
      %gather3A_1949 = tpu.vector_load_idx %arg31[%get3A_527, %broadcast_in_dim3A_1942] : memref<8x32xf32, #tpu.memory_space<vmem>>[vector<16xi32>, vector<16xi32>], vector<16xf32>,
      %mul3A_1950 = arith.mulf %gather3A_1947, %gather3A_1948 : vector<16xf32>
      %mul3A_1951 = arith.mulf %mul3A_1950, %gather3A_1949 : vector<16xf32>
      %add3A_1952 = arith.addf %add3A_1900, %mul3A_1951 : vector<16xf32>
      %slice3A_1953 = vector.extract_strided_slice %get3A_455 {offsets = [11], sizes = [1], strides = [1]} : vector<16xf32> to vector<1xf32>
      %squeeze3A_1954 = vector.extract %slice3A_1953[0] : f32 from vector<1xf32>
      %mul3A_1955 = vector.broadcast %squeeze3A_1954 : f32 to vector<16xf32>
      %mul3A_1956 = arith.mulf %mul3A_1945, %mul3A_1955 : vector<16xf32>
      %add3A_1957 = arith.addf %add3A_1905, %mul3A_1956 : vector<16xf32>
      %slice3A_1958 = vector.extract_strided_slice %get3A_463 {offsets = [11], sizes = [1], strides = [1]} : vector<16xf32> to vector<1xf32>
      %squeeze3A_1959 = vector.extract %slice3A_1958[0] : f32 from vector<1xf32>
      %mul3A_1960 = vector.broadcast %squeeze3A_1959 : f32 to vector<16xf32>
      %mul3A_1961 = arith.mulf %mul3A_1945, %mul3A_1960 : vector<16xf32>
      %add3A_1962 = arith.addf %add3A_1910, %mul3A_1961 : vector<16xf32>
      %slice3A_1963 = vector.extract_strided_slice %get3A_471 {offsets = [11], sizes = [1], strides = [1]} : vector<16xf32> to vector<1xf32>
      %squeeze3A_1964 = vector.extract %slice3A_1963[0] : f32 from vector<1xf32>
      %mul3A_1965 = vector.broadcast %squeeze3A_1964 : f32 to vector<16xf32>
      %mul3A_1966 = arith.mulf %mul3A_1945, %mul3A_1965 : vector<16xf32>
      %add3A_1967 = arith.addf %add3A_1915, %mul3A_1966 : vector<16xf32>
      %slice3A_1968 = vector.extract_strided_slice %get3A_479 {offsets = [11], sizes = [1], strides = [1]} : vector<16xf32> to vector<1xf32>
      %squeeze3A_1969 = vector.extract %slice3A_1968[0] : f32 from vector<1xf32>
      %mul3A_1970 = vector.broadcast %squeeze3A_1969 : f32 to vector<16xf32>
      %mul3A_1971 = arith.mulf %mul3A_1945, %mul3A_1970 : vector<16xf32>
      %add3A_1972 = arith.addf %add3A_1920, %mul3A_1971 : vector<16xf32>
      %slice3A_1973 = vector.extract_strided_slice %get3A_487 {offsets = [11], sizes = [1], strides = [1]} : vector<16xf32> to vector<1xf32>
      %squeeze3A_1974 = vector.extract %slice3A_1973[0] : f32 from vector<1xf32>
      %mul3A_1975 = vector.broadcast %squeeze3A_1974 : f32 to vector<16xf32>
      %mul3A_1976 = arith.mulf %mul3A_1945, %mul3A_1975 : vector<16xf32>
      %add3A_1977 = arith.addf %add3A_1925, %mul3A_1976 : vector<16xf32>
      %slice3A_1978 = vector.extract_strided_slice %get3A_495 {offsets = [11], sizes = [1], strides = [1]} : vector<16xf32> to vector<1xf32>
      %squeeze3A_1979 = vector.extract %slice3A_1978[0] : f32 from vector<1xf32>
      %mul3A_1980 = vector.broadcast %squeeze3A_1979 : f32 to vector<16xf32>
      %mul3A_1981 = arith.mulf %mul3A_1945, %mul3A_1980 : vector<16xf32>
      %add3A_1982 = arith.addf %add3A_1930, %mul3A_1981 : vector<16xf32>
      %slice3A_1983 = vector.extract_strided_slice %get3A_503 {offsets = [11], sizes = [1], strides = [1]} : vector<16xf32> to vector<1xf32>
      %squeeze3A_1984 = vector.extract %slice3A_1983[0] : f32 from vector<1xf32>
      %mul3A_1985 = vector.broadcast %squeeze3A_1984 : f32 to vector<16xf32>
      %mul3A_1986 = arith.mulf %mul3A_1945, %mul3A_1985 : vector<16xf32>
      %add3A_1987 = arith.addf %add3A_1935, %mul3A_1986 : vector<16xf32>
      %slice3A_1988 = vector.extract_strided_slice %get3A_511 {offsets = [11], sizes = [1], strides = [1]} : vector<16xf32> to vector<1xf32>
      %squeeze3A_1989 = vector.extract %slice3A_1988[0] : f32 from vector<1xf32>
      %mul3A_1990 = vector.broadcast %squeeze3A_1989 : f32 to vector<16xf32>
      %mul3A_1991 = arith.mulf %mul3A_1945, %mul3A_1990 : vector<16xf32>
      %add3A_1992 = arith.addf %add3A_1940, %mul3A_1991 : vector<16xf32>
      %broadcast_in_dim3A_1993 = arith.constant 28 : i32
      %broadcast_in_dim3A_1994 = vector.broadcast %broadcast_in_dim3A_1993 : i32 to vector<16xi32>
      %gather3A_1995 = tpu.vector_load_idx %arg23[%add3A_523, %broadcast_in_dim3A_1994] : memref<512x32xf32, #tpu.memory_space<vmem>>[vector<16xi32>, vector<16xi32>], vector<16xf32>,
      %gather3A_1996 = tpu.vector_load_idx %arg24[%add3A_523, %broadcast_in_dim3A_1994] : memref<512x32xf32, #tpu.memory_space<vmem>>[vector<16xi32>, vector<16xi32>], vector<16xf32>,
      %mul3A_1997 = arith.mulf %gather3A_1995, %gather3A_1996 : vector<16xf32>
      %add3A_1998 = arith.addf %add3A_1946, %mul3A_1997 : vector<16xf32>
      %gather3A_1999 = tpu.vector_load_idx %arg25[%add3A_523, %broadcast_in_dim3A_1994] : memref<512x32xf32, #tpu.memory_space<vmem>>[vector<16xi32>, vector<16xi32>], vector<16xf32>,
      %gather3A_2000 = tpu.vector_load_idx %arg26[%add3A_523, %broadcast_in_dim3A_1994] : memref<512x32xf32, #tpu.memory_space<vmem>>[vector<16xi32>, vector<16xi32>], vector<16xf32>,
      %gather3A_2001 = tpu.vector_load_idx %arg31[%get3A_527, %broadcast_in_dim3A_1994] : memref<8x32xf32, #tpu.memory_space<vmem>>[vector<16xi32>, vector<16xi32>], vector<16xf32>,
      %mul3A_2002 = arith.mulf %gather3A_1999, %gather3A_2000 : vector<16xf32>
      %mul3A_2003 = arith.mulf %mul3A_2002, %gather3A_2001 : vector<16xf32>
      %add3A_2004 = arith.addf %add3A_1952, %mul3A_2003 : vector<16xf32>
      %slice3A_2005 = vector.extract_strided_slice %get3A_455 {offsets = [12], sizes = [1], strides = [1]} : vector<16xf32> to vector<1xf32>
      %squeeze3A_2006 = vector.extract %slice3A_2005[0] : f32 from vector<1xf32>
      %mul3A_2007 = vector.broadcast %squeeze3A_2006 : f32 to vector<16xf32>
      %mul3A_2008 = arith.mulf %mul3A_1997, %mul3A_2007 : vector<16xf32>
      %add3A_2009 = arith.addf %add3A_1957, %mul3A_2008 : vector<16xf32>
      %slice3A_2010 = vector.extract_strided_slice %get3A_463 {offsets = [12], sizes = [1], strides = [1]} : vector<16xf32> to vector<1xf32>
      %squeeze3A_2011 = vector.extract %slice3A_2010[0] : f32 from vector<1xf32>
      %mul3A_2012 = vector.broadcast %squeeze3A_2011 : f32 to vector<16xf32>
      %mul3A_2013 = arith.mulf %mul3A_1997, %mul3A_2012 : vector<16xf32>
      %add3A_2014 = arith.addf %add3A_1962, %mul3A_2013 : vector<16xf32>
      %slice3A_2015 = vector.extract_strided_slice %get3A_471 {offsets = [12], sizes = [1], strides = [1]} : vector<16xf32> to vector<1xf32>
      %squeeze3A_2016 = vector.extract %slice3A_2015[0] : f32 from vector<1xf32>
      %mul3A_2017 = vector.broadcast %squeeze3A_2016 : f32 to vector<16xf32>
      %mul3A_2018 = arith.mulf %mul3A_1997, %mul3A_2017 : vector<16xf32>
      %add3A_2019 = arith.addf %add3A_1967, %mul3A_2018 : vector<16xf32>
      %slice3A_2020 = vector.extract_strided_slice %get3A_479 {offsets = [12], sizes = [1], strides = [1]} : vector<16xf32> to vector<1xf32>
      %squeeze3A_2021 = vector.extract %slice3A_2020[0] : f32 from vector<1xf32>
      %mul3A_2022 = vector.broadcast %squeeze3A_2021 : f32 to vector<16xf32>
      %mul3A_2023 = arith.mulf %mul3A_1997, %mul3A_2022 : vector<16xf32>
      %add3A_2024 = arith.addf %add3A_1972, %mul3A_2023 : vector<16xf32>
      %slice3A_2025 = vector.extract_strided_slice %get3A_487 {offsets = [12], sizes = [1], strides = [1]} : vector<16xf32> to vector<1xf32>
      %squeeze3A_2026 = vector.extract %slice3A_2025[0] : f32 from vector<1xf32>
      %mul3A_2027 = vector.broadcast %squeeze3A_2026 : f32 to vector<16xf32>
      %mul3A_2028 = arith.mulf %mul3A_1997, %mul3A_2027 : vector<16xf32>
      %add3A_2029 = arith.addf %add3A_1977, %mul3A_2028 : vector<16xf32>
      %slice3A_2030 = vector.extract_strided_slice %get3A_495 {offsets = [12], sizes = [1], strides = [1]} : vector<16xf32> to vector<1xf32>
      %squeeze3A_2031 = vector.extract %slice3A_2030[0] : f32 from vector<1xf32>
      %mul3A_2032 = vector.broadcast %squeeze3A_2031 : f32 to vector<16xf32>
      %mul3A_2033 = arith.mulf %mul3A_1997, %mul3A_2032 : vector<16xf32>
      %add3A_2034 = arith.addf %add3A_1982, %mul3A_2033 : vector<16xf32>
      %slice3A_2035 = vector.extract_strided_slice %get3A_503 {offsets = [12], sizes = [1], strides = [1]} : vector<16xf32> to vector<1xf32>
      %squeeze3A_2036 = vector.extract %slice3A_2035[0] : f32 from vector<1xf32>
      %mul3A_2037 = vector.broadcast %squeeze3A_2036 : f32 to vector<16xf32>
      %mul3A_2038 = arith.mulf %mul3A_1997, %mul3A_2037 : vector<16xf32>
      %add3A_2039 = arith.addf %add3A_1987, %mul3A_2038 : vector<16xf32>
      %slice3A_2040 = vector.extract_strided_slice %get3A_511 {offsets = [12], sizes = [1], strides = [1]} : vector<16xf32> to vector<1xf32>
      %squeeze3A_2041 = vector.extract %slice3A_2040[0] : f32 from vector<1xf32>
      %mul3A_2042 = vector.broadcast %squeeze3A_2041 : f32 to vector<16xf32>
      %mul3A_2043 = arith.mulf %mul3A_1997, %mul3A_2042 : vector<16xf32>
      %add3A_2044 = arith.addf %add3A_1992, %mul3A_2043 : vector<16xf32>
      %broadcast_in_dim3A_2045 = arith.constant 29 : i32
      %broadcast_in_dim3A_2046 = vector.broadcast %broadcast_in_dim3A_2045 : i32 to vector<16xi32>
      %gather3A_2047 = tpu.vector_load_idx %arg23[%add3A_523, %broadcast_in_dim3A_2046] : memref<512x32xf32, #tpu.memory_space<vmem>>[vector<16xi32>, vector<16xi32>], vector<16xf32>,
      %gather3A_2048 = tpu.vector_load_idx %arg24[%add3A_523, %broadcast_in_dim3A_2046] : memref<512x32xf32, #tpu.memory_space<vmem>>[vector<16xi32>, vector<16xi32>], vector<16xf32>,
      %mul3A_2049 = arith.mulf %gather3A_2047, %gather3A_2048 : vector<16xf32>
      %add3A_2050 = arith.addf %add3A_1998, %mul3A_2049 : vector<16xf32>
      %gather3A_2051 = tpu.vector_load_idx %arg25[%add3A_523, %broadcast_in_dim3A_2046] : memref<512x32xf32, #tpu.memory_space<vmem>>[vector<16xi32>, vector<16xi32>], vector<16xf32>,
      %gather3A_2052 = tpu.vector_load_idx %arg26[%add3A_523, %broadcast_in_dim3A_2046] : memref<512x32xf32, #tpu.memory_space<vmem>>[vector<16xi32>, vector<16xi32>], vector<16xf32>,
      %gather3A_2053 = tpu.vector_load_idx %arg31[%get3A_527, %broadcast_in_dim3A_2046] : memref<8x32xf32, #tpu.memory_space<vmem>>[vector<16xi32>, vector<16xi32>], vector<16xf32>,
      %mul3A_2054 = arith.mulf %gather3A_2051, %gather3A_2052 : vector<16xf32>
      %mul3A_2055 = arith.mulf %mul3A_2054, %gather3A_2053 : vector<16xf32>
      %add3A_2056 = arith.addf %add3A_2004, %mul3A_2055 : vector<16xf32>
      %slice3A_2057 = vector.extract_strided_slice %get3A_455 {offsets = [13], sizes = [1], strides = [1]} : vector<16xf32> to vector<1xf32>
      %squeeze3A_2058 = vector.extract %slice3A_2057[0] : f32 from vector<1xf32>
      %mul3A_2059 = vector.broadcast %squeeze3A_2058 : f32 to vector<16xf32>
      %mul3A_2060 = arith.mulf %mul3A_2049, %mul3A_2059 : vector<16xf32>
      %add3A_2061 = arith.addf %add3A_2009, %mul3A_2060 : vector<16xf32>
      %slice3A_2062 = vector.extract_strided_slice %get3A_463 {offsets = [13], sizes = [1], strides = [1]} : vector<16xf32> to vector<1xf32>
      %squeeze3A_2063 = vector.extract %slice3A_2062[0] : f32 from vector<1xf32>
      %mul3A_2064 = vector.broadcast %squeeze3A_2063 : f32 to vector<16xf32>
      %mul3A_2065 = arith.mulf %mul3A_2049, %mul3A_2064 : vector<16xf32>
      %add3A_2066 = arith.addf %add3A_2014, %mul3A_2065 : vector<16xf32>
      %slice3A_2067 = vector.extract_strided_slice %get3A_471 {offsets = [13], sizes = [1], strides = [1]} : vector<16xf32> to vector<1xf32>
      %squeeze3A_2068 = vector.extract %slice3A_2067[0] : f32 from vector<1xf32>
      %mul3A_2069 = vector.broadcast %squeeze3A_2068 : f32 to vector<16xf32>
      %mul3A_2070 = arith.mulf %mul3A_2049, %mul3A_2069 : vector<16xf32>
      %add3A_2071 = arith.addf %add3A_2019, %mul3A_2070 : vector<16xf32>
      %slice3A_2072 = vector.extract_strided_slice %get3A_479 {offsets = [13], sizes = [1], strides = [1]} : vector<16xf32> to vector<1xf32>
      %squeeze3A_2073 = vector.extract %slice3A_2072[0] : f32 from vector<1xf32>
      %mul3A_2074 = vector.broadcast %squeeze3A_2073 : f32 to vector<16xf32>
      %mul3A_2075 = arith.mulf %mul3A_2049, %mul3A_2074 : vector<16xf32>
      %add3A_2076 = arith.addf %add3A_2024, %mul3A_2075 : vector<16xf32>
      %slice3A_2077 = vector.extract_strided_slice %get3A_487 {offsets = [13], sizes = [1], strides = [1]} : vector<16xf32> to vector<1xf32>
      %squeeze3A_2078 = vector.extract %slice3A_2077[0] : f32 from vector<1xf32>
      %mul3A_2079 = vector.broadcast %squeeze3A_2078 : f32 to vector<16xf32>
      %mul3A_2080 = arith.mulf %mul3A_2049, %mul3A_2079 : vector<16xf32>
      %add3A_2081 = arith.addf %add3A_2029, %mul3A_2080 : vector<16xf32>
      %slice3A_2082 = vector.extract_strided_slice %get3A_495 {offsets = [13], sizes = [1], strides = [1]} : vector<16xf32> to vector<1xf32>
      %squeeze3A_2083 = vector.extract %slice3A_2082[0] : f32 from vector<1xf32>
      %mul3A_2084 = vector.broadcast %squeeze3A_2083 : f32 to vector<16xf32>
      %mul3A_2085 = arith.mulf %mul3A_2049, %mul3A_2084 : vector<16xf32>
      %add3A_2086 = arith.addf %add3A_2034, %mul3A_2085 : vector<16xf32>
      %slice3A_2087 = vector.extract_strided_slice %get3A_503 {offsets = [13], sizes = [1], strides = [1]} : vector<16xf32> to vector<1xf32>
      %squeeze3A_2088 = vector.extract %slice3A_2087[0] : f32 from vector<1xf32>
      %mul3A_2089 = vector.broadcast %squeeze3A_2088 : f32 to vector<16xf32>
      %mul3A_2090 = arith.mulf %mul3A_2049, %mul3A_2089 : vector<16xf32>
      %add3A_2091 = arith.addf %add3A_2039, %mul3A_2090 : vector<16xf32>
      %slice3A_2092 = vector.extract_strided_slice %get3A_511 {offsets = [13], sizes = [1], strides = [1]} : vector<16xf32> to vector<1xf32>
      %squeeze3A_2093 = vector.extract %slice3A_2092[0] : f32 from vector<1xf32>
      %mul3A_2094 = vector.broadcast %squeeze3A_2093 : f32 to vector<16xf32>
      %mul3A_2095 = arith.mulf %mul3A_2049, %mul3A_2094 : vector<16xf32>
      %add3A_2096 = arith.addf %add3A_2044, %mul3A_2095 : vector<16xf32>
      %broadcast_in_dim3A_2097 = arith.constant 30 : i32
      %broadcast_in_dim3A_2098 = vector.broadcast %broadcast_in_dim3A_2097 : i32 to vector<16xi32>
      %gather3A_2099 = tpu.vector_load_idx %arg23[%add3A_523, %broadcast_in_dim3A_2098] : memref<512x32xf32, #tpu.memory_space<vmem>>[vector<16xi32>, vector<16xi32>], vector<16xf32>,
      %gather3A_2100 = tpu.vector_load_idx %arg24[%add3A_523, %broadcast_in_dim3A_2098] : memref<512x32xf32, #tpu.memory_space<vmem>>[vector<16xi32>, vector<16xi32>], vector<16xf32>,
      %mul3A_2101 = arith.mulf %gather3A_2099, %gather3A_2100 : vector<16xf32>
      %add3A_2102 = arith.addf %add3A_2050, %mul3A_2101 : vector<16xf32>
      %gather3A_2103 = tpu.vector_load_idx %arg25[%add3A_523, %broadcast_in_dim3A_2098] : memref<512x32xf32, #tpu.memory_space<vmem>>[vector<16xi32>, vector<16xi32>], vector<16xf32>,
      %gather3A_2104 = tpu.vector_load_idx %arg26[%add3A_523, %broadcast_in_dim3A_2098] : memref<512x32xf32, #tpu.memory_space<vmem>>[vector<16xi32>, vector<16xi32>], vector<16xf32>,
      %gather3A_2105 = tpu.vector_load_idx %arg31[%get3A_527, %broadcast_in_dim3A_2098] : memref<8x32xf32, #tpu.memory_space<vmem>>[vector<16xi32>, vector<16xi32>], vector<16xf32>,
      %mul3A_2106 = arith.mulf %gather3A_2103, %gather3A_2104 : vector<16xf32>
      %mul3A_2107 = arith.mulf %mul3A_2106, %gather3A_2105 : vector<16xf32>
      %add3A_2108 = arith.addf %add3A_2056, %mul3A_2107 : vector<16xf32>
      %slice3A_2109 = vector.extract_strided_slice %get3A_455 {offsets = [14], sizes = [1], strides = [1]} : vector<16xf32> to vector<1xf32>
      %squeeze3A_2110 = vector.extract %slice3A_2109[0] : f32 from vector<1xf32>
      %mul3A_2111 = vector.broadcast %squeeze3A_2110 : f32 to vector<16xf32>
      %mul3A_2112 = arith.mulf %mul3A_2101, %mul3A_2111 : vector<16xf32>
      %add3A_2113 = arith.addf %add3A_2061, %mul3A_2112 : vector<16xf32>
      %slice3A_2114 = vector.extract_strided_slice %get3A_463 {offsets = [14], sizes = [1], strides = [1]} : vector<16xf32> to vector<1xf32>
      %squeeze3A_2115 = vector.extract %slice3A_2114[0] : f32 from vector<1xf32>
      %mul3A_2116 = vector.broadcast %squeeze3A_2115 : f32 to vector<16xf32>
      %mul3A_2117 = arith.mulf %mul3A_2101, %mul3A_2116 : vector<16xf32>
      %add3A_2118 = arith.addf %add3A_2066, %mul3A_2117 : vector<16xf32>
      %slice3A_2119 = vector.extract_strided_slice %get3A_471 {offsets = [14], sizes = [1], strides = [1]} : vector<16xf32> to vector<1xf32>
      %squeeze3A_2120 = vector.extract %slice3A_2119[0] : f32 from vector<1xf32>
      %mul3A_2121 = vector.broadcast %squeeze3A_2120 : f32 to vector<16xf32>
      %mul3A_2122 = arith.mulf %mul3A_2101, %mul3A_2121 : vector<16xf32>
      %add3A_2123 = arith.addf %add3A_2071, %mul3A_2122 : vector<16xf32>
      %slice3A_2124 = vector.extract_strided_slice %get3A_479 {offsets = [14], sizes = [1], strides = [1]} : vector<16xf32> to vector<1xf32>
      %squeeze3A_2125 = vector.extract %slice3A_2124[0] : f32 from vector<1xf32>
      %mul3A_2126 = vector.broadcast %squeeze3A_2125 : f32 to vector<16xf32>
      %mul3A_2127 = arith.mulf %mul3A_2101, %mul3A_2126 : vector<16xf32>
      %add3A_2128 = arith.addf %add3A_2076, %mul3A_2127 : vector<16xf32>
      %slice3A_2129 = vector.extract_strided_slice %get3A_487 {offsets = [14], sizes = [1], strides = [1]} : vector<16xf32> to vector<1xf32>
      %squeeze3A_2130 = vector.extract %slice3A_2129[0] : f32 from vector<1xf32>
      %mul3A_2131 = vector.broadcast %squeeze3A_2130 : f32 to vector<16xf32>
      %mul3A_2132 = arith.mulf %mul3A_2101, %mul3A_2131 : vector<16xf32>
      %add3A_2133 = arith.addf %add3A_2081, %mul3A_2132 : vector<16xf32>
      %slice3A_2134 = vector.extract_strided_slice %get3A_495 {offsets = [14], sizes = [1], strides = [1]} : vector<16xf32> to vector<1xf32>
      %squeeze3A_2135 = vector.extract %slice3A_2134[0] : f32 from vector<1xf32>
      %mul3A_2136 = vector.broadcast %squeeze3A_2135 : f32 to vector<16xf32>
      %mul3A_2137 = arith.mulf %mul3A_2101, %mul3A_2136 : vector<16xf32>
      %add3A_2138 = arith.addf %add3A_2086, %mul3A_2137 : vector<16xf32>
      %slice3A_2139 = vector.extract_strided_slice %get3A_503 {offsets = [14], sizes = [1], strides = [1]} : vector<16xf32> to vector<1xf32>
      %squeeze3A_2140 = vector.extract %slice3A_2139[0] : f32 from vector<1xf32>
      %mul3A_2141 = vector.broadcast %squeeze3A_2140 : f32 to vector<16xf32>
      %mul3A_2142 = arith.mulf %mul3A_2101, %mul3A_2141 : vector<16xf32>
      %add3A_2143 = arith.addf %add3A_2091, %mul3A_2142 : vector<16xf32>
      %slice3A_2144 = vector.extract_strided_slice %get3A_511 {offsets = [14], sizes = [1], strides = [1]} : vector<16xf32> to vector<1xf32>
      %squeeze3A_2145 = vector.extract %slice3A_2144[0] : f32 from vector<1xf32>
      %mul3A_2146 = vector.broadcast %squeeze3A_2145 : f32 to vector<16xf32>
      %mul3A_2147 = arith.mulf %mul3A_2101, %mul3A_2146 : vector<16xf32>
      %add3A_2148 = arith.addf %add3A_2096, %mul3A_2147 : vector<16xf32>
      %broadcast_in_dim3A_2149 = arith.constant 31 : i32
      %broadcast_in_dim3A_2150 = vector.broadcast %broadcast_in_dim3A_2149 : i32 to vector<16xi32>
      %gather3A_2151 = tpu.vector_load_idx %arg23[%add3A_523, %broadcast_in_dim3A_2150] : memref<512x32xf32, #tpu.memory_space<vmem>>[vector<16xi32>, vector<16xi32>], vector<16xf32>,
      %gather3A_2152 = tpu.vector_load_idx %arg24[%add3A_523, %broadcast_in_dim3A_2150] : memref<512x32xf32, #tpu.memory_space<vmem>>[vector<16xi32>, vector<16xi32>], vector<16xf32>,
      %mul3A_2153 = arith.mulf %gather3A_2151, %gather3A_2152 : vector<16xf32>
      %add3A_2154 = arith.addf %add3A_2102, %mul3A_2153 : vector<16xf32>
      %gather3A_2155 = tpu.vector_load_idx %arg25[%add3A_523, %broadcast_in_dim3A_2150] : memref<512x32xf32, #tpu.memory_space<vmem>>[vector<16xi32>, vector<16xi32>], vector<16xf32>,
      %gather3A_2156 = tpu.vector_load_idx %arg26[%add3A_523, %broadcast_in_dim3A_2150] : memref<512x32xf32, #tpu.memory_space<vmem>>[vector<16xi32>, vector<16xi32>], vector<16xf32>,
      %gather3A_2157 = tpu.vector_load_idx %arg31[%get3A_527, %broadcast_in_dim3A_2150] : memref<8x32xf32, #tpu.memory_space<vmem>>[vector<16xi32>, vector<16xi32>], vector<16xf32>,
      %mul3A_2158 = arith.mulf %gather3A_2155, %gather3A_2156 : vector<16xf32>
      %mul3A_2159 = arith.mulf %mul3A_2158, %gather3A_2157 : vector<16xf32>
      %add3A_2160 = arith.addf %add3A_2108, %mul3A_2159 : vector<16xf32>
      %slice3A_2161 = vector.extract_strided_slice %get3A_455 {offsets = [15], sizes = [1], strides = [1]} : vector<16xf32> to vector<1xf32>
      %squeeze3A_2162 = vector.extract %slice3A_2161[0] : f32 from vector<1xf32>
      %mul3A_2163 = vector.broadcast %squeeze3A_2162 : f32 to vector<16xf32>
      %mul3A_2164 = arith.mulf %mul3A_2153, %mul3A_2163 : vector<16xf32>
      %add3A_2165 = arith.addf %add3A_2113, %mul3A_2164 : vector<16xf32>
      %slice3A_2166 = vector.extract_strided_slice %get3A_463 {offsets = [15], sizes = [1], strides = [1]} : vector<16xf32> to vector<1xf32>
      %squeeze3A_2167 = vector.extract %slice3A_2166[0] : f32 from vector<1xf32>
      %mul3A_2168 = vector.broadcast %squeeze3A_2167 : f32 to vector<16xf32>
      %mul3A_2169 = arith.mulf %mul3A_2153, %mul3A_2168 : vector<16xf32>
      %add3A_2170 = arith.addf %add3A_2118, %mul3A_2169 : vector<16xf32>
      %slice3A_2171 = vector.extract_strided_slice %get3A_471 {offsets = [15], sizes = [1], strides = [1]} : vector<16xf32> to vector<1xf32>
      %squeeze3A_2172 = vector.extract %slice3A_2171[0] : f32 from vector<1xf32>
      %mul3A_2173 = vector.broadcast %squeeze3A_2172 : f32 to vector<16xf32>
      %mul3A_2174 = arith.mulf %mul3A_2153, %mul3A_2173 : vector<16xf32>
      %add3A_2175 = arith.addf %add3A_2123, %mul3A_2174 : vector<16xf32>
      %slice3A_2176 = vector.extract_strided_slice %get3A_479 {offsets = [15], sizes = [1], strides = [1]} : vector<16xf32> to vector<1xf32>
      %squeeze3A_2177 = vector.extract %slice3A_2176[0] : f32 from vector<1xf32>
      %mul3A_2178 = vector.broadcast %squeeze3A_2177 : f32 to vector<16xf32>
      %mul3A_2179 = arith.mulf %mul3A_2153, %mul3A_2178 : vector<16xf32>
      %add3A_2180 = arith.addf %add3A_2128, %mul3A_2179 : vector<16xf32>
      %slice3A_2181 = vector.extract_strided_slice %get3A_487 {offsets = [15], sizes = [1], strides = [1]} : vector<16xf32> to vector<1xf32>
      %squeeze3A_2182 = vector.extract %slice3A_2181[0] : f32 from vector<1xf32>
      %mul3A_2183 = vector.broadcast %squeeze3A_2182 : f32 to vector<16xf32>
      %mul3A_2184 = arith.mulf %mul3A_2153, %mul3A_2183 : vector<16xf32>
      %add3A_2185 = arith.addf %add3A_2133, %mul3A_2184 : vector<16xf32>
      %slice3A_2186 = vector.extract_strided_slice %get3A_495 {offsets = [15], sizes = [1], strides = [1]} : vector<16xf32> to vector<1xf32>
      %squeeze3A_2187 = vector.extract %slice3A_2186[0] : f32 from vector<1xf32>
      %mul3A_2188 = vector.broadcast %squeeze3A_2187 : f32 to vector<16xf32>
      %mul3A_2189 = arith.mulf %mul3A_2153, %mul3A_2188 : vector<16xf32>
      %add3A_2190 = arith.addf %add3A_2138, %mul3A_2189 : vector<16xf32>
      %slice3A_2191 = vector.extract_strided_slice %get3A_503 {offsets = [15], sizes = [1], strides = [1]} : vector<16xf32> to vector<1xf32>
      %squeeze3A_2192 = vector.extract %slice3A_2191[0] : f32 from vector<1xf32>
      %mul3A_2193 = vector.broadcast %squeeze3A_2192 : f32 to vector<16xf32>
      %mul3A_2194 = arith.mulf %mul3A_2153, %mul3A_2193 : vector<16xf32>
      %add3A_2195 = arith.addf %add3A_2143, %mul3A_2194 : vector<16xf32>
      %slice3A_2196 = vector.extract_strided_slice %get3A_511 {offsets = [15], sizes = [1], strides = [1]} : vector<16xf32> to vector<1xf32>
      %squeeze3A_2197 = vector.extract %slice3A_2196[0] : f32 from vector<1xf32>
      %mul3A_2198 = vector.broadcast %squeeze3A_2197 : f32 to vector<16xf32>
      %mul3A_2199 = arith.mulf %mul3A_2153, %mul3A_2198 : vector<16xf32>
      %add3A_2200 = arith.addf %add3A_2148, %mul3A_2199 : vector<16xf32>
      %slice3A_2201 = vector.extract_strided_slice %gather3A {offsets = [0], sizes = [1], strides = [1]} : vector<16xf32> to vector<1xf32>
      %squeeze3A_2202 = vector.extract %slice3A_2201[0] : f32 from vector<1xf32>
      %add3A_2203 = vector.broadcast %squeeze3A_2202 : f32 to vector<16xf32>
      %add3A_2204 = arith.addf %add3A_2165, %add3A_2203 : vector<16xf32>
      %slice3A_2205 = vector.extract_strided_slice %gather3A {offsets = [1], sizes = [1], strides = [1]} : vector<16xf32> to vector<1xf32>
      %squeeze3A_2206 = vector.extract %slice3A_2205[0] : f32 from vector<1xf32>
      %add3A_2207 = vector.broadcast %squeeze3A_2206 : f32 to vector<16xf32>
      %add3A_2208 = arith.addf %add3A_2170, %add3A_2207 : vector<16xf32>
      %slice3A_2209 = vector.extract_strided_slice %gather3A {offsets = [2], sizes = [1], strides = [1]} : vector<16xf32> to vector<1xf32>
      %squeeze3A_2210 = vector.extract %slice3A_2209[0] : f32 from vector<1xf32>
      %add3A_2211 = vector.broadcast %squeeze3A_2210 : f32 to vector<16xf32>
      %add3A_2212 = arith.addf %add3A_2175, %add3A_2211 : vector<16xf32>
      %slice3A_2213 = vector.extract_strided_slice %gather3A {offsets = [3], sizes = [1], strides = [1]} : vector<16xf32> to vector<1xf32>
      %squeeze3A_2214 = vector.extract %slice3A_2213[0] : f32 from vector<1xf32>
      %add3A_2215 = vector.broadcast %squeeze3A_2214 : f32 to vector<16xf32>
      %add3A_2216 = arith.addf %add3A_2180, %add3A_2215 : vector<16xf32>
      %slice3A_2217 = vector.extract_strided_slice %gather3A {offsets = [4], sizes = [1], strides = [1]} : vector<16xf32> to vector<1xf32>
      %squeeze3A_2218 = vector.extract %slice3A_2217[0] : f32 from vector<1xf32>
      %add3A_2219 = vector.broadcast %squeeze3A_2218 : f32 to vector<16xf32>
      %add3A_2220 = arith.addf %add3A_2185, %add3A_2219 : vector<16xf32>
      %slice3A_2221 = vector.extract_strided_slice %gather3A {offsets = [5], sizes = [1], strides = [1]} : vector<16xf32> to vector<1xf32>
      %squeeze3A_2222 = vector.extract %slice3A_2221[0] : f32 from vector<1xf32>
      %add3A_2223 = vector.broadcast %squeeze3A_2222 : f32 to vector<16xf32>
      %add3A_2224 = arith.addf %add3A_2190, %add3A_2223 : vector<16xf32>
      %slice3A_2225 = vector.extract_strided_slice %gather3A {offsets = [6], sizes = [1], strides = [1]} : vector<16xf32> to vector<1xf32>
      %squeeze3A_2226 = vector.extract %slice3A_2225[0] : f32 from vector<1xf32>
      %add3A_2227 = vector.broadcast %squeeze3A_2226 : f32 to vector<16xf32>
      %add3A_2228 = arith.addf %add3A_2195, %add3A_2227 : vector<16xf32>
      %slice3A_2229 = vector.extract_strided_slice %gather3A {offsets = [7], sizes = [1], strides = [1]} : vector<16xf32> to vector<1xf32>
      %squeeze3A_2230 = vector.extract %slice3A_2229[0] : f32 from vector<1xf32>
      %add3A_2231 = vector.broadcast %squeeze3A_2230 : f32 to vector<16xf32>
      %add3A_2232 = arith.addf %add3A_2200, %add3A_2231 : vector<16xf32>
      %max3A = arith.maximumf %add3A_2204, %add3A_2208 : vector<16xf32>
      %max3A_2233 = arith.maximumf %max3A, %add3A_2212 : vector<16xf32>
      %max3A_2234 = arith.maximumf %max3A_2233, %add3A_2216 : vector<16xf32>
      %max3A_2235 = arith.maximumf %max3A_2234, %add3A_2220 : vector<16xf32>
      %max3A_2236 = arith.maximumf %max3A_2235, %add3A_2224 : vector<16xf32>
      %max3A_2237 = arith.maximumf %max3A_2236, %add3A_2228 : vector<16xf32>
      %max3A_2238 = arith.maximumf %max3A_2237, %add3A_2232 : vector<16xf32>
      %sub3A = arith.subf %add3A_2204, %max3A_2238 : vector<16xf32>
      %exp3A = math.exp %sub3A : vector<16xf32>
      %sub3A_2239 = arith.subf %add3A_2208, %max3A_2238 : vector<16xf32>
      %exp3A_2240 = math.exp %sub3A_2239 : vector<16xf32>
      %sub3A_2241 = arith.subf %add3A_2212, %max3A_2238 : vector<16xf32>
      %exp3A_2242 = math.exp %sub3A_2241 : vector<16xf32>
      %sub3A_2243 = arith.subf %add3A_2216, %max3A_2238 : vector<16xf32>
      %exp3A_2244 = math.exp %sub3A_2243 : vector<16xf32>
      %sub3A_2245 = arith.subf %add3A_2220, %max3A_2238 : vector<16xf32>
      %exp3A_2246 = math.exp %sub3A_2245 : vector<16xf32>
      %sub3A_2247 = arith.subf %add3A_2224, %max3A_2238 : vector<16xf32>
      %exp3A_2248 = math.exp %sub3A_2247 : vector<16xf32>
      %sub3A_2249 = arith.subf %add3A_2228, %max3A_2238 : vector<16xf32>
      %exp3A_2250 = math.exp %sub3A_2249 : vector<16xf32>
      %sub3A_2251 = arith.subf %add3A_2232, %max3A_2238 : vector<16xf32>
      %exp3A_2252 = math.exp %sub3A_2251 : vector<16xf32>
      %add3A_2253 = arith.addf %exp3A, %exp3A_2240 : vector<16xf32>
      %add3A_2254 = arith.addf %add3A_2253, %exp3A_2242 : vector<16xf32>
      %add3A_2255 = arith.addf %add3A_2254, %exp3A_2244 : vector<16xf32>
      %add3A_2256 = arith.addf %add3A_2255, %exp3A_2246 : vector<16xf32>
      %add3A_2257 = arith.addf %add3A_2256, %exp3A_2248 : vector<16xf32>
      %add3A_2258 = arith.addf %add3A_2257, %exp3A_2250 : vector<16xf32>
      %add3A_2259 = arith.addf %add3A_2258, %exp3A_2252 : vector<16xf32>
      %bitcast_convert_type3A = tpu.bitcast %add3A_2259 : vector<16xf32> -> vector<16xi32>
      %shift_right_arithmetic3A = arith.constant 23 : i32
      %shift_right_arithmetic3A_2260 = vector.broadcast %shift_right_arithmetic3A : i32 to vector<16xi32>
      %shift_right_arithmetic3A_2261 = arith.shrsi %bitcast_convert_type3A, %shift_right_arithmetic3A_2260 : vector<16xi32>
      %sub3A_2262 = arith.constant 127 : i32
      %sub3A_2263 = vector.broadcast %sub3A_2262 : i32 to vector<16xi32>
      %sub3A_2264 = arith.subi %shift_right_arithmetic3A_2261, %sub3A_2263 : vector<16xi32>
      %and3A_2265 = arith.constant 8388607 : i32
      %and3A_2266 = vector.broadcast %and3A_2265 : i32 to vector<16xi32>
      %and3A_2267 = arith.andi %bitcast_convert_type3A, %and3A_2266 : vector<16xi32>
      %or3A = arith.constant 1065353216 : i32
      %or3A_2268 = vector.broadcast %or3A : i32 to vector<16xi32>
      %or3A_2269 = arith.ori %and3A_2267, %or3A_2268 : vector<16xi32>
      %bitcast_convert_type3A_2270 = tpu.bitcast %or3A_2269 : vector<16xi32> -> vector<16xf32>
      %gt3A = arith.constant 1.41421354 : f32
      %gt3A_2271 = vector.broadcast %gt3A : f32 to vector<16xf32>
      %gt3A_2272 = arith.cmpf ogt, %bitcast_convert_type3A_2270, %gt3A_2271 : vector<16xf32>
      %mul3A_2273 = arith.constant 5.000000e-01 : f32
      %mul3A_2274 = vector.broadcast %mul3A_2273 : f32 to vector<16xf32>
      %mul3A_2275 = arith.mulf %bitcast_convert_type3A_2270, %mul3A_2274 : vector<16xf32>
      %select_n3A = arith.select %gt3A_2272, %mul3A_2275, %bitcast_convert_type3A_2270 : vector<16xi1>, vector<16xf32>
      %jit3A = arith.constant 1 : i32
      %jit3A_2276 = arith.constant 0 : i32
      %broadcast_in_dim3A_2277 = vector.broadcast %jit3A : i32 to vector<16xi32>
      %broadcast_in_dim3A_2278 = vector.broadcast %jit3A_2276 : i32 to vector<16xi32>
      %select_n3A_2279 = arith.select %gt3A_2272, %broadcast_in_dim3A_2277, %broadcast_in_dim3A_2278 : vector<16xi1>, vector<16xi32>
      %add3A_2280 = arith.addi %sub3A_2264, %select_n3A_2279 : vector<16xi32>
      %sub3A_2281 = arith.constant 1.000000e+00 : f32
      %sub3A_2282 = vector.broadcast %sub3A_2281 : f32 to vector<16xf32>
      %sub3A_2283 = arith.subf %select_n3A, %sub3A_2282 : vector<16xf32>
      %add3A_2284 = arith.constant 1.000000e+00 : f32
      %add3A_2285 = vector.broadcast %add3A_2284 : f32 to vector<16xf32>
      %add3A_2286 = arith.addf %select_n3A, %add3A_2285 : vector<16xf32>
      %div3A = arith.divf %sub3A_2283, %add3A_2286 : vector<16xf32>
      %mul3A_2287 = arith.mulf %div3A, %div3A : vector<16xf32>
      %mul3A_2288 = arith.constant 0.285714298 : f32
      %mul3A_2289 = vector.broadcast %mul3A_2288 : f32 to vector<16xf32>
      %mul3A_2290 = arith.mulf %mul3A_2287, %mul3A_2289 : vector<16xf32>
      %add3A_2291 = arith.constant 4.000000e-01 : f32
      %add3A_2292 = vector.broadcast %add3A_2291 : f32 to vector<16xf32>
      %add3A_2293 = arith.addf %add3A_2292, %mul3A_2290 : vector<16xf32>
      %mul3A_2294 = arith.mulf %mul3A_2287, %add3A_2293 : vector<16xf32>
      %add3A_2295 = arith.constant 0.666666686 : f32
      %add3A_2296 = vector.broadcast %add3A_2295 : f32 to vector<16xf32>
      %add3A_2297 = arith.addf %add3A_2296, %mul3A_2294 : vector<16xf32>
      %mul3A_2298 = arith.mulf %mul3A_2287, %add3A_2297 : vector<16xf32>
      %add3A_2299 = arith.constant 2.000000e+00 : f32
      %add3A_2300 = vector.broadcast %add3A_2299 : f32 to vector<16xf32>
      %add3A_2301 = arith.addf %add3A_2300, %mul3A_2298 : vector<16xf32>
      %mul3A_2302 = arith.mulf %div3A, %add3A_2301 : vector<16xf32>
      %convert_element_type3A = arith.sitofp %add3A_2280 : vector<16xi32> to vector<16xf32>
      %mul3A_2303 = arith.constant 0.693147182 : f32
      %mul3A_2304 = vector.broadcast %mul3A_2303 : f32 to vector<16xf32>
      %mul3A_2305 = arith.mulf %convert_element_type3A, %mul3A_2304 : vector<16xf32>
      %add3A_2306 = arith.addf %mul3A_2305, %mul3A_2302 : vector<16xf32>
      %add3A_2307 = arith.addf %max3A_2238, %add3A_2306 : vector<16xf32>
      %mul3A_2308 = arith.constant 16 : i32
      %mul3A_2309 = arith.muli %scan3A_519, %mul3A_2308 : i32
      %swap3A = arith.index_cast %mul3A_2309 : i32 to index
      %swap3A_2310 = tpu.vector_load %arg35[%swap3A] {strides = array<i32>} : memref<512xf32, #tpu.memory_space<vmem>>, vector<16xf32>,
      tpu.vector_store %arg35[%swap3A], %add3A_2154 {strides = array<i32>} : memref<512xf32, #tpu.memory_space<vmem>>, vector<16xf32>,
      %add3A_2311 = arith.addf %add3A_2154, %add3A_2160 : vector<16xf32>
      %mul3A_2312 = arith.constant 16 : i32
      %mul3A_2313 = arith.muli %scan3A_519, %mul3A_2312 : i32
      %swap3A_2314 = arith.index_cast %mul3A_2313 : i32 to index
      %swap3A_2315 = tpu.vector_load %arg36[%swap3A_2314] {strides = array<i32>} : memref<512xf32, #tpu.memory_space<vmem>>, vector<16xf32>,
      tpu.vector_store %arg36[%swap3A_2314], %add3A_2311 {strides = array<i32>} : memref<512xf32, #tpu.memory_space<vmem>>, vector<16xf32>,
      %broadcast_in_dim3A_2316 = arith.constant 0 : i32
      %broadcast_in_dim3A_2317 = vector.broadcast %broadcast_in_dim3A_2316 : i32 to vector<16xi32>
      %sub3A_2318 = arith.subf %add3A_2204, %add3A_2307 : vector<16xf32>
      tpu.vector_store_idx %arg37[%add3A_523, %broadcast_in_dim3A_2317], %sub3A_2318 : memref<512x8xf32, #tpu.memory_space<vmem>>[vector<16xi32>, vector<16xi32>], vector<16xf32>,
      %broadcast_in_dim3A_2319 = arith.constant 1 : i32
      %broadcast_in_dim3A_2320 = vector.broadcast %broadcast_in_dim3A_2319 : i32 to vector<16xi32>
      %sub3A_2321 = arith.subf %add3A_2208, %add3A_2307 : vector<16xf32>
      tpu.vector_store_idx %arg37[%add3A_523, %broadcast_in_dim3A_2320], %sub3A_2321 : memref<512x8xf32, #tpu.memory_space<vmem>>[vector<16xi32>, vector<16xi32>], vector<16xf32>,
      %broadcast_in_dim3A_2322 = arith.constant 2 : i32
      %broadcast_in_dim3A_2323 = vector.broadcast %broadcast_in_dim3A_2322 : i32 to vector<16xi32>
      %sub3A_2324 = arith.subf %add3A_2212, %add3A_2307 : vector<16xf32>
      tpu.vector_store_idx %arg37[%add3A_523, %broadcast_in_dim3A_2323], %sub3A_2324 : memref<512x8xf32, #tpu.memory_space<vmem>>[vector<16xi32>, vector<16xi32>], vector<16xf32>,
      %broadcast_in_dim3A_2325 = arith.constant 3 : i32
      %broadcast_in_dim3A_2326 = vector.broadcast %broadcast_in_dim3A_2325 : i32 to vector<16xi32>
      %sub3A_2327 = arith.subf %add3A_2216, %add3A_2307 : vector<16xf32>
      tpu.vector_store_idx %arg37[%add3A_523, %broadcast_in_dim3A_2326], %sub3A_2327 : memref<512x8xf32, #tpu.memory_space<vmem>>[vector<16xi32>, vector<16xi32>], vector<16xf32>,
      %broadcast_in_dim3A_2328 = arith.constant 4 : i32
      %broadcast_in_dim3A_2329 = vector.broadcast %broadcast_in_dim3A_2328 : i32 to vector<16xi32>
      %sub3A_2330 = arith.subf %add3A_2220, %add3A_2307 : vector<16xf32>
      tpu.vector_store_idx %arg37[%add3A_523, %broadcast_in_dim3A_2329], %sub3A_2330 : memref<512x8xf32, #tpu.memory_space<vmem>>[vector<16xi32>, vector<16xi32>], vector<16xf32>,
      %broadcast_in_dim3A_2331 = arith.constant 5 : i32
      %broadcast_in_dim3A_2332 = vector.broadcast %broadcast_in_dim3A_2331 : i32 to vector<16xi32>
      %sub3A_2333 = arith.subf %add3A_2224, %add3A_2307 : vector<16xf32>
      tpu.vector_store_idx %arg37[%add3A_523, %broadcast_in_dim3A_2332], %sub3A_2333 : memref<512x8xf32, #tpu.memory_space<vmem>>[vector<16xi32>, vector<16xi32>], vector<16xf32>,
      %broadcast_in_dim3A_2334 = arith.constant 6 : i32
      %broadcast_in_dim3A_2335 = vector.broadcast %broadcast_in_dim3A_2334 : i32 to vector<16xi32>
      %sub3A_2336 = arith.subf %add3A_2228, %add3A_2307 : vector<16xf32>
      tpu.vector_store_idx %arg37[%add3A_523, %broadcast_in_dim3A_2335], %sub3A_2336 : memref<512x8xf32, #tpu.memory_space<vmem>>[vector<16xi32>, vector<16xi32>], vector<16xf32>,
      %broadcast_in_dim3A_2337 = arith.constant 7 : i32
      %broadcast_in_dim3A_2338 = vector.broadcast %broadcast_in_dim3A_2337 : i32 to vector<16xi32>
      %sub3A_2339 = arith.subf %add3A_2232, %add3A_2307 : vector<16xf32>
      tpu.vector_store_idx %arg37[%add3A_523, %broadcast_in_dim3A_2338], %sub3A_2339 : memref<512x8xf32, #tpu.memory_space<vmem>>[vector<16xi32>, vector<16xi32>], vector<16xf32>,
    }
    %scan3A_518 = arith.constant 32 : i32
    "tpu.region"() ({
      %run_scoped3A = tpu.sem_alloc : memref<!tpu.dma_semaphore, #tpu.memory_space<semaphore_mem>>
      %dma_start3A_519 = tpu.memref_slice %arg17[%mul3A_2] : memref<16384xf32, #tpu.memory_space<hbm>> -> memref<512xf32, #tpu.memory_space<hbm>>
      %dma_start3A_520 = tpu.memref_slice %arg17[%mul3A_2] : memref<16384xf32, #tpu.memory_space<hbm>> -> memref<512xf32, #tpu.memory_space<hbm>>
      tpu.enqueue_dma source(%arg35 : memref<512xf32, #tpu.memory_space<vmem>>) target(%dma_start3A_520 : memref<512xf32, #tpu.memory_space<hbm>>) target_semaphore(%run_scoped3A : memref<!tpu.dma_semaphore, #tpu.memory_space<semaphore_mem>>)
      %dma_wait3A_521 = tpu.memref_slice %arg17[%mul3A_2] : memref<16384xf32, #tpu.memory_space<hbm>> -> memref<512xf32, #tpu.memory_space<hbm>>
      %dma_wait3A_522 = tpu.memref_slice %arg17[%mul3A_2] : memref<16384xf32, #tpu.memory_space<hbm>> -> memref<512xf32, #tpu.memory_space<hbm>>
      tpu.wait_dma2 semaphore(%run_scoped3A : memref<!tpu.dma_semaphore, #tpu.memory_space<semaphore_mem>>) src(%arg35 : memref<512xf32, #tpu.memory_space<vmem>>) dst(%dma_wait3A_522 : memref<512xf32, #tpu.memory_space<hbm>>)
      tpu.yield
    }) : () -> ()
    "tpu.region"() ({
      %run_scoped3A = tpu.sem_alloc : memref<!tpu.dma_semaphore, #tpu.memory_space<semaphore_mem>>
      %dma_start3A_519 = tpu.memref_slice %arg18[%mul3A_2] : memref<16384xf32, #tpu.memory_space<hbm>> -> memref<512xf32, #tpu.memory_space<hbm>>
      %dma_start3A_520 = tpu.memref_slice %arg18[%mul3A_2] : memref<16384xf32, #tpu.memory_space<hbm>> -> memref<512xf32, #tpu.memory_space<hbm>>
      tpu.enqueue_dma source(%arg36 : memref<512xf32, #tpu.memory_space<vmem>>) target(%dma_start3A_520 : memref<512xf32, #tpu.memory_space<hbm>>) target_semaphore(%run_scoped3A : memref<!tpu.dma_semaphore, #tpu.memory_space<semaphore_mem>>)
      %dma_wait3A_521 = tpu.memref_slice %arg18[%mul3A_2] : memref<16384xf32, #tpu.memory_space<hbm>> -> memref<512xf32, #tpu.memory_space<hbm>>
      %dma_wait3A_522 = tpu.memref_slice %arg18[%mul3A_2] : memref<16384xf32, #tpu.memory_space<hbm>> -> memref<512xf32, #tpu.memory_space<hbm>>
      tpu.wait_dma2 semaphore(%run_scoped3A : memref<!tpu.dma_semaphore, #tpu.memory_space<semaphore_mem>>) src(%arg36 : memref<512xf32, #tpu.memory_space<vmem>>) dst(%dma_wait3A_522 : memref<512xf32, #tpu.memory_space<hbm>>)
      tpu.yield
    }) : () -> ()
    "tpu.region"() ({
      %run_scoped3A = tpu.sem_alloc : memref<!tpu.dma_semaphore, #tpu.memory_space<semaphore_mem>>
      %dma_start3A_519 = arith.constant 0 : i32
      %dma_start3A_520 = tpu.memref_slice %arg19[%mul3A_2, %dma_start3A_519] : memref<16384x8xf32, #tpu.memory_space<hbm>> -> memref<512x8xf32, #tpu.memory_space<hbm>>
      %dma_start3A_521 = arith.constant 0 : i32
      %dma_start3A_522 = tpu.memref_slice %arg19[%mul3A_2, %dma_start3A_521] : memref<16384x8xf32, #tpu.memory_space<hbm>> -> memref<512x8xf32, #tpu.memory_space<hbm>>
      tpu.enqueue_dma source(%arg37 : memref<512x8xf32, #tpu.memory_space<vmem>>) target(%dma_start3A_522 : memref<512x8xf32, #tpu.memory_space<hbm>>) target_semaphore(%run_scoped3A : memref<!tpu.dma_semaphore, #tpu.memory_space<semaphore_mem>>)
      %dma_wait3A_523 = arith.constant 0 : i32
      %dma_wait3A_524 = tpu.memref_slice %arg19[%mul3A_2, %dma_wait3A_523] : memref<16384x8xf32, #tpu.memory_space<hbm>> -> memref<512x8xf32, #tpu.memory_space<hbm>>
      %dma_wait3A_525 = arith.constant 0 : i32
      %dma_wait3A_526 = tpu.memref_slice %arg19[%mul3A_2, %dma_wait3A_525] : memref<16384x8xf32, #tpu.memory_space<hbm>> -> memref<512x8xf32, #tpu.memory_space<hbm>>
      tpu.wait_dma2 semaphore(%run_scoped3A : memref<!tpu.dma_semaphore, #tpu.memory_space<semaphore_mem>>) src(%arg37 : memref<512x8xf32, #tpu.memory_space<vmem>>) dst(%dma_wait3A_526 : memref<512x8xf32, #tpu.memory_space<hbm>>)
      tpu.yield
    }) : () -> ()
    return
  }
}

</mosaic_0001>

<sc_bundles>
// kernel: _run.3.cloned.1.call-start
scs
__scs_entry_jumppad:
0x0: {  	(pc) =	sbr.rel $0x88, $3  }
0x1: {  	(tag) =	ssettag $0x0;
	lr =	simm.s32 $0x1  }
0x2: {  	[smem:$0x3F92] =	sst lr;
	_ =	strace $0xD0000000  }
0x3: {  	_ = 	snop  }
0x4: {  	_ = 	snop  }
0x5: {  	_ = 	snop  }
0x6: {  	_ = 	snop  }
0x7: {  	_ = 	snop  }
__scs_overlays_trampoline_lowered:
0x8: {  	[smem:$0x3FA1] =	sst s0  }
0x9: {  	[smem:$0x3FA2] =	sst s1  }
0xa: {  	[smem:$0x3FA3] =	sst s2  }
0xb: {  	[smem:$0x3FA4] =	sst s3  }
0xc: {  	[smem:$0x3FA5] =	sst s4  }
0xd: {  	[smem:$0x3FA6] =	sst s5  }
0xe: {  	[smem:$0x3FA7] =	sst s6  }
0xf: {  	[smem:$0x3FA8] =	sst s7  }
0x10: {  	[smem:$0x3FA9] =	sst s8  }
0x11: {  	[smem:$0x3FAA] =	sst s9;
	s0 =	simm.s32 @!p0 $0x0  }
0x12: {  	s1 =	sld [smem:$0x3F90];
	s0 =	simm.s32 @p0 $0x1  }
0x13: {  	[smem:$0x3FAB] =	sst s0;
	s0 =	simm.s32 @!p1 $0x0  }
0x14: {  	s2 =	sld [smem:$0x3F8F];
	s0 =	simm.s32 @p1 $0x1  }
0x15: {  	[smem:$0x3FAC] =	sst s0;
	s0 =	simm.s32 @!p2 $0x0  }
0x16: {  	s3 =	sld [smem:$0x3FDB];
	s0 =	simm.s32 @p2 $0x1  }
0x17: {  	s4 =	simm.s32 $0x1BF5;
	[smem:$0x3FAE] =	sst s0  }
0x18: {  	s0 =	sld [smem:$0x3F91];
	_ =	swait.ge [sflag:s4], $0x0  }
0x19: {  	s7 =	sld [smem:$0x3F92]  }
0x1a: {  	s8 =	sadd.s32 $0xFFFFE003, lr  }
0x1b: {  	s9 =	sadd.s32 $0xFFFFFEF7, lr;
	s5 =	simm.s32 $0xFFFFFFFF;
	p2 =	slt.u32 s8, $0xFFFFF086  }
0x1c: {  	p1 =	slt.u32 s9, $0xF7A;
	s5 =	simm.s32 @!p2 $0x0  }
0x1d: {  	s5 =	simm.s32 @p1 $0x1;
	p0 =	seq.s32 s7, s2  }
0x1e: {  	s7 =	smul.u32 @!p0 $0xF7A, s2;
	p2 =	seq.s32 @!p0 s5, $0x0  }
0x1f: {  	s9 =	smul.u32 $0xF7A, s1;
	s8 =	simm.s32 @!p0 $0x1BF5;
	p2 =	por !p2, p0  }
0x20: {  	[sflag:s8] =	ssyncset.s32 @!p0 $0xFFFFF086;
	s6 =	sadd.s32 @!p0 s3, s7;
	s7 =	simm.s32 @!p0 $0x108  }
0x21: {  	s3 =	sadd.s32 s3, s9;
	s6 =	sadd.s32 @!p0 $0x88, s6;
	s7 =	simm.s32 @p2 $0x1082  }
0x22: {  	[simem:s7], [sflag:s8] =	dma.local @!p0 [hbm:s6], $0xF7A  }
0x23: {  	s9 =	sor.u32 $0xD0000000, s2;
	s6 =	simm.s32 $0x108;
	_ =	swait.ge @!p0 [sflag:s8], $0x0  }
0x24: {  	s3 =	sadd.s32 $0x88, s3;
	s6 =	simm.s32 @!p1 $0x1082;
	[sflag:s4] =	ssyncset.s32 $0xFFFFF086  }
0x25: {  	[simem:s6], [sflag:s4] =	dma.local [hbm:s3], $0xF7A  }
0x26: {  	[smem:$0x3F92] =	sst s1;
	(tag) =	ssettag s2;
	_ =	strace s9  }
0x27: {  	s1 =	sld [smem:$0x3FA2]  }
0x28: {  	s2 =	sld [smem:$0x3FA3]  }
0x29: {  	s4 =	sld [smem:$0x3FA5]  }
0x2a: {  	p0 =	seq.s32 s5, $0x0;
	s5 =	sld [smem:$0x3FA6]  }
0x2b: {  	s6 =	sld [smem:$0x3FA7]  }
0x2c: {  	s7 =	sld [smem:$0x3FA8]  }
0x2d: {  	s3 =	simm.s32 $0x108;
	s8 =	sld [smem:$0x3FA9]  }
0x2e: {  	s3 =	simm.s32 @!p0 $0x1082;
	s9 =	sld [smem:$0x3FAA]  }
0x2f: {  	lr =	sadd.s32 s0, s3;
	s0 =	sld [smem:$0x3FA1]  }
0x30: {  	s3 =	sld [smem:$0x3FA4]  }
0x31: {  	[smem:$0x3FAD] =	sst s10  }
0x32: {  	s10 =	sld [smem:$0x3FAB];
	_ =	sdelay $0x3  }
0x33: {  	p0 =	seq.s32 s10, $0x1;
	s10 =	sld [smem:$0x3FAD];
	_ =	sdelay $0x3  }
0x34: {  	[smem:$0x3FAD] =	sst s10  }
0x35: {  	s10 =	sld [smem:$0x3FAC];
	_ =	sdelay $0x3  }
0x36: {  	p1 =	seq.s32 s10, $0x1;
	s10 =	sld [smem:$0x3FAD];
	_ =	sdelay $0x3  }
0x37: {  	[smem:$0x3FAD] =	sst s10  }
0x38: {  	s10 =	sld [smem:$0x3FAE]  }
0x39: {  	_ = 	snop;
	(pc) =	sbr.ind lr, $3  }
0x3a: {  	_ = 	snop  }
0x3b: {  	_ = 	snop  }
0x3c: {  	p2 =	seq.s32 s10, $0x1;
	s10 =	sld [smem:$0x3FAD]  }
0x3d: {  	_ =	shalt  }
0x3e: {  	_ =	shalt  }
0x3f: {  	_ =	shalt  }
0x40: {  	_ =	shalt  }
0x41: {  	_ =	shalt  }
0x42: {  	_ =	shalt  }
0x43: {  	_ =	shalt  }
0x44: {  	_ =	shalt  }
0x45: {  	_ =	shalt  }
0x46: {  	_ =	shalt  }
0x47: {  	_ =	shalt  }
0x48: {  	_ =	shalt  }
0x49: {  	_ =	shalt  }
0x4a: {  	_ =	shalt  }
0x4b: {  	_ =	shalt  }
0x4c: {  	_ =	shalt  }
0x4d: {  	_ =	shalt  }
0x4e: {  	_ =	shalt  }
0x4f: {  	_ =	shalt  }
0x50: {  	_ =	shalt  }
0x51: {  	_ =	shalt  }
0x52: {  	_ =	shalt  }
0x53: {  	_ =	shalt  }
0x54: {  	_ =	shalt  }
0x55: {  	_ =	shalt  }
0x56: {  	_ =	shalt  }
0x57: {  	_ =	shalt  }
0x58: {  	_ =	shalt  }
0x59: {  	_ =	shalt  }
0x5a: {  	_ =	shalt  }
0x5b: {  	_ =	shalt  }
0x5c: {  	_ =	shalt  }
0x5d: {  	_ =	shalt  }
0x5e: {  	_ =	shalt  }
0x5f: {  	_ =	shalt  }
0x60: {  	_ =	shalt  }
0x61: {  	_ =	shalt  }
0x62: {  	_ =	shalt  }
0x63: {  	_ =	shalt  }
0x64: {  	_ =	shalt  }
0x65: {  	_ =	shalt  }
0x66: {  	_ =	shalt  }
0x67: {  	_ =	shalt  }
0x68: {  	_ =	shalt  }
0x69: {  	_ =	shalt  }
0x6a: {  	_ =	shalt  }
0x6b: {  	_ =	shalt  }
0x6c: {  	_ =	shalt  }
0x6d: {  	_ =	shalt  }
0x6e: {  	_ =	shalt  }
0x6f: {  	_ =	shalt  }
0x70: {  	_ =	shalt  }
0x71: {  	_ =	shalt  }
0x72: {  	_ =	shalt  }
0x73: {  	_ =	shalt  }
0x74: {  	_ =	shalt  }
0x75: {  	_ =	shalt  }
0x76: {  	_ =	shalt  }
0x77: {  	_ =	shalt  }
0x78: {  	_ =	shalt  }
0x79: {  	_ =	shalt  }
0x7a: {  	_ =	shalt  }
0x7b: {  	_ =	shalt  }
0x7c: {  	_ =	shalt  }
0x7d: {  	_ =	shalt  }
0x7e: {  	_ =	shalt  }
0x7f: {  	_ =	shalt  }
0x80: {  	_ =	shalt  }
0x81: {  	_ =	shalt  }
0x82: {  	_ =	shalt  }
0x83: {  	_ =	shalt  }
0x84: {  	_ =	shalt  }
0x85: {  	_ =	shalt  }
0x86: {  	_ =	shalt  }
0x87: {  	_ =	shalt  }
.Lfunc_end0:
.L_simem_size_0:
called_computation_lowered:
.L_overlay_start_0:
0x88: {  	s2 =	sld [smem:$0x3FD9]  }
0x89: {  	s3 =	sld [smem:$0x3FFE];
	_ =	sdelay $0x1  }
0x8a: {  	s1 =	srdreg.scid  }
0x8b: {  	s0 =	sand.u32 $0x1, s1  }
0x8c: {  	s28 =	sshll.u32 s0, $0xA;
	s2 =	sadd.s32 s3, s2  }
0x8d: {  	s2 =	sadd.s32 s2, s28  }
0x8e: {  	[smem:$0x3FB9] =	sst s2  }
0x8f: {  	_ = 	snop  }
0x90: {  	s5 =	sld [smem:$0x3FC9]  }
0x91: {  	s6 =	sld [smem:$0x3FC8]  }
0x92: {  	s7 =	sld [smem:$0x3FC7]  }
0x93: {  	s2 =	sld [smem:$0x3FC5]  }
0x94: {  	s3 =	sld [smem:$0x3FC3]  }
0x95: {  	s4 =	sld [smem:$0x3FC1]  }
0x96: {  	s11 =	sld [smem:$0x3FD0]  }
0x97: {  	s8 =	sld [smem:$0x3FBF]  }
0x98: {  	s9 =	sld [smem:$0x3FBD]  }
0x99: {  	s12 =	simm.s32 $0xA;
	s13 =	simm.s32 $0x10;
	s10 =	sld [smem:$0x3FBB]  }
0x9a: {  	[smem:s13], [sflag:s12] =	dma.local [hbm:s11], $0x1  }
0x9b: {  	_ =	swait.eq [sflag:s12], $0x1  }
0x9c: {  	s29 =	sld [smem:$0x10];
	[sflag:s12] =	ssyncset.done $0x0  }
0x9d: {  	s30 =	sld [smem:$0x11];
	[sflag:s12] =	ssyncadd.s32 $0xFFFFFFFF  }
0x9e: {  	s31 =	sld [smem:$0x12];
	(tm) =	ssettm $0x1  }
0x9f: {  	s14 =	sld [smem:$0x3FFB];
	_ =	sdelay $0x3  }
0xa0: {  	_ =	strace s14  }
0xa1: {  	s14 =	sld [smem:$0x3FFC];
	_ =	sdelay $0x3  }
0xa2: {  	_ =	strace s14  }
0xa3: {  	s14 =	sld [smem:$0x3FFD];
	_ =	sdelay $0x3  }
0xa4: {  	_ =	strace s14  }
0xa5: {  	_ =	strace $0x8FFFFFFF  }
0xa6: {  	s19 =	sld [smem:$0x3FDB];
	_ =	sdelay $0x1  }
0xa7: {  	s15 =	simm.s32 $_scs_section_size  }
0xa8: {  	s16 =	simm.s32 $_size__tile_overlayer_lowered;
	s17 =	simm.s32 $_tile_overlayer_lowered  }
0xa9: {  	s22 =	simm.s32 $0x1BFF;
	s21 =	sshll.u32 s17, $0x1;
	s14 =	sadd.s32 s15, s19  }
0xaa: {  	s18 =	simm.s32 $0x0;
	s20 =	sshll.u32 s16, $0x1;
	s16 =	sadd.s32 s21, s14  }
0xab: {  	[timem:s18], [sflag:s22] =	dma.local [hbm:s16], s20  }
0xac: {  	_ =	swait.ge [sflag:s22], s20  }
0xad: {  	s15 =	ssub.s32 $0x0, s20;
	[sflag:s22] =	ssyncset.done $0x0  }
0xae: {  	[sflag:s22] =	ssyncadd.s32 s15;
	_ =	sdelay $0x1  }
0xaf: {  	s23 =	simm.s32 $0x1B8B  }
0xb0: {  	_ =	swait.ge [sflag:s23], $0x1  }
0xb1: {  	[sflag:s23] =	ssyncset.done $0x0  }
0xb2: {  	s25 =	simm.s32 $0x1B8E;
	s24 =	sld [smem:$0x3FFE];
	[sflag:s23] =	ssyncadd.s32 $0xFFFFFFFF  }
0xb3: {  	s26 =	simm.s32 $execute0_lowered;
	[smem:$0x3FD2] =	sst s25  }
0xb4: {  	s16 =	sshll.u32 s26, $0x1;
	_ =	strace $0x80000046;
	[dreg:$0x1] =	wrdreg $0xFFFFFFFF  }
0xb5: {  	s28 =	simm.s32 $_size_execute0_lowered;
	s14 =	sadd.s32 s14, s16;
	[dreg:$0x0] =	wrdreg $0x0  }
0xb6: {  	s16 =	sshll.u32 s28, $0x1;
	[dreg:$0x2] =	wrdreg s14  }
0xb7: {  	[dreg:$0x3] =	wrdreg s16  }
0xb8: {  	[dreg:$0x4] =	wrdreg $0xC0  }
0xb9: {  	_ =	task [dreg:s18], $0x5FFFF  }
0xba: {  	[dreg:$0x1] =	wrdreg $0xFFFFFFFF  }
0xbb: {  	[dreg:$0x0] =	wrdreg $0x60  }
0xbc: {  	[dreg:$0x2] =	wrdreg s5  }
0xbd: {  	[dreg:$0x3] =	wrdreg s6  }
0xbe: {  	[dreg:$0x4] =	wrdreg s7  }
0xbf: {  	[dreg:$0x5] =	wrdreg s24  }
0xc0: {  	[dreg:$0x6] =	wrdreg s2  }
0xc1: {  	[dreg:$0x7] =	wrdreg s3  }
0xc2: {  	[dreg:$0x8] =	wrdreg s4  }
0xc3: {  	[dreg:$0x9] =	wrdreg s8  }
0xc4: {  	[dreg:$0xa] =	wrdreg s9  }
0xc5: {  	[dreg:$0xb] =	wrdreg s10  }
0xc6: {  	[dreg:$0xc] =	wrdreg s29  }
0xc7: {  	[dreg:$0xd] =	wrdreg s30  }
0xc8: {  	[dreg:$0xe] =	wrdreg s31  }
0xc9: {  	[dreg:$0xf] =	wrdreg $0x9  }
0xca: {  	_ =	task.clear_ibuf [dreg:s18], $0x10FFFF;
	_ =	strace $0x90000046  }
0xcb: {  	s29 =	simm.s32 $0x9;
	_ =	strace $0x80000048  }
0xcc: {  	_ =	swait.ge [sflag:s29], $0x1  }
0xcd: {  	[sflag:s29] =	ssyncadd.s32 $0xFFFFFFFF  }
0xce: {  	_ =	strace $0x90000048  }
0xcf: {  	_ =	sfence  }
0xd0: {  	s30 =	sld [smem:$0x0];
	_ =	sdelay $0x2  }
0xd1: {  	s31 =	sshll.u32 s1, $0xD;
	s1 =	sshrl.u32 s1, $0x2  }
0xd2: {  	s3 =	sand.u32 $0x4000, s31;
	s1 =	sadd.s32 s1, s30  }
0xd3: {  	s0 =	sor.u32 s3, s0;
	s1 =	sshll.u32 s1, $0x11  }
0xd4: {  	s0 =	sor.u32 s1, s0  }
0xd5: {  	s0 =	sadd.s32 $0x8F2B, s0  }
0xd6: {  	[sflag:s0] =	ssyncadd.remote.s32 $0x1  }
0xd7: {  	_ =	sfence.sel $0xFFFF  }
0xd8: {  	[dreg:$0x0] =	wrdreg $0xFFFFFFFF;
	(pc) =	sbr.abs _section_cstart, $3  }
0xd9: {  	[dreg:$0x1] =	wrdreg $0xFFFFFFFF  }
0xda: {  	_ =	task.clear_ibuf [dreg:s18], $0x2FFFF;
	_ =	strace $0x9FFFFFFF  }
0xdb: {  	(tm) =	ssettm $0x7FFFFFFF  }
tec
execute0_lowered:
.L_overlay_start_1:
0x0: {  	(tag) =	ssettag $0x1  }
0x1: {  	s0 =	rddreg [dreg:$0x0]  }
0x2: {  	s1 =	rddreg [dreg:$0x1]  }
0x3: {  	s2 =	rddreg [dreg:$0x2]  }
0x4: {  	s3 =	rddreg [dreg:$0x3]  }
0x5: {  	s5 =	rddreg [dreg:$0xa]  }
0x6: {  	s6 =	rddreg [dreg:$0xb]  }
0x7: {  	s8 =	rddreg [dreg:$0xc];
	s7 =	simm.s32 $0x0;
	s11 =	srdreg.scid  }
0x8: {  	s12 =	stileid.u32;
	s28 =	simm.s32 $0x8600;
	s29 =	simm.s32 $0xC600  }
0x9: {  	s30 =	simm.s32 $0x300;
	s17 =	simm.s32 $0x0;
	[smem:$0x7FF] =	sst s7  }
0xa: {  	s9 =	sadd.s32 $0x16E4400, s3;
	s10 =	sadd.s32 $0x1313A00, s3;
	s13 =	sand.u32 $0x1, s11  }
0xb: {  	s11 =	sadd.s32 $0xF43000, s3;
	s14 =	sshll.u32 s12, $0xA;
	s12 =	sadd.s32 $0x1AB4E00, s3  }
0xc: {  	s19 =	sadd.s32 $0xE00, s3;
	s3 =	sadd.s32 $0xC00, s3;
	_ =	strace $0x80000047  }
0xd: {  	s15 =	sshll.u32 s13, $0x9;
	s13 =	ssub.s32 $0x2, s13;
	[dreg:$0xe] =	wrdreg s19  }
0xe: {  	[dreg:$0xf] =	wrdreg s3;
	s3 =	simm.s32 $0x380;
	s14 =	sor.u32 s15, s14  }
0xf: {  	s20 =	sshrl.u32 s13, $0x1;
	s16 =	sshrl.u32 s14, $0x3;
	s26 =	sadd.s32 s8, s14  }
0x10: {  	s15 =	simm.s32 $0x1;
	s0 =	sadd.s32 s0, s16;
	[dreg:$0x15] =	wrdreg s26  }
0x11: {  	s21 =	ssub.s32 s13, s20;
	s22 =	sadd.s32 s1, s16;
	[dreg:$0x10] =	wrdreg s0  }
0x12: {  	s8 =	simm.s32 $0x180;
	s23 =	sadd.s32 s2, s16;
	[dreg:$0x11] =	wrdreg s22  }
0x13: {  	s13 =	simm.s32 $0x10F00;
	s24 =	sadd.s32 s5, s16;
	[dreg:$0x12] =	wrdreg s23  }
0x14: {  	s25 =	sadd.s32 s6, s16;
	s31 =	smax.u32 s21, $0x1;
	[dreg:$0x13] =	wrdreg s24  }
0x15: {  	v5 =	vlaneseq.u32;
	s26 =	simm.s32 $0x4600;
	s6 =	simm.s32 $0x10E00;
	[dreg:$0x14] =	wrdreg s25  }
0x16: {  	v0 =	vand.u32 $0x7, v5;
	s16 =	simm.s32 $0x11420;
	[dreg:$0x16] =	wrdreg s31;
	s22 =	simm.s32 $0x2  }
0x17: {  	[tilespmem:$0x1FFF0] =	vst v0;
	s23 =	simm.s32 $0x200;
	s24 =	simm.s32 $0x80;
	s25 =	simm.s32 $0x600  }
.LBB2_1:
0x18: {  	s0 =	rddreg [dreg:$0x10]  }
0x19: {  	[tilespmem:s7], [sflag:$0x2] =	stream.linear.gather [hbm4b:s0+s7], $0x200, $0x38;
	[tilespmem:$0x12420] =	vst v63  }
0x1a: {  	_ =	swait.ge [sflag:s22], $0x200  }
0x1b: {  	[sflag:s22] =	ssyncset.done $0x0  }
0x1c: {  	s2 =	rddreg [dreg:$0x11];
	[sflag:s22] =	ssyncadd.s32 $0xFFFFFE00  }
0x1d: {  	[tilespmem:s23], [sflag:$0x2] =	stream.linear.gather [hbm4b:s2+s7], $0x200, $0x38;
	[tilespmem:$0x12420] =	vst v63  }
0x1e: {  	_ =	swait.ge [sflag:s22], $0x200  }
0x1f: {  	[sflag:s22] =	ssyncset.done $0x0  }
0x20: {  	s18 =	simm.s32 $0x400;
	s4 =	rddreg [dreg:$0x12];
	[sflag:s22] =	ssyncadd.s32 $0xFFFFFE00  }
0x21: {  	[tilespmem:s18], [sflag:$0x2] =	stream.linear.gather [hbm4b:s4+s7], $0x200, $0x38;
	[tilespmem:$0x12420] =	vst v63  }
0x22: {  	_ =	swait.ge [sflag:s22], $0x200  }
0x23: {  	[sflag:s22] =	ssyncset.done $0x0  }
0x24: {  	[sflag:s22] =	ssyncadd.s32 $0xFFFFFE00  }
0x25: {  	[tilespmem:s25], [sflag:$0x1] =	stream.indirect.gather [hbm4b:s9+s24], $0x20, s7, s24, $0xb8;
	[tilespmem:$0x12420] =	vst v63  }
0x26: {  	_ = 	snop  }
0x27: {  	[tilespmem:s26], [sflag:$0x1] =	stream.indirect.gather [hbm4b:s10+s24], $0x20, s23, s24, $0xb8;
	[tilespmem:$0x12420] =	vst v63  }
0x28: {  	_ = 	snop  }
0x29: {  	[tilespmem:s28], [sflag:$0x1] =	stream.indirect.gather [hbm4b:s11+s24], $0x20, s7, s24, $0xb8;
	[tilespmem:$0x12420] =	vst v63  }
0x2a: {  	_ = 	snop  }
0x2b: {  	[tilespmem:s29], [sflag:$0x1] =	stream.indirect.gather [hbm4b:s12+s24], $0x20, s23, s24, $0xb8;
	[tilespmem:$0x12420] =	vst v63  }
0x2c: {  	s19 =	simm.s32 $0x10600;
	s0 =	rddreg [dreg:$0x4]  }
0x2d: {  	[tilespmem:s19], [sflag:$0x1] =	stream.indirect.gather [hbm4b:s0+s24], $0x1, s7, s24, $0xb8;
	[tilespmem:$0x12420] =	vst v63  }
0x2e: {  	s20 =	simm.s32 $0x10800;
	s1 =	rddreg [dreg:$0x5]  }
0x2f: {  	[tilespmem:s20], [sflag:$0x1] =	stream.indirect.gather [hbm4b:s1+s24], $0x1, s23, s24, $0xb8;
	[tilespmem:$0x12420] =	vst v63  }
0x30: {  	s21 =	simm.s32 $0x10A00;
	s2 =	rddreg [dreg:$0x6]  }
0x31: {  	[tilespmem:s21], [sflag:$0x1] =	stream.indirect.gather [hbm4b:s2+s24], $0x1, s7, s24, $0xb8;
	[tilespmem:$0x12420] =	vst v63  }
0x32: {  	s14 =	simm.s32 $0x10C00;
	s31 =	rddreg [dreg:$0x7]  }
0x33: {  	[tilespmem:s14], [sflag:$0x1] =	stream.indirect.gather [hbm4b:s31+s24], $0x1, s23, s24, $0xb8;
	[tilespmem:$0x12420] =	vst v63  }
0x34: {  	s4 =	simm.s32 $0x1600  }
0x35: {  	[tilespmem:s4], [sflag:$0x1] =	stream.indirect.gather [hbm4b:s9+s24], $0x20, s24, s24, $0xb8;
	[tilespmem:$0x12420] =	vst v63  }
0x36: {  	s5 =	simm.s32 $0x5600;
	s4 =	simm.s32 $0x280  }
0x37: {  	[tilespmem:s5], [sflag:$0x1] =	stream.indirect.gather [hbm4b:s10+s24], $0x20, s4, s24, $0xb8;
	[tilespmem:$0x12420] =	vst v63  }
0x38: {  	s5 =	simm.s32 $0x9600  }
0x39: {  	[tilespmem:s5], [sflag:$0x1] =	stream.indirect.gather [hbm4b:s11+s24], $0x20, s24, s24, $0xb8;
	[tilespmem:$0x12420] =	vst v63  }
0x3a: {  	s5 =	simm.s32 $0xD600  }
0x3b: {  	[tilespmem:s5], [sflag:$0x1] =	stream.indirect.gather [hbm4b:s12+s24], $0x20, s4, s24, $0xb8;
	[tilespmem:$0x12420] =	vst v63  }
0x3c: {  	s5 =	simm.s32 $0x10680  }
0x3d: {  	[tilespmem:s5], [sflag:$0x1] =	stream.indirect.gather [hbm4b:s0+s24], $0x1, s24, s24, $0xb8;
	[tilespmem:$0x12420] =	vst v63  }
0x3e: {  	s5 =	simm.s32 $0x10880  }
0x3f: {  	[tilespmem:s5], [sflag:$0x1] =	stream.indirect.gather [hbm4b:s1+s24], $0x1, s4, s24, $0xb8;
	[tilespmem:$0x12420] =	vst v63  }
0x40: {  	s5 =	simm.s32 $0x10A80  }
0x41: {  	[tilespmem:s5], [sflag:$0x1] =	stream.indirect.gather [hbm4b:s2+s24], $0x1, s24, s24, $0xb8;
	[tilespmem:$0x12420] =	vst v63  }
0x42: {  	s5 =	simm.s32 $0x10C80  }
0x43: {  	[tilespmem:s5], [sflag:$0x1] =	stream.indirect.gather [hbm4b:s31+s24], $0x1, s4, s24, $0xb8;
	[tilespmem:$0x12420] =	vst v63  }
0x44: {  	s4 =	simm.s32 $0x100;
	s5 =	simm.s32 $0x2600  }
0x45: {  	[tilespmem:s5], [sflag:$0x1] =	stream.indirect.gather [hbm4b:s9+s24], $0x20, s4, s24, $0xb8;
	[tilespmem:$0x12420] =	vst v63  }
0x46: {  	s5 =	simm.s32 $0x6600  }
0x47: {  	[tilespmem:s5], [sflag:$0x1] =	stream.indirect.gather [hbm4b:s10+s24], $0x20, s30, s24, $0xb8;
	[tilespmem:$0x12420] =	vst v63  }
0x48: {  	s5 =	simm.s32 $0xA600  }
0x49: {  	[tilespmem:s5], [sflag:$0x1] =	stream.indirect.gather [hbm4b:s11+s24], $0x20, s4, s24, $0xb8;
	[tilespmem:$0x12420] =	vst v63  }
0x4a: {  	s5 =	simm.s32 $0xE600  }
0x4b: {  	[tilespmem:s5], [sflag:$0x1] =	stream.indirect.gather [hbm4b:s12+s24], $0x20, s30, s24, $0xb8;
	[tilespmem:$0x12420] =	vst v63  }
0x4c: {  	s5 =	simm.s32 $0x10700  }
0x4d: {  	[tilespmem:s5], [sflag:$0x1] =	stream.indirect.gather [hbm4b:s0+s24], $0x1, s4, s24, $0xb8;
	[tilespmem:$0x12420] =	vst v63  }
0x4e: {  	s5 =	simm.s32 $0x10900  }
0x4f: {  	[tilespmem:s5], [sflag:$0x1] =	stream.indirect.gather [hbm4b:s1+s24], $0x1, s30, s24, $0xb8;
	[tilespmem:$0x12420] =	vst v63  }
0x50: {  	s5 =	simm.s32 $0x10B00  }
0x51: {  	[tilespmem:s5], [sflag:$0x1] =	stream.indirect.gather [hbm4b:s2+s24], $0x1, s4, s24, $0xb8;
	[tilespmem:$0x12420] =	vst v63  }
0x52: {  	s5 =	simm.s32 $0x10D00  }
0x53: {  	[tilespmem:s5], [sflag:$0x1] =	stream.indirect.gather [hbm4b:s31+s24], $0x1, s30, s24, $0xb8;
	[tilespmem:$0x12420] =	vst v63  }
0x54: {  	s5 =	simm.s32 $0x3600  }
0x55: {  	[tilespmem:s5], [sflag:$0x1] =	stream.indirect.gather [hbm4b:s9+s24], $0x20, s8, s24, $0xb8;
	[tilespmem:$0x12420] =	vst v63  }
0x56: {  	s5 =	simm.s32 $0x7600  }
0x57: {  	[tilespmem:s5], [sflag:$0x1] =	stream.indirect.gather [hbm4b:s10+s24], $0x20, s3, s24, $0xb8;
	[tilespmem:$0x12420] =	vst v63  }
0x58: {  	s5 =	simm.s32 $0xB600  }
0x59: {  	[tilespmem:s5], [sflag:$0x1] =	stream.indirect.gather [hbm4b:s11+s24], $0x20, s8, s24, $0xb8;
	[tilespmem:$0x12420] =	vst v63  }
0x5a: {  	s5 =	simm.s32 $0xF600  }
0x5b: {  	[tilespmem:s5], [sflag:$0x1] =	stream.indirect.gather [hbm4b:s12+s24], $0x20, s3, s24, $0xb8;
	[tilespmem:$0x12420] =	vst v63  }
0x5c: {  	s5 =	simm.s32 $0x10780  }
0x5d: {  	[tilespmem:s5], [sflag:$0x1] =	stream.indirect.gather [hbm4b:s0+s24], $0x1, s8, s24, $0xb8;
	[tilespmem:$0x12420] =	vst v63  }
0x5e: {  	s5 =	simm.s32 $0x10980  }
0x5f: {  	[tilespmem:s5], [sflag:$0x1] =	stream.indirect.gather [hbm4b:s1+s24], $0x1, s3, s24, $0xb8;
	[tilespmem:$0x12420] =	vst v63  }
0x60: {  	s4 =	simm.s32 $0x10B80  }
0x61: {  	[tilespmem:s4], [sflag:$0x1] =	stream.indirect.gather [hbm4b:s2+s24], $0x1, s8, s24, $0xb8;
	[tilespmem:$0x12420] =	vst v63  }
0x62: {  	s5 =	simm.s32 $0x10D80  }
0x63: {  	[tilespmem:s5], [sflag:$0x1] =	stream.indirect.gather [hbm4b:s31+s24], $0x1, s3, s24, $0xb8;
	[tilespmem:$0x12420] =	vst v63  }
0x64: {  	s31 =	rddreg [dreg:$0xe]  }
0x65: {  	[tilespmem:s6], [sflag:$0x2] =	stream.linear.gather [hbm4b:s31+s7], $0x100, $0x38;
	[tilespmem:$0x12420] =	vst v63  }
0x66: {  	_ =	swait.ge [sflag:s22], $0x100  }
0x67: {  	[sflag:s22] =	ssyncset.done $0x0  }
0x68: {  	[sflag:s22] =	ssyncadd.s32 $0xFFFFFF00  }
0x69: {  	s1 =	rddreg [dreg:$0x8]  }
0x6a: {  	[tilespmem:s13], [sflag:$0x2] =	stream.linear.gather [hbm4b:s1+s7], $0x10, $0x38;
	[tilespmem:$0x12420] =	vst v63  }
0x6b: {  	_ =	swait.ge [sflag:s22], $0x10  }
0x6c: {  	[sflag:s22] =	ssyncset.done $0x0  }
0x6d: {  	s4 =	simm.s32 $0x10F10;
	s2 =	rddreg [dreg:$0xf];
	[sflag:s22] =	ssyncadd.s32 $0xFFFFFFF0  }
0x6e: {  	[tilespmem:s4], [sflag:$0x2] =	stream.linear.gather [hbm4b:s2+s7], $0x100, $0x38;
	[tilespmem:$0x12420] =	vst v63  }
0x6f: {  	_ =	swait.ge [sflag:s22], $0x100  }
0x70: {  	[sflag:s22] =	ssyncset.done $0x0  }
0x71: {  	[sflag:s22] =	ssyncadd.s32 $0xFFFFFF00  }
0x72: {  	s31 =	simm.s32 $0x11010;
	s5 =	rddreg [dreg:$0x9]  }
0x73: {  	[tilespmem:s31], [sflag:$0x2] =	stream.linear.gather [hbm4b:s5+s7], $0x10, $0x38;
	[tilespmem:$0x12420] =	vst v63  }
0x74: {  	_ =	swait.ge [sflag:s22], $0x10  }
0x75: {  	[sflag:s22] =	ssyncset.done $0x0  }
0x76: {  	[sflag:s22] =	ssyncadd.s32 $0xFFFFFFF0  }
0x77: {  	_ =	swait.ge [sflag:s15], $0x1000  }
0x78: {  	[sflag:s15] =	ssyncset.done $0x0  }
0x79: {  	[sflag:s15] =	ssyncadd.s32 $0xFFFFF000  }
0x7a: {  	_ =	swait.ge [sflag:s15], $0x1000  }
0x7b: {  	[sflag:s15] =	ssyncset.done $0x0  }
0x7c: {  	[sflag:s15] =	ssyncadd.s32 $0xFFFFF000  }
0x7d: {  	_ =	swait.ge [sflag:s15], $0x1000  }
0x7e: {  	[sflag:s15] =	ssyncset.done $0x0  }
0x7f: {  	[sflag:s15] =	ssyncadd.s32 $0xFFFFF000  }
0x80: {  	_ =	swait.ge [sflag:s15], $0x1000  }
0x81: {  	[sflag:s15] =	ssyncset.done $0x0  }
0x82: {  	[sflag:s15] =	ssyncadd.s32 $0xFFFFF000  }
0x83: {  	_ =	swait.ge [sflag:s15], $0x80  }
0x84: {  	[sflag:s15] =	ssyncset.done $0x0  }
0x85: {  	[sflag:s15] =	ssyncadd.s32 $0xFFFFFF80  }
0x86: {  	_ =	swait.ge [sflag:s15], $0x80  }
0x87: {  	[sflag:s15] =	ssyncset.done $0x0  }
0x88: {  	[sflag:s15] =	ssyncadd.s32 $0xFFFFFF80  }
0x89: {  	_ =	swait.ge [sflag:s15], $0x80  }
0x8a: {  	[sflag:s15] =	ssyncset.done $0x0  }
0x8b: {  	[sflag:s15] =	ssyncadd.s32 $0xFFFFFF80  }
0x8c: {  	_ =	swait.ge [sflag:s15], $0x80  }
0x8d: {  	[sflag:s15] =	ssyncset.done $0x0  }
0x8e: {  	[sflag:s15] =	ssyncadd.s32 $0xFFFFFF80  }
0x8f: {  	_ =	swait.ge [sflag:s15], $0x1000  }
0x90: {  	[sflag:s15] =	ssyncset.done $0x0  }
0x91: {  	[sflag:s15] =	ssyncadd.s32 $0xFFFFF000  }
0x92: {  	_ =	swait.ge [sflag:s15], $0x1000  }
0x93: {  	[sflag:s15] =	ssyncset.done $0x0  }
0x94: {  	[sflag:s15] =	ssyncadd.s32 $0xFFFFF000  }
0x95: {  	_ =	swait.ge [sflag:s15], $0x1000  }
0x96: {  	[sflag:s15] =	ssyncset.done $0x0  }
0x97: {  	[sflag:s15] =	ssyncadd.s32 $0xFFFFF000  }
0x98: {  	_ =	swait.ge [sflag:s15], $0x1000  }
0x99: {  	[sflag:s15] =	ssyncset.done $0x0  }
0x9a: {  	[sflag:s15] =	ssyncadd.s32 $0xFFFFF000  }
0x9b: {  	_ =	swait.ge [sflag:s15], $0x80  }
0x9c: {  	[sflag:s15] =	ssyncset.done $0x0  }
0x9d: {  	[sflag:s15] =	ssyncadd.s32 $0xFFFFFF80  }
0x9e: {  	_ =	swait.ge [sflag:s15], $0x80  }
0x9f: {  	[sflag:s15] =	ssyncset.done $0x0  }
0xa0: {  	[sflag:s15] =	ssyncadd.s32 $0xFFFFFF80  }
0xa1: {  	_ =	swait.ge [sflag:s15], $0x80  }
0xa2: {  	[sflag:s15] =	ssyncset.done $0x0  }
0xa3: {  	[sflag:s15] =	ssyncadd.s32 $0xFFFFFF80  }
0xa4: {  	_ =	swait.ge [sflag:s15], $0x80  }
0xa5: {  	[sflag:s15] =	ssyncset.done $0x0  }
0xa6: {  	[sflag:s15] =	ssyncadd.s32 $0xFFFFFF80  }
0xa7: {  	_ =	swait.ge [sflag:s15], $0x1000  }
0xa8: {  	[sflag:s15] =	ssyncset.done $0x0  }
0xa9: {  	[sflag:s15] =	ssyncadd.s32 $0xFFFFF000  }
0xaa: {  	_ =	swait.ge [sflag:s15], $0x1000  }
0xab: {  	[sflag:s15] =	ssyncset.done $0x0  }
0xac: {  	[sflag:s15] =	ssyncadd.s32 $0xFFFFF000  }
0xad: {  	_ =	swait.ge [sflag:s15], $0x1000  }
0xae: {  	[sflag:s15] =	ssyncset.done $0x0  }
0xaf: {  	[sflag:s15] =	ssyncadd.s32 $0xFFFFF000  }
0xb0: {  	_ =	swait.ge [sflag:s15], $0x1000  }
0xb1: {  	[sflag:s15] =	ssyncset.done $0x0  }
0xb2: {  	[sflag:s15] =	ssyncadd.s32 $0xFFFFF000  }
0xb3: {  	_ =	swait.ge [sflag:s15], $0x80  }
0xb4: {  	[sflag:s15] =	ssyncset.done $0x0  }
0xb5: {  	[sflag:s15] =	ssyncadd.s32 $0xFFFFFF80  }
0xb6: {  	_ =	swait.ge [sflag:s15], $0x80  }
0xb7: {  	[sflag:s15] =	ssyncset.done $0x0  }
0xb8: {  	[sflag:s15] =	ssyncadd.s32 $0xFFFFFF80  }
0xb9: {  	_ =	swait.ge [sflag:s15], $0x80  }
0xba: {  	[sflag:s15] =	ssyncset.done $0x0  }
0xbb: {  	[sflag:s15] =	ssyncadd.s32 $0xFFFFFF80  }
0xbc: {  	_ =	swait.ge [sflag:s15], $0x80  }
0xbd: {  	[sflag:s15] =	ssyncset.done $0x0  }
0xbe: {  	[sflag:s15] =	ssyncadd.s32 $0xFFFFFF80  }
0xbf: {  	_ =	swait.ge [sflag:s15], $0x1000  }
0xc0: {  	[sflag:s15] =	ssyncset.done $0x0  }
0xc1: {  	[sflag:s15] =	ssyncadd.s32 $0xFFFFF000  }
0xc2: {  	_ =	swait.ge [sflag:s15], $0x1000  }
0xc3: {  	[sflag:s15] =	ssyncset.done $0x0  }
0xc4: {  	[sflag:s15] =	ssyncadd.s32 $0xFFFFF000  }
0xc5: {  	_ =	swait.ge [sflag:s15], $0x1000  }
0xc6: {  	[sflag:s15] =	ssyncset.done $0x0  }
0xc7: {  	[sflag:s15] =	ssyncadd.s32 $0xFFFFF000  }
0xc8: {  	_ =	swait.ge [sflag:s15], $0x1000  }
0xc9: {  	[sflag:s15] =	ssyncset.done $0x0  }
0xca: {  	[sflag:s15] =	ssyncadd.s32 $0xFFFFF000  }
0xcb: {  	_ =	swait.ge [sflag:s15], $0x80  }
0xcc: {  	[sflag:s15] =	ssyncset.done $0x0  }
0xcd: {  	[sflag:s15] =	ssyncadd.s32 $0xFFFFFF80  }
0xce: {  	_ =	swait.ge [sflag:s15], $0x80  }
0xcf: {  	[sflag:s15] =	ssyncset.done $0x0  }
0xd0: {  	[sflag:s15] =	ssyncadd.s32 $0xFFFFFF80  }
0xd1: {  	_ =	swait.ge [sflag:s15], $0x80  }
0xd2: {  	[sflag:s15] =	ssyncset.done $0x0  }
0xd3: {  	[sflag:s15] =	ssyncadd.s32 $0xFFFFFF80  }
0xd4: {  	_ =	swait.ge [sflag:s15], $0x80  }
0xd5: {  	[sflag:s15] =	ssyncset.done $0x0  }
0xd6: {  	[sflag:s15] =	ssyncadd.s32 $0xFFFFFF80  }
0xd7: {  	v0 =	vld [tilespmem:$0x10F10]  }
0xd8: {  	v2 =	vld [tilespmem:$0x10F50]  }
0xd9: {  	v1 =	vld [tilespmem:$0x10F30];
	_ =	sdelay $0x1  }
0xda: {  	v3 =	vld [tilespmem:$0x10F70]  }
0xdb: {  	v4 =	vbroadcast v0, $0x0  }
0xdc: {  	v37 =	vld [tilespmem:$0x10FB0];
	v6 =	vbroadcast v2, $0xD  }
0xdd: {  	v27 =	vbroadcast v1, $0xF;
	[tilespmem:$0x1EF70] =	vst v4  }
0xde: {  	v28 =	vbroadcast v2, $0xF;
	[tilespmem:$0x1F2D0] =	vst v6  }
0xdf: {  	v29 =	vbroadcast v3, $0xE;
	[tilespmem:$0x1F330] =	vst v27  }
0xe0: {  	v30 =	vbroadcast v3, $0xF;
	[tilespmem:$0x1F340] =	vst v28  }
0xe1: {  	v48 =	vbroadcast v37, $0x0;
	[tilespmem:$0x1F350] =	vst v29  }
0xe2: {  	v49 =	vbroadcast v37, $0x1;
	[tilespmem:$0x1F360] =	vst v30  }
0xe3: {  	v50 =	vbroadcast v37, $0x2;
	[tilespmem:$0x1F470] =	vst v48  }
0xe4: {  	v51 =	vbroadcast v37, $0x3;
	[tilespmem:$0x1F480] =	vst v49  }
0xe5: {  	v52 =	vbroadcast v37, $0x4;
	[tilespmem:$0x1F490] =	vst v50  }
0xe6: {  	v53 =	vbroadcast v37, $0x5;
	[tilespmem:$0x1F4A0] =	vst v51  }
0xe7: {  	v55 =	vbroadcast v37, $0x6;
	[tilespmem:$0x1F4B0] =	vst v52  }
0xe8: {  	v56 =	vbroadcast v37, $0x7;
	[tilespmem:$0x1F4C0] =	vst v53  }
0xe9: {  	v57 =	vbroadcast v37, $0x8;
	[tilespmem:$0x1F4D0] =	vst v55  }
0xea: {  	v4 =	vbroadcast v1, $0x0;
	[tilespmem:$0x1F4E0] =	vst v56  }
0xeb: {  	v58 =	vbroadcast v37, $0x9;
	[tilespmem:$0x1F4F0] =	vst v57  }
0xec: {  	[tilespmem:$0x1EF80] =	vst v4;
	v4 =	vbroadcast v2, $0x0  }
0xed: {  	v59 =	vbroadcast v37, $0xA;
	[tilespmem:$0x1F500] =	vst v58  }
0xee: {  	[tilespmem:$0x1EF90] =	vst v4;
	v4 =	vbroadcast v3, $0x0  }
0xef: {  	v60 =	vbroadcast v37, $0xB;
	[tilespmem:$0x1F510] =	vst v59  }
0xf0: {  	[tilespmem:$0x1EFA0] =	vst v4;
	v4 =	vbroadcast v0, $0x1  }
0xf1: {  	v61 =	vbroadcast v37, $0xC;
	[tilespmem:$0x1F520] =	vst v60  }
0xf2: {  	v54 =	vld [tilespmem:$0x10FD0];
	[tilespmem:$0x1EFB0] =	vst v4;
	v4 =	vbroadcast v1, $0x1  }
0xf3: {  	v62 =	vbroadcast v37, $0xD;
	[tilespmem:$0x1F530] =	vst v61  }
0xf4: {  	[tilespmem:$0x1EFC0] =	vst v4;
	v4 =	vbroadcast v2, $0x1  }
0xf5: {  	v63 =	vbroadcast v37, $0xE;
	[tilespmem:$0x1F540] =	vst v62  }
0xf6: {  	[tilespmem:$0x1EFD0] =	vst v4;
	v4 =	vbroadcast v3, $0x1  }
0xf7: {  	v8 =	vbroadcast v54, $0x0;
	[tilespmem:$0x1F550] =	vst v63  }
0xf8: {  	[tilespmem:$0x1EFE0] =	vst v4;
	v4 =	vbroadcast v0, $0x2  }
0xf9: {  	v9 =	vbroadcast v54, $0x1;
	[tilespmem:$0x1F570] =	vst v8  }
0xfa: {  	[tilespmem:$0x1EFF0] =	vst v4;
	v4 =	vbroadcast v1, $0x2  }
0xfb: {  	v10 =	vbroadcast v54, $0x2;
	[tilespmem:$0x1F580] =	vst v9  }
0xfc: {  	[tilespmem:$0x1F000] =	vst v4;
	v4 =	vbroadcast v2, $0x2  }
0xfd: {  	v11 =	vbroadcast v54, $0x3;
	[tilespmem:$0x1F590] =	vst v10  }
0xfe: {  	[tilespmem:$0x1F010] =	vst v4;
	v4 =	vbroadcast v3, $0x2  }
0xff: {  	v12 =	vbroadcast v54, $0x4;
	[tilespmem:$0x1F5A0] =	vst v11  }
0x100: {  	[tilespmem:$0x1F020] =	vst v4;
	v4 =	vbroadcast v0, $0x3  }
0x101: {  	v13 =	vbroadcast v54, $0x5;
	[tilespmem:$0x1F5B0] =	vst v12  }
0x102: {  	[tilespmem:$0x1F030] =	vst v4;
	v4 =	vbroadcast v1, $0x3  }
0x103: {  	v15 =	vbroadcast v54, $0x6;
	[tilespmem:$0x1F5C0] =	vst v13  }
0x104: {  	[tilespmem:$0x1F040] =	vst v4;
	v4 =	vbroadcast v2, $0x3  }
0x105: {  	v16 =	vbroadcast v54, $0x7;
	[tilespmem:$0x1F5D0] =	vst v15  }
0x106: {  	[tilespmem:$0x1F050] =	vst v4;
	v4 =	vbroadcast v3, $0x3  }
0x107: {  	v17 =	vbroadcast v54, $0x8;
	[tilespmem:$0x1F5E0] =	vst v16  }
0x108: {  	[tilespmem:$0x1F060] =	vst v4;
	v4 =	vbroadcast v0, $0x4  }
0x109: {  	v18 =	vbroadcast v54, $0x9;
	[tilespmem:$0x1F5F0] =	vst v17  }
0x10a: {  	[tilespmem:$0x1F070] =	vst v4;
	v4 =	vbroadcast v1, $0x4  }
0x10b: {  	v19 =	vbroadcast v54, $0xA;
	[tilespmem:$0x1F600] =	vst v18  }
0x10c: {  	[tilespmem:$0x1F080] =	vst v4;
	v4 =	vbroadcast v2, $0x4  }
0x10d: {  	v20 =	vbroadcast v54, $0xB;
	[tilespmem:$0x1F610] =	vst v19  }
0x10e: {  	[tilespmem:$0x1F090] =	vst v4;
	v4 =	vbroadcast v3, $0x4  }
0x10f: {  	v21 =	vbroadcast v54, $0xC;
	[tilespmem:$0x1F620] =	vst v20  }
0x110: {  	v14 =	vld [tilespmem:$0x10FF0];
	[tilespmem:$0x1F0A0] =	vst v4;
	v4 =	vbroadcast v0, $0x5  }
0x111: {  	v22 =	vbroadcast v54, $0xD;
	[tilespmem:$0x1F630] =	vst v21  }
0x112: {  	[tilespmem:$0x1F0B0] =	vst v4;
	v4 =	vbroadcast v1, $0x5  }
0x113: {  	v23 =	vbroadcast v54, $0xE;
	[tilespmem:$0x1F640] =	vst v22  }
0x114: {  	[tilespmem:$0x1F0C0] =	vst v4;
	v4 =	vbroadcast v2, $0x5  }
0x115: {  	v24 =	vbroadcast v14, $0x0;
	[tilespmem:$0x1F650] =	vst v23  }
0x116: {  	[tilespmem:$0x1F0D0] =	vst v4;
	v4 =	vbroadcast v3, $0x5  }
0x117: {  	v25 =	vbroadcast v14, $0x1;
	[tilespmem:$0x1F670] =	vst v24  }
0x118: {  	[tilespmem:$0x1F0E0] =	vst v4;
	v4 =	vbroadcast v0, $0x6  }
0x119: {  	v26 =	vbroadcast v14, $0x2;
	[tilespmem:$0x1F680] =	vst v25  }
0x11a: {  	[tilespmem:$0x1F0F0] =	vst v4;
	v4 =	vbroadcast v1, $0x6  }
0x11b: {  	v6 =	vbroadcast v3, $0xD;
	[tilespmem:$0x1F690] =	vst v26  }
0x11c: {  	[tilespmem:$0x1F100] =	vst v4;
	v4 =	vbroadcast v2, $0x6  }
0x11d: {  	v27 =	vbroadcast v14, $0x3;
	[tilespmem:$0x1F2E0] =	vst v6  }
0x11e: {  	[tilespmem:$0x1F110] =	vst v4;
	v4 =	vbroadcast v3, $0x6  }
0x11f: {  	v28 =	vbroadcast v14, $0x4;
	[tilespmem:$0x1F6A0] =	vst v27  }
0x120: {  	[tilespmem:$0x1F120] =	vst v4;
	v4 =	vbroadcast v0, $0x7  }
0x121: {  	v29 =	vbroadcast v14, $0x5;
	[tilespmem:$0x1F6B0] =	vst v28  }
0x122: {  	v30 =	vld [tilespmem:$0x10F20];
	[tilespmem:$0x1F130] =	vst v4;
	v4 =	vbroadcast v1, $0x7  }
0x123: {  	v6 =	vbroadcast v0, $0xE;
	[tilespmem:$0x1F6C0] =	vst v29  }
0x124: {  	[tilespmem:$0x1F140] =	vst v4;
	v4 =	vbroadcast v2, $0x7  }
0x125: {  	[tilespmem:$0x1F2F0] =	vst v6;
	v6 =	vbroadcast v1, $0xE  }
0x126: {  	[tilespmem:$0x1F150] =	vst v4;
	v4 =	vbroadcast v3, $0x7  }
0x127: {  	v48 =	vbroadcast v30, $0x7;
	[tilespmem:$0x1F300] =	vst v6  }
0x128: {  	[tilespmem:$0x1F160] =	vst v4;
	v4 =	vbroadcast v0, $0x8  }
0x129: {  	v49 =	vbroadcast v30, $0x8;
	[tilespmem:$0x1F7E0] =	vst v48  }
0x12a: {  	[tilespmem:$0x1F170] =	vst v4;
	v4 =	vbroadcast v1, $0x8  }
0x12b: {  	v50 =	vbroadcast v30, $0x9;
	[tilespmem:$0x1F7F0] =	vst v49  }
0x12c: {  	[tilespmem:$0x1F180] =	vst v4;
	v4 =	vbroadcast v2, $0x8  }
0x12d: {  	v51 =	vbroadcast v30, $0xA;
	[tilespmem:$0x1F800] =	vst v50  }
0x12e: {  	[tilespmem:$0x1F190] =	vst v4;
	v4 =	vbroadcast v3, $0x8  }
0x12f: {  	v52 =	vbroadcast v30, $0xB;
	[tilespmem:$0x1F810] =	vst v51  }
0x130: {  	v62 =	vld [tilespmem:$0x10F60];
	[tilespmem:$0x1F1A0] =	vst v4;
	v4 =	vbroadcast v0, $0x9  }
0x131: {  	v53 =	vbroadcast v30, $0xC;
	[tilespmem:$0x1F820] =	vst v52  }
0x132: {  	[tilespmem:$0x1F1B0] =	vst v4;
	v4 =	vbroadcast v1, $0x9  }
0x133: {  	v55 =	vbroadcast v30, $0xE;
	[tilespmem:$0x1F830] =	vst v53  }
0x134: {  	[tilespmem:$0x1F1C0] =	vst v4;
	v4 =	vbroadcast v2, $0x9  }
0x135: {  	v16 =	vbroadcast v62, $0x0;
	[tilespmem:$0x1F850] =	vst v55  }
0x136: {  	[tilespmem:$0x1F1D0] =	vst v4;
	v4 =	vbroadcast v3, $0x9  }
0x137: {  	v17 =	vbroadcast v62, $0x1;
	[tilespmem:$0x1F970] =	vst v16  }
0x138: {  	[tilespmem:$0x1F1E0] =	vst v4;
	v4 =	vbroadcast v0, $0xA  }
0x139: {  	v18 =	vbroadcast v62, $0x2;
	[tilespmem:$0x1F980] =	vst v17  }
0x13a: {  	[tilespmem:$0x1F1F0] =	vst v4;
	v4 =	vbroadcast v1, $0xA  }
0x13b: {  	v19 =	vbroadcast v62, $0x3;
	[tilespmem:$0x1F990] =	vst v18  }
0x13c: {  	[tilespmem:$0x1F200] =	vst v4;
	v4 =	vbroadcast v2, $0xA  }
0x13d: {  	v20 =	vbroadcast v62, $0x4;
	[tilespmem:$0x1F9A0] =	vst v19  }
0x13e: {  	[tilespmem:$0x1F210] =	vst v4;
	v4 =	vbroadcast v3, $0xA  }
0x13f: {  	v21 =	vbroadcast v62, $0x5;
	[tilespmem:$0x1F9B0] =	vst v20  }
0x140: {  	[tilespmem:$0x1F220] =	vst v4;
	v4 =	vbroadcast v0, $0xB  }
0x141: {  	v23 =	vbroadcast v62, $0x6;
	[tilespmem:$0x1F9C0] =	vst v21  }
0x142: {  	[tilespmem:$0x1F230] =	vst v4;
	v4 =	vbroadcast v1, $0xB  }
0x143: {  	v24 =	vbroadcast v62, $0x7;
	[tilespmem:$0x1F9D0] =	vst v23  }
0x144: {  	[tilespmem:$0x1F240] =	vst v4;
	v4 =	vbroadcast v2, $0xB  }
0x145: {  	v25 =	vbroadcast v62, $0x8;
	[tilespmem:$0x1F9E0] =	vst v24  }
0x146: {  	[tilespmem:$0x1F250] =	vst v4;
	v4 =	vbroadcast v3, $0xB  }
0x147: {  	v26 =	vbroadcast v62, $0x9;
	[tilespmem:$0x1F9F0] =	vst v25  }
0x148: {  	[tilespmem:$0x1F260] =	vst v4;
	v4 =	vbroadcast v0, $0xC  }
0x149: {  	v27 =	vbroadcast v62, $0xA;
	[tilespmem:$0x1FA00] =	vst v26  }
0x14a: {  	[tilespmem:$0x1F270] =	vst v4;
	v4 =	vbroadcast v1, $0xC  }
0x14b: {  	v28 =	vbroadcast v62, $0xB;
	[tilespmem:$0x1FA10] =	vst v27  }
0x14c: {  	[tilespmem:$0x1F280] =	vst v4;
	v4 =	vbroadcast v2, $0xC  }
0x14d: {  	v29 =	vbroadcast v62, $0xC;
	[tilespmem:$0x1FA20] =	vst v28  }
0x14e: {  	[tilespmem:$0x1F290] =	vst v4;
	v4 =	vbroadcast v3, $0xC  }
0x14f: {  	v6 =	vbroadcast v2, $0xE;
	[tilespmem:$0x1FA30] =	vst v29  }
0x150: {  	[tilespmem:$0x1F2A0] =	vst v4;
	v4 =	vbroadcast v0, $0xD  }
0x151: {  	[tilespmem:$0x1F310] =	vst v6;
	v0 =	vbroadcast v0, $0xF  }
0x152: {  	[tilespmem:$0x1F2B0] =	vst v4;
	v4 =	vbroadcast v1, $0xD  }
0x153: {  	[tilespmem:$0x1F320] =	vst v0;
	v0 =	vbroadcast v37, $0xF  }
0x154: {  	v22 =	vld [tilespmem:$0x10F80];
	v1 =	vbroadcast v54, $0xF;
	[tilespmem:$0x1F2C0] =	vst v4  }
0x155: {  	v37 =	vbroadcast v14, $0xC;
	[tilespmem:$0x1F560] =	vst v0  }
0x156: {  	v54 =	vbroadcast v30, $0xD;
	v4 =	vld [tilespmem:$0x10F90];
	[tilespmem:$0x1F660] =	vst v1  }
0x157: {  	[tilespmem:$0x1F730] =	vst v37;
	v0 =	vbroadcast v14, $0xF  }
0x158: {  	[tilespmem:$0x1F840] =	vst v54;
	v1 =	vbroadcast v30, $0xF  }
0x159: {  	v37 =	vbroadcast v22, $0x5;
	[tilespmem:$0x1F760] =	vst v0  }
0x15a: {  	[tilespmem:$0x1F860] =	vst v1;
	v1 =	vbroadcast v62, $0xF  }
0x15b: {  	[tilespmem:$0x1FAC0] =	vst v37;
	v31 =	vbroadcast v4, $0x0  }
0x15c: {  	[tilespmem:$0x1FA60] =	vst v1;
	v32 =	vbroadcast v4, $0x1  }
0x15d: {  	v33 =	vbroadcast v4, $0x2;
	[tilespmem:$0x1F370] =	vst v31  }
0x15e: {  	v34 =	vbroadcast v4, $0x3;
	[tilespmem:$0x1F380] =	vst v32  }
0x15f: {  	v35 =	vbroadcast v4, $0x4;
	[tilespmem:$0x1F390] =	vst v33  }
0x160: {  	v36 =	vbroadcast v4, $0x5;
	[tilespmem:$0x1F3A0] =	vst v34  }
0x161: {  	v38 =	vbroadcast v4, $0x6;
	[tilespmem:$0x1F3B0] =	vst v35  }
0x162: {  	v39 =	vbroadcast v4, $0x7;
	[tilespmem:$0x1F3C0] =	vst v36  }
0x163: {  	v40 =	vbroadcast v4, $0x8;
	[tilespmem:$0x1F3D0] =	vst v38  }
0x164: {  	v41 =	vbroadcast v4, $0x9;
	[tilespmem:$0x1F3E0] =	vst v39  }
0x165: {  	v42 =	vbroadcast v4, $0xA;
	[tilespmem:$0x1F3F0] =	vst v40  }
0x166: {  	v54 =	vld [tilespmem:$0x10FC0];
	v43 =	vbroadcast v4, $0xB;
	[tilespmem:$0x1F400] =	vst v41  }
0x167: {  	v44 =	vbroadcast v4, $0xC;
	[tilespmem:$0x1F410] =	vst v42  }
0x168: {  	v45 =	vbroadcast v4, $0xD;
	[tilespmem:$0x1F420] =	vst v43  }
0x169: {  	v46 =	vbroadcast v4, $0xE;
	[tilespmem:$0x1F430] =	vst v44  }
0x16a: {  	v47 =	vbroadcast v4, $0xF;
	[tilespmem:$0x1F440] =	vst v45  }
0x16b: {  	v16 =	vbroadcast v54, $0x7;
	[tilespmem:$0x1F450] =	vst v46  }
0x16c: {  	v17 =	vbroadcast v54, $0x8;
	[tilespmem:$0x1F460] =	vst v47  }
0x16d: {  	v18 =	vbroadcast v54, $0x9;
	[tilespmem:$0x1FCE0] =	vst v16  }
0x16e: {  	v19 =	vbroadcast v54, $0xA;
	[tilespmem:$0x1FCF0] =	vst v17  }
0x16f: {  	v20 =	vbroadcast v54, $0xB;
	[tilespmem:$0x1FD00] =	vst v18  }
0x170: {  	v21 =	vbroadcast v54, $0xC;
	[tilespmem:$0x1FD10] =	vst v19  }
0x171: {  	v23 =	vbroadcast v54, $0xE;
	[tilespmem:$0x1FD20] =	vst v20  }
0x172: {  	v31 =	vbroadcast v14, $0x6;
	[tilespmem:$0x1FD30] =	vst v21  }
0x173: {  	v32 =	vbroadcast v14, $0x7;
	[tilespmem:$0x1FD50] =	vst v23  }
0x174: {  	v33 =	vbroadcast v14, $0x8;
	[tilespmem:$0x1F6D0] =	vst v31  }
0x175: {  	v34 =	vbroadcast v14, $0x9;
	[tilespmem:$0x1F6E0] =	vst v32  }
0x176: {  	v35 =	vbroadcast v14, $0xA;
	[tilespmem:$0x1F6F0] =	vst v33  }
0x177: {  	v36 =	vbroadcast v14, $0xB;
	[tilespmem:$0x1F700] =	vst v34  }
0x178: {  	v38 =	vbroadcast v14, $0xD;
	[tilespmem:$0x1F710] =	vst v35  }
0x179: {  	v39 =	vbroadcast v14, $0xE;
	[tilespmem:$0x1F720] =	vst v36  }
0x17a: {  	v40 =	vbroadcast v30, $0x0;
	[tilespmem:$0x1F740] =	vst v38  }
0x17b: {  	v41 =	vbroadcast v30, $0x1;
	[tilespmem:$0x1F750] =	vst v39  }
0x17c: {  	v42 =	vbroadcast v30, $0x2;
	[tilespmem:$0x1F770] =	vst v40  }
0x17d: {  	v43 =	vbroadcast v30, $0x3;
	[tilespmem:$0x1F780] =	vst v41  }
0x17e: {  	v44 =	vbroadcast v30, $0x4;
	[tilespmem:$0x1F790] =	vst v42  }
0x17f: {  	v45 =	vbroadcast v30, $0x5;
	[tilespmem:$0x1F7A0] =	vst v43  }
0x180: {  	v47 =	vbroadcast v30, $0x6;
	[tilespmem:$0x1F7B0] =	vst v44  }
0x181: {  	v30 =	vbroadcast v62, $0xD;
	[tilespmem:$0x1F7C0] =	vst v45  }
0x182: {  	[tilespmem:$0x1F7D0] =	vst v47;
	v31 =	vbroadcast v62, $0xE  }
0x183: {  	[tilespmem:$0x1FA40] =	vst v30;
	v32 =	vbroadcast v22, $0x0  }
0x184: {  	v33 =	vbroadcast v22, $0x1;
	[tilespmem:$0x1FA50] =	vst v31  }
0x185: {  	v34 =	vbroadcast v22, $0x2;
	[tilespmem:$0x1FA70] =	vst v32  }
0x186: {  	v35 =	vbroadcast v22, $0x3;
	[tilespmem:$0x1FA80] =	vst v33  }
0x187: {  	v36 =	vbroadcast v22, $0x4;
	[tilespmem:$0x1FA90] =	vst v34  }
0x188: {  	v39 =	vbroadcast v22, $0x6;
	[tilespmem:$0x1FAA0] =	vst v35  }
0x189: {  	v40 =	vbroadcast v22, $0x7;
	[tilespmem:$0x1FAB0] =	vst v36  }
0x18a: {  	v41 =	vbroadcast v22, $0x8;
	[tilespmem:$0x1FAD0] =	vst v39  }
0x18b: {  	v46 =	vld [tilespmem:$0x10F40];
	v42 =	vbroadcast v22, $0x9;
	[tilespmem:$0x1FAE0] =	vst v40  }
0x18c: {  	v43 =	vbroadcast v22, $0xA;
	[tilespmem:$0x1FAF0] =	vst v41  }
0x18d: {  	v44 =	vbroadcast v22, $0xB;
	[tilespmem:$0x1FB00] =	vst v42  }
0x18e: {  	v45 =	vbroadcast v22, $0xC;
	[tilespmem:$0x1FB10] =	vst v43  }
0x18f: {  	v47 =	vbroadcast v22, $0xE;
	[tilespmem:$0x1FB20] =	vst v44  }
0x190: {  	[tilespmem:$0x1FB30] =	vst v45;
	v56 =	vbroadcast v46, $0x0  }
0x191: {  	[tilespmem:$0x1FB50] =	vst v47;
	v57 =	vbroadcast v46, $0x1  }
0x192: {  	v58 =	vbroadcast v46, $0x2;
	[tilespmem:$0x1F870] =	vst v56  }
0x193: {  	v59 =	vbroadcast v46, $0x3;
	[tilespmem:$0x1F880] =	vst v57  }
0x194: {  	v60 =	vbroadcast v46, $0x4;
	[tilespmem:$0x1F890] =	vst v58  }
0x195: {  	v61 =	vbroadcast v46, $0x5;
	[tilespmem:$0x1F8A0] =	vst v59  }
0x196: {  	v63 =	vbroadcast v46, $0x6;
	[tilespmem:$0x1F8B0] =	vst v60  }
0x197: {  	v8 =	vbroadcast v46, $0x7;
	[tilespmem:$0x1F8C0] =	vst v61  }
0x198: {  	v9 =	vbroadcast v46, $0x8;
	[tilespmem:$0x1F8D0] =	vst v63  }
0x199: {  	v10 =	vbroadcast v46, $0x9;
	[tilespmem:$0x1F8E0] =	vst v8  }
0x19a: {  	v11 =	vbroadcast v46, $0xA;
	[tilespmem:$0x1F8F0] =	vst v9  }
0x19b: {  	v12 =	vbroadcast v46, $0xB;
	[tilespmem:$0x1F900] =	vst v10  }
0x19c: {  	v13 =	vbroadcast v46, $0xC;
	[tilespmem:$0x1F910] =	vst v11  }
0x19d: {  	v38 =	vld [tilespmem:$0x10FA0];
	v14 =	vbroadcast v46, $0xD;
	[tilespmem:$0x1F920] =	vst v12  }
0x19e: {  	v15 =	vbroadcast v46, $0xE;
	[tilespmem:$0x1F930] =	vst v13  }
0x19f: {  	v0 =	vbroadcast v46, $0xF;
	[tilespmem:$0x1F940] =	vst v14  }
0x1a0: {  	v46 =	vbroadcast v22, $0xD;
	[tilespmem:$0x1F950] =	vst v15  }
0x1a1: {  	[tilespmem:$0x1F960] =	vst v0;
	v0 =	vbroadcast v22, $0xF  }
0x1a2: {  	[tilespmem:$0x1FB40] =	vst v46;
	v48 =	vbroadcast v38, $0x0  }
0x1a3: {  	v49 =	vbroadcast v38, $0x1;
	[tilespmem:$0x1FB60] =	vst v0  }
0x1a4: {  	v50 =	vbroadcast v38, $0x2;
	[tilespmem:$0x1FB70] =	vst v48  }
0x1a5: {  	v51 =	vbroadcast v38, $0x3;
	[tilespmem:$0x1FB80] =	vst v49  }
0x1a6: {  	v52 =	vbroadcast v38, $0x4;
	[tilespmem:$0x1FB90] =	vst v50  }
0x1a7: {  	v53 =	vbroadcast v38, $0x5;
	[tilespmem:$0x1FBA0] =	vst v51  }
0x1a8: {  	v55 =	vbroadcast v38, $0x6;
	[tilespmem:$0x1FBB0] =	vst v52  }
0x1a9: {  	v56 =	vbroadcast v38, $0x7;
	[tilespmem:$0x1FBC0] =	vst v53  }
0x1aa: {  	v57 =	vbroadcast v38, $0x8;
	[tilespmem:$0x1FBD0] =	vst v55  }
0x1ab: {  	v58 =	vbroadcast v38, $0x9;
	[tilespmem:$0x1FBE0] =	vst v56  }
0x1ac: {  	v59 =	vbroadcast v38, $0xA;
	[tilespmem:$0x1FBF0] =	vst v57  }
0x1ad: {  	v60 =	vbroadcast v38, $0xB;
	[tilespmem:$0x1FC00] =	vst v58  }
0x1ae: {  	v61 =	vbroadcast v38, $0xC;
	[tilespmem:$0x1FC10] =	vst v59  }
0x1af: {  	v62 =	vbroadcast v38, $0xD;
	[tilespmem:$0x1FC20] =	vst v60  }
0x1b0: {  	v63 =	vbroadcast v38, $0xE;
	[tilespmem:$0x1FC30] =	vst v61  }
0x1b1: {  	v1 =	vbroadcast v38, $0xF;
	[tilespmem:$0x1FC40] =	vst v62  }
0x1b2: {  	v8 =	vbroadcast v54, $0x0;
	[tilespmem:$0x1FC50] =	vst v63  }
0x1b3: {  	v9 =	vbroadcast v54, $0x1;
	[tilespmem:$0x1FC60] =	vst v1  }
0x1b4: {  	v10 =	vbroadcast v54, $0x2;
	[tilespmem:$0x1FC70] =	vst v8  }
0x1b5: {  	v30 =	vld [tilespmem:$0x11000];
	v11 =	vbroadcast v54, $0x3;
	[tilespmem:$0x1FC80] =	vst v9  }
0x1b6: {  	v12 =	vbroadcast v54, $0x4;
	[tilespmem:$0x1FC90] =	vst v10  }
0x1b7: {  	v13 =	vbroadcast v54, $0x5;
	[tilespmem:$0x1FCA0] =	vst v11  }
0x1b8: {  	v15 =	vbroadcast v54, $0x6;
	[tilespmem:$0x1FCB0] =	vst v12  }
0x1b9: {  	v22 =	vbroadcast v54, $0xD;
	[tilespmem:$0x1FCC0] =	vst v13  }
0x1ba: {  	v40 =	vbroadcast v30, $0x0;
	[tilespmem:$0x1FCD0] =	vst v15  }
0x1bb: {  	v41 =	vbroadcast v30, $0x1;
	[tilespmem:$0x1FD40] =	vst v22  }
0x1bc: {  	v42 =	vbroadcast v30, $0x2;
	[tilespmem:$0x1FE70] =	vst v40  }
0x1bd: {  	v43 =	vbroadcast v30, $0x3;
	[tilespmem:$0x1FE80] =	vst v41  }
0x1be: {  	v44 =	vbroadcast v30, $0x4;
	[tilespmem:$0x1FE90] =	vst v42  }
0x1bf: {  	v45 =	vbroadcast v30, $0x5;
	[tilespmem:$0x1FEA0] =	vst v43  }
0x1c0: {  	v47 =	vbroadcast v30, $0x6;
	[tilespmem:$0x1FEB0] =	vst v44  }
0x1c1: {  	v0 =	vbroadcast v54, $0xF;
	[tilespmem:$0x1FEC0] =	vst v45  }
0x1c2: {  	[tilespmem:$0x1FED0] =	vst v47;
	v48 =	vbroadcast v30, $0x7  }
0x1c3: {  	v49 =	vbroadcast v30, $0x8;
	[tilespmem:$0x1FD60] =	vst v0  }
0x1c4: {  	v50 =	vbroadcast v30, $0x9;
	[tilespmem:$0x1FEE0] =	vst v48  }
0x1c5: {  	v51 =	vbroadcast v30, $0xA;
	[tilespmem:$0x1FEF0] =	vst v49  }
0x1c6: {  	v14 =	vld [tilespmem:$0x10FE0];
	v52 =	vbroadcast v30, $0xB;
	[tilespmem:$0x1FF00] =	vst v50  }
0x1c7: {  	v53 =	vbroadcast v30, $0xC;
	[tilespmem:$0x1FF10] =	vst v51  }
0x1c8: {  	v54 =	vbroadcast v30, $0xD;
	[tilespmem:$0x1FF20] =	vst v52  }
0x1c9: {  	v55 =	vbroadcast v30, $0xE;
	[tilespmem:$0x1FF30] =	vst v53  }
0x1ca: {  	[tilespmem:$0x1FF40] =	vst v54;
	v0 =	vbroadcast v30, $0xF  }
0x1cb: {  	[tilespmem:$0x1FF50] =	vst v55;
	v24 =	vbroadcast v14, $0x0  }
0x1cc: {  	v25 =	vbroadcast v14, $0x1;
	[tilespmem:$0x1FF60] =	vst v0  }
0x1cd: {  	v26 =	vbroadcast v14, $0x2;
	[tilespmem:$0x1FD70] =	vst v24  }
0x1ce: {  	v46 =	vld [tilespmem:$0x1FFF0];
	v27 =	vbroadcast v14, $0x3;
	[tilespmem:$0x1FD80] =	vst v25  }
0x1cf: {  	v28 =	vbroadcast v14, $0x4;
	[tilespmem:$0x1FD90] =	vst v26  }
0x1d0: {  	v29 =	vbroadcast v14, $0x5;
	[tilespmem:$0x1FDA0] =	vst v27  }
0x1d1: {  	v31 =	vbroadcast v14, $0x6;
	[tilespmem:$0x1FDB0] =	vst v28  }
0x1d2: {  	v32 =	vbroadcast v14, $0x7;
	[tilespmem:$0x1FDC0] =	vst v29  }
0x1d3: {  	v33 =	vbroadcast v14, $0x8;
	[tilespmem:$0x1FDD0] =	vst v31  }
0x1d4: {  	v1 =	vbroadcast v14, $0xF;
	[tilespmem:$0x1FDE0] =	vst v32  }
0x1d5: {  	v34 =	vbroadcast v14, $0x9;
	[tilespmem:$0x1FDF0] =	vst v33  }
0x1d6: {  	v35 =	vbroadcast v14, $0xA;
	[tilespmem:$0x1FE60] =	vst v1;
	v1 =	vld.idx.msk [tilespmem:v46+s31+$0x0], $0xffff  }
0x1d7: {  	v36 =	vbroadcast v14, $0xB;
	[tilespmem:$0x1FE00] =	vst v34  }
0x1d8: {  	v37 =	vbroadcast v14, $0xC;
	[tilespmem:$0x1FE10] =	vst v35  }
0x1d9: {  	v38 =	vbroadcast v14, $0xD;
	[tilespmem:$0x1FE20] =	vst v36  }
0x1da: {  	v39 =	vbroadcast v14, $0xE;
	[tilespmem:$0x1FE30] =	vst v37  }
0x1db: {  	[tilespmem:$0x1FE40] =	vst v38;
	v56 =	vbroadcast v1, $0x0  }
0x1dc: {  	[tilespmem:$0x1FE50] =	vst v39;
	v57 =	vbroadcast v1, $0x1  }
0x1dd: {  	v58 =	vbroadcast v1, $0x2;
	[tilespmem:$0x1FF70] =	vst v56  }
0x1de: {  	v59 =	vbroadcast v1, $0x3;
	[tilespmem:$0x1FF80] =	vst v57  }
0x1df: {  	v60 =	vbroadcast v1, $0x4;
	[tilespmem:$0x1FF90] =	vst v58  }
0x1e0: {  	v61 =	vbroadcast v1, $0x5;
	[tilespmem:$0x1FFA0] =	vst v59  }
0x1e1: {  	v62 =	vbroadcast v1, $0x6;
	[tilespmem:$0x1FFB0] =	vst v60  }
0x1e2: {  	v63 =	vbroadcast v1, $0x7;
	[tilespmem:$0x1FFC0] =	vst v61  }
0x1e3: {  	[tilespmem:$0x1FFD0] =	vst v62  }
0x1e4: {  	s0 =	simm.s32 $0x11220;
	s1 =	simm.s32 $0x11020;
	s2 =	simm.s32 $0x0;
	[tilespmem:$0x1FFE0] =	vst v63  }
.LBB2_2:
0x1e5: {  	v2 =	vor.u32 s2, v5  }
0x1e6: {  	v0 =	vld [tilespmem:s18+$0x0];
	v13 =	vshll.u32 v2, $0x5  }
0x1e7: {  	v1 =	vld [tilespmem:s19+$0x0]  }
0x1e8: {  	v60 =	vld [tilespmem:s20+$0x0]  }
0x1e9: {  	v3 =	vld [tilespmem:s21+$0x0]  }
0x1ea: {  	v14 =	vld [tilespmem:s14+$0x0]  }
0x1eb: {  	v61 =	vld.idx.msk [tilespmem:v13+s25+$0x0], $0xffff  }
0x1ec: {  	v17 =	vld.idx.msk [tilespmem:v13+s26+$0x0], $0xffff  }
0x1ed: {  	v18 =	vld.idx.msk [tilespmem:v13+s28+$0x0], $0xffff  }
0x1ee: {  	[tilespmem:$0x1EF60] =	vst v2;
	v15 =	vld.idx.msk [tilespmem:v0+s13+$0x0], $0xffff  }
0x1ef: {  	v19 =	vld.idx.msk [tilespmem:v13+s29+$0x0], $0xffff  }
0x1f0: {  	v4 =	vld [tilespmem:$0x1EF70];
	_ =	sdelay $0x2  }
0x1f1: {  	v31 =	vshll.u32 v0, $0x5;
	v0 =	vmul.f32 v17, v61;
	_ =	sdelay $0x1  }
0x1f2: {  	v9 =	vmul.f32 v0, v4;
	v4 =	vld [tilespmem:$0x1EF80];
	_ =	sdelay $0x4  }
0x1f3: {  	v10 =	vmul.f32 v0, v4;
	v4 =	vld [tilespmem:$0x1EF90];
	_ =	sdelay $0x4  }
0x1f4: {  	v11 =	vmul.f32 v0, v4;
	v4 =	vld [tilespmem:$0x1F370];
	_ =	sdelay $0x3  }
0x1f5: {  	v16 =	vor.u32 $0x1, v13  }
0x1f6: {  	v34 =	vmul.f32 v0, v4;
	v4 =	vld [tilespmem:$0x1F470];
	_ =	sdelay $0x3  }
0x1f7: {  	v22 =	vld.idx.msk [tilespmem:v16+s25+$0x0], $0xffff  }
0x1f8: {  	v37 =	vmul.f32 v0, v4;
	v4 =	vld [tilespmem:$0x1F570]  }
0x1f9: {  	v23 =	vld.idx.msk [tilespmem:v16+s28+$0x0], $0xffff  }
0x1fa: {  	v24 =	vld.idx.msk [tilespmem:v16+s29+$0x0], $0xffff  }
0x1fb: {  	v16 =	vld.idx.msk [tilespmem:v16+s26+$0x0], $0xffff;
	_ =	sdelay $0x1  }
0x1fc: {  	v38 =	vmul.f32 v0, v4;
	v4 =	vld [tilespmem:$0x1EFB0];
	_ =	sdelay $0x2  }
0x1fd: {  	v16 =	vmul.f32 v16, v22;
	_ =	sdelay $0x1  }
0x1fe: {  	v39 =	vmul.f32 v16, v4;
	v4 =	vld [tilespmem:$0x1EFC0];
	_ =	sdelay $0x4  }
0x1ff: {  	v27 =	vmul.f32 v16, v4;
	v4 =	vld [tilespmem:$0x1EFD0];
	_ =	sdelay $0x4  }
0x200: {  	v28 =	vmul.f32 v16, v4;
	v4 =	vld [tilespmem:$0x1EFE0];
	_ =	sdelay $0x4  }
0x201: {  	v40 =	vmul.f32 v16, v4;
	v4 =	vld [tilespmem:$0x1F380];
	_ =	sdelay $0x1  }
0x202: {  	v20 =	vld.idx.msk [tilespmem:v31+s6+$0x0], $0xffff;
	_ =	sdelay $0x2  }
0x203: {  	v3 =	vadd.f32 v14, v3;
	v18 =	vmul.f32 v19, v18;
	v30 =	vmul.f32 v16, v4;
	v4 =	vld [tilespmem:$0x1F480];
	_ =	sdelay $0x1  }
0x204: {  	v3 =	vadd.f32 v15, v3;
	v8 =	vmul.f32 v20, v18;
	_ =	sdelay $0x1  }
0x205: {  	v2 =	vadd.f32 v8, v3;
	v3 =	vld [tilespmem:$0x1EFA0]  }
0x206: {  	v41 =	vmul.f32 v16, v4;
	v4 =	vld [tilespmem:$0x1F670];
	_ =	sdelay $0x2  }
0x207: {  	v1 =	vadd.f32 v60, v1;
	_ =	sdelay $0x1  }
0x208: {  	v1 =	vadd.f32 v0, v1;
	v3 =	vmul.f32 v0, v3;
	v0 =	vmul.f32 v0, v4;
	v4 =	vld [tilespmem:$0x1F580];
	_ =	sdelay $0x1  }
0x209: {  	v63 =	vor.u32 $0x2, v13;
	_ =	sdelay $0x2  }
0x20a: {  	v44 =	vmul.f32 v16, v4;
	v4 =	vld [tilespmem:$0x1F680];
	_ =	sdelay $0x1  }
0x20b: {  	v35 =	vld.idx.msk [tilespmem:v63+s25+$0x0], $0xffff  }
0x20c: {  	v25 =	vld.idx.msk [tilespmem:v63+s26+$0x0], $0xffff;
	_ =	sdelay $0x1  }
0x20d: {  	v1 =	vadd.f32 v16, v1;
	v16 =	vmul.f32 v16, v4;
	v4 =	vld [tilespmem:$0x1EFF0];
	_ =	sdelay $0x2  }
0x20e: {  	v20 =	vmul.f32 v25, v35;
	_ =	sdelay $0x1  }
0x20f: {  	v48 =	vmul.f32 v20, v4;
	v4 =	vld [tilespmem:$0x1F000];
	_ =	sdelay $0x4  }
0x210: {  	v50 =	vmul.f32 v20, v4;
	v4 =	vld [tilespmem:$0x1F010];
	_ =	sdelay $0x4  }
0x211: {  	v51 =	vmul.f32 v20, v4;
	v4 =	vld [tilespmem:$0x1F020];
	_ =	sdelay $0x4  }
0x212: {  	v53 =	vmul.f32 v20, v4;
	v4 =	vld [tilespmem:$0x1F390];
	_ =	sdelay $0x4  }
0x213: {  	v55 =	vmul.f32 v20, v4;
	v4 =	vld [tilespmem:$0x1F490];
	_ =	sdelay $0x4  }
0x214: {  	v56 =	vmul.f32 v20, v4;
	v4 =	vld [tilespmem:$0x1F590];
	_ =	sdelay $0x1  }
0x215: {  	v29 =	vor.u32 $0x3, v13;
	_ =	sdelay $0x2  }
0x216: {  	v57 =	vmul.f32 v20, v4;
	v4 =	vld [tilespmem:$0x1F690];
	_ =	sdelay $0x1  }
0x217: {  	v45 =	vld.idx.msk [tilespmem:v29+s25+$0x0], $0xffff  }
0x218: {  	v47 =	vld.idx.msk [tilespmem:v29+s26+$0x0], $0xffff;
	_ =	sdelay $0x1  }
0x219: {  	v1 =	vadd.f32 v20, v1;
	v20 =	vmul.f32 v20, v4;
	v4 =	vld [tilespmem:$0x1F030];
	_ =	sdelay $0x2  }
0x21a: {  	v26 =	vld.idx.msk [tilespmem:v63+s28+$0x0], $0xffff;
	v0 =	vadd.f32 v16, v0;
	v16 =	vmul.f32 v47, v45  }
0x21b: {  	v17 =	vld.idx.msk [tilespmem:v63+s29+$0x0], $0xffff  }
0x21c: {  	v63 =	vmul.f32 v16, v4;
	v4 =	vld [tilespmem:$0x1F040];
	_ =	sdelay $0x4  }
0x21d: {  	v8 =	vmul.f32 v16, v4;
	v4 =	vld [tilespmem:$0x1F050];
	_ =	sdelay $0x4  }
0x21e: {  	v18 =	vadd.f32 v27, v10;
	v10 =	vmul.f32 v16, v4;
	v4 =	vld [tilespmem:$0x1F060];
	_ =	sdelay $0x4  }
0x21f: {  	v19 =	vadd.f32 v28, v11;
	v11 =	vmul.f32 v16, v4;
	v4 =	vld [tilespmem:$0x1F3A0];
	_ =	sdelay $0x2  }
0x220: {  	v49 =	vld.idx.msk [tilespmem:v29+s28+$0x0], $0xffff  }
0x221: {  	v29 =	vld.idx.msk [tilespmem:v29+s29+$0x0], $0xffff  }
0x222: {  	v17 =	vmul.f32 v17, v26;
	v26 =	vmul.f32 v16, v4;
	v4 =	vld [tilespmem:$0x1F4A0]  }
0x223: {  	v21 =	vor.u32 $0x1, v31;
	_ =	sdelay $0x3  }
0x224: {  	v59 =	vmul.f32 v29, v49;
	v29 =	vmul.f32 v16, v4;
	v4 =	vld [tilespmem:$0x1F5A0]  }
0x225: {  	v62 =	vld.idx.msk [tilespmem:v21+s6+$0x0], $0xffff  }
0x226: {  	v52 =	vor.u32 $0x4, v13;
	_ =	sdelay $0x1  }
0x227: {  	v33 =	vmul.f32 v24, v23  }
0x228: {  	v42 =	vadd.f32 v30, v34;
	v30 =	vmul.f32 v16, v4;
	v4 =	vld [tilespmem:$0x1F6A0]  }
0x229: {  	v14 =	vmul.f32 v62, v33  }
0x22a: {  	v60 =	vld.idx.msk [tilespmem:v52+s25+$0x0], $0xffff  }
0x22b: {  	v2 =	vadd.f32 v14, v2;
	v14 =	vadd.f32 v39, v9;
	v9 =	vld.idx.msk [tilespmem:v52+s26+$0x0], $0xffff;
	_ =	sdelay $0x1  }
0x22c: {  	v1 =	vadd.f32 v16, v1;
	v16 =	vmul.f32 v16, v4;
	v4 =	vld [tilespmem:$0x1F070];
	_ =	sdelay $0x2  }
0x22d: {  	v24 =	vmul.f32 v9, v60  }
0x22e: {  	v36 =	vor.u32 $0x2, v31  }
0x22f: {  	v35 =	vmul.f32 v24, v4;
	v4 =	vld [tilespmem:$0x1F080];
	_ =	sdelay $0x3  }
0x230: {  	v22 =	vld.idx.msk [tilespmem:v36+s6+$0x0], $0xffff  }
0x231: {  	v36 =	vmul.f32 v24, v4;
	v4 =	vld [tilespmem:$0x1F0A0];
	_ =	sdelay $0x4  }
0x232: {  	v23 =	vadd.f32 v44, v38;
	v38 =	vmul.f32 v24, v4;
	v4 =	vld [tilespmem:$0x1F3B0];
	_ =	sdelay $0x4  }
0x233: {  	v39 =	vmul.f32 v24, v4;
	v4 =	vld [tilespmem:$0x1F4B0];
	_ =	sdelay $0x2  }
0x234: {  	v5 =	vor.u32 $0x5, v13;
	_ =	sdelay $0x1  }
0x235: {  	v3 =	vadd.f32 v40, v3;
	v40 =	vmul.f32 v24, v4;
	v4 =	vld [tilespmem:$0x1F5B0];
	_ =	sdelay $0x1  }
0x236: {  	v58 =	vor.u32 $0x4, v31  }
0x237: {  	v32 =	vld.idx.msk [tilespmem:v5+s25+$0x0], $0xffff  }
0x238: {  	v61 =	vld.idx.msk [tilespmem:v52+s28+$0x0], $0xffff  }
0x239: {  	v43 =	vadd.f32 v41, v37;
	v41 =	vmul.f32 v24, v4;
	v4 =	vld [tilespmem:$0x1F6B0]  }
0x23a: {  	v62 =	vld.idx.msk [tilespmem:v52+s29+$0x0], $0xffff  }
0x23b: {  	v28 =	vld.idx.msk [tilespmem:v58+s6+$0x0], $0xffff  }
0x23c: {  	v34 =	vld.idx.msk [tilespmem:v5+s26+$0x0], $0xffff;
	_ =	sdelay $0x1  }
0x23d: {  	v21 =	vadd.f32 v56, v43;
	v43 =	vmul.f32 v24, v4;
	v4 =	vld [tilespmem:$0x1F0B0]  }
0x23e: {  	v0 =	vadd.f32 v20, v0;
	v20 =	vmul.f32 v62, v61;
	_ =	sdelay $0x1  }
0x23f: {  	v33 =	vmul.f32 v28, v20;
	v20 =	vmul.f32 v34, v32  }
0x240: {  	v46 =	vor.u32 $0x3, v31  }
0x241: {  	v45 =	vmul.f32 v20, v4;
	v4 =	vld [tilespmem:$0x1F0C0];
	_ =	sdelay $0x3  }
0x242: {  	v54 =	vld.idx.msk [tilespmem:v46+s6+$0x0], $0xffff  }
0x243: {  	v46 =	vmul.f32 v20, v4;
	v4 =	vld [tilespmem:$0x1F0D0];
	_ =	sdelay $0x4  }
0x244: {  	v47 =	vmul.f32 v20, v4;
	v4 =	vld [tilespmem:$0x1F0E0];
	_ =	sdelay $0x4  }
0x245: {  	v49 =	vmul.f32 v20, v4;
	v4 =	vld [tilespmem:$0x1F3C0];
	_ =	sdelay $0x4  }
0x246: {  	v18 =	vadd.f32 v50, v18;
	v50 =	vmul.f32 v20, v4;
	v4 =	vld [tilespmem:$0x1F4C0];
	_ =	sdelay $0x1  }
0x247: {  	v17 =	vmul.f32 v22, v17;
	_ =	sdelay $0x1  }
0x248: {  	v2 =	vadd.f32 v17, v2;
	v17 =	vmul.f32 v54, v59  }
0x249: {  	v19 =	vadd.f32 v51, v19;
	v51 =	vmul.f32 v20, v4;
	v4 =	vld [tilespmem:$0x1F5C0]  }
0x24a: {  	v2 =	vadd.f32 v17, v2  }
0x24b: {  	v17 =	vadd.f32 v10, v19;
	v19 =	vadd.f32 v29, v21;
	v21 =	vmovc v5;
	v5 =	vor.u32 $0x6, v13;
	_ =	sdelay $0x2  }
0x24c: {  	v3 =	vadd.f32 v53, v3;
	v53 =	vmul.f32 v20, v4;
	v4 =	vld [tilespmem:$0x1F6C0];
	_ =	sdelay $0x1  }
0x24d: {  	v15 =	vadd.f32 v55, v42;
	v42 =	vld.idx.msk [tilespmem:v5+s25+$0x0], $0xffff  }
0x24e: {  	v1 =	vadd.f32 v24, v1;
	v44 =	vld.idx.msk [tilespmem:v5+s26+$0x0], $0xffff;
	_ =	sdelay $0x1  }
0x24f: {  	v1 =	vadd.f32 v20, v1;
	v20 =	vmul.f32 v20, v4;
	v4 =	vld [tilespmem:$0x1F0F0];
	_ =	sdelay $0x2  }
0x250: {  	[tilespmem:$0x1EDD0] =	vst v5;
	v5 =	vmul.f32 v44, v42;
	_ =	sdelay $0x1  }
0x251: {  	v55 =	vmul.f32 v5, v4;
	v4 =	vld [tilespmem:$0x1F100];
	_ =	sdelay $0x4  }
0x252: {  	v56 =	vmul.f32 v5, v4;
	v4 =	vld [tilespmem:$0x1F110];
	_ =	sdelay $0x4  }
0x253: {  	v23 =	vadd.f32 v57, v23;
	v57 =	vmul.f32 v5, v4;
	v4 =	vld [tilespmem:$0x1F120];
	_ =	sdelay $0x4  }
0x254: {  	v58 =	vmul.f32 v5, v4;
	v4 =	vld [tilespmem:$0x1F3D0];
	_ =	sdelay $0x4  }
0x255: {  	v59 =	vmul.f32 v5, v4;
	v4 =	vld [tilespmem:$0x1F4D0];
	_ =	sdelay $0x1  }
0x256: {  	v37 =	vld [tilespmem:$0x1F090];
	_ =	sdelay $0x2  }
0x257: {  	v2 =	vadd.f32 v33, v2;
	v60 =	vmul.f32 v5, v4;
	v4 =	vld [tilespmem:$0x1F5D0];
	_ =	sdelay $0x1  }
0x258: {  	[tilespmem:$0x1EE10] =	vst v2;
	v2 =	vmul.f32 v24, v37;
	v24 =	vor.u32 $0x7, v13;
	_ =	sdelay $0x2  }
0x259: {  	v62 =	vmul.f32 v5, v4;
	v4 =	vld [tilespmem:$0x1F6D0];
	_ =	sdelay $0x1  }
0x25a: {  	v52 =	vld.idx.msk [tilespmem:v24+s25+$0x0], $0xffff  }
0x25b: {  	v54 =	vld.idx.msk [tilespmem:v24+s26+$0x0], $0xffff;
	_ =	sdelay $0x1  }
0x25c: {  	v18 =	vadd.f32 v8, v18;
	v8 =	vmul.f32 v5, v4;
	v4 =	vld [tilespmem:$0x1F130];
	_ =	sdelay $0x2  }
0x25d: {  	v6 =	vmul.f32 v54, v52;
	_ =	sdelay $0x1  }
0x25e: {  	v9 =	vmul.f32 v6, v4;
	v4 =	vld [tilespmem:$0x1F140];
	_ =	sdelay $0x4  }
0x25f: {  	v10 =	vmul.f32 v6, v4;
	v4 =	vld [tilespmem:$0x1F150];
	_ =	sdelay $0x4  }
0x260: {  	v32 =	vmul.f32 v6, v4;
	v4 =	vld [tilespmem:$0x1F160];
	_ =	sdelay $0x4  }
0x261: {  	v3 =	vadd.f32 v11, v3;
	v11 =	vmul.f32 v6, v4;
	v4 =	vld [tilespmem:$0x1F3E0];
	_ =	sdelay $0x4  }
0x262: {  	v12 =	vmul.f32 v6, v4;
	v4 =	vld [tilespmem:$0x1F4E0];
	_ =	sdelay $0x2  }
0x263: {  	v14 =	vadd.f32 v48, v14;
	_ =	sdelay $0x1  }
0x264: {  	v22 =	vadd.f32 v63, v14;
	v14 =	vmul.f32 v6, v4;
	v4 =	vld [tilespmem:$0x1F5E0];
	_ =	sdelay $0x1  }
0x265: {  	v7 =	vor.u32 $0x8, v13;
	_ =	sdelay $0x1  }
0x266: {  	[tilespmem:$0x1EE30] =	vst v5;
	v5 =	vmov v6  }
0x267: {  	v18 =	vadd.f32 v36, v18;
	v36 =	vmul.f32 v5, v4;
	v4 =	vld [tilespmem:$0x1F6E0];
	_ =	sdelay $0x1  }
0x268: {  	v61 =	vld.idx.msk [tilespmem:v7+s25+$0x0], $0xffff  }
0x269: {  	v63 =	vld.idx.msk [tilespmem:v7+s26+$0x0], $0xffff;
	_ =	sdelay $0x1  }
0x26a: {  	v3 =	vadd.f32 v38, v3;
	v38 =	vmul.f32 v5, v4;
	v4 =	vld [tilespmem:$0x1F170];
	_ =	sdelay $0x2  }
0x26b: {  	[tilespmem:$0x1EE50] =	vst v6;
	v6 =	vmul.f32 v63, v61;
	_ =	sdelay $0x1  }
0x26c: {  	v33 =	vmul.f32 v6, v4;
	v4 =	vld [tilespmem:$0x1F180];
	_ =	sdelay $0x2  }
0x26d: {  	v15 =	vadd.f32 v26, v15;
	_ =	sdelay $0x1  }
0x26e: {  	v2 =	vadd.f32 v2, v17;
	v17 =	vadd.f32 v39, v15;
	v39 =	vmul.f32 v6, v4;
	v4 =	vld [tilespmem:$0x1F190];
	_ =	sdelay $0x4  }
0x26f: {  	v34 =	vmul.f32 v6, v4;
	v4 =	vld [tilespmem:$0x1F1A0];
	_ =	sdelay $0x4  }
0x270: {  	v19 =	vadd.f32 v40, v19;
	v40 =	vmul.f32 v6, v4;
	v4 =	vld [tilespmem:$0x1F3F0];
	_ =	sdelay $0x2  }
0x271: {  	v23 =	vadd.f32 v30, v23  }
0x272: {  	v0 =	vadd.f32 v16, v0  }
0x273: {  	v16 =	vadd.f32 v35, v22;
	v22 =	vadd.f32 v41, v23;
	v41 =	vmul.f32 v6, v4;
	v4 =	vld [tilespmem:$0x1F4F0];
	_ =	sdelay $0x4  }
0x274: {  	v42 =	vmul.f32 v6, v4;
	v4 =	vld [tilespmem:$0x1F5F0];
	_ =	sdelay $0x1  }
0x275: {  	v27 =	vor.u32 $0x9, v13;
	_ =	sdelay $0x1  }
0x276: {  	v5 =	vmov v6  }
0x277: {  	v44 =	vmul.f32 v5, v4;
	v4 =	vld [tilespmem:$0x1F6F0];
	_ =	sdelay $0x1  }
0x278: {  	v37 =	vld.idx.msk [tilespmem:v27+s26+$0x0], $0xffff  }
0x279: {  	v15 =	vld.idx.msk [tilespmem:v27+s25+$0x0], $0xffff;
	_ =	sdelay $0x1  }
0x27a: {  	v18 =	vadd.f32 v46, v18;
	v46 =	vmul.f32 v5, v4;
	v4 =	vld [tilespmem:$0x1F1B0];
	_ =	sdelay $0x2  }
0x27b: {  	[tilespmem:$0x1EE80] =	vst v6;
	v6 =	vmul.f32 v37, v15;
	_ =	sdelay $0x1  }
0x27c: {  	v2 =	vadd.f32 v47, v2;
	v47 =	vmul.f32 v6, v4;
	v4 =	vld [tilespmem:$0x1F1C0];
	_ =	sdelay $0x2  }
0x27d: {  	v48 =	vadd.f32 v45, v16;
	_ =	sdelay $0x1  }
0x27e: {  	[tilespmem:$0x1EE20] =	vst v1;
	v1 =	vadd.f32 v55, v48;
	v48 =	vmul.f32 v6, v4;
	v4 =	vld [tilespmem:$0x1F1D0]  }
0x27f: {  	v22 =	vadd.f32 v53, v22;
	_ =	sdelay $0x1  }
0x280: {  	v22 =	vadd.f32 v62, v22;
	_ =	sdelay $0x1  }
0x281: {  	v22 =	vadd.f32 v36, v22;
	v36 =	vmul.f32 v6, v4;
	v4 =	vld [tilespmem:$0x1F1E0];
	_ =	sdelay $0x4  }
0x282: {  	v3 =	vadd.f32 v49, v3;
	v49 =	vmul.f32 v6, v4;
	v4 =	vld [tilespmem:$0x1F400];
	_ =	sdelay $0x4  }
0x283: {  	v23 =	vadd.f32 v50, v17;
	v50 =	vmul.f32 v6, v4;
	v4 =	vld [tilespmem:$0x1F500];
	_ =	sdelay $0x4  }
0x284: {  	v19 =	vadd.f32 v51, v19;
	v51 =	vmul.f32 v6, v4;
	v4 =	vld [tilespmem:$0x1F600];
	_ =	sdelay $0x1  }
0x285: {  	[tilespmem:$0x1EDE0] =	vst v7;
	v7 =	vor.u32 $0xA, v13;
	_ =	sdelay $0x1  }
0x286: {  	v5 =	vmov v6  }
0x287: {  	v53 =	vmul.f32 v5, v4;
	v4 =	vld [tilespmem:$0x1F700];
	_ =	sdelay $0x1  }
0x288: {  	v0 =	vadd.f32 v43, v0;
	v43 =	vld.idx.msk [tilespmem:v7+s25+$0x0], $0xffff  }
0x289: {  	v45 =	vld.idx.msk [tilespmem:v7+s26+$0x0], $0xffff;
	_ =	sdelay $0x1  }
0x28a: {  	v55 =	vmul.f32 v5, v4;
	v4 =	vld [tilespmem:$0x1F1F0];
	_ =	sdelay $0x2  }
0x28b: {  	[tilespmem:$0x1EEA0] =	vst v6;
	v6 =	vmul.f32 v45, v43;
	_ =	sdelay $0x1  }
0x28c: {  	v37 =	vmul.f32 v6, v4;
	v4 =	vld [tilespmem:$0x1F200];
	_ =	sdelay $0x4  }
0x28d: {  	v18 =	vadd.f32 v56, v18;
	v56 =	vmul.f32 v6, v4;
	v4 =	vld [tilespmem:$0x1F210]  }
0x28e: {  	v0 =	vadd.f32 v20, v0;
	_ =	sdelay $0x1  }
0x28f: {  	v0 =	vadd.f32 v8, v0;
	_ =	sdelay $0x1  }
0x290: {  	v0 =	vadd.f32 v38, v0;
	v38 =	vmul.f32 v6, v4;
	v4 =	vld [tilespmem:$0x1F220];
	_ =	sdelay $0x4  }
0x291: {  	v2 =	vadd.f32 v57, v2;
	v57 =	vmul.f32 v6, v4;
	v4 =	vld [tilespmem:$0x1F410];
	_ =	sdelay $0x4  }
0x292: {  	v3 =	vadd.f32 v58, v3;
	v58 =	vmul.f32 v6, v4;
	v4 =	vld [tilespmem:$0x1F510];
	_ =	sdelay $0x4  }
0x293: {  	v23 =	vadd.f32 v59, v23;
	v59 =	vmul.f32 v6, v4;
	v4 =	vld [tilespmem:$0x1F610];
	_ =	sdelay $0x1  }
0x294: {  	[tilespmem:$0x1EDF0] =	vst v7;
	v7 =	vor.u32 $0xB, v13;
	_ =	sdelay $0x2  }
0x295: {  	v62 =	vmul.f32 v6, v4;
	v4 =	vld [tilespmem:$0x1F710];
	_ =	sdelay $0x1  }
0x296: {  	v52 =	vld.idx.msk [tilespmem:v7+s25+$0x0], $0xffff  }
0x297: {  	v54 =	vld.idx.msk [tilespmem:v7+s26+$0x0], $0xffff;
	_ =	sdelay $0x1  }
0x298: {  	v1 =	vadd.f32 v9, v1;
	v9 =	vmul.f32 v6, v4;
	v4 =	vld [tilespmem:$0x1F230];
	_ =	sdelay $0x2  }
0x299: {  	v8 =	vmul.f32 v54, v52;
	v26 =	vadd.f32 v10, v18;
	_ =	sdelay $0x1  }
0x29a: {  	v26 =	vadd.f32 v39, v26;
	v39 =	vmul.f32 v8, v4;
	v4 =	vld [tilespmem:$0x1F240];
	_ =	sdelay $0x4  }
0x29b: {  	v10 =	vmul.f32 v8, v4;
	v4 =	vld [tilespmem:$0x1F250];
	_ =	sdelay $0x2  }
0x29c: {  	v3 =	vadd.f32 v11, v3;
	_ =	sdelay $0x1  }
0x29d: {  	v3 =	vadd.f32 v40, v3;
	v40 =	vmul.f32 v8, v4;
	v4 =	vld [tilespmem:$0x1F260];
	_ =	sdelay $0x4  }
0x29e: {  	v11 =	vmul.f32 v8, v4;
	v4 =	vld [tilespmem:$0x1F420];
	_ =	sdelay $0x4  }
0x29f: {  	v23 =	vadd.f32 v12, v23;
	v12 =	vmul.f32 v8, v4;
	v4 =	vld [tilespmem:$0x1F520];
	_ =	sdelay $0x2  }
0x2a0: {  	v19 =	vadd.f32 v60, v19;
	_ =	sdelay $0x1  }
0x2a1: {  	v20 =	vadd.f32 v14, v19;
	v14 =	vmul.f32 v8, v4;
	v4 =	vld [tilespmem:$0x1F620];
	_ =	sdelay $0x1  }
0x2a2: {  	[tilespmem:$0x1EE00] =	vst v7;
	v7 =	vor.u32 $0xC, v13;
	_ =	sdelay $0x2  }
0x2a3: {  	v16 =	vmul.f32 v8, v4;
	v4 =	vld [tilespmem:$0x1F720];
	_ =	sdelay $0x1  }
0x2a4: {  	v60 =	vld.idx.msk [tilespmem:v7+s25+$0x0], $0xffff  }
0x2a5: {  	v63 =	vld.idx.msk [tilespmem:v7+s26+$0x0], $0xffff  }
0x2a6: {  	v2 =	vadd.f32 v32, v2  }
0x2a7: {  	v18 =	vmul.f32 v8, v4;
	v4 =	vld [tilespmem:$0x1F270]  }
0x2a8: {  	v2 =	vadd.f32 v34, v2;
	v35 =	vadd.f32 v42, v20;
	_ =	sdelay $0x1  }
0x2a9: {  	v2 =	vadd.f32 v36, v2;
	v36 =	vadd.f32 v51, v35;
	v35 =	vmul.f32 v63, v60;
	_ =	sdelay $0x1  }
0x2aa: {  	v23 =	vadd.f32 v41, v23;
	v41 =	vmul.f32 v35, v4;
	v4 =	vld [tilespmem:$0x1F280];
	_ =	sdelay $0x4  }
0x2ab: {  	v19 =	vmul.f32 v35, v4;
	v4 =	vld [tilespmem:$0x1F290];
	_ =	sdelay $0x4  }
0x2ac: {  	v42 =	vmul.f32 v35, v4;
	v4 =	vld [tilespmem:$0x1F2A0];
	_ =	sdelay $0x4  }
0x2ad: {  	v20 =	vmul.f32 v35, v4;
	v4 =	vld [tilespmem:$0x1F430];
	_ =	sdelay $0x2  }
0x2ae: {  	v23 =	vadd.f32 v50, v23;
	_ =	sdelay $0x1  }
0x2af: {  	v61 =	vadd.f32 v58, v23;
	v23 =	vmul.f32 v35, v4;
	v4 =	vld [tilespmem:$0x1F530];
	_ =	sdelay $0x4  }
0x2b0: {  	v25 =	vmul.f32 v35, v4;
	v4 =	vld [tilespmem:$0x1F630];
	_ =	sdelay $0x1  }
0x2b1: {  	v5 =	vor.u32 $0xD, v13;
	_ =	sdelay $0x2  }
0x2b2: {  	v26 =	vadd.f32 v48, v26;
	v48 =	vmul.f32 v35, v4;
	v4 =	vld [tilespmem:$0x1F730];
	_ =	sdelay $0x1  }
0x2b3: {  	v15 =	vld.idx.msk [tilespmem:v5+s25+$0x0], $0xffff  }
0x2b4: {  	v17 =	vld.idx.msk [tilespmem:v5+s26+$0x0], $0xffff;
	_ =	sdelay $0x1  }
0x2b5: {  	v50 =	vmul.f32 v35, v4;
	v4 =	vld [tilespmem:$0x1F2B0];
	_ =	sdelay $0x2  }
0x2b6: {  	v1 =	vadd.f32 v33, v1;
	v33 =	vmul.f32 v17, v15;
	_ =	sdelay $0x1  }
0x2b7: {  	v43 =	vmul.f32 v33, v4;
	v4 =	vld [tilespmem:$0x1F2C0];
	_ =	sdelay $0x4  }
0x2b8: {  	v51 =	vmul.f32 v33, v4;
	v4 =	vld [tilespmem:$0x1F2D0];
	_ =	sdelay $0x4  }
0x2b9: {  	v22 =	vadd.f32 v44, v22;
	v44 =	vmul.f32 v33, v4;
	v4 =	vld [tilespmem:$0x1F2E0];
	_ =	sdelay $0x4  }
0x2ba: {  	v52 =	vmul.f32 v33, v4;
	v4 =	vld [tilespmem:$0x1F440];
	_ =	sdelay $0x4  }
0x2bb: {  	v30 =	vadd.f32 v53, v22;
	v53 =	vmul.f32 v33, v4;
	v4 =	vld [tilespmem:$0x1F540];
	_ =	sdelay $0x4  }
0x2bc: {  	v54 =	vmul.f32 v33, v4;
	v4 =	vld [tilespmem:$0x1F640];
	_ =	sdelay $0x1  }
0x2bd: {  	[tilespmem:$0x1EE60] =	vst v5;
	v5 =	vor.u32 $0xE, v13;
	_ =	sdelay $0x1  }
0x2be: {  	v26 =	vadd.f32 v56, v26  }
0x2bf: {  	v56 =	vmul.f32 v33, v4;
	v4 =	vld [tilespmem:$0x1F740]  }
0x2c0: {  	v26 =	vadd.f32 v10, v26  }
0x2c1: {  	v3 =	vadd.f32 v49, v3;
	v49 =	vld.idx.msk [tilespmem:v5+s26+$0x0], $0xffff  }
0x2c2: {  	v22 =	vadd.f32 v19, v26;
	v26 =	vld.idx.msk [tilespmem:v5+s25+$0x0], $0xffff;
	_ =	sdelay $0x1  }
0x2c3: {  	v58 =	vmul.f32 v33, v4;
	v4 =	vld [tilespmem:$0x1F2F0];
	_ =	sdelay $0x2  }
0x2c4: {  	v32 =	vmul.f32 v49, v26;
	_ =	sdelay $0x1  }
0x2c5: {  	v45 =	vmul.f32 v32, v4;
	v4 =	vld [tilespmem:$0x1F300];
	_ =	sdelay $0x4  }
0x2c6: {  	v36 =	vadd.f32 v59, v36;
	v59 =	vmul.f32 v32, v4;
	v4 =	vld [tilespmem:$0x1F310];
	_ =	sdelay $0x4  }
0x2c7: {  	v0 =	vadd.f32 v46, v0;
	v46 =	vmul.f32 v32, v4;
	v4 =	vld [tilespmem:$0x1F350];
	_ =	sdelay $0x4  }
0x2c8: {  	v60 =	vmul.f32 v32, v4;
	v4 =	vld [tilespmem:$0x1F450];
	_ =	sdelay $0x4  }
0x2c9: {  	v34 =	vadd.f32 v12, v61;
	v61 =	vmul.f32 v32, v4;
	v4 =	vld [tilespmem:$0x1F550];
	_ =	sdelay $0x4  }
0x2ca: {  	v30 =	vadd.f32 v62, v30;
	v62 =	vmul.f32 v32, v4;
	v4 =	vld [tilespmem:$0x1F650];
	_ =	sdelay $0x1  }
0x2cb: {  	[tilespmem:$0x1EE70] =	vst v5;
	v5 =	vor.u32 $0xF, v13;
	_ =	sdelay $0x2  }
0x2cc: {  	[tilespmem:$0x1EEE0] =	vst v8;
	v1 =	vadd.f32 v47, v1;
	v8 =	vmul.f32 v32, v4;
	v4 =	vld [tilespmem:$0x1F750];
	_ =	sdelay $0x1  }
0x2cd: {  	v0 =	vadd.f32 v55, v0;
	v1 =	vadd.f32 v37, v1;
	v55 =	vld.idx.msk [tilespmem:v5+s25+$0x0], $0xffff  }
0x2ce: {  	v3 =	vadd.f32 v57, v3;
	v57 =	vld.idx.msk [tilespmem:v5+s26+$0x0], $0xffff  }
0x2cf: {  	v1 =	vadd.f32 v39, v1;
	v30 =	vadd.f32 v16, v30  }
0x2d0: {  	v10 =	vmul.f32 v32, v4;
	v4 =	vld [tilespmem:$0x1F320]  }
0x2d1: {  	v1 =	vadd.f32 v41, v1;
	v30 =	vadd.f32 v48, v30;
	_ =	sdelay $0x1  }
0x2d2: {  	v1 =	vadd.f32 v43, v1;
	v43 =	vadd.f32 v56, v30;
	v30 =	vmul.f32 v57, v55;
	_ =	sdelay $0x1  }
0x2d3: {  	v47 =	vmul.f32 v30, v4;
	v4 =	vld [tilespmem:$0x1F330];
	_ =	sdelay $0x4  }
0x2d4: {  	v3 =	vadd.f32 v11, v3;
	v11 =	vmul.f32 v30, v4;
	v4 =	vld [tilespmem:$0x1F340];
	_ =	sdelay $0x4  }
0x2d5: {  	v48 =	vmul.f32 v30, v4;
	v4 =	vld [tilespmem:$0x1F360];
	_ =	sdelay $0x4  }
0x2d6: {  	v12 =	vmul.f32 v30, v4;
	v4 =	vld [tilespmem:$0x1F460];
	_ =	sdelay $0x4  }
0x2d7: {  	v36 =	vadd.f32 v14, v36;
	v14 =	vmul.f32 v30, v4;
	v4 =	vld [tilespmem:$0x1F560];
	_ =	sdelay $0x4  }
0x2d8: {  	v15 =	vmul.f32 v30, v4;
	v4 =	vld [tilespmem:$0x1F660];
	_ =	sdelay $0x1  }
0x2d9: {  	[tilespmem:$0x1EE90] =	vst v5;
	v5 =	vor.u32 $0x10, v13;
	_ =	sdelay $0x2  }
0x2da: {  	v17 =	vmul.f32 v30, v4;
	v4 =	vld [tilespmem:$0x1F760];
	_ =	sdelay $0x1  }
0x2db: {  	v63 =	vld.idx.msk [tilespmem:v5+s25+$0x0], $0xffff  }
0x2dc: {  	v0 =	vadd.f32 v9, v0;
	v9 =	vld.idx.msk [tilespmem:v5+s26+$0x0], $0xffff  }
0x2dd: {  	v34 =	vadd.f32 v23, v34  }
0x2de: {  	v19 =	vmul.f32 v30, v4;
	v4 =	vld [tilespmem:$0x1F770]  }
0x2df: {  	v34 =	vadd.f32 v53, v34;
	_ =	sdelay $0x1  }
0x2e0: {  	v1 =	vadd.f32 v45, v1;
	v45 =	vadd.f32 v61, v34;
	v34 =	vmul.f32 v9, v63;
	_ =	sdelay $0x1  }
0x2e1: {  	v49 =	vmul.f32 v34, v4;
	v4 =	vld [tilespmem:$0x1F870];
	_ =	sdelay $0x4  }
0x2e2: {  	v3 =	vadd.f32 v20, v3;
	v20 =	vmul.f32 v34, v4;
	v4 =	vld [tilespmem:$0x1F970];
	_ =	sdelay $0x2  }
0x2e3: {  	v0 =	vadd.f32 v18, v0;
	_ =	sdelay $0x1  }
0x2e4: {  	v0 =	vadd.f32 v50, v0;
	v50 =	vmul.f32 v34, v4;
	v4 =	vld [tilespmem:$0x1FA70];
	_ =	sdelay $0x2  }
0x2e5: {  	v2 =	vadd.f32 v38, v2;
	_ =	sdelay $0x1  }
0x2e6: {  	v2 =	vadd.f32 v40, v2;
	v40 =	vadd.f32 v51, v22;
	v22 =	vmul.f32 v34, v4;
	v4 =	vld [tilespmem:$0x1FB70];
	_ =	sdelay $0x4  }
0x2e7: {  	v23 =	vmul.f32 v34, v4;
	v4 =	vld [tilespmem:$0x1FC70];
	_ =	sdelay $0x4  }
0x2e8: {  	v36 =	vadd.f32 v25, v36;
	v25 =	vmul.f32 v34, v4;
	v4 =	vld [tilespmem:$0x1FD70];
	_ =	sdelay $0x1  }
0x2e9: {  	[tilespmem:$0x1EEB0] =	vst v5;
	v5 =	vor.u32 $0x11, v13;
	_ =	sdelay $0x2  }
0x2ea: {  	v28 =	vmul.f32 v34, v4;
	v4 =	vld [tilespmem:$0x1FE70];
	_ =	sdelay $0x1  }
0x2eb: {  	v16 =	vld.idx.msk [tilespmem:v5+s25+$0x0], $0xffff  }
0x2ec: {  	v18 =	vld.idx.msk [tilespmem:v5+s26+$0x0], $0xffff;
	v45 =	vadd.f32 v14, v45  }
0x2ed: {  	v36 =	vadd.f32 v54, v36  }
0x2ee: {  	v1 =	vadd.f32 v47, v1;
	v47 =	vadd.f32 v23, v45;
	v45 =	vmul.f32 v34, v4;
	v4 =	vld [tilespmem:$0x1F780]  }
0x2ef: {  	v36 =	vadd.f32 v62, v36;
	_ =	sdelay $0x1  }
0x2f0: {  	v38 =	vadd.f32 v15, v36;
	v36 =	vmul.f32 v18, v16;
	_ =	sdelay $0x1  }
0x2f1: {  	v51 =	vmul.f32 v36, v4;
	v4 =	vld [tilespmem:$0x1F880];
	_ =	sdelay $0x4  }
0x2f2: {  	v56 =	vmul.f32 v36, v4;
	v4 =	vld [tilespmem:$0x1F980];
	_ =	sdelay $0x4  }
0x2f3: {  	v3 =	vadd.f32 v52, v3;
	v52 =	vmul.f32 v36, v4;
	v4 =	vld [tilespmem:$0x1FA80];
	_ =	sdelay $0x4  }
0x2f4: {  	v57 =	vmul.f32 v36, v4;
	v4 =	vld [tilespmem:$0x1FB80];
	_ =	sdelay $0x4  }
0x2f5: {  	v0 =	vadd.f32 v58, v0;
	v58 =	vmul.f32 v36, v4;
	v4 =	vld [tilespmem:$0x1FC80];
	_ =	sdelay $0x4  }
0x2f6: {  	v40 =	vadd.f32 v59, v40;
	v59 =	vmul.f32 v36, v4;
	v4 =	vld [tilespmem:$0x1FD80];
	_ =	sdelay $0x1  }
0x2f7: {  	[tilespmem:$0x1EED0] =	vst v5;
	v5 =	vor.u32 $0x12, v13;
	_ =	sdelay $0x2  }
0x2f8: {  	v61 =	vmul.f32 v36, v4;
	v4 =	vld [tilespmem:$0x1FE80];
	_ =	sdelay $0x1  }
0x2f9: {  	v26 =	vld.idx.msk [tilespmem:v5+s25+$0x0], $0xffff  }
0x2fa: {  	v29 =	vld.idx.msk [tilespmem:v5+s26+$0x0], $0xffff;
	_ =	sdelay $0x1  }
0x2fb: {  	v63 =	vmul.f32 v36, v4;
	v4 =	vld [tilespmem:$0x1F790];
	_ =	sdelay $0x2  }
0x2fc: {  	v1 =	vadd.f32 v49, v1;
	v49 =	vadd.f32 v25, v38;
	v38 =	vmul.f32 v29, v26;
	_ =	sdelay $0x1  }
0x2fd: {  	v53 =	vmul.f32 v38, v4;
	v4 =	vld [tilespmem:$0x1F890];
	_ =	sdelay $0x4  }
0x2fe: {  	v43 =	vadd.f32 v8, v43;
	v8 =	vmul.f32 v38, v4;
	v4 =	vld [tilespmem:$0x1F990];
	_ =	sdelay $0x4  }
0x2ff: {  	v54 =	vmul.f32 v38, v4;
	v4 =	vld [tilespmem:$0x1FA90];
	_ =	sdelay $0x4  }
0x300: {  	v9 =	vmul.f32 v38, v4;
	v4 =	vld [tilespmem:$0x1FB90];
	_ =	sdelay $0x4  }
0x301: {  	v0 =	vadd.f32 v10, v0;
	v10 =	vmul.f32 v38, v4;
	v4 =	vld [tilespmem:$0x1FC90];
	_ =	sdelay $0x4  }
0x302: {  	v40 =	vadd.f32 v11, v40;
	v11 =	vmul.f32 v38, v4;
	v4 =	vld [tilespmem:$0x1FD90];
	_ =	sdelay $0x1  }
0x303: {  	[tilespmem:$0x1EEF0] =	vst v5;
	v5 =	vor.u32 $0x13, v13;
	_ =	sdelay $0x2  }
0x304: {  	v2 =	vadd.f32 v42, v2;
	v15 =	vmul.f32 v38, v4;
	v4 =	vld [tilespmem:$0x1FE90];
	_ =	sdelay $0x1  }
0x305: {  	v2 =	vadd.f32 v44, v2;
	v3 =	vadd.f32 v60, v3;
	v60 =	vld.idx.msk [tilespmem:v5+s25+$0x0], $0xffff  }
0x306: {  	v62 =	vld.idx.msk [tilespmem:v5+s26+$0x0], $0xffff  }
0x307: {  	v2 =	vadd.f32 v46, v2;
	v40 =	vadd.f32 v20, v40  }
0x308: {  	v43 =	vadd.f32 v17, v43;
	v17 =	vmul.f32 v38, v4;
	v4 =	vld [tilespmem:$0x1F7A0]  }
0x309: {  	v2 =	vadd.f32 v48, v2;
	v40 =	vadd.f32 v56, v40;
	_ =	sdelay $0x1  }
0x30a: {  	v2 =	vadd.f32 v50, v2;
	v50 =	vadd.f32 v8, v40;
	v40 =	vmul.f32 v62, v60;
	_ =	sdelay $0x1  }
0x30b: {  	v55 =	vmul.f32 v40, v4;
	v4 =	vld [tilespmem:$0x1F8A0];
	_ =	sdelay $0x4  }
0x30c: {  	v18 =	vmul.f32 v40, v4;
	v4 =	vld [tilespmem:$0x1F9A0];
	_ =	sdelay $0x4  }
0x30d: {  	v56 =	vmul.f32 v40, v4;
	v4 =	vld [tilespmem:$0x1FAA0];
	_ =	sdelay $0x4  }
0x30e: {  	v0 =	vadd.f32 v19, v0;
	v19 =	vmul.f32 v40, v4;
	v4 =	vld [tilespmem:$0x1FBA0];
	_ =	sdelay $0x2  }
0x30f: {  	v3 =	vadd.f32 v12, v3;
	_ =	sdelay $0x1  }
0x310: {  	v3 =	vadd.f32 v22, v3;
	v22 =	vmul.f32 v40, v4;
	v4 =	vld [tilespmem:$0x1FCA0];
	_ =	sdelay $0x4  }
0x311: {  	v23 =	vmul.f32 v40, v4;
	v4 =	vld [tilespmem:$0x1FDA0];
	_ =	sdelay $0x1  }
0x312: {  	[tilespmem:$0x1EF00] =	vst v5;
	v5 =	vor.u32 $0x14, v13;
	_ =	sdelay $0x2  }
0x313: {  	v26 =	vmul.f32 v40, v4;
	v4 =	vld [tilespmem:$0x1FEA0];
	_ =	sdelay $0x1  }
0x314: {  	v12 =	vld.idx.msk [tilespmem:v5+s25+$0x0], $0xffff  }
0x315: {  	v16 =	vld.idx.msk [tilespmem:v5+s26+$0x0], $0xffff  }
0x316: {  	v43 =	vadd.f32 v28, v43  }
0x317: {  	v29 =	vmul.f32 v40, v4;
	v4 =	vld [tilespmem:$0x1F7B0]  }
0x318: {  	v1 =	vadd.f32 v51, v1;
	v43 =	vadd.f32 v61, v43;
	_ =	sdelay $0x1  }
0x319: {  	v1 =	vadd.f32 v53, v1;
	v53 =	vadd.f32 v15, v43;
	v43 =	vmul.f32 v16, v12;
	_ =	sdelay $0x1  }
0x31a: {  	v3 =	vadd.f32 v57, v3;
	v57 =	vmul.f32 v43, v4;
	v4 =	vld [tilespmem:$0x1F8B0];
	_ =	sdelay $0x4  }
0x31b: {  	v37 =	vmul.f32 v43, v4;
	v4 =	vld [tilespmem:$0x1F9B0];
	_ =	sdelay $0x4  }
0x31c: {  	v48 =	vadd.f32 v58, v47;
	v58 =	vmul.f32 v43, v4;
	v4 =	vld [tilespmem:$0x1FAB0];
	_ =	sdelay $0x4  }
0x31d: {  	v39 =	vmul.f32 v43, v4;
	v4 =	vld [tilespmem:$0x1FBB0];
	_ =	sdelay $0x4  }
0x31e: {  	v41 =	vmul.f32 v43, v4;
	v4 =	vld [tilespmem:$0x1FCB0];
	_ =	sdelay $0x4  }
0x31f: {  	v42 =	vmul.f32 v43, v4;
	v4 =	vld [tilespmem:$0x1FDB0];
	_ =	sdelay $0x1  }
0x320: {  	[tilespmem:$0x1EF10] =	vst v5;
	v5 =	vor.u32 $0x15, v13;
	_ =	sdelay $0x2  }
0x321: {  	v0 =	vadd.f32 v45, v0;
	v45 =	vmul.f32 v43, v4;
	v4 =	vld [tilespmem:$0x1FEB0];
	_ =	sdelay $0x1  }
0x322: {  	v25 =	vld.idx.msk [tilespmem:v5+s25+$0x0], $0xffff  }
0x323: {  	v28 =	vld.idx.msk [tilespmem:v5+s26+$0x0], $0xffff;
	_ =	sdelay $0x1  }
0x324: {  	v8 =	vmul.f32 v43, v4;
	v4 =	vld [tilespmem:$0x1F7C0];
	_ =	sdelay $0x2  }
0x325: {  	v46 =	vmul.f32 v28, v25;
	_ =	sdelay $0x1  }
0x326: {  	v49 =	vadd.f32 v59, v49;
	v59 =	vmul.f32 v46, v4;
	v4 =	vld [tilespmem:$0x1F8C0];
	_ =	sdelay $0x4  }
0x327: {  	v3 =	vadd.f32 v9, v3;
	v9 =	vmul.f32 v46, v4;
	v4 =	vld [tilespmem:$0x1F9C0];
	_ =	sdelay $0x4  }
0x328: {  	v60 =	vmul.f32 v46, v4;
	v4 =	vld [tilespmem:$0x1FAC0];
	_ =	sdelay $0x4  }
0x329: {  	v14 =	vadd.f32 v10, v48;
	v10 =	vmul.f32 v46, v4;
	v4 =	vld [tilespmem:$0x1FBC0];
	_ =	sdelay $0x4  }
0x32a: {  	v49 =	vadd.f32 v11, v49;
	v11 =	vmul.f32 v46, v4;
	v4 =	vld [tilespmem:$0x1FCC0];
	_ =	sdelay $0x4  }
0x32b: {  	v12 =	vmul.f32 v46, v4;
	v4 =	vld [tilespmem:$0x1FDC0];
	_ =	sdelay $0x1  }
0x32c: {  	[tilespmem:$0x1EF20] =	vst v5;
	v5 =	vor.u32 $0x16, v13;
	_ =	sdelay $0x2  }
0x32d: {  	v15 =	vmul.f32 v46, v4;
	v4 =	vld [tilespmem:$0x1FEC0];
	_ =	sdelay $0x1  }
0x32e: {  	v44 =	vld.idx.msk [tilespmem:v5+s25+$0x0], $0xffff  }
0x32f: {  	v47 =	vld.idx.msk [tilespmem:v5+s26+$0x0], $0xffff;
	v0 =	vadd.f32 v63, v0;
	_ =	sdelay $0x1  }
0x330: {  	v0 =	vadd.f32 v17, v0;
	v17 =	vmul.f32 v46, v4;
	v4 =	vld [tilespmem:$0x1F7D0]  }
0x331: {  	v49 =	vadd.f32 v23, v49;
	_ =	sdelay $0x1  }
0x332: {  	v51 =	vadd.f32 v42, v49;
	v49 =	vmul.f32 v47, v44;
	_ =	sdelay $0x1  }
0x333: {  	v61 =	vmul.f32 v49, v4;
	v4 =	vld [tilespmem:$0x1F8D0];
	_ =	sdelay $0x4  }
0x334: {  	v20 =	vadd.f32 v18, v50;
	v18 =	vmul.f32 v49, v4;
	v4 =	vld [tilespmem:$0x1F9D0];
	_ =	sdelay $0x4  }
0x335: {  	v62 =	vmul.f32 v49, v4;
	v4 =	vld [tilespmem:$0x1FAD0]  }
0x336: {  	[tilespmem:$0x1EF30] =	vst v5;
	v5 =	vor.u32 $0x17, v13;
	_ =	sdelay $0x3  }
0x337: {  	v3 =	vadd.f32 v19, v3;
	v19 =	vmul.f32 v49, v4;
	v4 =	vld [tilespmem:$0x1FBD0]  }
0x338: {  	v16 =	vld.idx.msk [tilespmem:v5+s26+$0x0], $0xffff  }
0x339: {  	v2 =	vadd.f32 v52, v2;
	[tilespmem:$0x1EF40] =	vst v5;
	v52 =	vadd.f32 v22, v14;
	v14 =	vld.idx.msk [tilespmem:v5+s25+$0x0], $0xffff;
	v5 =	vor.u32 $0x18, v13;
	_ =	sdelay $0x2  }
0x33a: {  	v2 =	vadd.f32 v54, v2;
	v54 =	vadd.f32 v37, v20;
	v20 =	vmul.f32 v49, v4;
	v4 =	vld [tilespmem:$0x1FCD0];
	_ =	sdelay $0x1  }
0x33b: {  	v23 =	vld.idx.msk [tilespmem:v5+s25+$0x0], $0xffff  }
0x33c: {  	v1 =	vadd.f32 v55, v1;
	v53 =	vadd.f32 v26, v53;
	v26 =	vld.idx.msk [tilespmem:v5+s26+$0x0], $0xffff  }
0x33d: {  	[tilespmem:$0x1EF50] =	vst v5;
	v5 =	vld [tilespmem:$0x1FAE0]  }
0x33e: {  	v1 =	vadd.f32 v57, v1;
	v22 =	vmul.f32 v49, v4;
	v4 =	vld [tilespmem:$0x1FDD0];
	_ =	sdelay $0x1  }
0x33f: {  	v1 =	vadd.f32 v59, v1;
	v59 =	vadd.f32 v12, v51;
	v51 =	vmul.f32 v16, v14;
	_ =	sdelay $0x1  }
0x340: {  	v37 =	vmul.f32 v51, v5;
	v5 =	vld [tilespmem:$0x1FCE0]  }
0x341: {  	v25 =	vmul.f32 v49, v4;
	v4 =	vld [tilespmem:$0x1FED0];
	_ =	sdelay $0x3  }
0x342: {  	v55 =	vadd.f32 v41, v52;
	v41 =	vmul.f32 v51, v5;
	v5 =	vld [tilespmem:$0x1FDE0]  }
0x343: {  	v28 =	vmul.f32 v49, v4;
	v4 =	vld [tilespmem:$0x1F7E0]  }
0x344: {  	v2 =	vadd.f32 v56, v2;
	v56 =	vor.u32 $0x19, v13  }
0x345: {  	[tilespmem:$0x1EE40] =	vst v7;
	v7 =	vld [tilespmem:$0x1FDF0]  }
0x346: {  	[tilespmem:$0x1EEC0] =	vst v6;
	v6 =	vld [tilespmem:$0x1F8F0]  }
0x347: {  	v44 =	vmul.f32 v51, v5;
	v5 =	vld [tilespmem:$0x1FEE0]  }
0x348: {  	v63 =	vmul.f32 v51, v4;
	v4 =	vld [tilespmem:$0x1F8E0]  }
0x349: {  	v42 =	vld.idx.msk [tilespmem:v56+s25+$0x0], $0xffff;
	v53 =	vadd.f32 v45, v53  }
0x34a: {  	v0 =	vadd.f32 v29, v0;
	v45 =	vld.idx.msk [tilespmem:v56+s26+$0x0], $0xffff  }
0x34b: {  	v2 =	vadd.f32 v58, v2;
	v12 =	vld [tilespmem:$0x1F900];
	v53 =	vadd.f32 v15, v53  }
0x34c: {  	v3 =	vadd.f32 v39, v3;
	v57 =	vadd.f32 v9, v54;
	v47 =	vmul.f32 v51, v5;
	v5 =	vld [tilespmem:$0x1F7F0]  }
0x34d: {  	v58 =	vadd.f32 v25, v53;
	v53 =	vmul.f32 v26, v23;
	v29 =	vmul.f32 v51, v4;
	v4 =	vld [tilespmem:$0x1F9E0]  }
0x34e: {  	v2 =	vadd.f32 v60, v2;
	v3 =	vadd.f32 v10, v3;
	v16 =	vld [tilespmem:$0x1FB00]  }
0x34f: {  	v55 =	vadd.f32 v11, v55;
	v1 =	vadd.f32 v61, v1;
	v48 =	vmul.f32 v53, v6;
	v6 =	vld [tilespmem:$0x1F9F0]  }
0x350: {  	v15 =	vld [tilespmem:$0x1FA00];
	v57 =	vadd.f32 v18, v57;
	v3 =	vadd.f32 v19, v3  }
0x351: {  	v18 =	vld [tilespmem:$0x1FC00];
	v59 =	vadd.f32 v22, v59;
	v5 =	vmul.f32 v53, v5;
	v1 =	vadd.f32 v63, v1  }
0x352: {  	v2 =	vadd.f32 v62, v2;
	v3 =	vadd.f32 v37, v3;
	v37 =	vld [tilespmem:$0x1F810];
	v4 =	vmul.f32 v51, v4  }
0x353: {  	v61 =	vadd.f32 v41, v59;
	v1 =	vadd.f32 v5, v1;
	v5 =	vld [tilespmem:$0x1FAF0]  }
0x354: {  	v59 =	vor.u32 $0x1B, v13;
	v6 =	vmul.f32 v53, v6;
	v2 =	vadd.f32 v4, v2;
	v4 =	vld [tilespmem:$0x1FBE0]  }
0x355: {  	v55 =	vadd.f32 v20, v55;
	v20 =	vld [tilespmem:$0x1FD00]  }
0x356: {  	v39 =	vadd.f32 v29, v57;
	v57 =	vor.u32 $0x1A, v13;
	v2 =	vadd.f32 v6, v2;
	v6 =	vld [tilespmem:$0x1FBF0]  }
0x357: {  	v23 =	vld [tilespmem:$0x1FE00]  }
0x358: {  	v52 =	vmul.f32 v53, v7;
	v7 =	vld [tilespmem:$0x1FEF0];
	v5 =	vmul.f32 v53, v5  }
0x359: {  	v0 =	vadd.f32 v8, v0;
	v26 =	vld.idx.msk [tilespmem:v59+s26+$0x0], $0xffff;
	v4 =	vmul.f32 v51, v4  }
0x35a: {  	v3 =	vadd.f32 v5, v3;
	v5 =	vld [tilespmem:$0x1FCF0]  }
0x35b: {  	v0 =	vadd.f32 v17, v0;
	v50 =	vld.idx.msk [tilespmem:v57+s25+$0x0], $0xffff;
	v4 =	vadd.f32 v4, v55;
	v6 =	vmul.f32 v53, v6  }
0x35c: {  	v54 =	vld.idx.msk [tilespmem:v57+s26+$0x0], $0xffff  }
0x35d: {  	v0 =	vadd.f32 v28, v0;
	v4 =	vadd.f32 v6, v4;
	v6 =	vld [tilespmem:$0x1F800]  }
0x35e: {  	v58 =	vadd.f32 v44, v58;
	v63 =	vadd.f32 v48, v39;
	v39 =	vld [tilespmem:$0x1F910]  }
0x35f: {  	v0 =	vadd.f32 v47, v0;
	v47 =	vld [tilespmem:$0x1FB10]  }
0x360: {  	v62 =	vadd.f32 v52, v58;
	v52 =	vld [tilespmem:$0x1FC10];
	v55 =	vmul.f32 v45, v42  }
0x361: {  	v28 =	vld [tilespmem:$0x1FF00];
	v5 =	vmul.f32 v53, v5;
	v58 =	vmul.f32 v54, v50  }
0x362: {  	v7 =	vmul.f32 v53, v7;
	v42 =	vld [tilespmem:$0x1FA10];
	v6 =	vmul.f32 v55, v6  }
0x363: {  	v5 =	vadd.f32 v5, v61;
	v61 =	vor.u32 $0x1C, v13;
	v41 =	vmul.f32 v58, v39;
	v39 =	vld [tilespmem:$0x1FA20]  }
0x364: {  	v48 =	vmul.f32 v58, v47;
	v47 =	vld [tilespmem:$0x1FD20];
	v14 =	vadd.f32 v6, v1;
	v6 =	vmul.f32 v55, v15  }
0x365: {  	v17 =	vmul.f32 v55, v16;
	v19 =	vmul.f32 v55, v18;
	v18 =	vld [tilespmem:$0x1FF10]  }
0x366: {  	v22 =	vmul.f32 v55, v20;
	v2 =	vadd.f32 v6, v2;
	v6 =	vld.idx.msk [tilespmem:v59+s25+$0x0], $0xffff  }
0x367: {  	v11 =	vadd.f32 v7, v0;
	v7 =	vmul.f32 v55, v12;
	v3 =	vadd.f32 v17, v3;
	v17 =	vld [tilespmem:$0x1FE10]  }
0x368: {  	v25 =	vmul.f32 v55, v23;
	v5 =	vadd.f32 v22, v5;
	v22 =	vld [tilespmem:$0x1F820]  }
0x369: {  	v29 =	vmul.f32 v55, v28;
	v7 =	vadd.f32 v7, v63;
	v20 =	vld.idx.msk [tilespmem:v61+s25+$0x0], $0xffff  }
0x36a: {  	v9 =	vmul.f32 v58, v37;
	v4 =	vadd.f32 v19, v4;
	v8 =	vadd.f32 v25, v62;
	v25 =	vld.idx.msk [tilespmem:v61+s26+$0x0], $0xffff  }
0x36b: {  	v44 =	vadd.f32 v29, v11;
	v29 =	vld [tilespmem:$0x1F920];
	v10 =	vmul.f32 v58, v42;
	v60 =	vmul.f32 v26, v6  }
0x36c: {  	v62 =	vor.u32 $0x1D, v13;
	v19 =	vmul.f32 v58, v18;
	v18 =	vld [tilespmem:$0x1FE20];
	v6 =	vmul.f32 v58, v17  }
0x36d: {  	v7 =	vadd.f32 v41, v7;
	v15 =	vld [tilespmem:$0x1FD10];
	v45 =	vadd.f32 v9, v14;
	v23 =	vmul.f32 v60, v22  }
0x36e: {  	v50 =	vadd.f32 v10, v2;
	v26 =	vadd.f32 v6, v8;
	v41 =	vmul.f32 v60, v39;
	v6 =	vld.idx.msk [tilespmem:v21+s28+$0x0], $0xffff  }
0x36f: {  	v9 =	vadd.f32 v23, v45;
	v45 =	vld [tilespmem:$0x1FC20]  }
0x370: {  	v54 =	vmul.f32 v58, v52;
	v10 =	vadd.f32 v41, v50;
	v50 =	vld.idx.msk [tilespmem:v21+s29+$0x0], $0xffff  }
0x371: {  	v42 =	vld [tilespmem:$0x1FB20]  }
0x372: {  	v12 =	vadd.f32 v48, v3;
	v3 =	vadd.f32 v54, v4;
	v4 =	vld.idx.msk [tilespmem:v62+s25+$0x0], $0xffff  }
0x373: {  	v28 =	vadd.f32 v19, v44;
	v22 =	vmul.f32 v25, v20;
	v19 =	vmul.f32 v60, v18;
	v20 =	vld [tilespmem:$0x1FF20]  }
0x374: {  	v16 =	vmul.f32 v58, v15;
	v39 =	vor.u32 $0x1E, v13;
	v25 =	vld [tilespmem:$0x1FA30]  }
0x375: {  	v15 =	vadd.f32 v19, v26;
	v0 =	vmul.f32 v60, v45;
	v26 =	vmul.f32 v50, v6;
	v6 =	vld [tilespmem:$0x1FB30]  }
0x376: {  	v21 =	vld [tilespmem:$0x1F830]  }
0x377: {  	v52 =	vadd.f32 v0, v3;
	v3 =	vld.idx.msk [tilespmem:v62+s26+$0x0], $0xffff  }
0x378: {  	v23 =	vld [tilespmem:$0x1F930];
	v0 =	vmul.f32 v60, v20  }
0x379: {  	v44 =	vmul.f32 v60, v42;
	v42 =	vld.idx.msk [tilespmem:v39+s25+$0x0], $0xffff  }
0x37a: {  	v0 =	vadd.f32 v0, v28;
	v28 =	vmul.f32 v22, v6;
	v6 =	vld [tilespmem:$0x1FC30]  }
0x37b: {  	v45 =	vld.idx.msk [tilespmem:v39+s26+$0x0], $0xffff  }
0x37c: {  	v63 =	vmul.f32 v3, v4;
	v4 =	vld [tilespmem:$0x1FD30]  }
0x37d: {  	v8 =	vmul.f32 v22, v25;
	v25 =	vld [tilespmem:$0x1FD40]  }
0x37e: {  	v5 =	vadd.f32 v16, v5;
	v1 =	vmul.f32 v60, v47;
	v50 =	vld [tilespmem:$0x1FB40]  }
0x37f: {  	v54 =	vor.u32 $0x5, v31;
	v37 =	vmul.f32 v60, v29;
	v29 =	vmul.f32 v22, v6;
	v6 =	vld [tilespmem:$0x1FE30]  }
0x380: {  	v5 =	vadd.f32 v1, v5;
	v1 =	vmul.f32 v22, v21;
	v2 =	vmul.f32 v22, v23;
	v23 =	vld [tilespmem:$0x1FA50]  }
0x381: {  	v21 =	vmul.f32 v45, v42;
	v42 =	vld [tilespmem:$0x1FE40];
	v4 =	vmul.f32 v22, v4  }
0x382: {  	v45 =	vld [tilespmem:$0x1FF40]  }
0x383: {  	v7 =	vadd.f32 v37, v7;
	v37 =	vor.u32 $0x1F, v13;
	v4 =	vadd.f32 v4, v5;
	v5 =	vld [tilespmem:$0x1FF30]  }
0x384: {  	v41 =	vmul.f32 v22, v6;
	v6 =	vld [tilespmem:$0x1F840]  }
0x385: {  	v48 =	vadd.f32 v44, v12;
	v1 =	vadd.f32 v1, v9;
	v3 =	vld.idx.msk [tilespmem:v54+s6+$0x0], $0xffff  }
0x386: {  	v2 =	vadd.f32 v2, v7;
	v9 =	vadd.f32 v29, v52;
	v52 =	vld [tilespmem:$0x1FC40]  }
0x387: {  	v7 =	vadd.f32 v8, v10;
	v8 =	vadd.f32 v28, v48;
	v28 =	vmul.f32 v63, v25;
	v25 =	vld [tilespmem:$0x1FB50]  }
0x388: {  	v29 =	vld.idx.msk [tilespmem:v37+s26+$0x0], $0xffff;
	v10 =	vadd.f32 v41, v15;
	v41 =	vor.u32 $0x6, v31;
	v5 =	vmul.f32 v22, v5  }
0x389: {  	v44 =	vmul.f32 v63, v6;
	v6 =	vld [tilespmem:$0x1F940]  }
0x38a: {  	v13 =	vadd.f32 v28, v4;
	v28 =	vld [tilespmem:$0x1FC50];
	v5 =	vadd.f32 v5, v0;
	v0 =	vmul.f32 v63, v50  }
0x38b: {  	v54 =	vmul.f32 v63, v52;
	v52 =	vld [tilespmem:$0x1F950]  }
0x38c: {  	v4 =	vor.u32 $0x7, v31;
	v17 =	vadd.f32 v0, v8;
	v8 =	vld [tilespmem:$0x1EDD0]  }
0x38d: {  	v11 =	vld.idx.msk [tilespmem:v41+s6+$0x0], $0xffff  }
0x38e: {  	v47 =	vmul.f32 v63, v6;
	v6 =	vld [tilespmem:$0x1FA40]  }
0x38f: {  	v41 =	vld [tilespmem:$0x1FD50]  }
0x390: {  	v9 =	vadd.f32 v54, v9;
	v54 =	vmul.f32 v21, v52;
	v52 =	vld [tilespmem:$0x1EDE0];
	v2 =	vadd.f32 v47, v2  }
0x391: {  	v0 =	vmul.f32 v21, v23;
	v23 =	vld.idx.msk [tilespmem:v4+s6+$0x0], $0xffff  }
0x392: {  	v14 =	vadd.f32 v54, v2;
	v54 =	vld [tilespmem:$0x1F960]  }
0x393: {  	v48 =	vmul.f32 v63, v6;
	v6 =	vadd.f32 v44, v1;
	v44 =	vmul.f32 v63, v42;
	v42 =	vld [tilespmem:$0x1FE50]  }
0x394: {  	v19 =	vld.idx.msk [tilespmem:v8+s28+$0x0], $0xffff  }
0x395: {  	v18 =	vld.idx.msk [tilespmem:v8+s29+$0x0], $0xffff  }
0x396: {  	v26 =	vmul.f32 v3, v26;
	v3 =	vadd.f32 v48, v7;
	v7 =	vld.idx.msk [tilespmem:v37+s25+$0x0], $0xffff  }
0x397: {  	v48 =	vld [tilespmem:$0x1F850]  }
0x398: {  	v10 =	vadd.f32 v44, v10;
	v44 =	vld [tilespmem:$0x1FF50]  }
0x399: {  	v16 =	vadd.f32 v0, v3;
	v3 =	vmul.f32 v21, v25;
	v25 =	vld.idx.msk [tilespmem:v24+s28+$0x0], $0xffff  }
0x39a: {  	v1 =	vmul.f32 v21, v42;
	v42 =	vld [tilespmem:$0x1FD60]  }
0x39b: {  	v47 =	vmul.f32 v63, v45;
	v18 =	vmul.f32 v18, v19;
	v19 =	vld.idx.msk [tilespmem:v27+s29+$0x0], $0xffff  }
0x39c: {  	v0 =	vmul.f32 v21, v41;
	v20 =	vmul.f32 v29, v7;
	v7 =	vadd.f32 v3, v17;
	v17 =	vld.idx.msk [tilespmem:v24+s29+$0x0], $0xffff  }
0x39d: {  	v5 =	vadd.f32 v47, v5;
	v50 =	vmul.f32 v21, v48;
	v48 =	vld [tilespmem:$0x1F860]  }
0x39e: {  	v47 =	vadd.f32 v0, v13;
	v13 =	vadd.f32 v1, v10;
	v10 =	vld.idx.msk [tilespmem:v52+s28+$0x0], $0xffff  }
0x39f: {  	v24 =	vld [tilespmem:$0x1FA60]  }
0x3a0: {  	v29 =	vmul.f32 v21, v28;
	v28 =	vld [tilespmem:$0x1FB60]  }
0x3a1: {  	v45 =	vmul.f32 v21, v44;
	v44 =	vld [tilespmem:$0x1FF70]  }
0x3a2: {  	v9 =	vadd.f32 v29, v9;
	v0 =	vmul.f32 v20, v54;
	v29 =	vld [tilespmem:$0x1FC60]  }
0x3a3: {  	v54 =	vld [tilespmem:$0x1EDF0]  }
0x3a4: {  	v15 =	vadd.f32 v45, v5;
	v45 =	vld [tilespmem:$0x1FF80];
	v3 =	vadd.f32 v0, v14;
	v0 =	vmul.f32 v20, v42  }
0x3a5: {  	v12 =	vadd.f32 v50, v6;
	v50 =	vmul.f32 v20, v48;
	v2 =	vmul.f32 v20, v28;
	v28 =	vld [tilespmem:$0x1FF60]  }
0x3a6: {  	v8 =	vadd.f32 v0, v47;
	v47 =	vld [tilespmem:$0x1FE60]  }
0x3a7: {  	v4 =	vadd.f32 v50, v12;
	v12 =	vld.idx.msk [tilespmem:v52+s29+$0x0], $0xffff  }
0x3a8: {  	v52 =	vld [tilespmem:$0x1FF90]  }
0x3a9: {  	v14 =	vor.u32 $0xB, v31;
	v41 =	vmul.f32 v20, v29;
	v29 =	vld [tilespmem:$0x1FFA0]  }
0x3aa: {  	v48 =	vadd.f32 v4, v44;
	v44 =	vld [tilespmem:$0x1FFB0]  }
0x3ab: {  	v1 =	vmul.f32 v20, v24;
	v24 =	vld.idx.msk [tilespmem:v54+s28+$0x0], $0xffff  }
0x3ac: {  	v4 =	vld.idx.msk [tilespmem:v54+s29+$0x0], $0xffff  }
0x3ad: {  	v50 =	vadd.f32 v3, v45;
	v54 =	vld [tilespmem:$0x1EE00];
	v3 =	vmul.f32 v20, v47  }
0x3ae: {  	v6 =	vor.u32 $0x8, v31;
	v9 =	vadd.f32 v41, v9;
	v0 =	vmul.f32 v20, v28;
	v28 =	vld.idx.msk [tilespmem:v14+s6+$0x0], $0xffff  }
0x3af: {  	v3 =	vadd.f32 v3, v13;
	v13 =	vld [tilespmem:$0x1FFD0]  }
0x3b0: {  	v44 =	vadd.f32 v9, v44;
	v9 =	vld [tilespmem:$0x1EE10]  }
0x3b1: {  	v1 =	vadd.f32 v1, v16;
	v14 =	vld [tilespmem:$0x1FFE0]  }
0x3b2: {  	v2 =	vadd.f32 v2, v7;
	v45 =	vld [tilespmem:$0x1FFC0]  }
0x3b3: {  	v6 =	vld.idx.msk [tilespmem:v6+s6+$0x0], $0xffff;
	v52 =	vadd.f32 v1, v52  }
0x3b4: {  	v18 =	vmul.f32 v11, v18;
	v47 =	vadd.f32 v2, v29;
	v15 =	vadd.f32 v0, v15;
	v29 =	vld [tilespmem:$0x1EE20]  }
0x3b5: {  	v41 =	vmax.f32 v48, v50;
	v42 =	vadd.f32 v3, v13;
	v3 =	vld [tilespmem:$0x1EE30];
	v26 =	vadd.f32 v26, v9  }
0x3b6: {  	v5 =	vor.u32 $0x9, v31;
	v2 =	vmax.f32 v41, v52;
	v41 =	vadd.f32 v15, v14;
	v14 =	vld [tilespmem:$0x1EE40]  }
0x3b7: {  	v45 =	vadd.f32 v8, v45;
	v2 =	vmax.f32 v2, v47;
	v18 =	vadd.f32 v18, v26;
	v26 =	vld [tilespmem:$0x1EE50]  }
0x3b8: {  	v16 =	vld.idx.msk [tilespmem:v27+s28+$0x0], $0xffff;
	v7 =	vor.u32 $0xA, v31;
	v2 =	vmax.f32 v2, v44  }
0x3b9: {  	v2 =	vmax.f32 v2, v45;
	v27 =	vld.idx.msk [tilespmem:v54+s28+$0x0], $0xffff  }
0x3ba: {  	v8 =	vld.idx.msk [tilespmem:v54+s29+$0x0], $0xffff;
	v2 =	vmax.f32 v2, v42;
	v54 =	vadd.f32 v3, v29  }
0x3bb: {  	v2 =	vmax.f32 v2, v41;
	v29 =	vld [tilespmem:$0x1EE60]  }
0x3bc: {  	v5 =	vld.idx.msk [tilespmem:v5+s6+$0x0], $0xffff;
	v3 =	vor.u32 $0xD, v31;
	v15 =	vadd.f32 v26, v54;
	v54 =	vsub.f32 v50, v2  }
0x3bd: {  	v7 =	vld.idx.msk [tilespmem:v7+s6+$0x0], $0xffff  }
0x3be: {  	v1 =	vmul.f32 $1.442695020e+00, v54;
	v54 =	vld [tilespmem:$0x1EE70]  }
0x3bf: {  	v11 =	vld.idx.msk [tilespmem:v14+s28+$0x0], $0xffff  }
0x3c0: {  	v17 =	vmul.f32 v17, v25;
	v0 =	vor.u32 $0xC, v31;
	v25 =	vld.idx.msk [tilespmem:v14+s29+$0x0], $0xffff  }
0x3c1: {  	v13 =	vld.idx.msk [tilespmem:v3+s6+$0x0], $0xffff  }
0x3c2: {  	v10 =	vmul.f32 v12, v10;
	v12 =	vsub.f32 v48, v2;
	v3 =	vld [tilespmem:$0x1EE80]  }
0x3c3: {  	v17 =	vmul.f32 v23, v17;
	v16 =	vmul.f32 v19, v16;
	v9 =	vsub.f32 v47, v2;
	v23 =	vld.idx.msk [tilespmem:v29+s28+$0x0], $0xffff  }
0x3c4: {  	v6 =	vmul.f32 v6, v10;
	v12 =	vmul.f32 $1.442695020e+00, v12;
	v10 =	vld.idx.msk [tilespmem:v29+s29+$0x0], $0xffff;
	v29 =	vsub.f32 v52, v2  }
0x3c5: {  	v5 =	vmul.f32 v5, v16;
	v14 =	vld.idx.msk [tilespmem:v0+s6+$0x0], $0xffff;
	v17 =	vadd.f32 v17, v18;
	v16 =	vmul.f32 $1.442695020e+00, v9  }
0x3c6: {  	v18 =	vor.u32 $0xF, v31;
	(erf) = vpow2.f32 v12;
	v0 =	vmul.f32 $1.442695020e+00, v29;
	v12 =	vld.idx.msk [tilespmem:v54+s28+$0x0], $0xffff  }
0x3c7: {  	(erf) = vpow2.f32 v1;
	v15 =	vadd.f32 v3, v15;
	v3 =	vld.idx.msk [tilespmem:v54+s29+$0x0], $0xffff;
	v54 =	vsub.f32 v44, v2  }
0x3c8: {  	v26 =	vor.u32 $0xE, v31;
	v1 =	vld [tilespmem:$0x1EE90];
	(erf) = vpow2.f32 v0  }
0x3c9: {  	(erf) = vpow2.f32 v16;
	v16 =	vmul.f32 $1.442695020e+00, v54;
	v54 =	vld [tilespmem:$0x1EEB0]  }
0x3ca: {  	v4 =	vmul.f32 v4, v24;
	v24 =	vsub.f32 v45, v2;
	v6 =	vadd.f32 v6, v17  }
0x3cb: {  	v9 =	vld [tilespmem:$0x1EEA0]  }
0x3cc: {  	v5 =	vadd.f32 v5, v6;
	v6 =	vld.idx.msk [tilespmem:v18+s6+$0x0], $0xffff;
	v0 =	vmul.f32 $1.442695020e+00, v24  }
0x3cd: {  	v29 =	vld.idx.msk [tilespmem:v26+s6+$0x0], $0xffff;
	(erf) = vpow2.f32 v16  }
0x3ce: {  	v4 =	vmul.f32 v7, v4;
	(erf) = vpow2.f32 v0;
	v0 =	vld [tilespmem:$0x1EED0]  }
0x3cf: {  	v24 =	vld [tilespmem:$0x1EEC0]  }
0x3d0: {  	v19 =	vor.u32 $0x10, v31;
	v4 =	vadd.f32 v4, v5;
	v5 =	vmul.f32 v8, v27;
	v17 =	vld.idx.msk [tilespmem:v1+s28+$0x0], $0xffff  }
0x3d1: {  	v7 =	vld.idx.msk [tilespmem:v54+s28+$0x0], $0xffff  }
0x3d2: {  	v11 =	vmul.f32 v25, v11;
	v5 =	vmul.f32 v28, v5;
	v16 =	vld.idx.msk [tilespmem:v54+s29+$0x0], $0xffff;
	v54 =	vsub.f32 v42, v2  }
0x3d3: {  	v18 =	vor.u32 $0x11, v31;
	v27 =	vor.u32 $0x12, v31;
	v15 =	vadd.f32 v9, v15;
	v9 =	vld.idx.msk [tilespmem:v1+s29+$0x0], $0xffff  }
0x3d4: {  	v4 =	vadd.f32 v5, v4;
	v5 =	vmul.f32 v14, v11;
	v8 =	vmul.f32 $1.442695020e+00, v54;
	v54 =	vld [tilespmem:$0x1EEE0]  }
0x3d5: {  	v1 =	vsub.f32 v41, v2;
	v15 =	vadd.f32 v24, v15;
	v24 =	vld.idx.msk [tilespmem:v19+s6+$0x0], $0xffff;
	v3 =	vmul.f32 v3, v12  }
0x3d6: {  	v14 =	vor.u32 $0x13, v31;
	v19 =	vpop (erf);
	v26 =	vld.idx.msk [tilespmem:v0+s28+$0x0], $0xffff  }
0x3d7: {  	v4 =	vadd.f32 v5, v4;
	v10 =	vmul.f32 v10, v23;
	v3 =	vmul.f32 v29, v3;
	v25 =	vld.idx.msk [tilespmem:v0+s29+$0x0], $0xffff;
	v0 =	vpop (erf)  }
0x3d8: {  	v18 =	vld.idx.msk [tilespmem:v18+s6+$0x0], $0xffff;
	v29 =	vor.u32 $0x15, v31;
	(erf) = vpow2.f32 v8;
	v8 =	vadd.f32 v0, v19  }
0x3d9: {  	v10 =	vmul.f32 v13, v10;
	v0 =	vmul.f32 $1.442695020e+00, v1;
	v1 =	vpop (erf);
	v15 =	vadd.f32 v54, v15;
	v54 =	vld [tilespmem:$0x1EEF0]  }
0x3da: {  	v5 =	vld.idx.msk [tilespmem:v27+s6+$0x0], $0xffff;
	v23 =	vadd.f32 v8, v1  }
0x3db: {  	v4 =	vadd.f32 v10, v4;
	v10 =	vld.idx.msk [tilespmem:v14+s6+$0x0], $0xffff;
	v28 =	vpop (erf)  }
0x3dc: {  	v9 =	vmul.f32 v9, v17;
	(erf) = vpow2.f32 v0;
	v0 =	vadd.f32 v23, v28;
	v28 =	vld [tilespmem:$0x1EF10]  }
0x3dd: {  	v17 =	vld.idx.msk [tilespmem:v29+s6+$0x0], $0xffff;
	v15 =	vadd.f32 v35, v15  }
0x3de: {  	v3 =	vadd.f32 v3, v4;
	v4 =	vmul.f32 v6, v9;
	v29 =	vld [tilespmem:$0x1EF40]  }
0x3df: {  	v1 =	vpop (erf);
	v35 =	vld [tilespmem:$0x1EF00];
	v15 =	vadd.f32 v33, v15  }
0x3e0: {  	v3 =	vadd.f32 v4, v3;
	v4 =	vmul.f32 v25, v26;
	v25 =	vld.idx.msk [tilespmem:v56+s29+$0x0], $0xffff;
	v0 =	vadd.f32 v0, v1  }
0x3e1: {  	v27 =	vpop (erf);
	v15 =	vadd.f32 v32, v15;
	v11 =	vld.idx.msk [tilespmem:v54+s28+$0x0], $0xffff  }
0x3e2: {  	v0 =	vadd.f32 v0, v27;
	v8 =	vld.idx.msk [tilespmem:v54+s29+$0x0], $0xffff  }
0x3e3: {  	v6 =	vmul.f32 v16, v7;
	v7 =	vpop (erf);
	v15 =	vadd.f32 v30, v15;
	v30 =	vld [tilespmem:$0x1EF20]  }
0x3e4: {  	v0 =	vadd.f32 v0, v7;
	v14 =	vld.idx.msk [tilespmem:v28+s28+$0x0], $0xffff  }
0x3e5: {  	v33 =	vpop (erf);
	v12 =	vld.idx.msk [tilespmem:v28+s29+$0x0], $0xffff  }
0x3e6: {  	v7 =	vor.u32 $0x16, v31;
	v0 =	vadd.f32 v0, v33;
	v33 =	vld.idx.msk [tilespmem:v29+s29+$0x0], $0xffff  }
0x3e7: {  	v32 =	vmul.f32 v24, v6;
	v13 =	vld.idx.msk [tilespmem:v35+s28+$0x0], $0xffff  }
0x3e8: {  	v54 =	vor.u32 $0x14, v31;
	v23 =	vld.idx.msk [tilespmem:v35+s29+$0x0], $0xffff  }
0x3e9: {  	v1 =	vadd.f32 v32, v3;
	v3 =	vmul.f32 v18, v4;
	v15 =	vadd.f32 v34, v15;
	v35 =	vld [tilespmem:$0x1EF30]  }
0x3ea: {  	v34 =	vld [tilespmem:$0x1EF50]  }
0x3eb: {  	v1 =	vadd.f32 v3, v1;
	v28 =	vand.u32 $0x7FFFFF, v0;
	v15 =	vadd.f32 v36, v15;
	v3 =	vld.idx.msk [tilespmem:v7+s6+$0x0], $0xffff  }
0x3ec: {  	v7 =	vor.u32 $0x3F800000, v28;
	v36 =	vor.u32 $0x19, v31;
	v28 =	vld.idx.msk [tilespmem:v57+s28+$0x0], $0xffff;
	v8 =	vmul.f32 v8, v11  }
0x3ed: {  	v9 =	vld.idx.msk [tilespmem:v54+s6+$0x0], $0xffff  }
0x3ee: {  	v5 =	vmul.f32 v5, v8;
	v8 =	vld.idx.msk [tilespmem:v29+s28+$0x0], $0xffff  }
0x3ef: {  	v54 =	vor.u32 $0x17, v31;
	v16 =	vld.idx.msk [tilespmem:v30+s28+$0x0], $0xffff  }
0x3f0: {  	v32 =	vmul.f32 $5.000000000e-01, v7;
	v6 =	vld.idx.msk [tilespmem:v30+s29+$0x0], $0xffff  }
0x3f1: {  	vm0 =	vgt.f32 v7, $1.414213540e+00;
	v26 =	vld.idx.msk [tilespmem:v36+s6+$0x0], $0xffff  }
0x3f2: {  	v15 =	vadd.f32 v38, v15;
	v7 =	vsel vm0, v32, v7;
	v4 =	vld.idx.msk [tilespmem:v35+s28+$0x0], $0xffff  }
0x3f3: {  	v13 =	vmul.f32 v23, v13;
	v24 =	vadd.f32 $1.000000000e+00, v7;
	v11 =	vld.idx.msk [tilespmem:v35+s29+$0x0], $0xffff  }
0x3f4: {  	v30 =	vor.u32 $0x18, v31;
	v15 =	vadd.f32 v40, v15;
	v1 =	vadd.f32 v5, v1;
	v5 =	vld.idx.msk [tilespmem:v54+s6+$0x0], $0xffff  }
0x3f5: {  	v12 =	vmul.f32 v12, v14;
	v10 =	vmul.f32 v10, v13;
	v35 =	vld.idx.msk [tilespmem:v34+s28+$0x0], $0xffff  }
0x3f6: {  	v38 =	vld.idx.msk [tilespmem:v34+s29+$0x0], $0xffff;
	(erf) = vrcp.f32 v24;
	v24 =	vor.u32 $0x1A, v31;
	v15 =	vadd.f32 v43, v15  }
0x3f7: {  	v9 =	vmul.f32 v9, v12;
	v54 =	vld.idx.msk [tilespmem:v56+s28+$0x0], $0xffff;
	v1 =	vadd.f32 v10, v1;
	v6 =	vmul.f32 v6, v16  }
0x3f8: {  	v43 =	vld.idx.msk [tilespmem:v62+s28+$0x0], $0xffff;
	v27 =	vadd.f32 v46, v15  }
0x3f9: {  	v40 =	vld.idx.msk [tilespmem:v30+s6+$0x0], $0xffff;
	v1 =	vadd.f32 v9, v1;
	v6 =	vmul.f32 v17, v6;
	v4 =	vmul.f32 v11, v4  }
0x3fa: {  	v30 =	vadd.f32 v49, v27;
	v49 =	vld.idx.msk [tilespmem:v62+s29+$0x0], $0xffff  }
0x3fb: {  	v32 =	vld.idx.msk [tilespmem:v24+s6+$0x0], $0xffff;
	v1 =	vadd.f32 v6, v1;
	v3 =	vmul.f32 v3, v4;
	v4 =	vmul.f32 v33, v8  }
0x3fc: {  	v29 =	vor.u32 $0x1B, v31;
	v6 =	vld.idx.msk [tilespmem:v57+s29+$0x0], $0xffff  }
0x3fd: {  	v13 =	vmul.f32 v38, v35;
	v35 =	vld.idx.msk [tilespmem:v61+s28+$0x0], $0xffff;
	v1 =	vadd.f32 v3, v1;
	v3 =	vmul.f32 v5, v4  }
0x3fe: {  	v46 =	vor.u32 $0x1E, v31;
	v12 =	vmul.f32 v25, v54;
	v33 =	vld.idx.msk [tilespmem:v59+s29+$0x0], $0xffff  }
0x3ff: {  	v10 =	vmul.f32 v40, v13;
	v4 =	vld.idx.msk [tilespmem:v59+s28+$0x0], $0xffff;
	v5 =	vor.u32 $0x1C, v31;
	v1 =	vadd.f32 v3, v1  }
0x400: {  	v7 =	vadd.f32 $-1.000000000e+00, v7;
	v36 =	vor.u32 $0x1D, v31;
	v38 =	vld.idx.msk [tilespmem:v61+s29+$0x0], $0xffff  }
0x401: {  	v9 =	vmul.f32 v26, v12;
	v34 =	vpop (erf);
	v3 =	vld.idx.msk [tilespmem:v29+s6+$0x0], $0xffff;
	v6 =	vmul.f32 v6, v28;
	v1 =	vadd.f32 v10, v1  }
0x402: {  	v54 =	vld.idx.msk [tilespmem:v39+s28+$0x0], $0xffff;
	v7 =	vmul.f32 v34, v7  }
0x403: {  	v8 =	vadd.f32 v51, v30;
	v15 =	vld.idx.msk [tilespmem:v46+s6+$0x0], $0xffff;
	v6 =	vmul.f32 v32, v6;
	v1 =	vadd.f32 v9, v1  }
0x404: {  	v40 =	vmul.f32 v7, v7;
	v5 =	vld.idx.msk [tilespmem:v5+s6+$0x0], $0xffff;
	v4 =	vmul.f32 v33, v4  }
0x405: {  	v8 =	vadd.f32 v53, v8;
	v53 =	vld.idx.msk [tilespmem:v36+s6+$0x0], $0xffff;
	v1 =	vadd.f32 v6, v1;
	v6 =	vor.u32 $0x1F, v31  }
0x406: {  	v51 =	vmul.f32 $2.857142980e-01, v40;
	v3 =	vmul.f32 v3, v4;
	v4 =	vld.idx.msk [tilespmem:v39+s29+$0x0], $0xffff  }
0x407: {  	v57 =	vld.idx.msk [tilespmem:v37+s29+$0x0], $0xffff;
	v13 =	vmul.f32 v38, v35;
	v8 =	vadd.f32 v55, v8  }
0x408: {  	v55 =	vadd.f32 $4.000000060e-01, v51;
	v1 =	vadd.f32 v3, v1;
	v3 =	vld.idx.msk [tilespmem:v37+s28+$0x0], $0xffff  }
0x409: {  	v12 =	vmul.f32 v49, v43;
	v5 =	vmul.f32 v5, v13  }
0x40a: {  	v0 =	vshra.s32 v0, $0x17;
	v56 =	vimm.s32 $0x0;
	v14 =	vmul.f32 v55, v40;
	v6 =	vld.idx.msk [tilespmem:v6+s6+$0x0], $0xffff  }
0x40b: {  	v9 =	vmul.f32 v53, v12;
	v1 =	vadd.f32 v5, v1;
	v4 =	vmul.f32 v4, v54  }
0x40c: {  	v16 =	vsel vm0, $0x1, v56;
	v8 =	vadd.f32 v58, v8;
	v14 =	vadd.f32 $6.666666860e-01, v14  }
0x40d: {  	v1 =	vadd.f32 v9, v1;
	v4 =	vmul.f32 v15, v4;
	v3 =	vmul.f32 v57, v3  }
0x40e: {  	v0 =	vadd.s32 v16, v0;
	v8 =	vadd.f32 v60, v8  }
0x40f: {  	v5 =	vmul.f32 v14, v40;
	v1 =	vadd.f32 v4, v1;
	v3 =	vmul.f32 v6, v3  }
0x410: {  	v0 =	vadd.s32 $0xFFFFFF81, v0;
	v8 =	vadd.f32 v22, v8  }
0x411: {  	v0 =	vcvt.s32.f32 v0;
	v5 =	vadd.f32 $2.000000000e+00, v5;
	v1 =	vadd.f32 v3, v1;
	v3 =	vld [tilespmem:$0x1EF60]  }
0x412: {  	v8 =	vadd.f32 v63, v8  }
0x413: {  	v0 =	vmul.f32 $6.931471820e-01, v0;
	v5 =	vmul.f32 v5, v7  }
0x414: {  	v7 =	vadd.f32 v21, v8  }
0x415: {  	v0 =	vadd.f32 v5, v0  }
0x416: {  	v4 =	vadd.f32 v20, v7;
	v3 =	vshll.u32 v3, $0x3  }
0x417: {  	v0 =	vadd.f32 v0, v2;
	v58 =	vor.u32 $0x1, v3  }
0x418: {  	v1 =	vadd.f32 v1, v4;
	v5 =	vor.u32 $0x2, v3  }
0x419: {  	[tilespmem:s1+$0x0] =	vst v4;
	v4 =	vsub.f32 v48, v0;
	v6 =	vor.u32 $0x3, v3  }
0x41a: {  	v59 =	vsub.f32 v50, v0;
	[tilespmem:s0+$0x0] =	vst v1;
	v7 =	vor.u32 $0x4, v3  }
0x41b: {  	v60 =	vor.u32 $0x5, v3;
	[tilespmem:v3+s16+$0x0] =	vst.idx.msk $0xffff, v4;
	v4 =	vsub.f32 v52, v0  }
0x41c: {  	v61 =	vsub.f32 v47, v0;
	v62 =	vor.u32 $0x6, v3;
	[tilespmem:v58+s16+$0x0] =	vst.idx.msk $0xffff, v59  }
0x41d: {  	p0 =	sne.s32 s2, $0x1F0;
	v3 =	vor.u32 $0x7, v3;
	[tilespmem:v5+s16+$0x0] =	vst.idx.msk $0xffff, v4;
	v4 =	vsub.f32 v44, v0  }
.Ltmp0:
0x41e: {  	v63 =	vsub.f32 v45, v0;
	[tilespmem:v6+s16+$0x0] =	vst.idx.msk $0xffff, v61;
	(pc) =	sbr.rel @p0 .LBB2_2-.Ltmp0, $4  }
0x41f: {  	[tilespmem:v7+s16+$0x0] =	vst.idx.msk $0xffff, v4;
	v4 =	vsub.f32 v42, v0  }
0x420: {  	s18 =	sadd.s32 $0x10, s18;
	s19 =	sadd.s32 $0x10, s19;
	v0 =	vsub.f32 v41, v0;
	[tilespmem:v60+s16+$0x0] =	vst.idx.msk $0xffff, v63  }
0x421: {  	s20 =	sadd.s32 $0x10, s20;
	s21 =	sadd.s32 $0x10, s21;
	s14 =	sadd.s32 $0x10, s14;
	[tilespmem:v62+s16+$0x0] =	vst.idx.msk $0xffff, v4  }
0x422: {  	s2 =	sadd.s32 $0x10, s2;
	s1 =	sadd.s32 $0x10, s1;
	s0 =	sadd.s32 $0x10, s0;
	v5 =	vlaneseq.u32;
	[tilespmem:v3+s16+$0x0] =	vst.idx.msk $0xffff, v0  }
0x423: {  	s0 =	rddreg [dreg:$0x13];
	s1 =	simm.s32 $0x11020  }
0x424: {  	[hbm4b:s0+s7] =	stream.linear.scatter [tilespmem:s1], [sflag:$0x2], $0x200, $0x38;
	[tilespmem:$0x12420] =	vst v63  }
0x425: {  	_ =	swait.ge [sflag:s22], $0x200  }
0x426: {  	[sflag:s22] =	ssyncset.done $0x0  }
0x427: {  	s20 =	simm.s32 $0x11220;
	s19 =	rddreg [dreg:$0x14];
	[sflag:s22] =	ssyncadd.s32 $0xFFFFFE00  }
0x428: {  	[hbm4b:s19+s7] =	stream.linear.scatter [tilespmem:s20], [sflag:$0x2], $0x200, $0x38;
	[tilespmem:$0x12420] =	vst v63  }
0x429: {  	_ =	swait.ge [sflag:s22], $0x200  }
0x42a: {  	[sflag:s22] =	ssyncset.done $0x0  }
0x42b: {  	s21 =	rddreg [dreg:$0x15];
	[sflag:s22] =	ssyncadd.s32 $0xFFFFFE00  }
0x42c: {  	[hbm4b:s21+s7] =	stream.linear.scatter [tilespmem:s16], [sflag:$0x2], $0x1000, $0x38;
	[tilespmem:$0x12420] =	vst v63  }
0x42d: {  	_ =	swait.ge [sflag:s22], $0x1000  }
0x42e: {  	s17 =	sadd.s32 $0x1, s17;
	s31 =	rddreg [dreg:$0x16]  }
0x42f: {  	p0 =	sne.s32 s17, s31  }
.Ltmp1:
0x430: {  	_ = 	snop;
	(pc) =	sbr.rel @p0 .LBB2_1-.Ltmp1, $3  }
0x431: {  	_ =	sdelay $0x1  }
0x432: {  	[sflag:s22] =	ssyncset.done $0x0  }
0x433: {  	[sflag:s22] =	ssyncadd.s32 $0xFFFFF000  }
0x434: {  	_ =	sfence.sel $0x180000  }
0x435: {  	[bflag:$0x0] =	sbarrier.arrive $0xFFFF  }
0x436: {  	_ =	strace $0x90000047  }
0x437: {  	s0 =	stileid.u32;
	[bflag:$0x2] =	sbarrier.arrive $0xFFFF  }
0x438: {  	p0 =	sne.s32 s0, $0x0;
	s0 =	rddreg [dreg:$0xd]  }
0x439: {  	s0 =	sadd.s32 @!p0 $0x100000, s0  }
0x43a: {  	[sflag:s0] =	ssyncadd.tile.s32 @!p0 $0x1;
	_ =	shalt  }
.Lfunc_end2:
_tile_overlayer_lowered:
.L_overlay_start_2:
0x43b: {  	(tag) =	ssettag $0x2  }
0x43c: {  	s0 =	rddreg [dreg:$0x0];
	s2 =	stileid.u32  }
0x43d: {  	s1 =	rddreg [dreg:$0x1];
	p0 =	sne.s32 s2, $0x0  }
0x43e: {  	s3 =	rddreg [dreg:$0x2];
	[bflag:$0x3] =	sbarrier.arrive $0xFFFF;
	s2 =	simm.s32 @!p0 $0x1C02  }
0x43f: {  	[timem:s3], [sflag:s2] =	dma.local @!p0 [hbm:s0], s1  }
0x440: {  	s0 =	simm.s32 @!p0 $0x2  }
0x441: {  	_ =	swait.ge @!p0 [sflag:s0], s1  }
0x442: {  	s1 =	ssub.s32 @!p0 $0x0, s1;
	[sflag:s0] =	ssyncset.done @!p0 $0x0  }
0x443: {  	[sflag:s0] =	ssyncadd.s32 @!p0 s1  }
0x444: {  	[bflag:$0x3] =	sbarrier.arrive $0xFFFF  }
0x445: {  	_ =	shalt  }

</sc_bundles>
